<compile_context>
chip_gen: v7x
topology: tpu7x:2x2x1
jax: 0.10.2.dev20260603
libtpu: 0.0.44.dev20260713+nightly
codegen_flags: <defaults>
</compile_context>

<pallas_src>
import functools

import jax
import jax.numpy as jnp
from jax import lax
from jax.experimental import pallas as pl
from jax.experimental.pallas import tpu as pltpu
from jax.experimental.pallas import tpu_sc as plsc

N = 10000
E = 320000
D = 128
H = 16

NC = 2
NS = 16
CHUNK = 128
E_PAD = 327680
CH_TOT = E_PAD // CHUNK
CH_SC = CH_TOT // NC
CH_SUB = CH_SC // NS
GRP = 8
FAST_C = 0
CH_F = 88
CH_S = 72
NG_F = CH_F // GRP
NG_S = CH_S // GRP
CUT = NS * CH_F
NA = N + 8
R_MAIN = 632
R_LAST = N - (NS - 1) * R_MAIN
RZ_LAST = NA - (NS - 1) * R_MAIN

_mesh = plsc.VectorSubcoreMesh(core_axis_name="c", subcore_axis_name="s")
_sc_params = pltpu.CompilerParams(use_tc_tiling_on_sc=False)


def _zero_acc(s, zbuf, acc):
    def zero_row(i, carry):
        zbuf[i, :] = jnp.zeros((H,), jnp.float32)
        return carry

    lax.fori_loop(0, R_MAIN, zero_row, 0)

    @pl.when(s < NS - 1)
    def _():
        pltpu.sync_copy(zbuf, acc.at[pl.ds(s * R_MAIN, R_MAIN)])

    @pl.when(s == NS - 1)
    def _():
        pltpu.sync_copy(zbuf.at[pl.ds(0, RZ_LAST)],
                        acc.at[pl.ds((NS - 1) * R_MAIN, RZ_LAST)])


def _copy_out(c, s, acc, out_hbm):
    @pl.when(s < NS - 1)
    def _():
        pltpu.sync_copy(acc.at[pl.ds(s * R_MAIN, R_MAIN)],
                        out_hbm.at[c, pl.ds(s * R_MAIN, R_MAIN)])

    @pl.when(s == NS - 1)
    def _():
        pltpu.sync_copy(acc.at[pl.ds((NS - 1) * R_MAIN, R_LAST)],
                        out_hbm.at[c, pl.ds((NS - 1) * R_MAIN, R_LAST)])


@functools.partial(
    pl.kernel,
    out_type=jax.ShapeDtypeStruct((NC, N, H), jnp.float32),
    mesh=_mesh,
    compiler_params=_sc_params,
    scratch_types=[
        pltpu.VMEM((CH_F, CHUNK), jnp.int32),
        pltpu.VMEM((CH_F, CHUNK), jnp.int32),
        pltpu.VMEM((GRP, CHUNK, H), jnp.float32),
        pltpu.VMEM((R_MAIN, H), jnp.float32),
        pltpu.VMEM_SHARED((NA, H), jnp.float32),
        pltpu.VMEM_SHARED((N, H), jnp.float32),
        pltpu.SemaphoreType.DMA,
        pltpu.SemaphoreType.DMA,
    ],
)
def _segsum(src_hbm, dst_hbm, y_hbm, out_hbm, sidx, didx, rows, zbuf, acc,
            ytab, gsem, ssem):
    c = lax.axis_index("c")
    s = lax.axis_index("s")
    _zero_acc(s, zbuf, acc)

    @pl.when(s < NS - 1)
    def _():
        pltpu.sync_copy(y_hbm.at[pl.ds(s * R_MAIN, R_MAIN)],
                        ytab.at[pl.ds(s * R_MAIN, R_MAIN)])

    @pl.when(s == NS - 1)
    def _():
        pltpu.sync_copy(y_hbm.at[pl.ds((NS - 1) * R_MAIN, R_LAST)],
                        ytab.at[pl.ds((NS - 1) * R_MAIN, R_LAST)])

    fast = c == FAST_C

    @pl.when(fast)
    def _():
        pltpu.sync_copy(src_hbm.at[pl.ds(s * CH_F, CH_F)], sidx)
        pltpu.sync_copy(dst_hbm.at[pl.ds(s * CH_F, CH_F)], didx)

    @pl.when(jnp.logical_not(fast))
    def _():
        pltpu.sync_copy(src_hbm.at[pl.ds(CUT + s * CH_S, CH_S)],
                        sidx.at[pl.ds(0, CH_S)])
        pltpu.sync_copy(dst_hbm.at[pl.ds(CUT + s * CH_S, CH_S)],
                        didx.at[pl.ds(0, CH_S)])

    plsc.subcore_barrier()
    ngrp = jnp.where(fast, NG_F, NG_S)

    def group(g, carry):
        @pl.when(g < ngrp)
        def _():
            kb = g * GRP
            gd = [pltpu.async_copy(ytab.at[sidx.at[kb + b]], rows.at[b], gsem)
                  for b in range(GRP)]
            sd = []
            for b in range(GRP):
                gd[b].wait()
                sd.append(pltpu.async_copy(rows.at[b],
                                           acc.at[didx.at[kb + b]],
                                           ssem, add=True))
            for d in sd:
                d.wait()
        return carry

    lax.fori_loop(0, NG_F, group, 0)
    plsc.subcore_barrier()
    _copy_out(c, s, acc, out_hbm)


@functools.partial(
    pl.kernel,
    out_type=jax.ShapeDtypeStruct((NC, N, H), jnp.float32),
    mesh=_mesh,
    compiler_params=_sc_params,
    scratch_types=[
        pltpu.VMEM((CH_F, CHUNK), jnp.int32),
        pltpu.VMEM((CHUNK, H), jnp.float32),
        pltpu.VMEM((R_MAIN, H), jnp.float32),
        pltpu.VMEM_SHARED((NA, H), jnp.float32),
        pltpu.SemaphoreType.DMA,
    ],
)
def _degsum(dst_hbm, out_hbm, didx, ones, zbuf, acc, ssem):
    c = lax.axis_index("c")
    s = lax.axis_index("s")
    _zero_acc(s, zbuf, acc)

    def ones_row(i, carry):
        ones[i, :] = jnp.full((H,), 1.0, jnp.float32)
        return carry

    lax.fori_loop(0, CHUNK, ones_row, 0)
    fast = c == FAST_C

    @pl.when(fast)
    def _():
        pltpu.sync_copy(dst_hbm.at[pl.ds(s * CH_F, CH_F)], didx)

    @pl.when(jnp.logical_not(fast))
    def _():
        pltpu.sync_copy(dst_hbm.at[pl.ds(CUT + s * CH_S, CH_S)],
                        didx.at[pl.ds(0, CH_S)])

    plsc.subcore_barrier()
    ngrp = jnp.where(fast, NG_F, NG_S)

    def group(g, carry):
        @pl.when(g < ngrp)
        def _():
            kb = g * GRP
            sd = [pltpu.async_copy(ones, acc.at[didx.at[kb + b]], ssem,
                                   add=True)
                  for b in range(GRP)]
            for d in sd:
                d.wait()
        return carry

    lax.fori_loop(0, NG_F, group, 0)
    plsc.subcore_barrier()
    _copy_out(c, s, acc, out_hbm)


def _sig(z):
    return 0.5 * jnp.tanh(0.5 * z) + 0.5


def _tc1_body(degp, x, w1, dinv_o, y1_o):
    deg = degp[0] + degp[1] + 1.0
    dinv = lax.rsqrt(deg)
    dinv_o[...] = dinv
    y1_o[...] = jnp.dot(x[...], w1[...], preferred_element_type=jnp.float32) * dinv


def _tc2_body(s1, y1, dinv, b1, w2, x1_o, y2_o):
    di = dinv[...]
    x1 = jnp.maximum(di * (s1[0] + s1[1] + y1[...]) + b1[...], 0.0)
    x1_o[...] = x1
    y2_o[...] = jnp.dot(x1, w2[...], preferred_element_type=jnp.float32) * di


def _tc3_body(s2, y2, dinv, b2, x1r, wif, whf, bif, wib, whb, bib, watt, batt,
              y3_o):
    di = dinv[...]
    x1 = x1r[...]
    x2 = jnp.maximum(di * (s2[0] + s2[1] + y2[...]) + b2[...], 0.0)
    dot = lambda a, b: jnp.dot(a, b, preferred_element_type=jnp.float32)
    g = dot(x1, wif[...]) + bif[...]
    i, f, gg, o = jnp.split(g, 4, axis=-1)
    c1 = _sig(i) * jnp.tanh(gg)
    h1f = _sig(o) * jnp.tanh(c1)
    g = dot(x2, wif[...]) + dot(h1f, whf[...]) + bif[...]
    i, f, gg, o = jnp.split(g, 4, axis=-1)
    c2 = _sig(f) * c1 + _sig(i) * jnp.tanh(gg)
    h2f = _sig(o) * jnp.tanh(c2)
    g = dot(x2, wib[...]) + bib[...]
    i, f, gg, o = jnp.split(g, 4, axis=-1)
    cb1 = _sig(i) * jnp.tanh(gg)
    h1b = _sig(o) * jnp.tanh(cb1)
    g = dot(x1, wib[...]) + dot(h1b, whb[...]) + bib[...]
    i, f, gg, o = jnp.split(g, 4, axis=-1)
    cb2 = _sig(f) * cb1 + _sig(i) * jnp.tanh(gg)
    h2b = _sig(o) * jnp.tanh(cb2)
    wa = watt[...]
    a0 = jnp.sum(jnp.concatenate([h1f, h2b], -1) * wa, -1, keepdims=True) + batt[...]
    a1 = jnp.sum(jnp.concatenate([h2f, h1b], -1) * wa, -1, keepdims=True) + batt[...]
    m = jnp.maximum(a0, a1)
    e0 = jnp.exp(a0 - m)
    e1 = jnp.exp(a1 - m)
    xjk = (e0 * x1 + e1 * x2) / (e0 + e1)
    y3_o[...] = xjk * di


def _tc4_body(s3, y3, dinv, wlin, blin, out_o):
    xp = dinv[...] * (s3[0] + s3[1] + y3[...])
    logits = jnp.dot(xp, wlin[...], preferred_element_type=jnp.float32) + blin[...]
    m = jnp.max(logits, -1, keepdims=True)
    z = logits - m
    out_o[...] = z - jnp.log(jnp.sum(jnp.exp(z), -1, keepdims=True))


def _spec(shape, bn):
    if shape[0] == N:
        blk = (bn,) + shape[1:]
        return pl.BlockSpec(blk, lambda i: (i,) + (0,) * (len(shape) - 1))
    if len(shape) == 3 and shape[1] == N:
        blk = (shape[0], bn, shape[2])
        return pl.BlockSpec(blk, lambda i: (0, i, 0))
    return pl.BlockSpec(shape, lambda i: (0,) * len(shape))


def _tc_call(body, in_shapes, out_shapes, grid=10):
    bn = N // grid
    return pl.pallas_call(
        body,
        grid=(grid,),
        in_specs=[_spec(s, bn) for s in in_shapes],
        out_specs=[_spec(s, bn) for s in out_shapes],
        out_shape=[jax.ShapeDtypeStruct(s, jnp.float32) for s in out_shapes],
    )


def kernel(x, edge_index, W1, b1, W2, b2, W_ih_f, W_hh_f, b_ih_f, b_hh_f,
           W_ih_b, W_hh_b, b_ih_b, b_hh_b, W_att, b_att, W_lin, b_lin):
    pad = E_PAD - E
    src = jnp.concatenate([edge_index[0], jnp.zeros((pad,), jnp.int32)])
    src = src.reshape(CH_TOT, CHUNK)
    dst = jnp.concatenate([edge_index[1], jnp.full((pad,), N, jnp.int32)])
    dst = dst.reshape(CH_TOT, CHUNK)
    NH = (N, H)
    P = (NC, N, H)

    deg_p = _degsum(dst)
    dinv, y1 = _tc_call(_tc1_body, [P, (N, D), (D, H)], [NH, NH])(
        deg_p, x, W1)
    s1 = _segsum(src, dst, y1)
    x1, y2 = _tc_call(_tc2_body, [P, NH, NH, (1, H), (H, H)], [NH, NH])(
        s1, y1, dinv, b1.reshape(1, H), W2)
    s2 = _segsum(src, dst, y2)
    (y3,) = _tc_call(
        _tc3_body,
        [P, NH, NH, (1, H), NH, (H, 128), (32, 128), (1, 128),
         (H, 128), (32, 128), (1, 128), (1, 64), (1, 1)],
        [NH], grid=5)(
        s2, y2, dinv, b2.reshape(1, H), x1,
        W_ih_f.T, W_hh_f.T, (b_ih_f + b_hh_f).reshape(1, 4 * 32),
        W_ih_b.T, W_hh_b.T, (b_ih_b + b_hh_b).reshape(1, 4 * 32),
        W_att, b_att.reshape(1, 1))
    s3 = _segsum(src, dst, y3)
    (out,) = _tc_call(_tc4_body, [P, NH, NH, (H, H), (1, H)], [NH])(
        s3, y3, dinv, W_lin, b_lin.reshape(1, H))
    return out

# --- scband reference (transcript-rebuilt; emitter-appended) ---
"""Pipeline reference for scband-gcn-jknet-8323646620243 (READ-ONLY COPY).

The authoritative reference and input builder live on the scoring server;
editing this copy changes nothing except your own understanding.
"""

import jax, jax.numpy as jnp
import numpy as np

N_NODES = 10000
N_EDGES = 320000
D_FEAT = 128
HID = 16
N_CLASSES = 16
LSTM_H = 32  # (num_layers * channels) // 2 = (4 * 16) // 2


def _gcn_norm(edge_index, n):
    src, dst = edge_index[0], edge_index[1]
    loop = jnp.arange(n, dtype=src.dtype)
    src = jnp.concatenate([src, loop])
    dst = jnp.concatenate([dst, loop])
    deg = jax.ops.segment_sum(jnp.ones(src.shape[0], dtype=jnp.float32), dst, num_segments=n)
    dinv = jnp.where(deg > 0, 1.0 / jnp.sqrt(deg), 0.0)
    norm = dinv[src] * dinv[dst]
    return src, dst, norm


def _propagate(x, src, dst, norm, n):
    return jax.ops.segment_sum(x[src] * norm[:, None], dst, num_segments=n)


def _lstm(seq, W_ih, W_hh, b_ih, b_hh):
    Nn = seq.shape[1]
    H = W_hh.shape[1]

    def step(carry, x_t):
        h, c = carry
        gates = x_t @ W_ih.T + h @ W_hh.T + b_ih + b_hh
        i, f, g, o = jnp.split(gates, 4, axis=-1)
        i = jax.nn.sigmoid(i)
        f = jax.nn.sigmoid(f)
        g = jnp.tanh(g)
        o = jax.nn.sigmoid(o)
        c = f * c + i * g
        h = o * jnp.tanh(c)
        return (h, c), h

    h0 = jnp.zeros((Nn, H), dtype=seq.dtype)
    c0 = jnp.zeros((Nn, H), dtype=seq.dtype)
    _, hs = jax.lax.scan(step, (h0, c0), seq)
    return hs


def setup_inputs(seed: int = 0):
    key = jax.random.key(seed)
    ks = jax.random.split(key, 12)
    s = 0.1
    x = jax.random.normal(ks[0], (N_NODES, D_FEAT), dtype=jnp.float32)
    edge_index = jax.random.randint(ks[1], (2, N_EDGES), 0, N_NODES, dtype=jnp.int32)
    W1 = jax.random.normal(ks[2], (D_FEAT, HID), dtype=jnp.float32) * s
    b1 = jnp.zeros((HID,), dtype=jnp.float32)
    W2 = jax.random.normal(ks[3], (HID, HID), dtype=jnp.float32) * s
    b2 = jnp.zeros((HID,), dtype=jnp.float32)
    W_ih_f = jax.random.normal(ks[4], (4 * LSTM_H, HID), dtype=jnp.float32) * s
    W_hh_f = jax.random.normal(ks[5], (4 * LSTM_H, LSTM_H), dtype=jnp.float32) * s
    b_ih_f = jnp.zeros((4 * LSTM_H,), dtype=jnp.float32)
    b_hh_f = jnp.zeros((4 * LSTM_H,), dtype=jnp.float32)
    W_ih_b = jax.random.normal(ks[6], (4 * LSTM_H, HID), dtype=jnp.float32) * s
    W_hh_b = jax.random.normal(ks[7], (4 * LSTM_H, LSTM_H), dtype=jnp.float32) * s
    b_ih_b = jnp.zeros((4 * LSTM_H,), dtype=jnp.float32)
    b_hh_b = jnp.zeros((4 * LSTM_H,), dtype=jnp.float32)
    W_att = jax.random.normal(ks[8], (1, 2 * LSTM_H), dtype=jnp.float32) * s
    b_att = jnp.zeros((1,), dtype=jnp.float32)
    W_lin = jax.random.normal(ks[9], (HID, N_CLASSES), dtype=jnp.float32) * s
    b_lin = jnp.zeros((N_CLASSES,), dtype=jnp.float32)
    return {"x": x, "edge_index": edge_index, "W1": W1, "b1": b1, "W2": W2, "b2": b2,
            "W_ih_f": W_ih_f, "W_hh_f": W_hh_f, "b_ih_f": b_ih_f, "b_hh_f": b_hh_f,
            "W_ih_b": W_ih_b, "W_hh_b": W_hh_b, "b_ih_b": b_ih_b, "b_hh_b": b_hh_b,
            "W_att": W_att, "b_att": b_att, "W_lin": W_lin, "b_lin": b_lin}


def reference(x, edge_index, W1, b1, W2, b2, W_ih_f, W_hh_f, b_ih_f, b_hh_f,
              W_ih_b, W_hh_b, b_ih_b, b_hh_b, W_att, b_att, W_lin, b_lin):
    n = x.shape[0]
    src, dst, norm = _gcn_norm(edge_index, n)
    # conv1 -> relu (dropout is identity in eval mode)
    x1 = jax.nn.relu(_propagate(x @ W1, src, dst, norm, n) + b1)
    # conv2 -> relu
    x2 = jax.nn.relu(_propagate(x1 @ W2, src, dst, norm, n) + b2)
    # JumpingKnowledge (lstm mode): bi-LSTM attention over layer dimension
    xs = jnp.stack([x1, x2], axis=0)  # [L, N, C]
    hf = _lstm(xs, W_ih_f, W_hh_f, b_ih_f, b_hh_f)
    hb = _lstm(xs[::-1], W_ih_b, W_hh_b, b_ih_b, b_hh_b)[::-1]
    h = jnp.concatenate([hf, hb], axis=-1)  # [L, N, 2H]
    alpha = jnp.squeeze(h @ W_att.T, axis=-1) + b_att[0]  # [L, N]
    alpha = jax.nn.softmax(alpha, axis=0)
    xjk = jnp.sum(alpha[:, :, None] * xs, axis=0)  # [N, C]
    # APPNP with K=1, alpha=0 reduces to one normalized propagation
    xp = _propagate(xjk, src, dst, norm, n)
    out = xp @ W_lin + b_lin
    return jax.nn.log_softmax(out, axis=1)

if __name__ == "__main__":
    import jax
    _d = setup_inputs()
    print(jax.jit(kernel)(*tuple(_d.values())))

</pallas_src>

<mosaic_0001>
#map = affine_map<(d0, d1) -> (0, 0)>
#map1 = affine_map<(d0, d1) -> (0, 0, 0)>
module attributes {stable_mosaic.version = 14 : i64} {
  func.func @_degsum(%arg0: i32, %arg1: i32, %arg2: memref<2560x128xi32, #tpu.memory_space<hbm>>, %arg3: memref<2x10000x16xf32, #tpu.memory_space<hbm>>, %arg4: memref<88x128xi32, #tpu.memory_space<vmem>>, %arg5: memref<128x16xf32, #tpu.memory_space<vmem>>, %arg6: memref<632x16xf32, #tpu.memory_space<vmem>>, %arg7: memref<10008x16xf32, #tpu.memory_space<vmem_shared>>, %arg8: memref<!tpu.dma_semaphore, #tpu.memory_space<semaphore_mem>>) attributes {dimension_semantics = [#tpu.dimension_semantics<core_parallel>, #tpu.dimension_semantics<subcore_parallel>], iteration_bounds = array<i64: 2, 16>, scalar_prefetch = 0 : i64, scratch_operands = 5 : i64, tpu.core_type = #tpu.core_type<sc_vector_subcore>, window_params = [{transform_indices = #map}, {transform_indices = #map1}]} {
    %scan3A = arith.constant 0 : i32
    %scan3A_0 = arith.constant 0 : i32
    %scan3A_1 = arith.constant 632 : i32
    %scan3A_2 = arith.addi %scan3A_0, %scan3A_1 : i32
    %scan3A_3 = arith.constant 1 : i32
    scf.for %scan3A_44 = %scan3A_0 to %scan3A_2 step %scan3A_3  : i32 {
      %broadcast_in_dim3A = arith.constant 0.000000e+00 : f32
      %broadcast_in_dim3A_45 = vector.broadcast %broadcast_in_dim3A : f32 to vector<16xf32>
      %swap3A = arith.index_cast %scan3A_44 : i32 to index
      %swap3A_46 = arith.constant 0 : index
      %swap3A_47 = tpu.vector_load %arg6[%swap3A, %swap3A_46] {strides = array<i32>} : memref<632x16xf32, #tpu.memory_space<vmem>>, vector<1x16xf32>,
      %swap3A_48 = vector.shape_cast %swap3A_47 : vector<1x16xf32> to vector<16xf32>
      %swap3A_49 = vector.shape_cast %broadcast_in_dim3A_45 : vector<16xf32> to vector<1x16xf32>
      tpu.vector_store %arg6[%swap3A, %swap3A_46], %swap3A_49 {strides = array<i32>} : memref<632x16xf32, #tpu.memory_space<vmem>>, vector<1x16xf32>,
    }
    %scan3A_4 = arith.constant 632 : i32
    %lt3A = arith.constant 15 : i32
    %lt3A_5 = arith.cmpi slt, %arg1, %lt3A : i32
    %convert_element_type3A = arith.extui %lt3A_5 : i1 to i32
    %cond3A = arith.constant 0 : i32
    %cond3A_6 = arith.cmpi ne, %convert_element_type3A, %cond3A : i32
    scf.if %cond3A_6 {
      %mul3A = arith.constant 632 : i32
      %mul3A_44 = arith.muli %arg1, %mul3A : i32
      "tpu.region"() ({
        %run_scoped3A = tpu.sem_alloc : memref<!tpu.dma_semaphore, #tpu.memory_space<semaphore_mem>>
        %dma_start3A = arith.constant 0 : i32
        %dma_start3A_45 = tpu.memref_slice %arg7[%mul3A_44, %dma_start3A] : memref<10008x16xf32, #tpu.memory_space<vmem_shared>> -> memref<632x16xf32, #tpu.memory_space<vmem_shared>>
        %dma_start3A_46 = arith.constant 0 : i32
        %dma_start3A_47 = tpu.memref_slice %arg7[%mul3A_44, %dma_start3A_46] : memref<10008x16xf32, #tpu.memory_space<vmem_shared>> -> memref<632x16xf32, #tpu.memory_space<vmem_shared>>
        tpu.enqueue_dma source(%arg6 : memref<632x16xf32, #tpu.memory_space<vmem>>) target(%dma_start3A_47 : memref<632x16xf32, #tpu.memory_space<vmem_shared>>) target_semaphore(%run_scoped3A : memref<!tpu.dma_semaphore, #tpu.memory_space<semaphore_mem>>)
        %dma_wait3A = arith.constant 0 : i32
        %dma_wait3A_48 = tpu.memref_slice %arg7[%mul3A_44, %dma_wait3A] : memref<10008x16xf32, #tpu.memory_space<vmem_shared>> -> memref<632x16xf32, #tpu.memory_space<vmem_shared>>
        %dma_wait3A_49 = arith.constant 0 : i32
        %dma_wait3A_50 = tpu.memref_slice %arg7[%mul3A_44, %dma_wait3A_49] : memref<10008x16xf32, #tpu.memory_space<vmem_shared>> -> memref<632x16xf32, #tpu.memory_space<vmem_shared>>
        tpu.wait_dma2 semaphore(%run_scoped3A : memref<!tpu.dma_semaphore, #tpu.memory_space<semaphore_mem>>) src(%arg6 : memref<632x16xf32, #tpu.memory_space<vmem>>) dst(%dma_wait3A_50 : memref<632x16xf32, #tpu.memory_space<vmem_shared>>)
        tpu.yield
      }) : () -> ()
    } else {
    }
    %eq3A = arith.constant 15 : i32
    %eq3A_7 = arith.cmpi eq, %arg1, %eq3A : i32
    %convert_element_type3A_8 = arith.extui %eq3A_7 : i1 to i32
    %cond3A_9 = arith.constant 0 : i32
    %cond3A_10 = arith.cmpi ne, %convert_element_type3A_8, %cond3A_9 : i32
    scf.if %cond3A_10 {
      "tpu.region"() ({
        %run_scoped3A = tpu.sem_alloc : memref<!tpu.dma_semaphore, #tpu.memory_space<semaphore_mem>>
        %dma_start3A = arith.constant 0 : i32
        %dma_start3A_44 = arith.constant 0 : i32
        %dma_start3A_45 = tpu.memref_slice %arg6[%dma_start3A, %dma_start3A_44] : memref<632x16xf32, #tpu.memory_space<vmem>> -> memref<528x16xf32, #tpu.memory_space<vmem>>
        %dma_start3A_46 = arith.constant 9480 : i32
        %dma_start3A_47 = arith.constant 0 : i32
        %dma_start3A_48 = tpu.memref_slice %arg7[%dma_start3A_46, %dma_start3A_47] : memref<10008x16xf32, #tpu.memory_space<vmem_shared>> -> memref<528x16xf32, #tpu.memory_space<vmem_shared>>
        %dma_start3A_49 = arith.constant 9480 : i32
        %dma_start3A_50 = arith.constant 0 : i32
        %dma_start3A_51 = tpu.memref_slice %arg7[%dma_start3A_49, %dma_start3A_50] : memref<10008x16xf32, #tpu.memory_space<vmem_shared>> -> memref<528x16xf32, #tpu.memory_space<vmem_shared>>
        %dma_start3A_52 = arith.constant 0 : i32
        %dma_start3A_53 = arith.constant 0 : i32
        %dma_start3A_54 = tpu.memref_slice %arg6[%dma_start3A_52, %dma_start3A_53] : memref<632x16xf32, #tpu.memory_space<vmem>> -> memref<528x16xf32, #tpu.memory_space<vmem>>
        tpu.enqueue_dma source(%dma_start3A_54 : memref<528x16xf32, #tpu.memory_space<vmem>>) target(%dma_start3A_51 : memref<528x16xf32, #tpu.memory_space<vmem_shared>>) target_semaphore(%run_scoped3A : memref<!tpu.dma_semaphore, #tpu.memory_space<semaphore_mem>>)
        %dma_wait3A = arith.constant 0 : i32
        %dma_wait3A_55 = arith.constant 0 : i32
        %dma_wait3A_56 = tpu.memref_slice %arg6[%dma_wait3A, %dma_wait3A_55] : memref<632x16xf32, #tpu.memory_space<vmem>> -> memref<528x16xf32, #tpu.memory_space<vmem>>
        %dma_wait3A_57 = arith.constant 9480 : i32
        %dma_wait3A_58 = arith.constant 0 : i32
        %dma_wait3A_59 = tpu.memref_slice %arg7[%dma_wait3A_57, %dma_wait3A_58] : memref<10008x16xf32, #tpu.memory_space<vmem_shared>> -> memref<528x16xf32, #tpu.memory_space<vmem_shared>>
        %dma_wait3A_60 = arith.constant 9480 : i32
        %dma_wait3A_61 = arith.constant 0 : i32
        %dma_wait3A_62 = tpu.memref_slice %arg7[%dma_wait3A_60, %dma_wait3A_61] : memref<10008x16xf32, #tpu.memory_space<vmem_shared>> -> memref<528x16xf32, #tpu.memory_space<vmem_shared>>
        %dma_wait3A_63 = arith.constant 0 : i32
        %dma_wait3A_64 = arith.constant 0 : i32
        %dma_wait3A_65 = tpu.memref_slice %arg6[%dma_wait3A_63, %dma_wait3A_64] : memref<632x16xf32, #tpu.memory_space<vmem>> -> memref<528x16xf32, #tpu.memory_space<vmem>>
        tpu.wait_dma2 semaphore(%run_scoped3A : memref<!tpu.dma_semaphore, #tpu.memory_space<semaphore_mem>>) src(%dma_wait3A_65 : memref<528x16xf32, #tpu.memory_space<vmem>>) dst(%dma_wait3A_62 : memref<528x16xf32, #tpu.memory_space<vmem_shared>>)
        tpu.yield
      }) : () -> ()
    } else {
    }
    %scan3A_11 = arith.constant 0 : i32
    %scan3A_12 = arith.constant 0 : i32
    %scan3A_13 = arith.constant 128 : i32
    %scan3A_14 = arith.addi %scan3A_12, %scan3A_13 : i32
    %scan3A_15 = arith.constant 1 : i32
    scf.for %scan3A_44 = %scan3A_12 to %scan3A_14 step %scan3A_15  : i32 {
      %broadcast_in_dim3A = arith.constant 1.000000e+00 : f32
      %broadcast_in_dim3A_45 = vector.broadcast %broadcast_in_dim3A : f32 to vector<16xf32>
      %swap3A = arith.index_cast %scan3A_44 : i32 to index
      %swap3A_46 = arith.constant 0 : index
      %swap3A_47 = tpu.vector_load %arg5[%swap3A, %swap3A_46] {strides = array<i32>} : memref<128x16xf32, #tpu.memory_space<vmem>>, vector<1x16xf32>,
      %swap3A_48 = vector.shape_cast %swap3A_47 : vector<1x16xf32> to vector<16xf32>
      %swap3A_49 = vector.shape_cast %broadcast_in_dim3A_45 : vector<16xf32> to vector<1x16xf32>
      tpu.vector_store %arg5[%swap3A, %swap3A_46], %swap3A_49 {strides = array<i32>} : memref<128x16xf32, #tpu.memory_space<vmem>>, vector<1x16xf32>,
    }
    %scan3A_16 = arith.constant 128 : i32
    %eq3A_17 = arith.constant 0 : i32
    %eq3A_18 = arith.cmpi eq, %arg0, %eq3A_17 : i32
    %convert_element_type3A_19 = arith.extui %eq3A_18 : i1 to i32
    %cond3A_20 = arith.constant 0 : i32
    %cond3A_21 = arith.cmpi ne, %convert_element_type3A_19, %cond3A_20 : i32
    scf.if %cond3A_21 {
      %mul3A = arith.constant 88 : i32
      %mul3A_44 = arith.muli %arg1, %mul3A : i32
      "tpu.region"() ({
        %run_scoped3A = tpu.sem_alloc : memref<!tpu.dma_semaphore, #tpu.memory_space<semaphore_mem>>
        %dma_start3A = arith.constant 0 : i32
        %dma_start3A_45 = tpu.memref_slice %arg2[%mul3A_44, %dma_start3A] : memref<2560x128xi32, #tpu.memory_space<hbm>> -> memref<88x128xi32, #tpu.memory_space<hbm>>
        %dma_start3A_46 = arith.constant 0 : i32
        %dma_start3A_47 = tpu.memref_slice %arg2[%mul3A_44, %dma_start3A_46] : memref<2560x128xi32, #tpu.memory_space<hbm>> -> memref<88x128xi32, #tpu.memory_space<hbm>>
        tpu.enqueue_dma source(%dma_start3A_47 : memref<88x128xi32, #tpu.memory_space<hbm>>) target(%arg4 : memref<88x128xi32, #tpu.memory_space<vmem>>) target_semaphore(%run_scoped3A : memref<!tpu.dma_semaphore, #tpu.memory_space<semaphore_mem>>)
        %dma_wait3A = arith.constant 0 : i32
        %dma_wait3A_48 = tpu.memref_slice %arg2[%mul3A_44, %dma_wait3A] : memref<2560x128xi32, #tpu.memory_space<hbm>> -> memref<88x128xi32, #tpu.memory_space<hbm>>
        %dma_wait3A_49 = arith.constant 0 : i32
        %dma_wait3A_50 = tpu.memref_slice %arg2[%mul3A_44, %dma_wait3A_49] : memref<2560x128xi32, #tpu.memory_space<hbm>> -> memref<88x128xi32, #tpu.memory_space<hbm>>
        tpu.wait_dma2 semaphore(%run_scoped3A : memref<!tpu.dma_semaphore, #tpu.memory_space<semaphore_mem>>) src(%dma_wait3A_50 : memref<88x128xi32, #tpu.memory_space<hbm>>) dst(%arg4 : memref<88x128xi32, #tpu.memory_space<vmem>>)
        tpu.yield
      }) : () -> ()
    } else {
    }
    %not3A = arith.constant true
    %not3A_22 = arith.xori %eq3A_18, %not3A : i1
    %convert_element_type3A_23 = arith.extui %not3A_22 : i1 to i32
    %cond3A_24 = arith.constant 0 : i32
    %cond3A_25 = arith.cmpi ne, %convert_element_type3A_23, %cond3A_24 : i32
    scf.if %cond3A_25 {
      %mul3A = arith.constant 72 : i32
      %mul3A_44 = arith.muli %arg1, %mul3A : i32
      %add3A = arith.constant 1408 : i32
      %add3A_45 = arith.addi %add3A, %mul3A_44 : i32
      "tpu.region"() ({
        %run_scoped3A = tpu.sem_alloc : memref<!tpu.dma_semaphore, #tpu.memory_space<semaphore_mem>>
        %dma_start3A = arith.constant 0 : i32
        %dma_start3A_46 = arith.constant 0 : i32
        %dma_start3A_47 = tpu.memref_slice %arg4[%dma_start3A, %dma_start3A_46] : memref<88x128xi32, #tpu.memory_space<vmem>> -> memref<72x128xi32, #tpu.memory_space<vmem>>
        %dma_start3A_48 = arith.constant 0 : i32
        %dma_start3A_49 = tpu.memref_slice %arg2[%add3A_45, %dma_start3A_48] : memref<2560x128xi32, #tpu.memory_space<hbm>> -> memref<72x128xi32, #tpu.memory_space<hbm>>
        %dma_start3A_50 = arith.constant 0 : i32
        %dma_start3A_51 = arith.constant 0 : i32
        %dma_start3A_52 = tpu.memref_slice %arg4[%dma_start3A_50, %dma_start3A_51] : memref<88x128xi32, #tpu.memory_space<vmem>> -> memref<72x128xi32, #tpu.memory_space<vmem>>
        %dma_start3A_53 = arith.constant 0 : i32
        %dma_start3A_54 = tpu.memref_slice %arg2[%add3A_45, %dma_start3A_53] : memref<2560x128xi32, #tpu.memory_space<hbm>> -> memref<72x128xi32, #tpu.memory_space<hbm>>
        tpu.enqueue_dma source(%dma_start3A_54 : memref<72x128xi32, #tpu.memory_space<hbm>>) target(%dma_start3A_52 : memref<72x128xi32, #tpu.memory_space<vmem>>) target_semaphore(%run_scoped3A : memref<!tpu.dma_semaphore, #tpu.memory_space<semaphore_mem>>)
        %dma_wait3A = arith.constant 0 : i32
        %dma_wait3A_55 = arith.constant 0 : i32
        %dma_wait3A_56 = tpu.memref_slice %arg4[%dma_wait3A, %dma_wait3A_55] : memref<88x128xi32, #tpu.memory_space<vmem>> -> memref<72x128xi32, #tpu.memory_space<vmem>>
        %dma_wait3A_57 = arith.constant 0 : i32
        %dma_wait3A_58 = tpu.memref_slice %arg2[%add3A_45, %dma_wait3A_57] : memref<2560x128xi32, #tpu.memory_space<hbm>> -> memref<72x128xi32, #tpu.memory_space<hbm>>
        %dma_wait3A_59 = arith.constant 0 : i32
        %dma_wait3A_60 = arith.constant 0 : i32
        %dma_wait3A_61 = tpu.memref_slice %arg4[%dma_wait3A_59, %dma_wait3A_60] : memref<88x128xi32, #tpu.memory_space<vmem>> -> memref<72x128xi32, #tpu.memory_space<vmem>>
        %dma_wait3A_62 = arith.constant 0 : i32
        %dma_wait3A_63 = tpu.memref_slice %arg2[%add3A_45, %dma_wait3A_62] : memref<2560x128xi32, #tpu.memory_space<hbm>> -> memref<72x128xi32, #tpu.memory_space<hbm>>
        tpu.wait_dma2 semaphore(%run_scoped3A : memref<!tpu.dma_semaphore, #tpu.memory_space<semaphore_mem>>) src(%dma_wait3A_63 : memref<72x128xi32, #tpu.memory_space<hbm>>) dst(%dma_wait3A_61 : memref<72x128xi32, #tpu.memory_space<vmem>>)
        tpu.yield
      }) : () -> ()
    } else {
    }
    %barrier3A = arith.constant 0 : index
    tpu.barrier barrier_id(%barrier3A)
    %jit3A = arith.constant 11 : i32
    %jit3A_26 = arith.constant 9 : i32
    %select_n3A = arith.select %eq3A_18, %jit3A, %jit3A_26 : i32
    %scan3A_27 = arith.constant 0 : i32
    %scan3A_28 = arith.constant 0 : i32
    %scan3A_29 = arith.constant 11 : i32
    %scan3A_30 = arith.addi %scan3A_28, %scan3A_29 : i32
    %scan3A_31 = arith.constant 1 : i32
    scf.for %scan3A_44 = %scan3A_28 to %scan3A_30 step %scan3A_31  : i32 {
      %lt3A_45 = arith.cmpi slt, %scan3A_44, %select_n3A : i32
      %convert_element_type3A_46 = arith.extui %lt3A_45 : i1 to i32
      %cond3A_47 = arith.constant 0 : i32
      %cond3A_48 = arith.cmpi ne, %convert_element_type3A_46, %cond3A_47 : i32
      scf.if %cond3A_48 {
        %mul3A = arith.constant 8 : i32
        %mul3A_49 = arith.muli %scan3A_44, %mul3A : i32
        %add3A = arith.constant 0 : i32
        %add3A_50 = arith.addi %mul3A_49, %add3A : i32
        %dma_start3A = arith.constant 0 : i32
        %dma_start3A_51 = tpu.memref_slice %arg4[%add3A_50, %dma_start3A] : memref<88x128xi32, #tpu.memory_space<vmem>> -> memref<1x128xi32, #tpu.memory_space<vmem>>
        %dma_start3A_52 = tpu.memref_squeeze %dma_start3A_51 : memref<1x128xi32, #tpu.memory_space<vmem>> -> memref<128xi32, #tpu.memory_space<vmem>>
        %dma_start3A_53 = arith.constant 0 : i32
        %dma_start3A_54 = arith.constant 0 : i32
        %dma_start3A_55 = tpu.memref_slice %arg7[%dma_start3A_53, %dma_start3A_54] : memref<10008x16xf32, #tpu.memory_space<vmem_shared>> -> memref<10008x16xf32, #tpu.memory_space<vmem_shared>>
        tpu.enqueue_indirect_dma source(%arg5 : memref<128x16xf32, #tpu.memory_space<vmem>>) target(%dma_start3A_55 : memref<10008x16xf32, #tpu.memory_space<vmem_shared>>) offsets(%dma_start3A_52 : memref<128xi32, #tpu.memory_space<vmem>>) semaphore(%arg8 : memref<!tpu.dma_semaphore, #tpu.memory_space<semaphore_mem>>) {add = true}
        %add3A_56 = arith.constant 1 : i32
        %add3A_57 = arith.addi %mul3A_49, %add3A_56 : i32
        %dma_start3A_58 = arith.constant 0 : i32
        %dma_start3A_59 = tpu.memref_slice %arg4[%add3A_57, %dma_start3A_58] : memref<88x128xi32, #tpu.memory_space<vmem>> -> memref<1x128xi32, #tpu.memory_space<vmem>>
        %dma_start3A_60 = tpu.memref_squeeze %dma_start3A_59 : memref<1x128xi32, #tpu.memory_space<vmem>> -> memref<128xi32, #tpu.memory_space<vmem>>
        %dma_start3A_61 = arith.constant 0 : i32
        %dma_start3A_62 = arith.constant 0 : i32
        %dma_start3A_63 = tpu.memref_slice %arg7[%dma_start3A_61, %dma_start3A_62] : memref<10008x16xf32, #tpu.memory_space<vmem_shared>> -> memref<10008x16xf32, #tpu.memory_space<vmem_shared>>
        tpu.enqueue_indirect_dma source(%arg5 : memref<128x16xf32, #tpu.memory_space<vmem>>) target(%dma_start3A_63 : memref<10008x16xf32, #tpu.memory_space<vmem_shared>>) offsets(%dma_start3A_60 : memref<128xi32, #tpu.memory_space<vmem>>) semaphore(%arg8 : memref<!tpu.dma_semaphore, #tpu.memory_space<semaphore_mem>>) {add = true}
        %add3A_64 = arith.constant 2 : i32
        %add3A_65 = arith.addi %mul3A_49, %add3A_64 : i32
        %dma_start3A_66 = arith.constant 0 : i32
        %dma_start3A_67 = tpu.memref_slice %arg4[%add3A_65, %dma_start3A_66] : memref<88x128xi32, #tpu.memory_space<vmem>> -> memref<1x128xi32, #tpu.memory_space<vmem>>
        %dma_start3A_68 = tpu.memref_squeeze %dma_start3A_67 : memref<1x128xi32, #tpu.memory_space<vmem>> -> memref<128xi32, #tpu.memory_space<vmem>>
        %dma_start3A_69 = arith.constant 0 : i32
        %dma_start3A_70 = arith.constant 0 : i32
        %dma_start3A_71 = tpu.memref_slice %arg7[%dma_start3A_69, %dma_start3A_70] : memref<10008x16xf32, #tpu.memory_space<vmem_shared>> -> memref<10008x16xf32, #tpu.memory_space<vmem_shared>>
        tpu.enqueue_indirect_dma source(%arg5 : memref<128x16xf32, #tpu.memory_space<vmem>>) target(%dma_start3A_71 : memref<10008x16xf32, #tpu.memory_space<vmem_shared>>) offsets(%dma_start3A_68 : memref<128xi32, #tpu.memory_space<vmem>>) semaphore(%arg8 : memref<!tpu.dma_semaphore, #tpu.memory_space<semaphore_mem>>) {add = true}
        %add3A_72 = arith.constant 3 : i32
        %add3A_73 = arith.addi %mul3A_49, %add3A_72 : i32
        %dma_start3A_74 = arith.constant 0 : i32
        %dma_start3A_75 = tpu.memref_slice %arg4[%add3A_73, %dma_start3A_74] : memref<88x128xi32, #tpu.memory_space<vmem>> -> memref<1x128xi32, #tpu.memory_space<vmem>>
        %dma_start3A_76 = tpu.memref_squeeze %dma_start3A_75 : memref<1x128xi32, #tpu.memory_space<vmem>> -> memref<128xi32, #tpu.memory_space<vmem>>
        %dma_start3A_77 = arith.constant 0 : i32
        %dma_start3A_78 = arith.constant 0 : i32
        %dma_start3A_79 = tpu.memref_slice %arg7[%dma_start3A_77, %dma_start3A_78] : memref<10008x16xf32, #tpu.memory_space<vmem_shared>> -> memref<10008x16xf32, #tpu.memory_space<vmem_shared>>
        tpu.enqueue_indirect_dma source(%arg5 : memref<128x16xf32, #tpu.memory_space<vmem>>) target(%dma_start3A_79 : memref<10008x16xf32, #tpu.memory_space<vmem_shared>>) offsets(%dma_start3A_76 : memref<128xi32, #tpu.memory_space<vmem>>) semaphore(%arg8 : memref<!tpu.dma_semaphore, #tpu.memory_space<semaphore_mem>>) {add = true}
        %add3A_80 = arith.constant 4 : i32
        %add3A_81 = arith.addi %mul3A_49, %add3A_80 : i32
        %dma_start3A_82 = arith.constant 0 : i32
        %dma_start3A_83 = tpu.memref_slice %arg4[%add3A_81, %dma_start3A_82] : memref<88x128xi32, #tpu.memory_space<vmem>> -> memref<1x128xi32, #tpu.memory_space<vmem>>
        %dma_start3A_84 = tpu.memref_squeeze %dma_start3A_83 : memref<1x128xi32, #tpu.memory_space<vmem>> -> memref<128xi32, #tpu.memory_space<vmem>>
        %dma_start3A_85 = arith.constant 0 : i32
        %dma_start3A_86 = arith.constant 0 : i32
        %dma_start3A_87 = tpu.memref_slice %arg7[%dma_start3A_85, %dma_start3A_86] : memref<10008x16xf32, #tpu.memory_space<vmem_shared>> -> memref<10008x16xf32, #tpu.memory_space<vmem_shared>>
        tpu.enqueue_indirect_dma source(%arg5 : memref<128x16xf32, #tpu.memory_space<vmem>>) target(%dma_start3A_87 : memref<10008x16xf32, #tpu.memory_space<vmem_shared>>) offsets(%dma_start3A_84 : memref<128xi32, #tpu.memory_space<vmem>>) semaphore(%arg8 : memref<!tpu.dma_semaphore, #tpu.memory_space<semaphore_mem>>) {add = true}
        %add3A_88 = arith.constant 5 : i32
        %add3A_89 = arith.addi %mul3A_49, %add3A_88 : i32
        %dma_start3A_90 = arith.constant 0 : i32
        %dma_start3A_91 = tpu.memref_slice %arg4[%add3A_89, %dma_start3A_90] : memref<88x128xi32, #tpu.memory_space<vmem>> -> memref<1x128xi32, #tpu.memory_space<vmem>>
        %dma_start3A_92 = tpu.memref_squeeze %dma_start3A_91 : memref<1x128xi32, #tpu.memory_space<vmem>> -> memref<128xi32, #tpu.memory_space<vmem>>
        %dma_start3A_93 = arith.constant 0 : i32
        %dma_start3A_94 = arith.constant 0 : i32
        %dma_start3A_95 = tpu.memref_slice %arg7[%dma_start3A_93, %dma_start3A_94] : memref<10008x16xf32, #tpu.memory_space<vmem_shared>> -> memref<10008x16xf32, #tpu.memory_space<vmem_shared>>
        tpu.enqueue_indirect_dma source(%arg5 : memref<128x16xf32, #tpu.memory_space<vmem>>) target(%dma_start3A_95 : memref<10008x16xf32, #tpu.memory_space<vmem_shared>>) offsets(%dma_start3A_92 : memref<128xi32, #tpu.memory_space<vmem>>) semaphore(%arg8 : memref<!tpu.dma_semaphore, #tpu.memory_space<semaphore_mem>>) {add = true}
        %add3A_96 = arith.constant 6 : i32
        %add3A_97 = arith.addi %mul3A_49, %add3A_96 : i32
        %dma_start3A_98 = arith.constant 0 : i32
        %dma_start3A_99 = tpu.memref_slice %arg4[%add3A_97, %dma_start3A_98] : memref<88x128xi32, #tpu.memory_space<vmem>> -> memref<1x128xi32, #tpu.memory_space<vmem>>
        %dma_start3A_100 = tpu.memref_squeeze %dma_start3A_99 : memref<1x128xi32, #tpu.memory_space<vmem>> -> memref<128xi32, #tpu.memory_space<vmem>>
        %dma_start3A_101 = arith.constant 0 : i32
        %dma_start3A_102 = arith.constant 0 : i32
        %dma_start3A_103 = tpu.memref_slice %arg7[%dma_start3A_101, %dma_start3A_102] : memref<10008x16xf32, #tpu.memory_space<vmem_shared>> -> memref<10008x16xf32, #tpu.memory_space<vmem_shared>>
        tpu.enqueue_indirect_dma source(%arg5 : memref<128x16xf32, #tpu.memory_space<vmem>>) target(%dma_start3A_103 : memref<10008x16xf32, #tpu.memory_space<vmem_shared>>) offsets(%dma_start3A_100 : memref<128xi32, #tpu.memory_space<vmem>>) semaphore(%arg8 : memref<!tpu.dma_semaphore, #tpu.memory_space<semaphore_mem>>) {add = true}
        %add3A_104 = arith.constant 7 : i32
        %add3A_105 = arith.addi %mul3A_49, %add3A_104 : i32
        %dma_start3A_106 = arith.constant 0 : i32
        %dma_start3A_107 = tpu.memref_slice %arg4[%add3A_105, %dma_start3A_106] : memref<88x128xi32, #tpu.memory_space<vmem>> -> memref<1x128xi32, #tpu.memory_space<vmem>>
        %dma_start3A_108 = tpu.memref_squeeze %dma_start3A_107 : memref<1x128xi32, #tpu.memory_space<vmem>> -> memref<128xi32, #tpu.memory_space<vmem>>
        %dma_start3A_109 = arith.constant 0 : i32
        %dma_start3A_110 = arith.constant 0 : i32
        %dma_start3A_111 = tpu.memref_slice %arg7[%dma_start3A_109, %dma_start3A_110] : memref<10008x16xf32, #tpu.memory_space<vmem_shared>> -> memref<10008x16xf32, #tpu.memory_space<vmem_shared>>
        tpu.enqueue_indirect_dma source(%arg5 : memref<128x16xf32, #tpu.memory_space<vmem>>) target(%dma_start3A_111 : memref<10008x16xf32, #tpu.memory_space<vmem_shared>>) offsets(%dma_start3A_108 : memref<128xi32, #tpu.memory_space<vmem>>) semaphore(%arg8 : memref<!tpu.dma_semaphore, #tpu.memory_space<semaphore_mem>>) {add = true}
        %dma_wait3A = arith.constant 0 : i32
        %dma_wait3A_112 = tpu.memref_slice %arg4[%add3A_50, %dma_wait3A] : memref<88x128xi32, #tpu.memory_space<vmem>> -> memref<1x128xi32, #tpu.memory_space<vmem>>
        %dma_wait3A_113 = tpu.memref_squeeze %dma_wait3A_112 : memref<1x128xi32, #tpu.memory_space<vmem>> -> memref<128xi32, #tpu.memory_space<vmem>>
        %dma_wait3A_114 = arith.constant 0 : i32
        %dma_wait3A_115 = arith.constant 0 : i32
        %dma_wait3A_116 = tpu.memref_slice %arg7[%dma_wait3A_114, %dma_wait3A_115] : memref<10008x16xf32, #tpu.memory_space<vmem_shared>> -> memref<10008x16xf32, #tpu.memory_space<vmem_shared>>
        tpu.wait_indirect_dma semaphore(%arg8 : memref<!tpu.dma_semaphore, #tpu.memory_space<semaphore_mem>>) src(%arg5 : memref<128x16xf32, #tpu.memory_space<vmem>>) dst(%dma_wait3A_116 : memref<10008x16xf32, #tpu.memory_space<vmem_shared>>)
        %dma_wait3A_117 = arith.constant 0 : i32
        %dma_wait3A_118 = tpu.memref_slice %arg4[%add3A_57, %dma_wait3A_117] : memref<88x128xi32, #tpu.memory_space<vmem>> -> memref<1x128xi32, #tpu.memory_space<vmem>>
        %dma_wait3A_119 = tpu.memref_squeeze %dma_wait3A_118 : memref<1x128xi32, #tpu.memory_space<vmem>> -> memref<128xi32, #tpu.memory_space<vmem>>
        %dma_wait3A_120 = arith.constant 0 : i32
        %dma_wait3A_121 = arith.constant 0 : i32
        %dma_wait3A_122 = tpu.memref_slice %arg7[%dma_wait3A_120, %dma_wait3A_121] : memref<10008x16xf32, #tpu.memory_space<vmem_shared>> -> memref<10008x16xf32, #tpu.memory_space<vmem_shared>>
        tpu.wait_indirect_dma semaphore(%arg8 : memref<!tpu.dma_semaphore, #tpu.memory_space<semaphore_mem>>) src(%arg5 : memref<128x16xf32, #tpu.memory_space<vmem>>) dst(%dma_wait3A_122 : memref<10008x16xf32, #tpu.memory_space<vmem_shared>>)
        %dma_wait3A_123 = arith.constant 0 : i32
        %dma_wait3A_124 = tpu.memref_slice %arg4[%add3A_65, %dma_wait3A_123] : memref<88x128xi32, #tpu.memory_space<vmem>> -> memref<1x128xi32, #tpu.memory_space<vmem>>
        %dma_wait3A_125 = tpu.memref_squeeze %dma_wait3A_124 : memref<1x128xi32, #tpu.memory_space<vmem>> -> memref<128xi32, #tpu.memory_space<vmem>>
        %dma_wait3A_126 = arith.constant 0 : i32
        %dma_wait3A_127 = arith.constant 0 : i32
        %dma_wait3A_128 = tpu.memref_slice %arg7[%dma_wait3A_126, %dma_wait3A_127] : memref<10008x16xf32, #tpu.memory_space<vmem_shared>> -> memref<10008x16xf32, #tpu.memory_space<vmem_shared>>
        tpu.wait_indirect_dma semaphore(%arg8 : memref<!tpu.dma_semaphore, #tpu.memory_space<semaphore_mem>>) src(%arg5 : memref<128x16xf32, #tpu.memory_space<vmem>>) dst(%dma_wait3A_128 : memref<10008x16xf32, #tpu.memory_space<vmem_shared>>)
        %dma_wait3A_129 = arith.constant 0 : i32
        %dma_wait3A_130 = tpu.memref_slice %arg4[%add3A_73, %dma_wait3A_129] : memref<88x128xi32, #tpu.memory_space<vmem>> -> memref<1x128xi32, #tpu.memory_space<vmem>>
        %dma_wait3A_131 = tpu.memref_squeeze %dma_wait3A_130 : memref<1x128xi32, #tpu.memory_space<vmem>> -> memref<128xi32, #tpu.memory_space<vmem>>
        %dma_wait3A_132 = arith.constant 0 : i32
        %dma_wait3A_133 = arith.constant 0 : i32
        %dma_wait3A_134 = tpu.memref_slice %arg7[%dma_wait3A_132, %dma_wait3A_133] : memref<10008x16xf32, #tpu.memory_space<vmem_shared>> -> memref<10008x16xf32, #tpu.memory_space<vmem_shared>>
        tpu.wait_indirect_dma semaphore(%arg8 : memref<!tpu.dma_semaphore, #tpu.memory_space<semaphore_mem>>) src(%arg5 : memref<128x16xf32, #tpu.memory_space<vmem>>) dst(%dma_wait3A_134 : memref<10008x16xf32, #tpu.memory_space<vmem_shared>>)
        %dma_wait3A_135 = arith.constant 0 : i32
        %dma_wait3A_136 = tpu.memref_slice %arg4[%add3A_81, %dma_wait3A_135] : memref<88x128xi32, #tpu.memory_space<vmem>> -> memref<1x128xi32, #tpu.memory_space<vmem>>
        %dma_wait3A_137 = tpu.memref_squeeze %dma_wait3A_136 : memref<1x128xi32, #tpu.memory_space<vmem>> -> memref<128xi32, #tpu.memory_space<vmem>>
        %dma_wait3A_138 = arith.constant 0 : i32
        %dma_wait3A_139 = arith.constant 0 : i32
        %dma_wait3A_140 = tpu.memref_slice %arg7[%dma_wait3A_138, %dma_wait3A_139] : memref<10008x16xf32, #tpu.memory_space<vmem_shared>> -> memref<10008x16xf32, #tpu.memory_space<vmem_shared>>
        tpu.wait_indirect_dma semaphore(%arg8 : memref<!tpu.dma_semaphore, #tpu.memory_space<semaphore_mem>>) src(%arg5 : memref<128x16xf32, #tpu.memory_space<vmem>>) dst(%dma_wait3A_140 : memref<10008x16xf32, #tpu.memory_space<vmem_shared>>)
        %dma_wait3A_141 = arith.constant 0 : i32
        %dma_wait3A_142 = tpu.memref_slice %arg4[%add3A_89, %dma_wait3A_141] : memref<88x128xi32, #tpu.memory_space<vmem>> -> memref<1x128xi32, #tpu.memory_space<vmem>>
        %dma_wait3A_143 = tpu.memref_squeeze %dma_wait3A_142 : memref<1x128xi32, #tpu.memory_space<vmem>> -> memref<128xi32, #tpu.memory_space<vmem>>
        %dma_wait3A_144 = arith.constant 0 : i32
        %dma_wait3A_145 = arith.constant 0 : i32
        %dma_wait3A_146 = tpu.memref_slice %arg7[%dma_wait3A_144, %dma_wait3A_145] : memref<10008x16xf32, #tpu.memory_space<vmem_shared>> -> memref<10008x16xf32, #tpu.memory_space<vmem_shared>>
        tpu.wait_indirect_dma semaphore(%arg8 : memref<!tpu.dma_semaphore, #tpu.memory_space<semaphore_mem>>) src(%arg5 : memref<128x16xf32, #tpu.memory_space<vmem>>) dst(%dma_wait3A_146 : memref<10008x16xf32, #tpu.memory_space<vmem_shared>>)
        %dma_wait3A_147 = arith.constant 0 : i32
        %dma_wait3A_148 = tpu.memref_slice %arg4[%add3A_97, %dma_wait3A_147] : memref<88x128xi32, #tpu.memory_space<vmem>> -> memref<1x128xi32, #tpu.memory_space<vmem>>
        %dma_wait3A_149 = tpu.memref_squeeze %dma_wait3A_148 : memref<1x128xi32, #tpu.memory_space<vmem>> -> memref<128xi32, #tpu.memory_space<vmem>>
        %dma_wait3A_150 = arith.constant 0 : i32
        %dma_wait3A_151 = arith.constant 0 : i32
        %dma_wait3A_152 = tpu.memref_slice %arg7[%dma_wait3A_150, %dma_wait3A_151] : memref<10008x16xf32, #tpu.memory_space<vmem_shared>> -> memref<10008x16xf32, #tpu.memory_space<vmem_shared>>
        tpu.wait_indirect_dma semaphore(%arg8 : memref<!tpu.dma_semaphore, #tpu.memory_space<semaphore_mem>>) src(%arg5 : memref<128x16xf32, #tpu.memory_space<vmem>>) dst(%dma_wait3A_152 : memref<10008x16xf32, #tpu.memory_space<vmem_shared>>)
        %dma_wait3A_153 = arith.constant 0 : i32
        %dma_wait3A_154 = tpu.memref_slice %arg4[%add3A_105, %dma_wait3A_153] : memref<88x128xi32, #tpu.memory_space<vmem>> -> memref<1x128xi32, #tpu.memory_space<vmem>>
        %dma_wait3A_155 = tpu.memref_squeeze %dma_wait3A_154 : memref<1x128xi32, #tpu.memory_space<vmem>> -> memref<128xi32, #tpu.memory_space<vmem>>
        %dma_wait3A_156 = arith.constant 0 : i32
        %dma_wait3A_157 = arith.constant 0 : i32
        %dma_wait3A_158 = tpu.memref_slice %arg7[%dma_wait3A_156, %dma_wait3A_157] : memref<10008x16xf32, #tpu.memory_space<vmem_shared>> -> memref<10008x16xf32, #tpu.memory_space<vmem_shared>>
        tpu.wait_indirect_dma semaphore(%arg8 : memref<!tpu.dma_semaphore, #tpu.memory_space<semaphore_mem>>) src(%arg5 : memref<128x16xf32, #tpu.memory_space<vmem>>) dst(%dma_wait3A_158 : memref<10008x16xf32, #tpu.memory_space<vmem_shared>>)
      } else {
      }
    }
    %scan3A_32 = arith.constant 11 : i32
    %barrier3A_33 = arith.constant 0 : index
    tpu.barrier barrier_id(%barrier3A_33)
    %lt3A_34 = arith.constant 15 : i32
    %lt3A_35 = arith.cmpi slt, %arg1, %lt3A_34 : i32
    %convert_element_type3A_36 = arith.extui %lt3A_35 : i1 to i32
    %cond3A_37 = arith.constant 0 : i32
    %cond3A_38 = arith.cmpi ne, %convert_element_type3A_36, %cond3A_37 : i32
    scf.if %cond3A_38 {
      %mul3A = arith.constant 632 : i32
      %mul3A_44 = arith.muli %arg1, %mul3A : i32
      %mul3A_45 = arith.constant 632 : i32
      %mul3A_46 = arith.muli %arg1, %mul3A_45 : i32
      "tpu.region"() ({
        %run_scoped3A = tpu.sem_alloc : memref<!tpu.dma_semaphore, #tpu.memory_space<semaphore_mem>>
        %dma_start3A = arith.constant 0 : i32
        %dma_start3A_47 = tpu.memref_slice %arg3[%arg0, %mul3A_46, %dma_start3A] : memref<2x10000x16xf32, #tpu.memory_space<hbm>> -> memref<1x632x16xf32, #tpu.memory_space<hbm>>
        %dma_start3A_48 = tpu.memref_squeeze %dma_start3A_47 : memref<1x632x16xf32, #tpu.memory_space<hbm>> -> memref<632x16xf32, #tpu.memory_space<hbm>>
        %dma_start3A_49 = arith.constant 0 : i32
        %dma_start3A_50 = tpu.memref_slice %arg7[%mul3A_44, %dma_start3A_49] : memref<10008x16xf32, #tpu.memory_space<vmem_shared>> -> memref<632x16xf32, #tpu.memory_space<vmem_shared>>
        tpu.enqueue_dma source(%dma_start3A_50 : memref<632x16xf32, #tpu.memory_space<vmem_shared>>) target(%dma_start3A_48 : memref<632x16xf32, #tpu.memory_space<hbm>>) target_semaphore(%run_scoped3A : memref<!tpu.dma_semaphore, #tpu.memory_space<semaphore_mem>>)
        %dma_wait3A = arith.constant 0 : i32
        %dma_wait3A_51 = tpu.memref_slice %arg3[%arg0, %mul3A_46, %dma_wait3A] : memref<2x10000x16xf32, #tpu.memory_space<hbm>> -> memref<1x632x16xf32, #tpu.memory_space<hbm>>
        %dma_wait3A_52 = tpu.memref_squeeze %dma_wait3A_51 : memref<1x632x16xf32, #tpu.memory_space<hbm>> -> memref<632x16xf32, #tpu.memory_space<hbm>>
        %dma_wait3A_53 = arith.constant 0 : i32
        %dma_wait3A_54 = tpu.memref_slice %arg7[%mul3A_44, %dma_wait3A_53] : memref<10008x16xf32, #tpu.memory_space<vmem_shared>> -> memref<632x16xf32, #tpu.memory_space<vmem_shared>>
        tpu.wait_dma2 semaphore(%run_scoped3A : memref<!tpu.dma_semaphore, #tpu.memory_space<semaphore_mem>>) src(%dma_wait3A_54 : memref<632x16xf32, #tpu.memory_space<vmem_shared>>) dst(%dma_wait3A_52 : memref<632x16xf32, #tpu.memory_space<hbm>>)
        tpu.yield
      }) : () -> ()
    } else {
    }
    %eq3A_39 = arith.constant 15 : i32
    %eq3A_40 = arith.cmpi eq, %arg1, %eq3A_39 : i32
    %convert_element_type3A_41 = arith.extui %eq3A_40 : i1 to i32
    %cond3A_42 = arith.constant 0 : i32
    %cond3A_43 = arith.cmpi ne, %convert_element_type3A_41, %cond3A_42 : i32
    scf.if %cond3A_43 {
      "tpu.region"() ({
        %run_scoped3A = tpu.sem_alloc : memref<!tpu.dma_semaphore, #tpu.memory_space<semaphore_mem>>
        %dma_start3A = arith.constant 9480 : i32
        %dma_start3A_44 = arith.constant 0 : i32
        %dma_start3A_45 = tpu.memref_slice %arg3[%arg0, %dma_start3A, %dma_start3A_44] : memref<2x10000x16xf32, #tpu.memory_space<hbm>> -> memref<1x520x16xf32, #tpu.memory_space<hbm>>
        %dma_start3A_46 = tpu.memref_squeeze %dma_start3A_45 : memref<1x520x16xf32, #tpu.memory_space<hbm>> -> memref<520x16xf32, #tpu.memory_space<hbm>>
        %dma_start3A_47 = arith.constant 9480 : i32
        %dma_start3A_48 = arith.constant 0 : i32
        %dma_start3A_49 = tpu.memref_slice %arg7[%dma_start3A_47, %dma_start3A_48] : memref<10008x16xf32, #tpu.memory_space<vmem_shared>> -> memref<520x16xf32, #tpu.memory_space<vmem_shared>>
        tpu.enqueue_dma source(%dma_start3A_49 : memref<520x16xf32, #tpu.memory_space<vmem_shared>>) target(%dma_start3A_46 : memref<520x16xf32, #tpu.memory_space<hbm>>) target_semaphore(%run_scoped3A : memref<!tpu.dma_semaphore, #tpu.memory_space<semaphore_mem>>)
        %dma_wait3A = arith.constant 9480 : i32
        %dma_wait3A_50 = arith.constant 0 : i32
        %dma_wait3A_51 = tpu.memref_slice %arg3[%arg0, %dma_wait3A, %dma_wait3A_50] : memref<2x10000x16xf32, #tpu.memory_space<hbm>> -> memref<1x520x16xf32, #tpu.memory_space<hbm>>
        %dma_wait3A_52 = tpu.memref_squeeze %dma_wait3A_51 : memref<1x520x16xf32, #tpu.memory_space<hbm>> -> memref<520x16xf32, #tpu.memory_space<hbm>>
        %dma_wait3A_53 = arith.constant 9480 : i32
        %dma_wait3A_54 = arith.constant 0 : i32
        %dma_wait3A_55 = tpu.memref_slice %arg7[%dma_wait3A_53, %dma_wait3A_54] : memref<10008x16xf32, #tpu.memory_space<vmem_shared>> -> memref<520x16xf32, #tpu.memory_space<vmem_shared>>
        tpu.wait_dma2 semaphore(%run_scoped3A : memref<!tpu.dma_semaphore, #tpu.memory_space<semaphore_mem>>) src(%dma_wait3A_55 : memref<520x16xf32, #tpu.memory_space<vmem_shared>>) dst(%dma_wait3A_52 : memref<520x16xf32, #tpu.memory_space<hbm>>)
        tpu.yield
      }) : () -> ()
    } else {
    }
    return
  }
}

#map = affine_map<(d0, d1) -> (0, 0)>
#map1 = affine_map<(d0, d1) -> (0, 0, 0)>
module attributes {stable_mosaic.version = 14 : i64} {
  func.func @_segsum(%arg0: i32, %arg1: i32, %arg2: memref<2560x128xi32, #tpu.memory_space<hbm>>, %arg3: memref<2560x128xi32, #tpu.memory_space<hbm>>, %arg4: memref<10000x16xf32, #tpu.memory_space<hbm>>, %arg5: memref<2x10000x16xf32, #tpu.memory_space<hbm>>, %arg6: memref<88x128xi32, #tpu.memory_space<vmem>>, %arg7: memref<88x128xi32, #tpu.memory_space<vmem>>, %arg8: memref<8x128x16xf32, #tpu.memory_space<vmem>>, %arg9: memref<632x16xf32, #tpu.memory_space<vmem>>, %arg10: memref<10008x16xf32, #tpu.memory_space<vmem_shared>>, %arg11: memref<10000x16xf32, #tpu.memory_space<vmem_shared>>, %arg12: memref<!tpu.dma_semaphore, #tpu.memory_space<semaphore_mem>>, %arg13: memref<!tpu.dma_semaphore, #tpu.memory_space<semaphore_mem>>) attributes {dimension_semantics = [#tpu.dimension_semantics<core_parallel>, #tpu.dimension_semantics<subcore_parallel>], iteration_bounds = array<i64: 2, 16>, scalar_prefetch = 0 : i64, scratch_operands = 8 : i64, tpu.core_type = #tpu.core_type<sc_vector_subcore>, window_params = [{transform_indices = #map}, {transform_indices = #map}, {transform_indices = #map}, {transform_indices = #map1}]} {
    %scan3A = arith.constant 0 : i32
    %scan3A_0 = arith.constant 0 : i32
    %scan3A_1 = arith.constant 632 : i32
    %scan3A_2 = arith.addi %scan3A_0, %scan3A_1 : i32
    %scan3A_3 = arith.constant 1 : i32
    scf.for %scan3A_48 = %scan3A_0 to %scan3A_2 step %scan3A_3  : i32 {
      %broadcast_in_dim3A = arith.constant 0.000000e+00 : f32
      %broadcast_in_dim3A_49 = vector.broadcast %broadcast_in_dim3A : f32 to vector<16xf32>
      %swap3A = arith.index_cast %scan3A_48 : i32 to index
      %swap3A_50 = arith.constant 0 : index
      %swap3A_51 = tpu.vector_load %arg9[%swap3A, %swap3A_50] {strides = array<i32>} : memref<632x16xf32, #tpu.memory_space<vmem>>, vector<1x16xf32>,
      %swap3A_52 = vector.shape_cast %swap3A_51 : vector<1x16xf32> to vector<16xf32>
      %swap3A_53 = vector.shape_cast %broadcast_in_dim3A_49 : vector<16xf32> to vector<1x16xf32>
      tpu.vector_store %arg9[%swap3A, %swap3A_50], %swap3A_53 {strides = array<i32>} : memref<632x16xf32, #tpu.memory_space<vmem>>, vector<1x16xf32>,
    }
    %scan3A_4 = arith.constant 632 : i32
    %lt3A = arith.constant 15 : i32
    %lt3A_5 = arith.cmpi slt, %arg1, %lt3A : i32
    %convert_element_type3A = arith.extui %lt3A_5 : i1 to i32
    %cond3A = arith.constant 0 : i32
    %cond3A_6 = arith.cmpi ne, %convert_element_type3A, %cond3A : i32
    scf.if %cond3A_6 {
      %mul3A = arith.constant 632 : i32
      %mul3A_48 = arith.muli %arg1, %mul3A : i32
      "tpu.region"() ({
        %run_scoped3A = tpu.sem_alloc : memref<!tpu.dma_semaphore, #tpu.memory_space<semaphore_mem>>
        %dma_start3A = arith.constant 0 : i32
        %dma_start3A_49 = tpu.memref_slice %arg10[%mul3A_48, %dma_start3A] : memref<10008x16xf32, #tpu.memory_space<vmem_shared>> -> memref<632x16xf32, #tpu.memory_space<vmem_shared>>
        %dma_start3A_50 = arith.constant 0 : i32
        %dma_start3A_51 = tpu.memref_slice %arg10[%mul3A_48, %dma_start3A_50] : memref<10008x16xf32, #tpu.memory_space<vmem_shared>> -> memref<632x16xf32, #tpu.memory_space<vmem_shared>>
        tpu.enqueue_dma source(%arg9 : memref<632x16xf32, #tpu.memory_space<vmem>>) target(%dma_start3A_51 : memref<632x16xf32, #tpu.memory_space<vmem_shared>>) target_semaphore(%run_scoped3A : memref<!tpu.dma_semaphore, #tpu.memory_space<semaphore_mem>>)
        %dma_wait3A = arith.constant 0 : i32
        %dma_wait3A_52 = tpu.memref_slice %arg10[%mul3A_48, %dma_wait3A] : memref<10008x16xf32, #tpu.memory_space<vmem_shared>> -> memref<632x16xf32, #tpu.memory_space<vmem_shared>>
        %dma_wait3A_53 = arith.constant 0 : i32
        %dma_wait3A_54 = tpu.memref_slice %arg10[%mul3A_48, %dma_wait3A_53] : memref<10008x16xf32, #tpu.memory_space<vmem_shared>> -> memref<632x16xf32, #tpu.memory_space<vmem_shared>>
        tpu.wait_dma2 semaphore(%run_scoped3A : memref<!tpu.dma_semaphore, #tpu.memory_space<semaphore_mem>>) src(%arg9 : memref<632x16xf32, #tpu.memory_space<vmem>>) dst(%dma_wait3A_54 : memref<632x16xf32, #tpu.memory_space<vmem_shared>>)
        tpu.yield
      }) : () -> ()
    } else {
    }
    %eq3A = arith.constant 15 : i32
    %eq3A_7 = arith.cmpi eq, %arg1, %eq3A : i32
    %convert_element_type3A_8 = arith.extui %eq3A_7 : i1 to i32
    %cond3A_9 = arith.constant 0 : i32
    %cond3A_10 = arith.cmpi ne, %convert_element_type3A_8, %cond3A_9 : i32
    scf.if %cond3A_10 {
      "tpu.region"() ({
        %run_scoped3A = tpu.sem_alloc : memref<!tpu.dma_semaphore, #tpu.memory_space<semaphore_mem>>
        %dma_start3A = arith.constant 0 : i32
        %dma_start3A_48 = arith.constant 0 : i32
        %dma_start3A_49 = tpu.memref_slice %arg9[%dma_start3A, %dma_start3A_48] : memref<632x16xf32, #tpu.memory_space<vmem>> -> memref<528x16xf32, #tpu.memory_space<vmem>>
        %dma_start3A_50 = arith.constant 9480 : i32
        %dma_start3A_51 = arith.constant 0 : i32
        %dma_start3A_52 = tpu.memref_slice %arg10[%dma_start3A_50, %dma_start3A_51] : memref<10008x16xf32, #tpu.memory_space<vmem_shared>> -> memref<528x16xf32, #tpu.memory_space<vmem_shared>>
        %dma_start3A_53 = arith.constant 9480 : i32
        %dma_start3A_54 = arith.constant 0 : i32
        %dma_start3A_55 = tpu.memref_slice %arg10[%dma_start3A_53, %dma_start3A_54] : memref<10008x16xf32, #tpu.memory_space<vmem_shared>> -> memref<528x16xf32, #tpu.memory_space<vmem_shared>>
        %dma_start3A_56 = arith.constant 0 : i32
        %dma_start3A_57 = arith.constant 0 : i32
        %dma_start3A_58 = tpu.memref_slice %arg9[%dma_start3A_56, %dma_start3A_57] : memref<632x16xf32, #tpu.memory_space<vmem>> -> memref<528x16xf32, #tpu.memory_space<vmem>>
        tpu.enqueue_dma source(%dma_start3A_58 : memref<528x16xf32, #tpu.memory_space<vmem>>) target(%dma_start3A_55 : memref<528x16xf32, #tpu.memory_space<vmem_shared>>) target_semaphore(%run_scoped3A : memref<!tpu.dma_semaphore, #tpu.memory_space<semaphore_mem>>)
        %dma_wait3A = arith.constant 0 : i32
        %dma_wait3A_59 = arith.constant 0 : i32
        %dma_wait3A_60 = tpu.memref_slice %arg9[%dma_wait3A, %dma_wait3A_59] : memref<632x16xf32, #tpu.memory_space<vmem>> -> memref<528x16xf32, #tpu.memory_space<vmem>>
        %dma_wait3A_61 = arith.constant 9480 : i32
        %dma_wait3A_62 = arith.constant 0 : i32
        %dma_wait3A_63 = tpu.memref_slice %arg10[%dma_wait3A_61, %dma_wait3A_62] : memref<10008x16xf32, #tpu.memory_space<vmem_shared>> -> memref<528x16xf32, #tpu.memory_space<vmem_shared>>
        %dma_wait3A_64 = arith.constant 9480 : i32
        %dma_wait3A_65 = arith.constant 0 : i32
        %dma_wait3A_66 = tpu.memref_slice %arg10[%dma_wait3A_64, %dma_wait3A_65] : memref<10008x16xf32, #tpu.memory_space<vmem_shared>> -> memref<528x16xf32, #tpu.memory_space<vmem_shared>>
        %dma_wait3A_67 = arith.constant 0 : i32
        %dma_wait3A_68 = arith.constant 0 : i32
        %dma_wait3A_69 = tpu.memref_slice %arg9[%dma_wait3A_67, %dma_wait3A_68] : memref<632x16xf32, #tpu.memory_space<vmem>> -> memref<528x16xf32, #tpu.memory_space<vmem>>
        tpu.wait_dma2 semaphore(%run_scoped3A : memref<!tpu.dma_semaphore, #tpu.memory_space<semaphore_mem>>) src(%dma_wait3A_69 : memref<528x16xf32, #tpu.memory_space<vmem>>) dst(%dma_wait3A_66 : memref<528x16xf32, #tpu.memory_space<vmem_shared>>)
        tpu.yield
      }) : () -> ()
    } else {
    }
    %lt3A_11 = arith.constant 15 : i32
    %lt3A_12 = arith.cmpi slt, %arg1, %lt3A_11 : i32
    %convert_element_type3A_13 = arith.extui %lt3A_12 : i1 to i32
    %cond3A_14 = arith.constant 0 : i32
    %cond3A_15 = arith.cmpi ne, %convert_element_type3A_13, %cond3A_14 : i32
    scf.if %cond3A_15 {
      %mul3A = arith.constant 632 : i32
      %mul3A_48 = arith.muli %arg1, %mul3A : i32
      %mul3A_49 = arith.constant 632 : i32
      %mul3A_50 = arith.muli %arg1, %mul3A_49 : i32
      "tpu.region"() ({
        %run_scoped3A = tpu.sem_alloc : memref<!tpu.dma_semaphore, #tpu.memory_space<semaphore_mem>>
        %dma_start3A = arith.constant 0 : i32
        %dma_start3A_51 = tpu.memref_slice %arg11[%mul3A_50, %dma_start3A] : memref<10000x16xf32, #tpu.memory_space<vmem_shared>> -> memref<632x16xf32, #tpu.memory_space<vmem_shared>>
        %dma_start3A_52 = arith.constant 0 : i32
        %dma_start3A_53 = tpu.memref_slice %arg4[%mul3A_48, %dma_start3A_52] : memref<10000x16xf32, #tpu.memory_space<hbm>> -> memref<632x16xf32, #tpu.memory_space<hbm>>
        tpu.enqueue_dma source(%dma_start3A_53 : memref<632x16xf32, #tpu.memory_space<hbm>>) target(%dma_start3A_51 : memref<632x16xf32, #tpu.memory_space<vmem_shared>>) target_semaphore(%run_scoped3A : memref<!tpu.dma_semaphore, #tpu.memory_space<semaphore_mem>>)
        %dma_wait3A = arith.constant 0 : i32
        %dma_wait3A_54 = tpu.memref_slice %arg11[%mul3A_50, %dma_wait3A] : memref<10000x16xf32, #tpu.memory_space<vmem_shared>> -> memref<632x16xf32, #tpu.memory_space<vmem_shared>>
        %dma_wait3A_55 = arith.constant 0 : i32
        %dma_wait3A_56 = tpu.memref_slice %arg4[%mul3A_48, %dma_wait3A_55] : memref<10000x16xf32, #tpu.memory_space<hbm>> -> memref<632x16xf32, #tpu.memory_space<hbm>>
        tpu.wait_dma2 semaphore(%run_scoped3A : memref<!tpu.dma_semaphore, #tpu.memory_space<semaphore_mem>>) src(%dma_wait3A_56 : memref<632x16xf32, #tpu.memory_space<hbm>>) dst(%dma_wait3A_54 : memref<632x16xf32, #tpu.memory_space<vmem_shared>>)
        tpu.yield
      }) : () -> ()
    } else {
    }
    %eq3A_16 = arith.constant 15 : i32
    %eq3A_17 = arith.cmpi eq, %arg1, %eq3A_16 : i32
    %convert_element_type3A_18 = arith.extui %eq3A_17 : i1 to i32
    %cond3A_19 = arith.constant 0 : i32
    %cond3A_20 = arith.cmpi ne, %convert_element_type3A_18, %cond3A_19 : i32
    scf.if %cond3A_20 {
      "tpu.region"() ({
        %run_scoped3A = tpu.sem_alloc : memref<!tpu.dma_semaphore, #tpu.memory_space<semaphore_mem>>
        %dma_start3A = arith.constant 9480 : i32
        %dma_start3A_48 = arith.constant 0 : i32
        %dma_start3A_49 = tpu.memref_slice %arg11[%dma_start3A, %dma_start3A_48] : memref<10000x16xf32, #tpu.memory_space<vmem_shared>> -> memref<520x16xf32, #tpu.memory_space<vmem_shared>>
        %dma_start3A_50 = arith.constant 9480 : i32
        %dma_start3A_51 = arith.constant 0 : i32
        %dma_start3A_52 = tpu.memref_slice %arg4[%dma_start3A_50, %dma_start3A_51] : memref<10000x16xf32, #tpu.memory_space<hbm>> -> memref<520x16xf32, #tpu.memory_space<hbm>>
        tpu.enqueue_dma source(%dma_start3A_52 : memref<520x16xf32, #tpu.memory_space<hbm>>) target(%dma_start3A_49 : memref<520x16xf32, #tpu.memory_space<vmem_shared>>) target_semaphore(%run_scoped3A : memref<!tpu.dma_semaphore, #tpu.memory_space<semaphore_mem>>)
        %dma_wait3A = arith.constant 9480 : i32
        %dma_wait3A_53 = arith.constant 0 : i32
        %dma_wait3A_54 = tpu.memref_slice %arg11[%dma_wait3A, %dma_wait3A_53] : memref<10000x16xf32, #tpu.memory_space<vmem_shared>> -> memref<520x16xf32, #tpu.memory_space<vmem_shared>>
        %dma_wait3A_55 = arith.constant 9480 : i32
        %dma_wait3A_56 = arith.constant 0 : i32
        %dma_wait3A_57 = tpu.memref_slice %arg4[%dma_wait3A_55, %dma_wait3A_56] : memref<10000x16xf32, #tpu.memory_space<hbm>> -> memref<520x16xf32, #tpu.memory_space<hbm>>
        tpu.wait_dma2 semaphore(%run_scoped3A : memref<!tpu.dma_semaphore, #tpu.memory_space<semaphore_mem>>) src(%dma_wait3A_57 : memref<520x16xf32, #tpu.memory_space<hbm>>) dst(%dma_wait3A_54 : memref<520x16xf32, #tpu.memory_space<vmem_shared>>)
        tpu.yield
      }) : () -> ()
    } else {
    }
    %eq3A_21 = arith.constant 0 : i32
    %eq3A_22 = arith.cmpi eq, %arg0, %eq3A_21 : i32
    %convert_element_type3A_23 = arith.extui %eq3A_22 : i1 to i32
    %cond3A_24 = arith.constant 0 : i32
    %cond3A_25 = arith.cmpi ne, %convert_element_type3A_23, %cond3A_24 : i32
    scf.if %cond3A_25 {
      %mul3A = arith.constant 88 : i32
      %mul3A_48 = arith.muli %arg1, %mul3A : i32
      "tpu.region"() ({
        %run_scoped3A = tpu.sem_alloc : memref<!tpu.dma_semaphore, #tpu.memory_space<semaphore_mem>>
        %dma_start3A = arith.constant 0 : i32
        %dma_start3A_51 = tpu.memref_slice %arg2[%mul3A_48, %dma_start3A] : memref<2560x128xi32, #tpu.memory_space<hbm>> -> memref<88x128xi32, #tpu.memory_space<hbm>>
        %dma_start3A_52 = arith.constant 0 : i32
        %dma_start3A_53 = tpu.memref_slice %arg2[%mul3A_48, %dma_start3A_52] : memref<2560x128xi32, #tpu.memory_space<hbm>> -> memref<88x128xi32, #tpu.memory_space<hbm>>
        tpu.enqueue_dma source(%dma_start3A_53 : memref<88x128xi32, #tpu.memory_space<hbm>>) target(%arg6 : memref<88x128xi32, #tpu.memory_space<vmem>>) target_semaphore(%run_scoped3A : memref<!tpu.dma_semaphore, #tpu.memory_space<semaphore_mem>>)
        %dma_wait3A = arith.constant 0 : i32
        %dma_wait3A_54 = tpu.memref_slice %arg2[%mul3A_48, %dma_wait3A] : memref<2560x128xi32, #tpu.memory_space<hbm>> -> memref<88x128xi32, #tpu.memory_space<hbm>>
        %dma_wait3A_55 = arith.constant 0 : i32
        %dma_wait3A_56 = tpu.memref_slice %arg2[%mul3A_48, %dma_wait3A_55] : memref<2560x128xi32, #tpu.memory_space<hbm>> -> memref<88x128xi32, #tpu.memory_space<hbm>>
        tpu.wait_dma2 semaphore(%run_scoped3A : memref<!tpu.dma_semaphore, #tpu.memory_space<semaphore_mem>>) src(%dma_wait3A_56 : memref<88x128xi32, #tpu.memory_space<hbm>>) dst(%arg6 : memref<88x128xi32, #tpu.memory_space<vmem>>)
        tpu.yield
      }) : () -> ()
      %mul3A_49 = arith.constant 88 : i32
      %mul3A_50 = arith.muli %arg1, %mul3A_49 : i32
      "tpu.region"() ({
        %run_scoped3A = tpu.sem_alloc : memref<!tpu.dma_semaphore, #tpu.memory_space<semaphore_mem>>
        %dma_start3A = arith.constant 0 : i32
        %dma_start3A_51 = tpu.memref_slice %arg3[%mul3A_50, %dma_start3A] : memref<2560x128xi32, #tpu.memory_space<hbm>> -> memref<88x128xi32, #tpu.memory_space<hbm>>
        %dma_start3A_52 = arith.constant 0 : i32
        %dma_start3A_53 = tpu.memref_slice %arg3[%mul3A_50, %dma_start3A_52] : memref<2560x128xi32, #tpu.memory_space<hbm>> -> memref<88x128xi32, #tpu.memory_space<hbm>>
        tpu.enqueue_dma source(%dma_start3A_53 : memref<88x128xi32, #tpu.memory_space<hbm>>) target(%arg7 : memref<88x128xi32, #tpu.memory_space<vmem>>) target_semaphore(%run_scoped3A : memref<!tpu.dma_semaphore, #tpu.memory_space<semaphore_mem>>)
        %dma_wait3A = arith.constant 0 : i32
        %dma_wait3A_54 = tpu.memref_slice %arg3[%mul3A_50, %dma_wait3A] : memref<2560x128xi32, #tpu.memory_space<hbm>> -> memref<88x128xi32, #tpu.memory_space<hbm>>
        %dma_wait3A_55 = arith.constant 0 : i32
        %dma_wait3A_56 = tpu.memref_slice %arg3[%mul3A_50, %dma_wait3A_55] : memref<2560x128xi32, #tpu.memory_space<hbm>> -> memref<88x128xi32, #tpu.memory_space<hbm>>
        tpu.wait_dma2 semaphore(%run_scoped3A : memref<!tpu.dma_semaphore, #tpu.memory_space<semaphore_mem>>) src(%dma_wait3A_56 : memref<88x128xi32, #tpu.memory_space<hbm>>) dst(%arg7 : memref<88x128xi32, #tpu.memory_space<vmem>>)
        tpu.yield
      }) : () -> ()
    } else {
    }
    %not3A = arith.constant true
    %not3A_26 = arith.xori %eq3A_22, %not3A : i1
    %convert_element_type3A_27 = arith.extui %not3A_26 : i1 to i32
    %cond3A_28 = arith.constant 0 : i32
    %cond3A_29 = arith.cmpi ne, %convert_element_type3A_27, %cond3A_28 : i32
    scf.if %cond3A_29 {
      %mul3A = arith.constant 72 : i32
      %mul3A_48 = arith.muli %arg1, %mul3A : i32
      %add3A = arith.constant 1408 : i32
      %add3A_49 = arith.addi %add3A, %mul3A_48 : i32
      "tpu.region"() ({
        %run_scoped3A = tpu.sem_alloc : memref<!tpu.dma_semaphore, #tpu.memory_space<semaphore_mem>>
        %dma_start3A = arith.constant 0 : i32
        %dma_start3A_54 = arith.constant 0 : i32
        %dma_start3A_55 = tpu.memref_slice %arg6[%dma_start3A, %dma_start3A_54] : memref<88x128xi32, #tpu.memory_space<vmem>> -> memref<72x128xi32, #tpu.memory_space<vmem>>
        %dma_start3A_56 = arith.constant 0 : i32
        %dma_start3A_57 = tpu.memref_slice %arg2[%add3A_49, %dma_start3A_56] : memref<2560x128xi32, #tpu.memory_space<hbm>> -> memref<72x128xi32, #tpu.memory_space<hbm>>
        %dma_start3A_58 = arith.constant 0 : i32
        %dma_start3A_59 = arith.constant 0 : i32
        %dma_start3A_60 = tpu.memref_slice %arg6[%dma_start3A_58, %dma_start3A_59] : memref<88x128xi32, #tpu.memory_space<vmem>> -> memref<72x128xi32, #tpu.memory_space<vmem>>
        %dma_start3A_61 = arith.constant 0 : i32
        %dma_start3A_62 = tpu.memref_slice %arg2[%add3A_49, %dma_start3A_61] : memref<2560x128xi32, #tpu.memory_space<hbm>> -> memref<72x128xi32, #tpu.memory_space<hbm>>
        tpu.enqueue_dma source(%dma_start3A_62 : memref<72x128xi32, #tpu.memory_space<hbm>>) target(%dma_start3A_60 : memref<72x128xi32, #tpu.memory_space<vmem>>) target_semaphore(%run_scoped3A : memref<!tpu.dma_semaphore, #tpu.memory_space<semaphore_mem>>)
        %dma_wait3A = arith.constant 0 : i32
        %dma_wait3A_63 = arith.constant 0 : i32
        %dma_wait3A_64 = tpu.memref_slice %arg6[%dma_wait3A, %dma_wait3A_63] : memref<88x128xi32, #tpu.memory_space<vmem>> -> memref<72x128xi32, #tpu.memory_space<vmem>>
        %dma_wait3A_65 = arith.constant 0 : i32
        %dma_wait3A_66 = tpu.memref_slice %arg2[%add3A_49, %dma_wait3A_65] : memref<2560x128xi32, #tpu.memory_space<hbm>> -> memref<72x128xi32, #tpu.memory_space<hbm>>
        %dma_wait3A_67 = arith.constant 0 : i32
        %dma_wait3A_68 = arith.constant 0 : i32
        %dma_wait3A_69 = tpu.memref_slice %arg6[%dma_wait3A_67, %dma_wait3A_68] : memref<88x128xi32, #tpu.memory_space<vmem>> -> memref<72x128xi32, #tpu.memory_space<vmem>>
        %dma_wait3A_70 = arith.constant 0 : i32
        %dma_wait3A_71 = tpu.memref_slice %arg2[%add3A_49, %dma_wait3A_70] : memref<2560x128xi32, #tpu.memory_space<hbm>> -> memref<72x128xi32, #tpu.memory_space<hbm>>
        tpu.wait_dma2 semaphore(%run_scoped3A : memref<!tpu.dma_semaphore, #tpu.memory_space<semaphore_mem>>) src(%dma_wait3A_71 : memref<72x128xi32, #tpu.memory_space<hbm>>) dst(%dma_wait3A_69 : memref<72x128xi32, #tpu.memory_space<vmem>>)
        tpu.yield
      }) : () -> ()
      %mul3A_50 = arith.constant 72 : i32
      %mul3A_51 = arith.muli %arg1, %mul3A_50 : i32
      %add3A_52 = arith.constant 1408 : i32
      %add3A_53 = arith.addi %add3A_52, %mul3A_51 : i32
      "tpu.region"() ({
        %run_scoped3A = tpu.sem_alloc : memref<!tpu.dma_semaphore, #tpu.memory_space<semaphore_mem>>
        %dma_start3A = arith.constant 0 : i32
        %dma_start3A_54 = arith.constant 0 : i32
        %dma_start3A_55 = tpu.memref_slice %arg7[%dma_start3A, %dma_start3A_54] : memref<88x128xi32, #tpu.memory_space<vmem>> -> memref<72x128xi32, #tpu.memory_space<vmem>>
        %dma_start3A_56 = arith.constant 0 : i32
        %dma_start3A_57 = tpu.memref_slice %arg3[%add3A_53, %dma_start3A_56] : memref<2560x128xi32, #tpu.memory_space<hbm>> -> memref<72x128xi32, #tpu.memory_space<hbm>>
        %dma_start3A_58 = arith.constant 0 : i32
        %dma_start3A_59 = arith.constant 0 : i32
        %dma_start3A_60 = tpu.memref_slice %arg7[%dma_start3A_58, %dma_start3A_59] : memref<88x128xi32, #tpu.memory_space<vmem>> -> memref<72x128xi32, #tpu.memory_space<vmem>>
        %dma_start3A_61 = arith.constant 0 : i32
        %dma_start3A_62 = tpu.memref_slice %arg3[%add3A_53, %dma_start3A_61] : memref<2560x128xi32, #tpu.memory_space<hbm>> -> memref<72x128xi32, #tpu.memory_space<hbm>>
        tpu.enqueue_dma source(%dma_start3A_62 : memref<72x128xi32, #tpu.memory_space<hbm>>) target(%dma_start3A_60 : memref<72x128xi32, #tpu.memory_space<vmem>>) target_semaphore(%run_scoped3A : memref<!tpu.dma_semaphore, #tpu.memory_space<semaphore_mem>>)
        %dma_wait3A = arith.constant 0 : i32
        %dma_wait3A_63 = arith.constant 0 : i32
        %dma_wait3A_64 = tpu.memref_slice %arg7[%dma_wait3A, %dma_wait3A_63] : memref<88x128xi32, #tpu.memory_space<vmem>> -> memref<72x128xi32, #tpu.memory_space<vmem>>
        %dma_wait3A_65 = arith.constant 0 : i32
        %dma_wait3A_66 = tpu.memref_slice %arg3[%add3A_53, %dma_wait3A_65] : memref<2560x128xi32, #tpu.memory_space<hbm>> -> memref<72x128xi32, #tpu.memory_space<hbm>>
        %dma_wait3A_67 = arith.constant 0 : i32
        %dma_wait3A_68 = arith.constant 0 : i32
        %dma_wait3A_69 = tpu.memref_slice %arg7[%dma_wait3A_67, %dma_wait3A_68] : memref<88x128xi32, #tpu.memory_space<vmem>> -> memref<72x128xi32, #tpu.memory_space<vmem>>
        %dma_wait3A_70 = arith.constant 0 : i32
        %dma_wait3A_71 = tpu.memref_slice %arg3[%add3A_53, %dma_wait3A_70] : memref<2560x128xi32, #tpu.memory_space<hbm>> -> memref<72x128xi32, #tpu.memory_space<hbm>>
        tpu.wait_dma2 semaphore(%run_scoped3A : memref<!tpu.dma_semaphore, #tpu.memory_space<semaphore_mem>>) src(%dma_wait3A_71 : memref<72x128xi32, #tpu.memory_space<hbm>>) dst(%dma_wait3A_69 : memref<72x128xi32, #tpu.memory_space<vmem>>)
        tpu.yield
      }) : () -> ()
    } else {
    }
    %barrier3A = arith.constant 0 : index
    tpu.barrier barrier_id(%barrier3A)
    %jit3A = arith.constant 11 : i32
    %jit3A_30 = arith.constant 9 : i32
    %select_n3A = arith.select %eq3A_22, %jit3A, %jit3A_30 : i32
    %scan3A_31 = arith.constant 0 : i32
    %scan3A_32 = arith.constant 0 : i32
    %scan3A_33 = arith.constant 11 : i32
    %scan3A_34 = arith.addi %scan3A_32, %scan3A_33 : i32
    %scan3A_35 = arith.constant 1 : i32
    scf.for %scan3A_48 = %scan3A_32 to %scan3A_34 step %scan3A_35  : i32 {
      %lt3A_49 = arith.cmpi slt, %scan3A_48, %select_n3A : i32
      %convert_element_type3A_50 = arith.extui %lt3A_49 : i1 to i32
      %cond3A_51 = arith.constant 0 : i32
      %cond3A_52 = arith.cmpi ne, %convert_element_type3A_50, %cond3A_51 : i32
      scf.if %cond3A_52 {
        %mul3A = arith.constant 8 : i32
        %mul3A_53 = arith.muli %scan3A_48, %mul3A : i32
        %add3A = arith.constant 0 : i32
        %add3A_54 = arith.addi %mul3A_53, %add3A : i32
        %dma_start3A = arith.constant 0 : i32
        %dma_start3A_55 = arith.constant 0 : i32
        %dma_start3A_56 = arith.constant 0 : i32
        %dma_start3A_57 = tpu.memref_slice %arg8[%dma_start3A, %dma_start3A_55, %dma_start3A_56] : memref<8x128x16xf32, #tpu.memory_space<vmem>> -> memref<1x128x16xf32, #tpu.memory_space<vmem>>
        %dma_start3A_58 = tpu.memref_squeeze %dma_start3A_57 : memref<1x128x16xf32, #tpu.memory_space<vmem>> -> memref<128x16xf32, #tpu.memory_space<vmem>>
        %dma_start3A_59 = arith.constant 0 : i32
        %dma_start3A_60 = tpu.memref_slice %arg6[%add3A_54, %dma_start3A_59] : memref<88x128xi32, #tpu.memory_space<vmem>> -> memref<1x128xi32, #tpu.memory_space<vmem>>
        %dma_start3A_61 = tpu.memref_squeeze %dma_start3A_60 : memref<1x128xi32, #tpu.memory_space<vmem>> -> memref<128xi32, #tpu.memory_space<vmem>>
        %dma_start3A_62 = arith.constant 0 : i32
        %dma_start3A_63 = arith.constant 0 : i32
        %dma_start3A_64 = tpu.memref_slice %arg11[%dma_start3A_62, %dma_start3A_63] : memref<10000x16xf32, #tpu.memory_space<vmem_shared>> -> memref<10000x16xf32, #tpu.memory_space<vmem_shared>>
        tpu.enqueue_indirect_dma source(%dma_start3A_64 : memref<10000x16xf32, #tpu.memory_space<vmem_shared>>) target(%dma_start3A_58 : memref<128x16xf32, #tpu.memory_space<vmem>>) offsets(%dma_start3A_61 : memref<128xi32, #tpu.memory_space<vmem>>) semaphore(%arg12 : memref<!tpu.dma_semaphore, #tpu.memory_space<semaphore_mem>>)
        %add3A_65 = arith.constant 1 : i32
        %add3A_66 = arith.addi %mul3A_53, %add3A_65 : i32
        %dma_start3A_67 = arith.constant 1 : i32
        %dma_start3A_68 = arith.constant 0 : i32
        %dma_start3A_69 = arith.constant 0 : i32
        %dma_start3A_70 = tpu.memref_slice %arg8[%dma_start3A_67, %dma_start3A_68, %dma_start3A_69] : memref<8x128x16xf32, #tpu.memory_space<vmem>> -> memref<1x128x16xf32, #tpu.memory_space<vmem>>
        %dma_start3A_71 = tpu.memref_squeeze %dma_start3A_70 : memref<1x128x16xf32, #tpu.memory_space<vmem>> -> memref<128x16xf32, #tpu.memory_space<vmem>>
        %dma_start3A_72 = arith.constant 0 : i32
        %dma_start3A_73 = tpu.memref_slice %arg6[%add3A_66, %dma_start3A_72] : memref<88x128xi32, #tpu.memory_space<vmem>> -> memref<1x128xi32, #tpu.memory_space<vmem>>
        %dma_start3A_74 = tpu.memref_squeeze %dma_start3A_73 : memref<1x128xi32, #tpu.memory_space<vmem>> -> memref<128xi32, #tpu.memory_space<vmem>>
        %dma_start3A_75 = arith.constant 0 : i32
        %dma_start3A_76 = arith.constant 0 : i32
        %dma_start3A_77 = tpu.memref_slice %arg11[%dma_start3A_75, %dma_start3A_76] : memref<10000x16xf32, #tpu.memory_space<vmem_shared>> -> memref<10000x16xf32, #tpu.memory_space<vmem_shared>>
        tpu.enqueue_indirect_dma source(%dma_start3A_77 : memref<10000x16xf32, #tpu.memory_space<vmem_shared>>) target(%dma_start3A_71 : memref<128x16xf32, #tpu.memory_space<vmem>>) offsets(%dma_start3A_74 : memref<128xi32, #tpu.memory_space<vmem>>) semaphore(%arg12 : memref<!tpu.dma_semaphore, #tpu.memory_space<semaphore_mem>>)
        %add3A_78 = arith.constant 2 : i32
        %add3A_79 = arith.addi %mul3A_53, %add3A_78 : i32
        %dma_start3A_80 = arith.constant 2 : i32
        %dma_start3A_81 = arith.constant 0 : i32
        %dma_start3A_82 = arith.constant 0 : i32
        %dma_start3A_83 = tpu.memref_slice %arg8[%dma_start3A_80, %dma_start3A_81, %dma_start3A_82] : memref<8x128x16xf32, #tpu.memory_space<vmem>> -> memref<1x128x16xf32, #tpu.memory_space<vmem>>
        %dma_start3A_84 = tpu.memref_squeeze %dma_start3A_83 : memref<1x128x16xf32, #tpu.memory_space<vmem>> -> memref<128x16xf32, #tpu.memory_space<vmem>>
        %dma_start3A_85 = arith.constant 0 : i32
        %dma_start3A_86 = tpu.memref_slice %arg6[%add3A_79, %dma_start3A_85] : memref<88x128xi32, #tpu.memory_space<vmem>> -> memref<1x128xi32, #tpu.memory_space<vmem>>
        %dma_start3A_87 = tpu.memref_squeeze %dma_start3A_86 : memref<1x128xi32, #tpu.memory_space<vmem>> -> memref<128xi32, #tpu.memory_space<vmem>>
        %dma_start3A_88 = arith.constant 0 : i32
        %dma_start3A_89 = arith.constant 0 : i32
        %dma_start3A_90 = tpu.memref_slice %arg11[%dma_start3A_88, %dma_start3A_89] : memref<10000x16xf32, #tpu.memory_space<vmem_shared>> -> memref<10000x16xf32, #tpu.memory_space<vmem_shared>>
        tpu.enqueue_indirect_dma source(%dma_start3A_90 : memref<10000x16xf32, #tpu.memory_space<vmem_shared>>) target(%dma_start3A_84 : memref<128x16xf32, #tpu.memory_space<vmem>>) offsets(%dma_start3A_87 : memref<128xi32, #tpu.memory_space<vmem>>) semaphore(%arg12 : memref<!tpu.dma_semaphore, #tpu.memory_space<semaphore_mem>>)
        %add3A_91 = arith.constant 3 : i32
        %add3A_92 = arith.addi %mul3A_53, %add3A_91 : i32
        %dma_start3A_93 = arith.constant 3 : i32
        %dma_start3A_94 = arith.constant 0 : i32
        %dma_start3A_95 = arith.constant 0 : i32
        %dma_start3A_96 = tpu.memref_slice %arg8[%dma_start3A_93, %dma_start3A_94, %dma_start3A_95] : memref<8x128x16xf32, #tpu.memory_space<vmem>> -> memref<1x128x16xf32, #tpu.memory_space<vmem>>
        %dma_start3A_97 = tpu.memref_squeeze %dma_start3A_96 : memref<1x128x16xf32, #tpu.memory_space<vmem>> -> memref<128x16xf32, #tpu.memory_space<vmem>>
        %dma_start3A_98 = arith.constant 0 : i32
        %dma_start3A_99 = tpu.memref_slice %arg6[%add3A_92, %dma_start3A_98] : memref<88x128xi32, #tpu.memory_space<vmem>> -> memref<1x128xi32, #tpu.memory_space<vmem>>
        %dma_start3A_100 = tpu.memref_squeeze %dma_start3A_99 : memref<1x128xi32, #tpu.memory_space<vmem>> -> memref<128xi32, #tpu.memory_space<vmem>>
        %dma_start3A_101 = arith.constant 0 : i32
        %dma_start3A_102 = arith.constant 0 : i32
        %dma_start3A_103 = tpu.memref_slice %arg11[%dma_start3A_101, %dma_start3A_102] : memref<10000x16xf32, #tpu.memory_space<vmem_shared>> -> memref<10000x16xf32, #tpu.memory_space<vmem_shared>>
        tpu.enqueue_indirect_dma source(%dma_start3A_103 : memref<10000x16xf32, #tpu.memory_space<vmem_shared>>) target(%dma_start3A_97 : memref<128x16xf32, #tpu.memory_space<vmem>>) offsets(%dma_start3A_100 : memref<128xi32, #tpu.memory_space<vmem>>) semaphore(%arg12 : memref<!tpu.dma_semaphore, #tpu.memory_space<semaphore_mem>>)
        %add3A_104 = arith.constant 4 : i32
        %add3A_105 = arith.addi %mul3A_53, %add3A_104 : i32
        %dma_start3A_106 = arith.constant 4 : i32
        %dma_start3A_107 = arith.constant 0 : i32
        %dma_start3A_108 = arith.constant 0 : i32
        %dma_start3A_109 = tpu.memref_slice %arg8[%dma_start3A_106, %dma_start3A_107, %dma_start3A_108] : memref<8x128x16xf32, #tpu.memory_space<vmem>> -> memref<1x128x16xf32, #tpu.memory_space<vmem>>
        %dma_start3A_110 = tpu.memref_squeeze %dma_start3A_109 : memref<1x128x16xf32, #tpu.memory_space<vmem>> -> memref<128x16xf32, #tpu.memory_space<vmem>>
        %dma_start3A_111 = arith.constant 0 : i32
        %dma_start3A_112 = tpu.memref_slice %arg6[%add3A_105, %dma_start3A_111] : memref<88x128xi32, #tpu.memory_space<vmem>> -> memref<1x128xi32, #tpu.memory_space<vmem>>
        %dma_start3A_113 = tpu.memref_squeeze %dma_start3A_112 : memref<1x128xi32, #tpu.memory_space<vmem>> -> memref<128xi32, #tpu.memory_space<vmem>>
        %dma_start3A_114 = arith.constant 0 : i32
        %dma_start3A_115 = arith.constant 0 : i32
        %dma_start3A_116 = tpu.memref_slice %arg11[%dma_start3A_114, %dma_start3A_115] : memref<10000x16xf32, #tpu.memory_space<vmem_shared>> -> memref<10000x16xf32, #tpu.memory_space<vmem_shared>>
        tpu.enqueue_indirect_dma source(%dma_start3A_116 : memref<10000x16xf32, #tpu.memory_space<vmem_shared>>) target(%dma_start3A_110 : memref<128x16xf32, #tpu.memory_space<vmem>>) offsets(%dma_start3A_113 : memref<128xi32, #tpu.memory_space<vmem>>) semaphore(%arg12 : memref<!tpu.dma_semaphore, #tpu.memory_space<semaphore_mem>>)
        %add3A_117 = arith.constant 5 : i32
        %add3A_118 = arith.addi %mul3A_53, %add3A_117 : i32
        %dma_start3A_119 = arith.constant 5 : i32
        %dma_start3A_120 = arith.constant 0 : i32
        %dma_start3A_121 = arith.constant 0 : i32
        %dma_start3A_122 = tpu.memref_slice %arg8[%dma_start3A_119, %dma_start3A_120, %dma_start3A_121] : memref<8x128x16xf32, #tpu.memory_space<vmem>> -> memref<1x128x16xf32, #tpu.memory_space<vmem>>
        %dma_start3A_123 = tpu.memref_squeeze %dma_start3A_122 : memref<1x128x16xf32, #tpu.memory_space<vmem>> -> memref<128x16xf32, #tpu.memory_space<vmem>>
        %dma_start3A_124 = arith.constant 0 : i32
        %dma_start3A_125 = tpu.memref_slice %arg6[%add3A_118, %dma_start3A_124] : memref<88x128xi32, #tpu.memory_space<vmem>> -> memref<1x128xi32, #tpu.memory_space<vmem>>
        %dma_start3A_126 = tpu.memref_squeeze %dma_start3A_125 : memref<1x128xi32, #tpu.memory_space<vmem>> -> memref<128xi32, #tpu.memory_space<vmem>>
        %dma_start3A_127 = arith.constant 0 : i32
        %dma_start3A_128 = arith.constant 0 : i32
        %dma_start3A_129 = tpu.memref_slice %arg11[%dma_start3A_127, %dma_start3A_128] : memref<10000x16xf32, #tpu.memory_space<vmem_shared>> -> memref<10000x16xf32, #tpu.memory_space<vmem_shared>>
        tpu.enqueue_indirect_dma source(%dma_start3A_129 : memref<10000x16xf32, #tpu.memory_space<vmem_shared>>) target(%dma_start3A_123 : memref<128x16xf32, #tpu.memory_space<vmem>>) offsets(%dma_start3A_126 : memref<128xi32, #tpu.memory_space<vmem>>) semaphore(%arg12 : memref<!tpu.dma_semaphore, #tpu.memory_space<semaphore_mem>>)
        %add3A_130 = arith.constant 6 : i32
        %add3A_131 = arith.addi %mul3A_53, %add3A_130 : i32
        %dma_start3A_132 = arith.constant 6 : i32
        %dma_start3A_133 = arith.constant 0 : i32
        %dma_start3A_134 = arith.constant 0 : i32
        %dma_start3A_135 = tpu.memref_slice %arg8[%dma_start3A_132, %dma_start3A_133, %dma_start3A_134] : memref<8x128x16xf32, #tpu.memory_space<vmem>> -> memref<1x128x16xf32, #tpu.memory_space<vmem>>
        %dma_start3A_136 = tpu.memref_squeeze %dma_start3A_135 : memref<1x128x16xf32, #tpu.memory_space<vmem>> -> memref<128x16xf32, #tpu.memory_space<vmem>>
        %dma_start3A_137 = arith.constant 0 : i32
        %dma_start3A_138 = tpu.memref_slice %arg6[%add3A_131, %dma_start3A_137] : memref<88x128xi32, #tpu.memory_space<vmem>> -> memref<1x128xi32, #tpu.memory_space<vmem>>
        %dma_start3A_139 = tpu.memref_squeeze %dma_start3A_138 : memref<1x128xi32, #tpu.memory_space<vmem>> -> memref<128xi32, #tpu.memory_space<vmem>>
        %dma_start3A_140 = arith.constant 0 : i32
        %dma_start3A_141 = arith.constant 0 : i32
        %dma_start3A_142 = tpu.memref_slice %arg11[%dma_start3A_140, %dma_start3A_141] : memref<10000x16xf32, #tpu.memory_space<vmem_shared>> -> memref<10000x16xf32, #tpu.memory_space<vmem_shared>>
        tpu.enqueue_indirect_dma source(%dma_start3A_142 : memref<10000x16xf32, #tpu.memory_space<vmem_shared>>) target(%dma_start3A_136 : memref<128x16xf32, #tpu.memory_space<vmem>>) offsets(%dma_start3A_139 : memref<128xi32, #tpu.memory_space<vmem>>) semaphore(%arg12 : memref<!tpu.dma_semaphore, #tpu.memory_space<semaphore_mem>>)
        %add3A_143 = arith.constant 7 : i32
        %add3A_144 = arith.addi %mul3A_53, %add3A_143 : i32
        %dma_start3A_145 = arith.constant 7 : i32
        %dma_start3A_146 = arith.constant 0 : i32
        %dma_start3A_147 = arith.constant 0 : i32
        %dma_start3A_148 = tpu.memref_slice %arg8[%dma_start3A_145, %dma_start3A_146, %dma_start3A_147] : memref<8x128x16xf32, #tpu.memory_space<vmem>> -> memref<1x128x16xf32, #tpu.memory_space<vmem>>
        %dma_start3A_149 = tpu.memref_squeeze %dma_start3A_148 : memref<1x128x16xf32, #tpu.memory_space<vmem>> -> memref<128x16xf32, #tpu.memory_space<vmem>>
        %dma_start3A_150 = arith.constant 0 : i32
        %dma_start3A_151 = tpu.memref_slice %arg6[%add3A_144, %dma_start3A_150] : memref<88x128xi32, #tpu.memory_space<vmem>> -> memref<1x128xi32, #tpu.memory_space<vmem>>
        %dma_start3A_152 = tpu.memref_squeeze %dma_start3A_151 : memref<1x128xi32, #tpu.memory_space<vmem>> -> memref<128xi32, #tpu.memory_space<vmem>>
        %dma_start3A_153 = arith.constant 0 : i32
        %dma_start3A_154 = arith.constant 0 : i32
        %dma_start3A_155 = tpu.memref_slice %arg11[%dma_start3A_153, %dma_start3A_154] : memref<10000x16xf32, #tpu.memory_space<vmem_shared>> -> memref<10000x16xf32, #tpu.memory_space<vmem_shared>>
        tpu.enqueue_indirect_dma source(%dma_start3A_155 : memref<10000x16xf32, #tpu.memory_space<vmem_shared>>) target(%dma_start3A_149 : memref<128x16xf32, #tpu.memory_space<vmem>>) offsets(%dma_start3A_152 : memref<128xi32, #tpu.memory_space<vmem>>) semaphore(%arg12 : memref<!tpu.dma_semaphore, #tpu.memory_space<semaphore_mem>>)
        %dma_wait3A = arith.constant 0 : i32
        %dma_wait3A_156 = arith.constant 0 : i32
        %dma_wait3A_157 = arith.constant 0 : i32
        %dma_wait3A_158 = tpu.memref_slice %arg8[%dma_wait3A, %dma_wait3A_156, %dma_wait3A_157] : memref<8x128x16xf32, #tpu.memory_space<vmem>> -> memref<1x128x16xf32, #tpu.memory_space<vmem>>
        %dma_wait3A_159 = tpu.memref_squeeze %dma_wait3A_158 : memref<1x128x16xf32, #tpu.memory_space<vmem>> -> memref<128x16xf32, #tpu.memory_space<vmem>>
        %dma_wait3A_160 = arith.constant 0 : i32
        %dma_wait3A_161 = tpu.memref_slice %arg6[%add3A_54, %dma_wait3A_160] : memref<88x128xi32, #tpu.memory_space<vmem>> -> memref<1x128xi32, #tpu.memory_space<vmem>>
        %dma_wait3A_162 = tpu.memref_squeeze %dma_wait3A_161 : memref<1x128xi32, #tpu.memory_space<vmem>> -> memref<128xi32, #tpu.memory_space<vmem>>
        %dma_wait3A_163 = arith.constant 0 : i32
        %dma_wait3A_164 = arith.constant 0 : i32
        %dma_wait3A_165 = tpu.memref_slice %arg11[%dma_wait3A_163, %dma_wait3A_164] : memref<10000x16xf32, #tpu.memory_space<vmem_shared>> -> memref<10000x16xf32, #tpu.memory_space<vmem_shared>>
        tpu.wait_indirect_dma semaphore(%arg12 : memref<!tpu.dma_semaphore, #tpu.memory_space<semaphore_mem>>) src(%dma_wait3A_165 : memref<10000x16xf32, #tpu.memory_space<vmem_shared>>) dst(%dma_wait3A_159 : memref<128x16xf32, #tpu.memory_space<vmem>>)
        %add3A_166 = arith.constant 0 : i32
        %add3A_167 = arith.addi %mul3A_53, %add3A_166 : i32
        %dma_start3A_168 = arith.constant 0 : i32
        %dma_start3A_169 = arith.constant 0 : i32
        %dma_start3A_170 = arith.constant 0 : i32
        %dma_start3A_171 = tpu.memref_slice %arg8[%dma_start3A_168, %dma_start3A_169, %dma_start3A_170] : memref<8x128x16xf32, #tpu.memory_space<vmem>> -> memref<1x128x16xf32, #tpu.memory_space<vmem>>
        %dma_start3A_172 = tpu.memref_squeeze %dma_start3A_171 : memref<1x128x16xf32, #tpu.memory_space<vmem>> -> memref<128x16xf32, #tpu.memory_space<vmem>>
        %dma_start3A_173 = arith.constant 0 : i32
        %dma_start3A_174 = tpu.memref_slice %arg7[%add3A_167, %dma_start3A_173] : memref<88x128xi32, #tpu.memory_space<vmem>> -> memref<1x128xi32, #tpu.memory_space<vmem>>
        %dma_start3A_175 = tpu.memref_squeeze %dma_start3A_174 : memref<1x128xi32, #tpu.memory_space<vmem>> -> memref<128xi32, #tpu.memory_space<vmem>>
        %dma_start3A_176 = arith.constant 0 : i32
        %dma_start3A_177 = arith.constant 0 : i32
        %dma_start3A_178 = tpu.memref_slice %arg10[%dma_start3A_176, %dma_start3A_177] : memref<10008x16xf32, #tpu.memory_space<vmem_shared>> -> memref<10008x16xf32, #tpu.memory_space<vmem_shared>>
        tpu.enqueue_indirect_dma source(%dma_start3A_172 : memref<128x16xf32, #tpu.memory_space<vmem>>) target(%dma_start3A_178 : memref<10008x16xf32, #tpu.memory_space<vmem_shared>>) offsets(%dma_start3A_175 : memref<128xi32, #tpu.memory_space<vmem>>) semaphore(%arg13 : memref<!tpu.dma_semaphore, #tpu.memory_space<semaphore_mem>>) {add = true}
        %dma_wait3A_179 = arith.constant 1 : i32
        %dma_wait3A_180 = arith.constant 0 : i32
        %dma_wait3A_181 = arith.constant 0 : i32
        %dma_wait3A_182 = tpu.memref_slice %arg8[%dma_wait3A_179, %dma_wait3A_180, %dma_wait3A_181] : memref<8x128x16xf32, #tpu.memory_space<vmem>> -> memref<1x128x16xf32, #tpu.memory_space<vmem>>
        %dma_wait3A_183 = tpu.memref_squeeze %dma_wait3A_182 : memref<1x128x16xf32, #tpu.memory_space<vmem>> -> memref<128x16xf32, #tpu.memory_space<vmem>>
        %dma_wait3A_184 = arith.constant 0 : i32
        %dma_wait3A_185 = tpu.memref_slice %arg6[%add3A_66, %dma_wait3A_184] : memref<88x128xi32, #tpu.memory_space<vmem>> -> memref<1x128xi32, #tpu.memory_space<vmem>>
        %dma_wait3A_186 = tpu.memref_squeeze %dma_wait3A_185 : memref<1x128xi32, #tpu.memory_space<vmem>> -> memref<128xi32, #tpu.memory_space<vmem>>
        %dma_wait3A_187 = arith.constant 0 : i32
        %dma_wait3A_188 = arith.constant 0 : i32
        %dma_wait3A_189 = tpu.memref_slice %arg11[%dma_wait3A_187, %dma_wait3A_188] : memref<10000x16xf32, #tpu.memory_space<vmem_shared>> -> memref<10000x16xf32, #tpu.memory_space<vmem_shared>>
        tpu.wait_indirect_dma semaphore(%arg12 : memref<!tpu.dma_semaphore, #tpu.memory_space<semaphore_mem>>) src(%dma_wait3A_189 : memref<10000x16xf32, #tpu.memory_space<vmem_shared>>) dst(%dma_wait3A_183 : memref<128x16xf32, #tpu.memory_space<vmem>>)
        %add3A_190 = arith.constant 1 : i32
        %add3A_191 = arith.addi %mul3A_53, %add3A_190 : i32
        %dma_start3A_192 = arith.constant 1 : i32
        %dma_start3A_193 = arith.constant 0 : i32
        %dma_start3A_194 = arith.constant 0 : i32
        %dma_start3A_195 = tpu.memref_slice %arg8[%dma_start3A_192, %dma_start3A_193, %dma_start3A_194] : memref<8x128x16xf32, #tpu.memory_space<vmem>> -> memref<1x128x16xf32, #tpu.memory_space<vmem>>
        %dma_start3A_196 = tpu.memref_squeeze %dma_start3A_195 : memref<1x128x16xf32, #tpu.memory_space<vmem>> -> memref<128x16xf32, #tpu.memory_space<vmem>>
        %dma_start3A_197 = arith.constant 0 : i32
        %dma_start3A_198 = tpu.memref_slice %arg7[%add3A_191, %dma_start3A_197] : memref<88x128xi32, #tpu.memory_space<vmem>> -> memref<1x128xi32, #tpu.memory_space<vmem>>
        %dma_start3A_199 = tpu.memref_squeeze %dma_start3A_198 : memref<1x128xi32, #tpu.memory_space<vmem>> -> memref<128xi32, #tpu.memory_space<vmem>>
        %dma_start3A_200 = arith.constant 0 : i32
        %dma_start3A_201 = arith.constant 0 : i32
        %dma_start3A_202 = tpu.memref_slice %arg10[%dma_start3A_200, %dma_start3A_201] : memref<10008x16xf32, #tpu.memory_space<vmem_shared>> -> memref<10008x16xf32, #tpu.memory_space<vmem_shared>>
        tpu.enqueue_indirect_dma source(%dma_start3A_196 : memref<128x16xf32, #tpu.memory_space<vmem>>) target(%dma_start3A_202 : memref<10008x16xf32, #tpu.memory_space<vmem_shared>>) offsets(%dma_start3A_199 : memref<128xi32, #tpu.memory_space<vmem>>) semaphore(%arg13 : memref<!tpu.dma_semaphore, #tpu.memory_space<semaphore_mem>>) {add = true}
        %dma_wait3A_203 = arith.constant 2 : i32
        %dma_wait3A_204 = arith.constant 0 : i32
        %dma_wait3A_205 = arith.constant 0 : i32
        %dma_wait3A_206 = tpu.memref_slice %arg8[%dma_wait3A_203, %dma_wait3A_204, %dma_wait3A_205] : memref<8x128x16xf32, #tpu.memory_space<vmem>> -> memref<1x128x16xf32, #tpu.memory_space<vmem>>
        %dma_wait3A_207 = tpu.memref_squeeze %dma_wait3A_206 : memref<1x128x16xf32, #tpu.memory_space<vmem>> -> memref<128x16xf32, #tpu.memory_space<vmem>>
        %dma_wait3A_208 = arith.constant 0 : i32
        %dma_wait3A_209 = tpu.memref_slice %arg6[%add3A_79, %dma_wait3A_208] : memref<88x128xi32, #tpu.memory_space<vmem>> -> memref<1x128xi32, #tpu.memory_space<vmem>>
        %dma_wait3A_210 = tpu.memref_squeeze %dma_wait3A_209 : memref<1x128xi32, #tpu.memory_space<vmem>> -> memref<128xi32, #tpu.memory_space<vmem>>
        %dma_wait3A_211 = arith.constant 0 : i32
        %dma_wait3A_212 = arith.constant 0 : i32
        %dma_wait3A_213 = tpu.memref_slice %arg11[%dma_wait3A_211, %dma_wait3A_212] : memref<10000x16xf32, #tpu.memory_space<vmem_shared>> -> memref<10000x16xf32, #tpu.memory_space<vmem_shared>>
        tpu.wait_indirect_dma semaphore(%arg12 : memref<!tpu.dma_semaphore, #tpu.memory_space<semaphore_mem>>) src(%dma_wait3A_213 : memref<10000x16xf32, #tpu.memory_space<vmem_shared>>) dst(%dma_wait3A_207 : memref<128x16xf32, #tpu.memory_space<vmem>>)
        %add3A_214 = arith.constant 2 : i32
        %add3A_215 = arith.addi %mul3A_53, %add3A_214 : i32
        %dma_start3A_216 = arith.constant 2 : i32
        %dma_start3A_217 = arith.constant 0 : i32
        %dma_start3A_218 = arith.constant 0 : i32
        %dma_start3A_219 = tpu.memref_slice %arg8[%dma_start3A_216, %dma_start3A_217, %dma_start3A_218] : memref<8x128x16xf32, #tpu.memory_space<vmem>> -> memref<1x128x16xf32, #tpu.memory_space<vmem>>
        %dma_start3A_220 = tpu.memref_squeeze %dma_start3A_219 : memref<1x128x16xf32, #tpu.memory_space<vmem>> -> memref<128x16xf32, #tpu.memory_space<vmem>>
        %dma_start3A_221 = arith.constant 0 : i32
        %dma_start3A_222 = tpu.memref_slice %arg7[%add3A_215, %dma_start3A_221] : memref<88x128xi32, #tpu.memory_space<vmem>> -> memref<1x128xi32, #tpu.memory_space<vmem>>
        %dma_start3A_223 = tpu.memref_squeeze %dma_start3A_222 : memref<1x128xi32, #tpu.memory_space<vmem>> -> memref<128xi32, #tpu.memory_space<vmem>>
        %dma_start3A_224 = arith.constant 0 : i32
        %dma_start3A_225 = arith.constant 0 : i32
        %dma_start3A_226 = tpu.memref_slice %arg10[%dma_start3A_224, %dma_start3A_225] : memref<10008x16xf32, #tpu.memory_space<vmem_shared>> -> memref<10008x16xf32, #tpu.memory_space<vmem_shared>>
        tpu.enqueue_indirect_dma source(%dma_start3A_220 : memref<128x16xf32, #tpu.memory_space<vmem>>) target(%dma_start3A_226 : memref<10008x16xf32, #tpu.memory_space<vmem_shared>>) offsets(%dma_start3A_223 : memref<128xi32, #tpu.memory_space<vmem>>) semaphore(%arg13 : memref<!tpu.dma_semaphore, #tpu.memory_space<semaphore_mem>>) {add = true}
        %dma_wait3A_227 = arith.constant 3 : i32
        %dma_wait3A_228 = arith.constant 0 : i32
        %dma_wait3A_229 = arith.constant 0 : i32
        %dma_wait3A_230 = tpu.memref_slice %arg8[%dma_wait3A_227, %dma_wait3A_228, %dma_wait3A_229] : memref<8x128x16xf32, #tpu.memory_space<vmem>> -> memref<1x128x16xf32, #tpu.memory_space<vmem>>
        %dma_wait3A_231 = tpu.memref_squeeze %dma_wait3A_230 : memref<1x128x16xf32, #tpu.memory_space<vmem>> -> memref<128x16xf32, #tpu.memory_space<vmem>>
        %dma_wait3A_232 = arith.constant 0 : i32
        %dma_wait3A_233 = tpu.memref_slice %arg6[%add3A_92, %dma_wait3A_232] : memref<88x128xi32, #tpu.memory_space<vmem>> -> memref<1x128xi32, #tpu.memory_space<vmem>>
        %dma_wait3A_234 = tpu.memref_squeeze %dma_wait3A_233 : memref<1x128xi32, #tpu.memory_space<vmem>> -> memref<128xi32, #tpu.memory_space<vmem>>
        %dma_wait3A_235 = arith.constant 0 : i32
        %dma_wait3A_236 = arith.constant 0 : i32
        %dma_wait3A_237 = tpu.memref_slice %arg11[%dma_wait3A_235, %dma_wait3A_236] : memref<10000x16xf32, #tpu.memory_space<vmem_shared>> -> memref<10000x16xf32, #tpu.memory_space<vmem_shared>>
        tpu.wait_indirect_dma semaphore(%arg12 : memref<!tpu.dma_semaphore, #tpu.memory_space<semaphore_mem>>) src(%dma_wait3A_237 : memref<10000x16xf32, #tpu.memory_space<vmem_shared>>) dst(%dma_wait3A_231 : memref<128x16xf32, #tpu.memory_space<vmem>>)
        %add3A_238 = arith.constant 3 : i32
        %add3A_239 = arith.addi %mul3A_53, %add3A_238 : i32
        %dma_start3A_240 = arith.constant 3 : i32
        %dma_start3A_241 = arith.constant 0 : i32
        %dma_start3A_242 = arith.constant 0 : i32
        %dma_start3A_243 = tpu.memref_slice %arg8[%dma_start3A_240, %dma_start3A_241, %dma_start3A_242] : memref<8x128x16xf32, #tpu.memory_space<vmem>> -> memref<1x128x16xf32, #tpu.memory_space<vmem>>
        %dma_start3A_244 = tpu.memref_squeeze %dma_start3A_243 : memref<1x128x16xf32, #tpu.memory_space<vmem>> -> memref<128x16xf32, #tpu.memory_space<vmem>>
        %dma_start3A_245 = arith.constant 0 : i32
        %dma_start3A_246 = tpu.memref_slice %arg7[%add3A_239, %dma_start3A_245] : memref<88x128xi32, #tpu.memory_space<vmem>> -> memref<1x128xi32, #tpu.memory_space<vmem>>
        %dma_start3A_247 = tpu.memref_squeeze %dma_start3A_246 : memref<1x128xi32, #tpu.memory_space<vmem>> -> memref<128xi32, #tpu.memory_space<vmem>>
        %dma_start3A_248 = arith.constant 0 : i32
        %dma_start3A_249 = arith.constant 0 : i32
        %dma_start3A_250 = tpu.memref_slice %arg10[%dma_start3A_248, %dma_start3A_249] : memref<10008x16xf32, #tpu.memory_space<vmem_shared>> -> memref<10008x16xf32, #tpu.memory_space<vmem_shared>>
        tpu.enqueue_indirect_dma source(%dma_start3A_244 : memref<128x16xf32, #tpu.memory_space<vmem>>) target(%dma_start3A_250 : memref<10008x16xf32, #tpu.memory_space<vmem_shared>>) offsets(%dma_start3A_247 : memref<128xi32, #tpu.memory_space<vmem>>) semaphore(%arg13 : memref<!tpu.dma_semaphore, #tpu.memory_space<semaphore_mem>>) {add = true}
        %dma_wait3A_251 = arith.constant 4 : i32
        %dma_wait3A_252 = arith.constant 0 : i32
        %dma_wait3A_253 = arith.constant 0 : i32
        %dma_wait3A_254 = tpu.memref_slice %arg8[%dma_wait3A_251, %dma_wait3A_252, %dma_wait3A_253] : memref<8x128x16xf32, #tpu.memory_space<vmem>> -> memref<1x128x16xf32, #tpu.memory_space<vmem>>
        %dma_wait3A_255 = tpu.memref_squeeze %dma_wait3A_254 : memref<1x128x16xf32, #tpu.memory_space<vmem>> -> memref<128x16xf32, #tpu.memory_space<vmem>>
        %dma_wait3A_256 = arith.constant 0 : i32
        %dma_wait3A_257 = tpu.memref_slice %arg6[%add3A_105, %dma_wait3A_256] : memref<88x128xi32, #tpu.memory_space<vmem>> -> memref<1x128xi32, #tpu.memory_space<vmem>>
        %dma_wait3A_258 = tpu.memref_squeeze %dma_wait3A_257 : memref<1x128xi32, #tpu.memory_space<vmem>> -> memref<128xi32, #tpu.memory_space<vmem>>
        %dma_wait3A_259 = arith.constant 0 : i32
        %dma_wait3A_260 = arith.constant 0 : i32
        %dma_wait3A_261 = tpu.memref_slice %arg11[%dma_wait3A_259, %dma_wait3A_260] : memref<10000x16xf32, #tpu.memory_space<vmem_shared>> -> memref<10000x16xf32, #tpu.memory_space<vmem_shared>>
        tpu.wait_indirect_dma semaphore(%arg12 : memref<!tpu.dma_semaphore, #tpu.memory_space<semaphore_mem>>) src(%dma_wait3A_261 : memref<10000x16xf32, #tpu.memory_space<vmem_shared>>) dst(%dma_wait3A_255 : memref<128x16xf32, #tpu.memory_space<vmem>>)
        %add3A_262 = arith.constant 4 : i32
        %add3A_263 = arith.addi %mul3A_53, %add3A_262 : i32
        %dma_start3A_264 = arith.constant 4 : i32
        %dma_start3A_265 = arith.constant 0 : i32
        %dma_start3A_266 = arith.constant 0 : i32
        %dma_start3A_267 = tpu.memref_slice %arg8[%dma_start3A_264, %dma_start3A_265, %dma_start3A_266] : memref<8x128x16xf32, #tpu.memory_space<vmem>> -> memref<1x128x16xf32, #tpu.memory_space<vmem>>
        %dma_start3A_268 = tpu.memref_squeeze %dma_start3A_267 : memref<1x128x16xf32, #tpu.memory_space<vmem>> -> memref<128x16xf32, #tpu.memory_space<vmem>>
        %dma_start3A_269 = arith.constant 0 : i32
        %dma_start3A_270 = tpu.memref_slice %arg7[%add3A_263, %dma_start3A_269] : memref<88x128xi32, #tpu.memory_space<vmem>> -> memref<1x128xi32, #tpu.memory_space<vmem>>
        %dma_start3A_271 = tpu.memref_squeeze %dma_start3A_270 : memref<1x128xi32, #tpu.memory_space<vmem>> -> memref<128xi32, #tpu.memory_space<vmem>>
        %dma_start3A_272 = arith.constant 0 : i32
        %dma_start3A_273 = arith.constant 0 : i32
        %dma_start3A_274 = tpu.memref_slice %arg10[%dma_start3A_272, %dma_start3A_273] : memref<10008x16xf32, #tpu.memory_space<vmem_shared>> -> memref<10008x16xf32, #tpu.memory_space<vmem_shared>>
        tpu.enqueue_indirect_dma source(%dma_start3A_268 : memref<128x16xf32, #tpu.memory_space<vmem>>) target(%dma_start3A_274 : memref<10008x16xf32, #tpu.memory_space<vmem_shared>>) offsets(%dma_start3A_271 : memref<128xi32, #tpu.memory_space<vmem>>) semaphore(%arg13 : memref<!tpu.dma_semaphore, #tpu.memory_space<semaphore_mem>>) {add = true}
        %dma_wait3A_275 = arith.constant 5 : i32
        %dma_wait3A_276 = arith.constant 0 : i32
        %dma_wait3A_277 = arith.constant 0 : i32
        %dma_wait3A_278 = tpu.memref_slice %arg8[%dma_wait3A_275, %dma_wait3A_276, %dma_wait3A_277] : memref<8x128x16xf32, #tpu.memory_space<vmem>> -> memref<1x128x16xf32, #tpu.memory_space<vmem>>
        %dma_wait3A_279 = tpu.memref_squeeze %dma_wait3A_278 : memref<1x128x16xf32, #tpu.memory_space<vmem>> -> memref<128x16xf32, #tpu.memory_space<vmem>>
        %dma_wait3A_280 = arith.constant 0 : i32
        %dma_wait3A_281 = tpu.memref_slice %arg6[%add3A_118, %dma_wait3A_280] : memref<88x128xi32, #tpu.memory_space<vmem>> -> memref<1x128xi32, #tpu.memory_space<vmem>>
        %dma_wait3A_282 = tpu.memref_squeeze %dma_wait3A_281 : memref<1x128xi32, #tpu.memory_space<vmem>> -> memref<128xi32, #tpu.memory_space<vmem>>
        %dma_wait3A_283 = arith.constant 0 : i32
        %dma_wait3A_284 = arith.constant 0 : i32
        %dma_wait3A_285 = tpu.memref_slice %arg11[%dma_wait3A_283, %dma_wait3A_284] : memref<10000x16xf32, #tpu.memory_space<vmem_shared>> -> memref<10000x16xf32, #tpu.memory_space<vmem_shared>>
        tpu.wait_indirect_dma semaphore(%arg12 : memref<!tpu.dma_semaphore, #tpu.memory_space<semaphore_mem>>) src(%dma_wait3A_285 : memref<10000x16xf32, #tpu.memory_space<vmem_shared>>) dst(%dma_wait3A_279 : memref<128x16xf32, #tpu.memory_space<vmem>>)
        %add3A_286 = arith.constant 5 : i32
        %add3A_287 = arith.addi %mul3A_53, %add3A_286 : i32
        %dma_start3A_288 = arith.constant 5 : i32
        %dma_start3A_289 = arith.constant 0 : i32
        %dma_start3A_290 = arith.constant 0 : i32
        %dma_start3A_291 = tpu.memref_slice %arg8[%dma_start3A_288, %dma_start3A_289, %dma_start3A_290] : memref<8x128x16xf32, #tpu.memory_space<vmem>> -> memref<1x128x16xf32, #tpu.memory_space<vmem>>
        %dma_start3A_292 = tpu.memref_squeeze %dma_start3A_291 : memref<1x128x16xf32, #tpu.memory_space<vmem>> -> memref<128x16xf32, #tpu.memory_space<vmem>>
        %dma_start3A_293 = arith.constant 0 : i32
        %dma_start3A_294 = tpu.memref_slice %arg7[%add3A_287, %dma_start3A_293] : memref<88x128xi32, #tpu.memory_space<vmem>> -> memref<1x128xi32, #tpu.memory_space<vmem>>
        %dma_start3A_295 = tpu.memref_squeeze %dma_start3A_294 : memref<1x128xi32, #tpu.memory_space<vmem>> -> memref<128xi32, #tpu.memory_space<vmem>>
        %dma_start3A_296 = arith.constant 0 : i32
        %dma_start3A_297 = arith.constant 0 : i32
        %dma_start3A_298 = tpu.memref_slice %arg10[%dma_start3A_296, %dma_start3A_297] : memref<10008x16xf32, #tpu.memory_space<vmem_shared>> -> memref<10008x16xf32, #tpu.memory_space<vmem_shared>>
        tpu.enqueue_indirect_dma source(%dma_start3A_292 : memref<128x16xf32, #tpu.memory_space<vmem>>) target(%dma_start3A_298 : memref<10008x16xf32, #tpu.memory_space<vmem_shared>>) offsets(%dma_start3A_295 : memref<128xi32, #tpu.memory_space<vmem>>) semaphore(%arg13 : memref<!tpu.dma_semaphore, #tpu.memory_space<semaphore_mem>>) {add = true}
        %dma_wait3A_299 = arith.constant 6 : i32
        %dma_wait3A_300 = arith.constant 0 : i32
        %dma_wait3A_301 = arith.constant 0 : i32
        %dma_wait3A_302 = tpu.memref_slice %arg8[%dma_wait3A_299, %dma_wait3A_300, %dma_wait3A_301] : memref<8x128x16xf32, #tpu.memory_space<vmem>> -> memref<1x128x16xf32, #tpu.memory_space<vmem>>
        %dma_wait3A_303 = tpu.memref_squeeze %dma_wait3A_302 : memref<1x128x16xf32, #tpu.memory_space<vmem>> -> memref<128x16xf32, #tpu.memory_space<vmem>>
        %dma_wait3A_304 = arith.constant 0 : i32
        %dma_wait3A_305 = tpu.memref_slice %arg6[%add3A_131, %dma_wait3A_304] : memref<88x128xi32, #tpu.memory_space<vmem>> -> memref<1x128xi32, #tpu.memory_space<vmem>>
        %dma_wait3A_306 = tpu.memref_squeeze %dma_wait3A_305 : memref<1x128xi32, #tpu.memory_space<vmem>> -> memref<128xi32, #tpu.memory_space<vmem>>
        %dma_wait3A_307 = arith.constant 0 : i32
        %dma_wait3A_308 = arith.constant 0 : i32
        %dma_wait3A_309 = tpu.memref_slice %arg11[%dma_wait3A_307, %dma_wait3A_308] : memref<10000x16xf32, #tpu.memory_space<vmem_shared>> -> memref<10000x16xf32, #tpu.memory_space<vmem_shared>>
        tpu.wait_indirect_dma semaphore(%arg12 : memref<!tpu.dma_semaphore, #tpu.memory_space<semaphore_mem>>) src(%dma_wait3A_309 : memref<10000x16xf32, #tpu.memory_space<vmem_shared>>) dst(%dma_wait3A_303 : memref<128x16xf32, #tpu.memory_space<vmem>>)
        %add3A_310 = arith.constant 6 : i32
        %add3A_311 = arith.addi %mul3A_53, %add3A_310 : i32
        %dma_start3A_312 = arith.constant 6 : i32
        %dma_start3A_313 = arith.constant 0 : i32
        %dma_start3A_314 = arith.constant 0 : i32
        %dma_start3A_315 = tpu.memref_slice %arg8[%dma_start3A_312, %dma_start3A_313, %dma_start3A_314] : memref<8x128x16xf32, #tpu.memory_space<vmem>> -> memref<1x128x16xf32, #tpu.memory_space<vmem>>
        %dma_start3A_316 = tpu.memref_squeeze %dma_start3A_315 : memref<1x128x16xf32, #tpu.memory_space<vmem>> -> memref<128x16xf32, #tpu.memory_space<vmem>>
        %dma_start3A_317 = arith.constant 0 : i32
        %dma_start3A_318 = tpu.memref_slice %arg7[%add3A_311, %dma_start3A_317] : memref<88x128xi32, #tpu.memory_space<vmem>> -> memref<1x128xi32, #tpu.memory_space<vmem>>
        %dma_start3A_319 = tpu.memref_squeeze %dma_start3A_318 : memref<1x128xi32, #tpu.memory_space<vmem>> -> memref<128xi32, #tpu.memory_space<vmem>>
        %dma_start3A_320 = arith.constant 0 : i32
        %dma_start3A_321 = arith.constant 0 : i32
        %dma_start3A_322 = tpu.memref_slice %arg10[%dma_start3A_320, %dma_start3A_321] : memref<10008x16xf32, #tpu.memory_space<vmem_shared>> -> memref<10008x16xf32, #tpu.memory_space<vmem_shared>>
        tpu.enqueue_indirect_dma source(%dma_start3A_316 : memref<128x16xf32, #tpu.memory_space<vmem>>) target(%dma_start3A_322 : memref<10008x16xf32, #tpu.memory_space<vmem_shared>>) offsets(%dma_start3A_319 : memref<128xi32, #tpu.memory_space<vmem>>) semaphore(%arg13 : memref<!tpu.dma_semaphore, #tpu.memory_space<semaphore_mem>>) {add = true}
        %dma_wait3A_323 = arith.constant 7 : i32
        %dma_wait3A_324 = arith.constant 0 : i32
        %dma_wait3A_325 = arith.constant 0 : i32
        %dma_wait3A_326 = tpu.memref_slice %arg8[%dma_wait3A_323, %dma_wait3A_324, %dma_wait3A_325] : memref<8x128x16xf32, #tpu.memory_space<vmem>> -> memref<1x128x16xf32, #tpu.memory_space<vmem>>
        %dma_wait3A_327 = tpu.memref_squeeze %dma_wait3A_326 : memref<1x128x16xf32, #tpu.memory_space<vmem>> -> memref<128x16xf32, #tpu.memory_space<vmem>>
        %dma_wait3A_328 = arith.constant 0 : i32
        %dma_wait3A_329 = tpu.memref_slice %arg6[%add3A_144, %dma_wait3A_328] : memref<88x128xi32, #tpu.memory_space<vmem>> -> memref<1x128xi32, #tpu.memory_space<vmem>>
        %dma_wait3A_330 = tpu.memref_squeeze %dma_wait3A_329 : memref<1x128xi32, #tpu.memory_space<vmem>> -> memref<128xi32, #tpu.memory_space<vmem>>
        %dma_wait3A_331 = arith.constant 0 : i32
        %dma_wait3A_332 = arith.constant 0 : i32
        %dma_wait3A_333 = tpu.memref_slice %arg11[%dma_wait3A_331, %dma_wait3A_332] : memref<10000x16xf32, #tpu.memory_space<vmem_shared>> -> memref<10000x16xf32, #tpu.memory_space<vmem_shared>>
        tpu.wait_indirect_dma semaphore(%arg12 : memref<!tpu.dma_semaphore, #tpu.memory_space<semaphore_mem>>) src(%dma_wait3A_333 : memref<10000x16xf32, #tpu.memory_space<vmem_shared>>) dst(%dma_wait3A_327 : memref<128x16xf32, #tpu.memory_space<vmem>>)
        %add3A_334 = arith.constant 7 : i32
        %add3A_335 = arith.addi %mul3A_53, %add3A_334 : i32
        %dma_start3A_336 = arith.constant 7 : i32
        %dma_start3A_337 = arith.constant 0 : i32
        %dma_start3A_338 = arith.constant 0 : i32
        %dma_start3A_339 = tpu.memref_slice %arg8[%dma_start3A_336, %dma_start3A_337, %dma_start3A_338] : memref<8x128x16xf32, #tpu.memory_space<vmem>> -> memref<1x128x16xf32, #tpu.memory_space<vmem>>
        %dma_start3A_340 = tpu.memref_squeeze %dma_start3A_339 : memref<1x128x16xf32, #tpu.memory_space<vmem>> -> memref<128x16xf32, #tpu.memory_space<vmem>>
        %dma_start3A_341 = arith.constant 0 : i32
        %dma_start3A_342 = tpu.memref_slice %arg7[%add3A_335, %dma_start3A_341] : memref<88x128xi32, #tpu.memory_space<vmem>> -> memref<1x128xi32, #tpu.memory_space<vmem>>
        %dma_start3A_343 = tpu.memref_squeeze %dma_start3A_342 : memref<1x128xi32, #tpu.memory_space<vmem>> -> memref<128xi32, #tpu.memory_space<vmem>>
        %dma_start3A_344 = arith.constant 0 : i32
        %dma_start3A_345 = arith.constant 0 : i32
        %dma_start3A_346 = tpu.memref_slice %arg10[%dma_start3A_344, %dma_start3A_345] : memref<10008x16xf32, #tpu.memory_space<vmem_shared>> -> memref<10008x16xf32, #tpu.memory_space<vmem_shared>>
        tpu.enqueue_indirect_dma source(%dma_start3A_340 : memref<128x16xf32, #tpu.memory_space<vmem>>) target(%dma_start3A_346 : memref<10008x16xf32, #tpu.memory_space<vmem_shared>>) offsets(%dma_start3A_343 : memref<128xi32, #tpu.memory_space<vmem>>) semaphore(%arg13 : memref<!tpu.dma_semaphore, #tpu.memory_space<semaphore_mem>>) {add = true}
        %dma_wait3A_347 = arith.constant 0 : i32
        %dma_wait3A_348 = arith.constant 0 : i32
        %dma_wait3A_349 = arith.constant 0 : i32
        %dma_wait3A_350 = tpu.memref_slice %arg8[%dma_wait3A_347, %dma_wait3A_348, %dma_wait3A_349] : memref<8x128x16xf32, #tpu.memory_space<vmem>> -> memref<1x128x16xf32, #tpu.memory_space<vmem>>
        %dma_wait3A_351 = tpu.memref_squeeze %dma_wait3A_350 : memref<1x128x16xf32, #tpu.memory_space<vmem>> -> memref<128x16xf32, #tpu.memory_space<vmem>>
        %dma_wait3A_352 = arith.constant 0 : i32
        %dma_wait3A_353 = tpu.memref_slice %arg7[%add3A_167, %dma_wait3A_352] : memref<88x128xi32, #tpu.memory_space<vmem>> -> memref<1x128xi32, #tpu.memory_space<vmem>>
        %dma_wait3A_354 = tpu.memref_squeeze %dma_wait3A_353 : memref<1x128xi32, #tpu.memory_space<vmem>> -> memref<128xi32, #tpu.memory_space<vmem>>
        %dma_wait3A_355 = arith.constant 0 : i32
        %dma_wait3A_356 = arith.constant 0 : i32
        %dma_wait3A_357 = tpu.memref_slice %arg10[%dma_wait3A_355, %dma_wait3A_356] : memref<10008x16xf32, #tpu.memory_space<vmem_shared>> -> memref<10008x16xf32, #tpu.memory_space<vmem_shared>>
        tpu.wait_indirect_dma semaphore(%arg13 : memref<!tpu.dma_semaphore, #tpu.memory_space<semaphore_mem>>) src(%dma_wait3A_351 : memref<128x16xf32, #tpu.memory_space<vmem>>) dst(%dma_wait3A_357 : memref<10008x16xf32, #tpu.memory_space<vmem_shared>>)
        %dma_wait3A_358 = arith.constant 1 : i32
        %dma_wait3A_359 = arith.constant 0 : i32
        %dma_wait3A_360 = arith.constant 0 : i32
        %dma_wait3A_361 = tpu.memref_slice %arg8[%dma_wait3A_358, %dma_wait3A_359, %dma_wait3A_360] : memref<8x128x16xf32, #tpu.memory_space<vmem>> -> memref<1x128x16xf32, #tpu.memory_space<vmem>>
        %dma_wait3A_362 = tpu.memref_squeeze %dma_wait3A_361 : memref<1x128x16xf32, #tpu.memory_space<vmem>> -> memref<128x16xf32, #tpu.memory_space<vmem>>
        %dma_wait3A_363 = arith.constant 0 : i32
        %dma_wait3A_364 = tpu.memref_slice %arg7[%add3A_191, %dma_wait3A_363] : memref<88x128xi32, #tpu.memory_space<vmem>> -> memref<1x128xi32, #tpu.memory_space<vmem>>
        %dma_wait3A_365 = tpu.memref_squeeze %dma_wait3A_364 : memref<1x128xi32, #tpu.memory_space<vmem>> -> memref<128xi32, #tpu.memory_space<vmem>>
        %dma_wait3A_366 = arith.constant 0 : i32
        %dma_wait3A_367 = arith.constant 0 : i32
        %dma_wait3A_368 = tpu.memref_slice %arg10[%dma_wait3A_366, %dma_wait3A_367] : memref<10008x16xf32, #tpu.memory_space<vmem_shared>> -> memref<10008x16xf32, #tpu.memory_space<vmem_shared>>
        tpu.wait_indirect_dma semaphore(%arg13 : memref<!tpu.dma_semaphore, #tpu.memory_space<semaphore_mem>>) src(%dma_wait3A_362 : memref<128x16xf32, #tpu.memory_space<vmem>>) dst(%dma_wait3A_368 : memref<10008x16xf32, #tpu.memory_space<vmem_shared>>)
        %dma_wait3A_369 = arith.constant 2 : i32
        %dma_wait3A_370 = arith.constant 0 : i32
        %dma_wait3A_371 = arith.constant 0 : i32
        %dma_wait3A_372 = tpu.memref_slice %arg8[%dma_wait3A_369, %dma_wait3A_370, %dma_wait3A_371] : memref<8x128x16xf32, #tpu.memory_space<vmem>> -> memref<1x128x16xf32, #tpu.memory_space<vmem>>
        %dma_wait3A_373 = tpu.memref_squeeze %dma_wait3A_372 : memref<1x128x16xf32, #tpu.memory_space<vmem>> -> memref<128x16xf32, #tpu.memory_space<vmem>>
        %dma_wait3A_374 = arith.constant 0 : i32
        %dma_wait3A_375 = tpu.memref_slice %arg7[%add3A_215, %dma_wait3A_374] : memref<88x128xi32, #tpu.memory_space<vmem>> -> memref<1x128xi32, #tpu.memory_space<vmem>>
        %dma_wait3A_376 = tpu.memref_squeeze %dma_wait3A_375 : memref<1x128xi32, #tpu.memory_space<vmem>> -> memref<128xi32, #tpu.memory_space<vmem>>
        %dma_wait3A_377 = arith.constant 0 : i32
        %dma_wait3A_378 = arith.constant 0 : i32
        %dma_wait3A_379 = tpu.memref_slice %arg10[%dma_wait3A_377, %dma_wait3A_378] : memref<10008x16xf32, #tpu.memory_space<vmem_shared>> -> memref<10008x16xf32, #tpu.memory_space<vmem_shared>>
        tpu.wait_indirect_dma semaphore(%arg13 : memref<!tpu.dma_semaphore, #tpu.memory_space<semaphore_mem>>) src(%dma_wait3A_373 : memref<128x16xf32, #tpu.memory_space<vmem>>) dst(%dma_wait3A_379 : memref<10008x16xf32, #tpu.memory_space<vmem_shared>>)
        %dma_wait3A_380 = arith.constant 3 : i32
        %dma_wait3A_381 = arith.constant 0 : i32
        %dma_wait3A_382 = arith.constant 0 : i32
        %dma_wait3A_383 = tpu.memref_slice %arg8[%dma_wait3A_380, %dma_wait3A_381, %dma_wait3A_382] : memref<8x128x16xf32, #tpu.memory_space<vmem>> -> memref<1x128x16xf32, #tpu.memory_space<vmem>>
        %dma_wait3A_384 = tpu.memref_squeeze %dma_wait3A_383 : memref<1x128x16xf32, #tpu.memory_space<vmem>> -> memref<128x16xf32, #tpu.memory_space<vmem>>
        %dma_wait3A_385 = arith.constant 0 : i32
        %dma_wait3A_386 = tpu.memref_slice %arg7[%add3A_239, %dma_wait3A_385] : memref<88x128xi32, #tpu.memory_space<vmem>> -> memref<1x128xi32, #tpu.memory_space<vmem>>
        %dma_wait3A_387 = tpu.memref_squeeze %dma_wait3A_386 : memref<1x128xi32, #tpu.memory_space<vmem>> -> memref<128xi32, #tpu.memory_space<vmem>>
        %dma_wait3A_388 = arith.constant 0 : i32
        %dma_wait3A_389 = arith.constant 0 : i32
        %dma_wait3A_390 = tpu.memref_slice %arg10[%dma_wait3A_388, %dma_wait3A_389] : memref<10008x16xf32, #tpu.memory_space<vmem_shared>> -> memref<10008x16xf32, #tpu.memory_space<vmem_shared>>
        tpu.wait_indirect_dma semaphore(%arg13 : memref<!tpu.dma_semaphore, #tpu.memory_space<semaphore_mem>>) src(%dma_wait3A_384 : memref<128x16xf32, #tpu.memory_space<vmem>>) dst(%dma_wait3A_390 : memref<10008x16xf32, #tpu.memory_space<vmem_shared>>)
        %dma_wait3A_391 = arith.constant 4 : i32
        %dma_wait3A_392 = arith.constant 0 : i32
        %dma_wait3A_393 = arith.constant 0 : i32
        %dma_wait3A_394 = tpu.memref_slice %arg8[%dma_wait3A_391, %dma_wait3A_392, %dma_wait3A_393] : memref<8x128x16xf32, #tpu.memory_space<vmem>> -> memref<1x128x16xf32, #tpu.memory_space<vmem>>
        %dma_wait3A_395 = tpu.memref_squeeze %dma_wait3A_394 : memref<1x128x16xf32, #tpu.memory_space<vmem>> -> memref<128x16xf32, #tpu.memory_space<vmem>>
        %dma_wait3A_396 = arith.constant 0 : i32
        %dma_wait3A_397 = tpu.memref_slice %arg7[%add3A_263, %dma_wait3A_396] : memref<88x128xi32, #tpu.memory_space<vmem>> -> memref<1x128xi32, #tpu.memory_space<vmem>>
        %dma_wait3A_398 = tpu.memref_squeeze %dma_wait3A_397 : memref<1x128xi32, #tpu.memory_space<vmem>> -> memref<128xi32, #tpu.memory_space<vmem>>
        %dma_wait3A_399 = arith.constant 0 : i32
        %dma_wait3A_400 = arith.constant 0 : i32
        %dma_wait3A_401 = tpu.memref_slice %arg10[%dma_wait3A_399, %dma_wait3A_400] : memref<10008x16xf32, #tpu.memory_space<vmem_shared>> -> memref<10008x16xf32, #tpu.memory_space<vmem_shared>>
        tpu.wait_indirect_dma semaphore(%arg13 : memref<!tpu.dma_semaphore, #tpu.memory_space<semaphore_mem>>) src(%dma_wait3A_395 : memref<128x16xf32, #tpu.memory_space<vmem>>) dst(%dma_wait3A_401 : memref<10008x16xf32, #tpu.memory_space<vmem_shared>>)
        %dma_wait3A_402 = arith.constant 5 : i32
        %dma_wait3A_403 = arith.constant 0 : i32
        %dma_wait3A_404 = arith.constant 0 : i32
        %dma_wait3A_405 = tpu.memref_slice %arg8[%dma_wait3A_402, %dma_wait3A_403, %dma_wait3A_404] : memref<8x128x16xf32, #tpu.memory_space<vmem>> -> memref<1x128x16xf32, #tpu.memory_space<vmem>>
        %dma_wait3A_406 = tpu.memref_squeeze %dma_wait3A_405 : memref<1x128x16xf32, #tpu.memory_space<vmem>> -> memref<128x16xf32, #tpu.memory_space<vmem>>
        %dma_wait3A_407 = arith.constant 0 : i32
        %dma_wait3A_408 = tpu.memref_slice %arg7[%add3A_287, %dma_wait3A_407] : memref<88x128xi32, #tpu.memory_space<vmem>> -> memref<1x128xi32, #tpu.memory_space<vmem>>
        %dma_wait3A_409 = tpu.memref_squeeze %dma_wait3A_408 : memref<1x128xi32, #tpu.memory_space<vmem>> -> memref<128xi32, #tpu.memory_space<vmem>>
        %dma_wait3A_410 = arith.constant 0 : i32
        %dma_wait3A_411 = arith.constant 0 : i32
        %dma_wait3A_412 = tpu.memref_slice %arg10[%dma_wait3A_410, %dma_wait3A_411] : memref<10008x16xf32, #tpu.memory_space<vmem_shared>> -> memref<10008x16xf32, #tpu.memory_space<vmem_shared>>
        tpu.wait_indirect_dma semaphore(%arg13 : memref<!tpu.dma_semaphore, #tpu.memory_space<semaphore_mem>>) src(%dma_wait3A_406 : memref<128x16xf32, #tpu.memory_space<vmem>>) dst(%dma_wait3A_412 : memref<10008x16xf32, #tpu.memory_space<vmem_shared>>)
        %dma_wait3A_413 = arith.constant 6 : i32
        %dma_wait3A_414 = arith.constant 0 : i32
        %dma_wait3A_415 = arith.constant 0 : i32
        %dma_wait3A_416 = tpu.memref_slice %arg8[%dma_wait3A_413, %dma_wait3A_414, %dma_wait3A_415] : memref<8x128x16xf32, #tpu.memory_space<vmem>> -> memref<1x128x16xf32, #tpu.memory_space<vmem>>
        %dma_wait3A_417 = tpu.memref_squeeze %dma_wait3A_416 : memref<1x128x16xf32, #tpu.memory_space<vmem>> -> memref<128x16xf32, #tpu.memory_space<vmem>>
        %dma_wait3A_418 = arith.constant 0 : i32
        %dma_wait3A_419 = tpu.memref_slice %arg7[%add3A_311, %dma_wait3A_418] : memref<88x128xi32, #tpu.memory_space<vmem>> -> memref<1x128xi32, #tpu.memory_space<vmem>>
        %dma_wait3A_420 = tpu.memref_squeeze %dma_wait3A_419 : memref<1x128xi32, #tpu.memory_space<vmem>> -> memref<128xi32, #tpu.memory_space<vmem>>
        %dma_wait3A_421 = arith.constant 0 : i32
        %dma_wait3A_422 = arith.constant 0 : i32
        %dma_wait3A_423 = tpu.memref_slice %arg10[%dma_wait3A_421, %dma_wait3A_422] : memref<10008x16xf32, #tpu.memory_space<vmem_shared>> -> memref<10008x16xf32, #tpu.memory_space<vmem_shared>>
        tpu.wait_indirect_dma semaphore(%arg13 : memref<!tpu.dma_semaphore, #tpu.memory_space<semaphore_mem>>) src(%dma_wait3A_417 : memref<128x16xf32, #tpu.memory_space<vmem>>) dst(%dma_wait3A_423 : memref<10008x16xf32, #tpu.memory_space<vmem_shared>>)
        %dma_wait3A_424 = arith.constant 7 : i32
        %dma_wait3A_425 = arith.constant 0 : i32
        %dma_wait3A_426 = arith.constant 0 : i32
        %dma_wait3A_427 = tpu.memref_slice %arg8[%dma_wait3A_424, %dma_wait3A_425, %dma_wait3A_426] : memref<8x128x16xf32, #tpu.memory_space<vmem>> -> memref<1x128x16xf32, #tpu.memory_space<vmem>>
        %dma_wait3A_428 = tpu.memref_squeeze %dma_wait3A_427 : memref<1x128x16xf32, #tpu.memory_space<vmem>> -> memref<128x16xf32, #tpu.memory_space<vmem>>
        %dma_wait3A_429 = arith.constant 0 : i32
        %dma_wait3A_430 = tpu.memref_slice %arg7[%add3A_335, %dma_wait3A_429] : memref<88x128xi32, #tpu.memory_space<vmem>> -> memref<1x128xi32, #tpu.memory_space<vmem>>
        %dma_wait3A_431 = tpu.memref_squeeze %dma_wait3A_430 : memref<1x128xi32, #tpu.memory_space<vmem>> -> memref<128xi32, #tpu.memory_space<vmem>>
        %dma_wait3A_432 = arith.constant 0 : i32
        %dma_wait3A_433 = arith.constant 0 : i32
        %dma_wait3A_434 = tpu.memref_slice %arg10[%dma_wait3A_432, %dma_wait3A_433] : memref<10008x16xf32, #tpu.memory_space<vmem_shared>> -> memref<10008x16xf32, #tpu.memory_space<vmem_shared>>
        tpu.wait_indirect_dma semaphore(%arg13 : memref<!tpu.dma_semaphore, #tpu.memory_space<semaphore_mem>>) src(%dma_wait3A_428 : memref<128x16xf32, #tpu.memory_space<vmem>>) dst(%dma_wait3A_434 : memref<10008x16xf32, #tpu.memory_space<vmem_shared>>)
      } else {
      }
    }
    %scan3A_36 = arith.constant 11 : i32
    %barrier3A_37 = arith.constant 0 : index
    tpu.barrier barrier_id(%barrier3A_37)
    %lt3A_38 = arith.constant 15 : i32
    %lt3A_39 = arith.cmpi slt, %arg1, %lt3A_38 : i32
    %convert_element_type3A_40 = arith.extui %lt3A_39 : i1 to i32
    %cond3A_41 = arith.constant 0 : i32
    %cond3A_42 = arith.cmpi ne, %convert_element_type3A_40, %cond3A_41 : i32
    scf.if %cond3A_42 {
      %mul3A = arith.constant 632 : i32
      %mul3A_48 = arith.muli %arg1, %mul3A : i32
      %mul3A_49 = arith.constant 632 : i32
      %mul3A_50 = arith.muli %arg1, %mul3A_49 : i32
      "tpu.region"() ({
        %run_scoped3A = tpu.sem_alloc : memref<!tpu.dma_semaphore, #tpu.memory_space<semaphore_mem>>
        %dma_start3A = arith.constant 0 : i32
        %dma_start3A_51 = tpu.memref_slice %arg5[%arg0, %mul3A_50, %dma_start3A] : memref<2x10000x16xf32, #tpu.memory_space<hbm>> -> memref<1x632x16xf32, #tpu.memory_space<hbm>>
        %dma_start3A_52 = tpu.memref_squeeze %dma_start3A_51 : memref<1x632x16xf32, #tpu.memory_space<hbm>> -> memref<632x16xf32, #tpu.memory_space<hbm>>
        %dma_start3A_53 = arith.constant 0 : i32
        %dma_start3A_54 = tpu.memref_slice %arg10[%mul3A_48, %dma_start3A_53] : memref<10008x16xf32, #tpu.memory_space<vmem_shared>> -> memref<632x16xf32, #tpu.memory_space<vmem_shared>>
        tpu.enqueue_dma source(%dma_start3A_54 : memref<632x16xf32, #tpu.memory_space<vmem_shared>>) target(%dma_start3A_52 : memref<632x16xf32, #tpu.memory_space<hbm>>) target_semaphore(%run_scoped3A : memref<!tpu.dma_semaphore, #tpu.memory_space<semaphore_mem>>)
        %dma_wait3A = arith.constant 0 : i32
        %dma_wait3A_55 = tpu.memref_slice %arg5[%arg0, %mul3A_50, %dma_wait3A] : memref<2x10000x16xf32, #tpu.memory_space<hbm>> -> memref<1x632x16xf32, #tpu.memory_space<hbm>>
        %dma_wait3A_56 = tpu.memref_squeeze %dma_wait3A_55 : memref<1x632x16xf32, #tpu.memory_space<hbm>> -> memref<632x16xf32, #tpu.memory_space<hbm>>
        %dma_wait3A_57 = arith.constant 0 : i32
        %dma_wait3A_58 = tpu.memref_slice %arg10[%mul3A_48, %dma_wait3A_57] : memref<10008x16xf32, #tpu.memory_space<vmem_shared>> -> memref<632x16xf32, #tpu.memory_space<vmem_shared>>
        tpu.wait_dma2 semaphore(%run_scoped3A : memref<!tpu.dma_semaphore, #tpu.memory_space<semaphore_mem>>) src(%dma_wait3A_58 : memref<632x16xf32, #tpu.memory_space<vmem_shared>>) dst(%dma_wait3A_56 : memref<632x16xf32, #tpu.memory_space<hbm>>)
        tpu.yield
      }) : () -> ()
    } else {
    }
    %eq3A_43 = arith.constant 15 : i32
    %eq3A_44 = arith.cmpi eq, %arg1, %eq3A_43 : i32
    %convert_element_type3A_45 = arith.extui %eq3A_44 : i1 to i32
    %cond3A_46 = arith.constant 0 : i32
    %cond3A_47 = arith.cmpi ne, %convert_element_type3A_45, %cond3A_46 : i32
    scf.if %cond3A_47 {
      "tpu.region"() ({
        %run_scoped3A = tpu.sem_alloc : memref<!tpu.dma_semaphore, #tpu.memory_space<semaphore_mem>>
        %dma_start3A = arith.constant 9480 : i32
        %dma_start3A_48 = arith.constant 0 : i32
        %dma_start3A_49 = tpu.memref_slice %arg5[%arg0, %dma_start3A, %dma_start3A_48] : memref<2x10000x16xf32, #tpu.memory_space<hbm>> -> memref<1x520x16xf32, #tpu.memory_space<hbm>>
        %dma_start3A_50 = tpu.memref_squeeze %dma_start3A_49 : memref<1x520x16xf32, #tpu.memory_space<hbm>> -> memref<520x16xf32, #tpu.memory_space<hbm>>
        %dma_start3A_51 = arith.constant 9480 : i32
        %dma_start3A_52 = arith.constant 0 : i32
        %dma_start3A_53 = tpu.memref_slice %arg10[%dma_start3A_51, %dma_start3A_52] : memref<10008x16xf32, #tpu.memory_space<vmem_shared>> -> memref<520x16xf32, #tpu.memory_space<vmem_shared>>
        tpu.enqueue_dma source(%dma_start3A_53 : memref<520x16xf32, #tpu.memory_space<vmem_shared>>) target(%dma_start3A_50 : memref<520x16xf32, #tpu.memory_space<hbm>>) target_semaphore(%run_scoped3A : memref<!tpu.dma_semaphore, #tpu.memory_space<semaphore_mem>>)
        %dma_wait3A = arith.constant 9480 : i32
        %dma_wait3A_54 = arith.constant 0 : i32
        %dma_wait3A_55 = tpu.memref_slice %arg5[%arg0, %dma_wait3A, %dma_wait3A_54] : memref<2x10000x16xf32, #tpu.memory_space<hbm>> -> memref<1x520x16xf32, #tpu.memory_space<hbm>>
        %dma_wait3A_56 = tpu.memref_squeeze %dma_wait3A_55 : memref<1x520x16xf32, #tpu.memory_space<hbm>> -> memref<520x16xf32, #tpu.memory_space<hbm>>
        %dma_wait3A_57 = arith.constant 9480 : i32
        %dma_wait3A_58 = arith.constant 0 : i32
        %dma_wait3A_59 = tpu.memref_slice %arg10[%dma_wait3A_57, %dma_wait3A_58] : memref<10008x16xf32, #tpu.memory_space<vmem_shared>> -> memref<520x16xf32, #tpu.memory_space<vmem_shared>>
        tpu.wait_dma2 semaphore(%run_scoped3A : memref<!tpu.dma_semaphore, #tpu.memory_space<semaphore_mem>>) src(%dma_wait3A_59 : memref<520x16xf32, #tpu.memory_space<vmem_shared>>) dst(%dma_wait3A_56 : memref<520x16xf32, #tpu.memory_space<hbm>>)
        tpu.yield
      }) : () -> ()
    } else {
    }
    return
  }
}

#map = affine_map<(d0, d1) -> (0, 0)>
#map1 = affine_map<(d0, d1) -> (0, 0, 0)>
module attributes {stable_mosaic.version = 14 : i64} {
  func.func @_segsum(%arg0: i32, %arg1: i32, %arg2: memref<2560x128xi32, #tpu.memory_space<hbm>>, %arg3: memref<2560x128xi32, #tpu.memory_space<hbm>>, %arg4: memref<10000x16xf32, #tpu.memory_space<hbm>>, %arg5: memref<2x10000x16xf32, #tpu.memory_space<hbm>>, %arg6: memref<88x128xi32, #tpu.memory_space<vmem>>, %arg7: memref<88x128xi32, #tpu.memory_space<vmem>>, %arg8: memref<8x128x16xf32, #tpu.memory_space<vmem>>, %arg9: memref<632x16xf32, #tpu.memory_space<vmem>>, %arg10: memref<10008x16xf32, #tpu.memory_space<vmem_shared>>, %arg11: memref<10000x16xf32, #tpu.memory_space<vmem_shared>>, %arg12: memref<!tpu.dma_semaphore, #tpu.memory_space<semaphore_mem>>, %arg13: memref<!tpu.dma_semaphore, #tpu.memory_space<semaphore_mem>>) attributes {dimension_semantics = [#tpu.dimension_semantics<core_parallel>, #tpu.dimension_semantics<subcore_parallel>], iteration_bounds = array<i64: 2, 16>, scalar_prefetch = 0 : i64, scratch_operands = 8 : i64, tpu.core_type = #tpu.core_type<sc_vector_subcore>, window_params = [{transform_indices = #map}, {transform_indices = #map}, {transform_indices = #map}, {transform_indices = #map1}]} {
    %scan3A = arith.constant 0 : i32
    %scan3A_0 = arith.constant 0 : i32
    %scan3A_1 = arith.constant 632 : i32
    %scan3A_2 = arith.addi %scan3A_0, %scan3A_1 : i32
    %scan3A_3 = arith.constant 1 : i32
    scf.for %scan3A_48 = %scan3A_0 to %scan3A_2 step %scan3A_3  : i32 {
      %broadcast_in_dim3A = arith.constant 0.000000e+00 : f32
      %broadcast_in_dim3A_49 = vector.broadcast %broadcast_in_dim3A : f32 to vector<16xf32>
      %swap3A = arith.index_cast %scan3A_48 : i32 to index
      %swap3A_50 = arith.constant 0 : index
      %swap3A_51 = tpu.vector_load %arg9[%swap3A, %swap3A_50] {strides = array<i32>} : memref<632x16xf32, #tpu.memory_space<vmem>>, vector<1x16xf32>,
      %swap3A_52 = vector.shape_cast %swap3A_51 : vector<1x16xf32> to vector<16xf32>
      %swap3A_53 = vector.shape_cast %broadcast_in_dim3A_49 : vector<16xf32> to vector<1x16xf32>
      tpu.vector_store %arg9[%swap3A, %swap3A_50], %swap3A_53 {strides = array<i32>} : memref<632x16xf32, #tpu.memory_space<vmem>>, vector<1x16xf32>,
    }
    %scan3A_4 = arith.constant 632 : i32
    %lt3A = arith.constant 15 : i32
    %lt3A_5 = arith.cmpi slt, %arg1, %lt3A : i32
    %convert_element_type3A = arith.extui %lt3A_5 : i1 to i32
    %cond3A = arith.constant 0 : i32
    %cond3A_6 = arith.cmpi ne, %convert_element_type3A, %cond3A : i32
    scf.if %cond3A_6 {
      %mul3A = arith.constant 632 : i32
      %mul3A_48 = arith.muli %arg1, %mul3A : i32
      "tpu.region"() ({
        %run_scoped3A = tpu.sem_alloc : memref<!tpu.dma_semaphore, #tpu.memory_space<semaphore_mem>>
        %dma_start3A = arith.constant 0 : i32
        %dma_start3A_49 = tpu.memref_slice %arg10[%mul3A_48, %dma_start3A] : memref<10008x16xf32, #tpu.memory_space<vmem_shared>> -> memref<632x16xf32, #tpu.memory_space<vmem_shared>>
        %dma_start3A_50 = arith.constant 0 : i32
        %dma_start3A_51 = tpu.memref_slice %arg10[%mul3A_48, %dma_start3A_50] : memref<10008x16xf32, #tpu.memory_space<vmem_shared>> -> memref<632x16xf32, #tpu.memory_space<vmem_shared>>
        tpu.enqueue_dma source(%arg9 : memref<632x16xf32, #tpu.memory_space<vmem>>) target(%dma_start3A_51 : memref<632x16xf32, #tpu.memory_space<vmem_shared>>) target_semaphore(%run_scoped3A : memref<!tpu.dma_semaphore, #tpu.memory_space<semaphore_mem>>)
        %dma_wait3A = arith.constant 0 : i32
        %dma_wait3A_52 = tpu.memref_slice %arg10[%mul3A_48, %dma_wait3A] : memref<10008x16xf32, #tpu.memory_space<vmem_shared>> -> memref<632x16xf32, #tpu.memory_space<vmem_shared>>
        %dma_wait3A_53 = arith.constant 0 : i32
        %dma_wait3A_54 = tpu.memref_slice %arg10[%mul3A_48, %dma_wait3A_53] : memref<10008x16xf32, #tpu.memory_space<vmem_shared>> -> memref<632x16xf32, #tpu.memory_space<vmem_shared>>
        tpu.wait_dma2 semaphore(%run_scoped3A : memref<!tpu.dma_semaphore, #tpu.memory_space<semaphore_mem>>) src(%arg9 : memref<632x16xf32, #tpu.memory_space<vmem>>) dst(%dma_wait3A_54 : memref<632x16xf32, #tpu.memory_space<vmem_shared>>)
        tpu.yield
      }) : () -> ()
    } else {
    }
    %eq3A = arith.constant 15 : i32
    %eq3A_7 = arith.cmpi eq, %arg1, %eq3A : i32
    %convert_element_type3A_8 = arith.extui %eq3A_7 : i1 to i32
    %cond3A_9 = arith.constant 0 : i32
    %cond3A_10 = arith.cmpi ne, %convert_element_type3A_8, %cond3A_9 : i32
    scf.if %cond3A_10 {
      "tpu.region"() ({
        %run_scoped3A = tpu.sem_alloc : memref<!tpu.dma_semaphore, #tpu.memory_space<semaphore_mem>>
        %dma_start3A = arith.constant 0 : i32
        %dma_start3A_48 = arith.constant 0 : i32
        %dma_start3A_49 = tpu.memref_slice %arg9[%dma_start3A, %dma_start3A_48] : memref<632x16xf32, #tpu.memory_space<vmem>> -> memref<528x16xf32, #tpu.memory_space<vmem>>
        %dma_start3A_50 = arith.constant 9480 : i32
        %dma_start3A_51 = arith.constant 0 : i32
        %dma_start3A_52 = tpu.memref_slice %arg10[%dma_start3A_50, %dma_start3A_51] : memref<10008x16xf32, #tpu.memory_space<vmem_shared>> -> memref<528x16xf32, #tpu.memory_space<vmem_shared>>
        %dma_start3A_53 = arith.constant 9480 : i32
        %dma_start3A_54 = arith.constant 0 : i32
        %dma_start3A_55 = tpu.memref_slice %arg10[%dma_start3A_53, %dma_start3A_54] : memref<10008x16xf32, #tpu.memory_space<vmem_shared>> -> memref<528x16xf32, #tpu.memory_space<vmem_shared>>
        %dma_start3A_56 = arith.constant 0 : i32
        %dma_start3A_57 = arith.constant 0 : i32
        %dma_start3A_58 = tpu.memref_slice %arg9[%dma_start3A_56, %dma_start3A_57] : memref<632x16xf32, #tpu.memory_space<vmem>> -> memref<528x16xf32, #tpu.memory_space<vmem>>
        tpu.enqueue_dma source(%dma_start3A_58 : memref<528x16xf32, #tpu.memory_space<vmem>>) target(%dma_start3A_55 : memref<528x16xf32, #tpu.memory_space<vmem_shared>>) target_semaphore(%run_scoped3A : memref<!tpu.dma_semaphore, #tpu.memory_space<semaphore_mem>>)
        %dma_wait3A = arith.constant 0 : i32
        %dma_wait3A_59 = arith.constant 0 : i32
        %dma_wait3A_60 = tpu.memref_slice %arg9[%dma_wait3A, %dma_wait3A_59] : memref<632x16xf32, #tpu.memory_space<vmem>> -> memref<528x16xf32, #tpu.memory_space<vmem>>
        %dma_wait3A_61 = arith.constant 9480 : i32
        %dma_wait3A_62 = arith.constant 0 : i32
        %dma_wait3A_63 = tpu.memref_slice %arg10[%dma_wait3A_61, %dma_wait3A_62] : memref<10008x16xf32, #tpu.memory_space<vmem_shared>> -> memref<528x16xf32, #tpu.memory_space<vmem_shared>>
        %dma_wait3A_64 = arith.constant 9480 : i32
        %dma_wait3A_65 = arith.constant 0 : i32
        %dma_wait3A_66 = tpu.memref_slice %arg10[%dma_wait3A_64, %dma_wait3A_65] : memref<10008x16xf32, #tpu.memory_space<vmem_shared>> -> memref<528x16xf32, #tpu.memory_space<vmem_shared>>
        %dma_wait3A_67 = arith.constant 0 : i32
        %dma_wait3A_68 = arith.constant 0 : i32
        %dma_wait3A_69 = tpu.memref_slice %arg9[%dma_wait3A_67, %dma_wait3A_68] : memref<632x16xf32, #tpu.memory_space<vmem>> -> memref<528x16xf32, #tpu.memory_space<vmem>>
        tpu.wait_dma2 semaphore(%run_scoped3A : memref<!tpu.dma_semaphore, #tpu.memory_space<semaphore_mem>>) src(%dma_wait3A_69 : memref<528x16xf32, #tpu.memory_space<vmem>>) dst(%dma_wait3A_66 : memref<528x16xf32, #tpu.memory_space<vmem_shared>>)
        tpu.yield
      }) : () -> ()
    } else {
    }
    %lt3A_11 = arith.constant 15 : i32
    %lt3A_12 = arith.cmpi slt, %arg1, %lt3A_11 : i32
    %convert_element_type3A_13 = arith.extui %lt3A_12 : i1 to i32
    %cond3A_14 = arith.constant 0 : i32
    %cond3A_15 = arith.cmpi ne, %convert_element_type3A_13, %cond3A_14 : i32
    scf.if %cond3A_15 {
      %mul3A = arith.constant 632 : i32
      %mul3A_48 = arith.muli %arg1, %mul3A : i32
      %mul3A_49 = arith.constant 632 : i32
      %mul3A_50 = arith.muli %arg1, %mul3A_49 : i32
      "tpu.region"() ({
        %run_scoped3A = tpu.sem_alloc : memref<!tpu.dma_semaphore, #tpu.memory_space<semaphore_mem>>
        %dma_start3A = arith.constant 0 : i32
        %dma_start3A_51 = tpu.memref_slice %arg11[%mul3A_50, %dma_start3A] : memref<10000x16xf32, #tpu.memory_space<vmem_shared>> -> memref<632x16xf32, #tpu.memory_space<vmem_shared>>
        %dma_start3A_52 = arith.constant 0 : i32
        %dma_start3A_53 = tpu.memref_slice %arg4[%mul3A_48, %dma_start3A_52] : memref<10000x16xf32, #tpu.memory_space<hbm>> -> memref<632x16xf32, #tpu.memory_space<hbm>>
        tpu.enqueue_dma source(%dma_start3A_53 : memref<632x16xf32, #tpu.memory_space<hbm>>) target(%dma_start3A_51 : memref<632x16xf32, #tpu.memory_space<vmem_shared>>) target_semaphore(%run_scoped3A : memref<!tpu.dma_semaphore, #tpu.memory_space<semaphore_mem>>)
        %dma_wait3A = arith.constant 0 : i32
        %dma_wait3A_54 = tpu.memref_slice %arg11[%mul3A_50, %dma_wait3A] : memref<10000x16xf32, #tpu.memory_space<vmem_shared>> -> memref<632x16xf32, #tpu.memory_space<vmem_shared>>
        %dma_wait3A_55 = arith.constant 0 : i32
        %dma_wait3A_56 = tpu.memref_slice %arg4[%mul3A_48, %dma_wait3A_55] : memref<10000x16xf32, #tpu.memory_space<hbm>> -> memref<632x16xf32, #tpu.memory_space<hbm>>
        tpu.wait_dma2 semaphore(%run_scoped3A : memref<!tpu.dma_semaphore, #tpu.memory_space<semaphore_mem>>) src(%dma_wait3A_56 : memref<632x16xf32, #tpu.memory_space<hbm>>) dst(%dma_wait3A_54 : memref<632x16xf32, #tpu.memory_space<vmem_shared>>)
        tpu.yield
      }) : () -> ()
    } else {
    }
    %eq3A_16 = arith.constant 15 : i32
    %eq3A_17 = arith.cmpi eq, %arg1, %eq3A_16 : i32
    %convert_element_type3A_18 = arith.extui %eq3A_17 : i1 to i32
    %cond3A_19 = arith.constant 0 : i32
    %cond3A_20 = arith.cmpi ne, %convert_element_type3A_18, %cond3A_19 : i32
    scf.if %cond3A_20 {
      "tpu.region"() ({
        %run_scoped3A = tpu.sem_alloc : memref<!tpu.dma_semaphore, #tpu.memory_space<semaphore_mem>>
        %dma_start3A = arith.constant 9480 : i32
        %dma_start3A_48 = arith.constant 0 : i32
        %dma_start3A_49 = tpu.memref_slice %arg11[%dma_start3A, %dma_start3A_48] : memref<10000x16xf32, #tpu.memory_space<vmem_shared>> -> memref<520x16xf32, #tpu.memory_space<vmem_shared>>
        %dma_start3A_50 = arith.constant 9480 : i32
        %dma_start3A_51 = arith.constant 0 : i32
        %dma_start3A_52 = tpu.memref_slice %arg4[%dma_start3A_50, %dma_start3A_51] : memref<10000x16xf32, #tpu.memory_space<hbm>> -> memref<520x16xf32, #tpu.memory_space<hbm>>
        tpu.enqueue_dma source(%dma_start3A_52 : memref<520x16xf32, #tpu.memory_space<hbm>>) target(%dma_start3A_49 : memref<520x16xf32, #tpu.memory_space<vmem_shared>>) target_semaphore(%run_scoped3A : memref<!tpu.dma_semaphore, #tpu.memory_space<semaphore_mem>>)
        %dma_wait3A = arith.constant 9480 : i32
        %dma_wait3A_53 = arith.constant 0 : i32
        %dma_wait3A_54 = tpu.memref_slice %arg11[%dma_wait3A, %dma_wait3A_53] : memref<10000x16xf32, #tpu.memory_space<vmem_shared>> -> memref<520x16xf32, #tpu.memory_space<vmem_shared>>
        %dma_wait3A_55 = arith.constant 9480 : i32
        %dma_wait3A_56 = arith.constant 0 : i32
        %dma_wait3A_57 = tpu.memref_slice %arg4[%dma_wait3A_55, %dma_wait3A_56] : memref<10000x16xf32, #tpu.memory_space<hbm>> -> memref<520x16xf32, #tpu.memory_space<hbm>>
        tpu.wait_dma2 semaphore(%run_scoped3A : memref<!tpu.dma_semaphore, #tpu.memory_space<semaphore_mem>>) src(%dma_wait3A_57 : memref<520x16xf32, #tpu.memory_space<hbm>>) dst(%dma_wait3A_54 : memref<520x16xf32, #tpu.memory_space<vmem_shared>>)
        tpu.yield
      }) : () -> ()
    } else {
    }
    %eq3A_21 = arith.constant 0 : i32
    %eq3A_22 = arith.cmpi eq, %arg0, %eq3A_21 : i32
    %convert_element_type3A_23 = arith.extui %eq3A_22 : i1 to i32
    %cond3A_24 = arith.constant 0 : i32
    %cond3A_25 = arith.cmpi ne, %convert_element_type3A_23, %cond3A_24 : i32
    scf.if %cond3A_25 {
      %mul3A = arith.constant 88 : i32
      %mul3A_48 = arith.muli %arg1, %mul3A : i32
      "tpu.region"() ({
        %run_scoped3A = tpu.sem_alloc : memref<!tpu.dma_semaphore, #tpu.memory_space<semaphore_mem>>
        %dma_start3A = arith.constant 0 : i32
        %dma_start3A_51 = tpu.memref_slice %arg2[%mul3A_48, %dma_start3A] : memref<2560x128xi32, #tpu.memory_space<hbm>> -> memref<88x128xi32, #tpu.memory_space<hbm>>
        %dma_start3A_52 = arith.constant 0 : i32
        %dma_start3A_53 = tpu.memref_slice %arg2[%mul3A_48, %dma_start3A_52] : memref<2560x128xi32, #tpu.memory_space<hbm>> -> memref<88x128xi32, #tpu.memory_space<hbm>>
        tpu.enqueue_dma source(%dma_start3A_53 : memref<88x128xi32, #tpu.memory_space<hbm>>) target(%arg6 : memref<88x128xi32, #tpu.memory_space<vmem>>) target_semaphore(%run_scoped3A : memref<!tpu.dma_semaphore, #tpu.memory_space<semaphore_mem>>)
        %dma_wait3A = arith.constant 0 : i32
        %dma_wait3A_54 = tpu.memref_slice %arg2[%mul3A_48, %dma_wait3A] : memref<2560x128xi32, #tpu.memory_space<hbm>> -> memref<88x128xi32, #tpu.memory_space<hbm>>
        %dma_wait3A_55 = arith.constant 0 : i32
        %dma_wait3A_56 = tpu.memref_slice %arg2[%mul3A_48, %dma_wait3A_55] : memref<2560x128xi32, #tpu.memory_space<hbm>> -> memref<88x128xi32, #tpu.memory_space<hbm>>
        tpu.wait_dma2 semaphore(%run_scoped3A : memref<!tpu.dma_semaphore, #tpu.memory_space<semaphore_mem>>) src(%dma_wait3A_56 : memref<88x128xi32, #tpu.memory_space<hbm>>) dst(%arg6 : memref<88x128xi32, #tpu.memory_space<vmem>>)
        tpu.yield
      }) : () -> ()
      %mul3A_49 = arith.constant 88 : i32
      %mul3A_50 = arith.muli %arg1, %mul3A_49 : i32
      "tpu.region"() ({
        %run_scoped3A = tpu.sem_alloc : memref<!tpu.dma_semaphore, #tpu.memory_space<semaphore_mem>>
        %dma_start3A = arith.constant 0 : i32
        %dma_start3A_51 = tpu.memref_slice %arg3[%mul3A_50, %dma_start3A] : memref<2560x128xi32, #tpu.memory_space<hbm>> -> memref<88x128xi32, #tpu.memory_space<hbm>>
        %dma_start3A_52 = arith.constant 0 : i32
        %dma_start3A_53 = tpu.memref_slice %arg3[%mul3A_50, %dma_start3A_52] : memref<2560x128xi32, #tpu.memory_space<hbm>> -> memref<88x128xi32, #tpu.memory_space<hbm>>
        tpu.enqueue_dma source(%dma_start3A_53 : memref<88x128xi32, #tpu.memory_space<hbm>>) target(%arg7 : memref<88x128xi32, #tpu.memory_space<vmem>>) target_semaphore(%run_scoped3A : memref<!tpu.dma_semaphore, #tpu.memory_space<semaphore_mem>>)
        %dma_wait3A = arith.constant 0 : i32
        %dma_wait3A_54 = tpu.memref_slice %arg3[%mul3A_50, %dma_wait3A] : memref<2560x128xi32, #tpu.memory_space<hbm>> -> memref<88x128xi32, #tpu.memory_space<hbm>>
        %dma_wait3A_55 = arith.constant 0 : i32
        %dma_wait3A_56 = tpu.memref_slice %arg3[%mul3A_50, %dma_wait3A_55] : memref<2560x128xi32, #tpu.memory_space<hbm>> -> memref<88x128xi32, #tpu.memory_space<hbm>>
        tpu.wait_dma2 semaphore(%run_scoped3A : memref<!tpu.dma_semaphore, #tpu.memory_space<semaphore_mem>>) src(%dma_wait3A_56 : memref<88x128xi32, #tpu.memory_space<hbm>>) dst(%arg7 : memref<88x128xi32, #tpu.memory_space<vmem>>)
        tpu.yield
      }) : () -> ()
    } else {
    }
    %not3A = arith.constant true
    %not3A_26 = arith.xori %eq3A_22, %not3A : i1
    %convert_element_type3A_27 = arith.extui %not3A_26 : i1 to i32
    %cond3A_28 = arith.constant 0 : i32
    %cond3A_29 = arith.cmpi ne, %convert_element_type3A_27, %cond3A_28 : i32
    scf.if %cond3A_29 {
      %mul3A = arith.constant 72 : i32
      %mul3A_48 = arith.muli %arg1, %mul3A : i32
      %add3A = arith.constant 1408 : i32
      %add3A_49 = arith.addi %add3A, %mul3A_48 : i32
      "tpu.region"() ({
        %run_scoped3A = tpu.sem_alloc : memref<!tpu.dma_semaphore, #tpu.memory_space<semaphore_mem>>
        %dma_start3A = arith.constant 0 : i32
        %dma_start3A_54 = arith.constant 0 : i32
        %dma_start3A_55 = tpu.memref_slice %arg6[%dma_start3A, %dma_start3A_54] : memref<88x128xi32, #tpu.memory_space<vmem>> -> memref<72x128xi32, #tpu.memory_space<vmem>>
        %dma_start3A_56 = arith.constant 0 : i32
        %dma_start3A_57 = tpu.memref_slice %arg2[%add3A_49, %dma_start3A_56] : memref<2560x128xi32, #tpu.memory_space<hbm>> -> memref<72x128xi32, #tpu.memory_space<hbm>>
        %dma_start3A_58 = arith.constant 0 : i32
        %dma_start3A_59 = arith.constant 0 : i32
        %dma_start3A_60 = tpu.memref_slice %arg6[%dma_start3A_58, %dma_start3A_59] : memref<88x128xi32, #tpu.memory_space<vmem>> -> memref<72x128xi32, #tpu.memory_space<vmem>>
        %dma_start3A_61 = arith.constant 0 : i32
        %dma_start3A_62 = tpu.memref_slice %arg2[%add3A_49, %dma_start3A_61] : memref<2560x128xi32, #tpu.memory_space<hbm>> -> memref<72x128xi32, #tpu.memory_space<hbm>>
        tpu.enqueue_dma source(%dma_start3A_62 : memref<72x128xi32, #tpu.memory_space<hbm>>) target(%dma_start3A_60 : memref<72x128xi32, #tpu.memory_space<vmem>>) target_semaphore(%run_scoped3A : memref<!tpu.dma_semaphore, #tpu.memory_space<semaphore_mem>>)
        %dma_wait3A = arith.constant 0 : i32
        %dma_wait3A_63 = arith.constant 0 : i32
        %dma_wait3A_64 = tpu.memref_slice %arg6[%dma_wait3A, %dma_wait3A_63] : memref<88x128xi32, #tpu.memory_space<vmem>> -> memref<72x128xi32, #tpu.memory_space<vmem>>
        %dma_wait3A_65 = arith.constant 0 : i32
        %dma_wait3A_66 = tpu.memref_slice %arg2[%add3A_49, %dma_wait3A_65] : memref<2560x128xi32, #tpu.memory_space<hbm>> -> memref<72x128xi32, #tpu.memory_space<hbm>>
        %dma_wait3A_67 = arith.constant 0 : i32
        %dma_wait3A_68 = arith.constant 0 : i32
        %dma_wait3A_69 = tpu.memref_slice %arg6[%dma_wait3A_67, %dma_wait3A_68] : memref<88x128xi32, #tpu.memory_space<vmem>> -> memref<72x128xi32, #tpu.memory_space<vmem>>
        %dma_wait3A_70 = arith.constant 0 : i32
        %dma_wait3A_71 = tpu.memref_slice %arg2[%add3A_49, %dma_wait3A_70] : memref<2560x128xi32, #tpu.memory_space<hbm>> -> memref<72x128xi32, #tpu.memory_space<hbm>>
        tpu.wait_dma2 semaphore(%run_scoped3A : memref<!tpu.dma_semaphore, #tpu.memory_space<semaphore_mem>>) src(%dma_wait3A_71 : memref<72x128xi32, #tpu.memory_space<hbm>>) dst(%dma_wait3A_69 : memref<72x128xi32, #tpu.memory_space<vmem>>)
        tpu.yield
      }) : () -> ()
      %mul3A_50 = arith.constant 72 : i32
      %mul3A_51 = arith.muli %arg1, %mul3A_50 : i32
      %add3A_52 = arith.constant 1408 : i32
      %add3A_53 = arith.addi %add3A_52, %mul3A_51 : i32
      "tpu.region"() ({
        %run_scoped3A = tpu.sem_alloc : memref<!tpu.dma_semaphore, #tpu.memory_space<semaphore_mem>>
        %dma_start3A = arith.constant 0 : i32
        %dma_start3A_54 = arith.constant 0 : i32
        %dma_start3A_55 = tpu.memref_slice %arg7[%dma_start3A, %dma_start3A_54] : memref<88x128xi32, #tpu.memory_space<vmem>> -> memref<72x128xi32, #tpu.memory_space<vmem>>
        %dma_start3A_56 = arith.constant 0 : i32
        %dma_start3A_57 = tpu.memref_slice %arg3[%add3A_53, %dma_start3A_56] : memref<2560x128xi32, #tpu.memory_space<hbm>> -> memref<72x128xi32, #tpu.memory_space<hbm>>
        %dma_start3A_58 = arith.constant 0 : i32
        %dma_start3A_59 = arith.constant 0 : i32
        %dma_start3A_60 = tpu.memref_slice %arg7[%dma_start3A_58, %dma_start3A_59] : memref<88x128xi32, #tpu.memory_space<vmem>> -> memref<72x128xi32, #tpu.memory_space<vmem>>
        %dma_start3A_61 = arith.constant 0 : i32
        %dma_start3A_62 = tpu.memref_slice %arg3[%add3A_53, %dma_start3A_61] : memref<2560x128xi32, #tpu.memory_space<hbm>> -> memref<72x128xi32, #tpu.memory_space<hbm>>
        tpu.enqueue_dma source(%dma_start3A_62 : memref<72x128xi32, #tpu.memory_space<hbm>>) target(%dma_start3A_60 : memref<72x128xi32, #tpu.memory_space<vmem>>) target_semaphore(%run_scoped3A : memref<!tpu.dma_semaphore, #tpu.memory_space<semaphore_mem>>)
        %dma_wait3A = arith.constant 0 : i32
        %dma_wait3A_63 = arith.constant 0 : i32
        %dma_wait3A_64 = tpu.memref_slice %arg7[%dma_wait3A, %dma_wait3A_63] : memref<88x128xi32, #tpu.memory_space<vmem>> -> memref<72x128xi32, #tpu.memory_space<vmem>>
        %dma_wait3A_65 = arith.constant 0 : i32
        %dma_wait3A_66 = tpu.memref_slice %arg3[%add3A_53, %dma_wait3A_65] : memref<2560x128xi32, #tpu.memory_space<hbm>> -> memref<72x128xi32, #tpu.memory_space<hbm>>
        %dma_wait3A_67 = arith.constant 0 : i32
        %dma_wait3A_68 = arith.constant 0 : i32
        %dma_wait3A_69 = tpu.memref_slice %arg7[%dma_wait3A_67, %dma_wait3A_68] : memref<88x128xi32, #tpu.memory_space<vmem>> -> memref<72x128xi32, #tpu.memory_space<vmem>>
        %dma_wait3A_70 = arith.constant 0 : i32
        %dma_wait3A_71 = tpu.memref_slice %arg3[%add3A_53, %dma_wait3A_70] : memref<2560x128xi32, #tpu.memory_space<hbm>> -> memref<72x128xi32, #tpu.memory_space<hbm>>
        tpu.wait_dma2 semaphore(%run_scoped3A : memref<!tpu.dma_semaphore, #tpu.memory_space<semaphore_mem>>) src(%dma_wait3A_71 : memref<72x128xi32, #tpu.memory_space<hbm>>) dst(%dma_wait3A_69 : memref<72x128xi32, #tpu.memory_space<vmem>>)
        tpu.yield
      }) : () -> ()
    } else {
    }
    %barrier3A = arith.constant 0 : index
    tpu.barrier barrier_id(%barrier3A)
    %jit3A = arith.constant 11 : i32
    %jit3A_30 = arith.constant 9 : i32
    %select_n3A = arith.select %eq3A_22, %jit3A, %jit3A_30 : i32
    %scan3A_31 = arith.constant 0 : i32
    %scan3A_32 = arith.constant 0 : i32
    %scan3A_33 = arith.constant 11 : i32
    %scan3A_34 = arith.addi %scan3A_32, %scan3A_33 : i32
    %scan3A_35 = arith.constant 1 : i32
    scf.for %scan3A_48 = %scan3A_32 to %scan3A_34 step %scan3A_35  : i32 {
      %lt3A_49 = arith.cmpi slt, %scan3A_48, %select_n3A : i32
      %convert_element_type3A_50 = arith.extui %lt3A_49 : i1 to i32
      %cond3A_51 = arith.constant 0 : i32
      %cond3A_52 = arith.cmpi ne, %convert_element_type3A_50, %cond3A_51 : i32
      scf.if %cond3A_52 {
        %mul3A = arith.constant 8 : i32
        %mul3A_53 = arith.muli %scan3A_48, %mul3A : i32
        %add3A = arith.constant 0 : i32
        %add3A_54 = arith.addi %mul3A_53, %add3A : i32
        %dma_start3A = arith.constant 0 : i32
        %dma_start3A_55 = arith.constant 0 : i32
        %dma_start3A_56 = arith.constant 0 : i32
        %dma_start3A_57 = tpu.memref_slice %arg8[%dma_start3A, %dma_start3A_55, %dma_start3A_56] : memref<8x128x16xf32, #tpu.memory_space<vmem>> -> memref<1x128x16xf32, #tpu.memory_space<vmem>>
        %dma_start3A_58 = tpu.memref_squeeze %dma_start3A_57 : memref<1x128x16xf32, #tpu.memory_space<vmem>> -> memref<128x16xf32, #tpu.memory_space<vmem>>
        %dma_start3A_59 = arith.constant 0 : i32
        %dma_start3A_60 = tpu.memref_slice %arg6[%add3A_54, %dma_start3A_59] : memref<88x128xi32, #tpu.memory_space<vmem>> -> memref<1x128xi32, #tpu.memory_space<vmem>>
        %dma_start3A_61 = tpu.memref_squeeze %dma_start3A_60 : memref<1x128xi32, #tpu.memory_space<vmem>> -> memref<128xi32, #tpu.memory_space<vmem>>
        %dma_start3A_62 = arith.constant 0 : i32
        %dma_start3A_63 = arith.constant 0 : i32
        %dma_start3A_64 = tpu.memref_slice %arg11[%dma_start3A_62, %dma_start3A_63] : memref<10000x16xf32, #tpu.memory_space<vmem_shared>> -> memref<10000x16xf32, #tpu.memory_space<vmem_shared>>
        tpu.enqueue_indirect_dma source(%dma_start3A_64 : memref<10000x16xf32, #tpu.memory_space<vmem_shared>>) target(%dma_start3A_58 : memref<128x16xf32, #tpu.memory_space<vmem>>) offsets(%dma_start3A_61 : memref<128xi32, #tpu.memory_space<vmem>>) semaphore(%arg12 : memref<!tpu.dma_semaphore, #tpu.memory_space<semaphore_mem>>)
        %add3A_65 = arith.constant 1 : i32
        %add3A_66 = arith.addi %mul3A_53, %add3A_65 : i32
        %dma_start3A_67 = arith.constant 1 : i32
        %dma_start3A_68 = arith.constant 0 : i32
        %dma_start3A_69 = arith.constant 0 : i32
        %dma_start3A_70 = tpu.memref_slice %arg8[%dma_start3A_67, %dma_start3A_68, %dma_start3A_69] : memref<8x128x16xf32, #tpu.memory_space<vmem>> -> memref<1x128x16xf32, #tpu.memory_space<vmem>>
        %dma_start3A_71 = tpu.memref_squeeze %dma_start3A_70 : memref<1x128x16xf32, #tpu.memory_space<vmem>> -> memref<128x16xf32, #tpu.memory_space<vmem>>
        %dma_start3A_72 = arith.constant 0 : i32
        %dma_start3A_73 = tpu.memref_slice %arg6[%add3A_66, %dma_start3A_72] : memref<88x128xi32, #tpu.memory_space<vmem>> -> memref<1x128xi32, #tpu.memory_space<vmem>>
        %dma_start3A_74 = tpu.memref_squeeze %dma_start3A_73 : memref<1x128xi32, #tpu.memory_space<vmem>> -> memref<128xi32, #tpu.memory_space<vmem>>
        %dma_start3A_75 = arith.constant 0 : i32
        %dma_start3A_76 = arith.constant 0 : i32
        %dma_start3A_77 = tpu.memref_slice %arg11[%dma_start3A_75, %dma_start3A_76] : memref<10000x16xf32, #tpu.memory_space<vmem_shared>> -> memref<10000x16xf32, #tpu.memory_space<vmem_shared>>
        tpu.enqueue_indirect_dma source(%dma_start3A_77 : memref<10000x16xf32, #tpu.memory_space<vmem_shared>>) target(%dma_start3A_71 : memref<128x16xf32, #tpu.memory_space<vmem>>) offsets(%dma_start3A_74 : memref<128xi32, #tpu.memory_space<vmem>>) semaphore(%arg12 : memref<!tpu.dma_semaphore, #tpu.memory_space<semaphore_mem>>)
        %add3A_78 = arith.constant 2 : i32
        %add3A_79 = arith.addi %mul3A_53, %add3A_78 : i32
        %dma_start3A_80 = arith.constant 2 : i32
        %dma_start3A_81 = arith.constant 0 : i32
        %dma_start3A_82 = arith.constant 0 : i32
        %dma_start3A_83 = tpu.memref_slice %arg8[%dma_start3A_80, %dma_start3A_81, %dma_start3A_82] : memref<8x128x16xf32, #tpu.memory_space<vmem>> -> memref<1x128x16xf32, #tpu.memory_space<vmem>>
        %dma_start3A_84 = tpu.memref_squeeze %dma_start3A_83 : memref<1x128x16xf32, #tpu.memory_space<vmem>> -> memref<128x16xf32, #tpu.memory_space<vmem>>
        %dma_start3A_85 = arith.constant 0 : i32
        %dma_start3A_86 = tpu.memref_slice %arg6[%add3A_79, %dma_start3A_85] : memref<88x128xi32, #tpu.memory_space<vmem>> -> memref<1x128xi32, #tpu.memory_space<vmem>>
        %dma_start3A_87 = tpu.memref_squeeze %dma_start3A_86 : memref<1x128xi32, #tpu.memory_space<vmem>> -> memref<128xi32, #tpu.memory_space<vmem>>
        %dma_start3A_88 = arith.constant 0 : i32
        %dma_start3A_89 = arith.constant 0 : i32
        %dma_start3A_90 = tpu.memref_slice %arg11[%dma_start3A_88, %dma_start3A_89] : memref<10000x16xf32, #tpu.memory_space<vmem_shared>> -> memref<10000x16xf32, #tpu.memory_space<vmem_shared>>
        tpu.enqueue_indirect_dma source(%dma_start3A_90 : memref<10000x16xf32, #tpu.memory_space<vmem_shared>>) target(%dma_start3A_84 : memref<128x16xf32, #tpu.memory_space<vmem>>) offsets(%dma_start3A_87 : memref<128xi32, #tpu.memory_space<vmem>>) semaphore(%arg12 : memref<!tpu.dma_semaphore, #tpu.memory_space<semaphore_mem>>)
        %add3A_91 = arith.constant 3 : i32
        %add3A_92 = arith.addi %mul3A_53, %add3A_91 : i32
        %dma_start3A_93 = arith.constant 3 : i32
        %dma_start3A_94 = arith.constant 0 : i32
        %dma_start3A_95 = arith.constant 0 : i32
        %dma_start3A_96 = tpu.memref_slice %arg8[%dma_start3A_93, %dma_start3A_94, %dma_start3A_95] : memref<8x128x16xf32, #tpu.memory_space<vmem>> -> memref<1x128x16xf32, #tpu.memory_space<vmem>>
        %dma_start3A_97 = tpu.memref_squeeze %dma_start3A_96 : memref<1x128x16xf32, #tpu.memory_space<vmem>> -> memref<128x16xf32, #tpu.memory_space<vmem>>
        %dma_start3A_98 = arith.constant 0 : i32
        %dma_start3A_99 = tpu.memref_slice %arg6[%add3A_92, %dma_start3A_98] : memref<88x128xi32, #tpu.memory_space<vmem>> -> memref<1x128xi32, #tpu.memory_space<vmem>>
        %dma_start3A_100 = tpu.memref_squeeze %dma_start3A_99 : memref<1x128xi32, #tpu.memory_space<vmem>> -> memref<128xi32, #tpu.memory_space<vmem>>
        %dma_start3A_101 = arith.constant 0 : i32
        %dma_start3A_102 = arith.constant 0 : i32
        %dma_start3A_103 = tpu.memref_slice %arg11[%dma_start3A_101, %dma_start3A_102] : memref<10000x16xf32, #tpu.memory_space<vmem_shared>> -> memref<10000x16xf32, #tpu.memory_space<vmem_shared>>
        tpu.enqueue_indirect_dma source(%dma_start3A_103 : memref<10000x16xf32, #tpu.memory_space<vmem_shared>>) target(%dma_start3A_97 : memref<128x16xf32, #tpu.memory_space<vmem>>) offsets(%dma_start3A_100 : memref<128xi32, #tpu.memory_space<vmem>>) semaphore(%arg12 : memref<!tpu.dma_semaphore, #tpu.memory_space<semaphore_mem>>)
        %add3A_104 = arith.constant 4 : i32
        %add3A_105 = arith.addi %mul3A_53, %add3A_104 : i32
        %dma_start3A_106 = arith.constant 4 : i32
        %dma_start3A_107 = arith.constant 0 : i32
        %dma_start3A_108 = arith.constant 0 : i32
        %dma_start3A_109 = tpu.memref_slice %arg8[%dma_start3A_106, %dma_start3A_107, %dma_start3A_108] : memref<8x128x16xf32, #tpu.memory_space<vmem>> -> memref<1x128x16xf32, #tpu.memory_space<vmem>>
        %dma_start3A_110 = tpu.memref_squeeze %dma_start3A_109 : memref<1x128x16xf32, #tpu.memory_space<vmem>> -> memref<128x16xf32, #tpu.memory_space<vmem>>
        %dma_start3A_111 = arith.constant 0 : i32
        %dma_start3A_112 = tpu.memref_slice %arg6[%add3A_105, %dma_start3A_111] : memref<88x128xi32, #tpu.memory_space<vmem>> -> memref<1x128xi32, #tpu.memory_space<vmem>>
        %dma_start3A_113 = tpu.memref_squeeze %dma_start3A_112 : memref<1x128xi32, #tpu.memory_space<vmem>> -> memref<128xi32, #tpu.memory_space<vmem>>
        %dma_start3A_114 = arith.constant 0 : i32
        %dma_start3A_115 = arith.constant 0 : i32
        %dma_start3A_116 = tpu.memref_slice %arg11[%dma_start3A_114, %dma_start3A_115] : memref<10000x16xf32, #tpu.memory_space<vmem_shared>> -> memref<10000x16xf32, #tpu.memory_space<vmem_shared>>
        tpu.enqueue_indirect_dma source(%dma_start3A_116 : memref<10000x16xf32, #tpu.memory_space<vmem_shared>>) target(%dma_start3A_110 : memref<128x16xf32, #tpu.memory_space<vmem>>) offsets(%dma_start3A_113 : memref<128xi32, #tpu.memory_space<vmem>>) semaphore(%arg12 : memref<!tpu.dma_semaphore, #tpu.memory_space<semaphore_mem>>)
        %add3A_117 = arith.constant 5 : i32
        %add3A_118 = arith.addi %mul3A_53, %add3A_117 : i32
        %dma_start3A_119 = arith.constant 5 : i32
        %dma_start3A_120 = arith.constant 0 : i32
        %dma_start3A_121 = arith.constant 0 : i32
        %dma_start3A_122 = tpu.memref_slice %arg8[%dma_start3A_119, %dma_start3A_120, %dma_start3A_121] : memref<8x128x16xf32, #tpu.memory_space<vmem>> -> memref<1x128x16xf32, #tpu.memory_space<vmem>>
        %dma_start3A_123 = tpu.memref_squeeze %dma_start3A_122 : memref<1x128x16xf32, #tpu.memory_space<vmem>> -> memref<128x16xf32, #tpu.memory_space<vmem>>
        %dma_start3A_124 = arith.constant 0 : i32
        %dma_start3A_125 = tpu.memref_slice %arg6[%add3A_118, %dma_start3A_124] : memref<88x128xi32, #tpu.memory_space<vmem>> -> memref<1x128xi32, #tpu.memory_space<vmem>>
        %dma_start3A_126 = tpu.memref_squeeze %dma_start3A_125 : memref<1x128xi32, #tpu.memory_space<vmem>> -> memref<128xi32, #tpu.memory_space<vmem>>
        %dma_start3A_127 = arith.constant 0 : i32
        %dma_start3A_128 = arith.constant 0 : i32
        %dma_start3A_129 = tpu.memref_slice %arg11[%dma_start3A_127, %dma_start3A_128] : memref<10000x16xf32, #tpu.memory_space<vmem_shared>> -> memref<10000x16xf32, #tpu.memory_space<vmem_shared>>
        tpu.enqueue_indirect_dma source(%dma_start3A_129 : memref<10000x16xf32, #tpu.memory_space<vmem_shared>>) target(%dma_start3A_123 : memref<128x16xf32, #tpu.memory_space<vmem>>) offsets(%dma_start3A_126 : memref<128xi32, #tpu.memory_space<vmem>>) semaphore(%arg12 : memref<!tpu.dma_semaphore, #tpu.memory_space<semaphore_mem>>)
        %add3A_130 = arith.constant 6 : i32
        %add3A_131 = arith.addi %mul3A_53, %add3A_130 : i32
        %dma_start3A_132 = arith.constant 6 : i32
        %dma_start3A_133 = arith.constant 0 : i32
        %dma_start3A_134 = arith.constant 0 : i32
        %dma_start3A_135 = tpu.memref_slice %arg8[%dma_start3A_132, %dma_start3A_133, %dma_start3A_134] : memref<8x128x16xf32, #tpu.memory_space<vmem>> -> memref<1x128x16xf32, #tpu.memory_space<vmem>>
        %dma_start3A_136 = tpu.memref_squeeze %dma_start3A_135 : memref<1x128x16xf32, #tpu.memory_space<vmem>> -> memref<128x16xf32, #tpu.memory_space<vmem>>
        %dma_start3A_137 = arith.constant 0 : i32
        %dma_start3A_138 = tpu.memref_slice %arg6[%add3A_131, %dma_start3A_137] : memref<88x128xi32, #tpu.memory_space<vmem>> -> memref<1x128xi32, #tpu.memory_space<vmem>>
        %dma_start3A_139 = tpu.memref_squeeze %dma_start3A_138 : memref<1x128xi32, #tpu.memory_space<vmem>> -> memref<128xi32, #tpu.memory_space<vmem>>
        %dma_start3A_140 = arith.constant 0 : i32
        %dma_start3A_141 = arith.constant 0 : i32
        %dma_start3A_142 = tpu.memref_slice %arg11[%dma_start3A_140, %dma_start3A_141] : memref<10000x16xf32, #tpu.memory_space<vmem_shared>> -> memref<10000x16xf32, #tpu.memory_space<vmem_shared>>
        tpu.enqueue_indirect_dma source(%dma_start3A_142 : memref<10000x16xf32, #tpu.memory_space<vmem_shared>>) target(%dma_start3A_136 : memref<128x16xf32, #tpu.memory_space<vmem>>) offsets(%dma_start3A_139 : memref<128xi32, #tpu.memory_space<vmem>>) semaphore(%arg12 : memref<!tpu.dma_semaphore, #tpu.memory_space<semaphore_mem>>)
        %add3A_143 = arith.constant 7 : i32
        %add3A_144 = arith.addi %mul3A_53, %add3A_143 : i32
        %dma_start3A_145 = arith.constant 7 : i32
        %dma_start3A_146 = arith.constant 0 : i32
        %dma_start3A_147 = arith.constant 0 : i32
        %dma_start3A_148 = tpu.memref_slice %arg8[%dma_start3A_145, %dma_start3A_146, %dma_start3A_147] : memref<8x128x16xf32, #tpu.memory_space<vmem>> -> memref<1x128x16xf32, #tpu.memory_space<vmem>>
        %dma_start3A_149 = tpu.memref_squeeze %dma_start3A_148 : memref<1x128x16xf32, #tpu.memory_space<vmem>> -> memref<128x16xf32, #tpu.memory_space<vmem>>
        %dma_start3A_150 = arith.constant 0 : i32
        %dma_start3A_151 = tpu.memref_slice %arg6[%add3A_144, %dma_start3A_150] : memref<88x128xi32, #tpu.memory_space<vmem>> -> memref<1x128xi32, #tpu.memory_space<vmem>>
        %dma_start3A_152 = tpu.memref_squeeze %dma_start3A_151 : memref<1x128xi32, #tpu.memory_space<vmem>> -> memref<128xi32, #tpu.memory_space<vmem>>
        %dma_start3A_153 = arith.constant 0 : i32
        %dma_start3A_154 = arith.constant 0 : i32
        %dma_start3A_155 = tpu.memref_slice %arg11[%dma_start3A_153, %dma_start3A_154] : memref<10000x16xf32, #tpu.memory_space<vmem_shared>> -> memref<10000x16xf32, #tpu.memory_space<vmem_shared>>
        tpu.enqueue_indirect_dma source(%dma_start3A_155 : memref<10000x16xf32, #tpu.memory_space<vmem_shared>>) target(%dma_start3A_149 : memref<128x16xf32, #tpu.memory_space<vmem>>) offsets(%dma_start3A_152 : memref<128xi32, #tpu.memory_space<vmem>>) semaphore(%arg12 : memref<!tpu.dma_semaphore, #tpu.memory_space<semaphore_mem>>)
        %dma_wait3A = arith.constant 0 : i32
        %dma_wait3A_156 = arith.constant 0 : i32
        %dma_wait3A_157 = arith.constant 0 : i32
        %dma_wait3A_158 = tpu.memref_slice %arg8[%dma_wait3A, %dma_wait3A_156, %dma_wait3A_157] : memref<8x128x16xf32, #tpu.memory_space<vmem>> -> memref<1x128x16xf32, #tpu.memory_space<vmem>>
        %dma_wait3A_159 = tpu.memref_squeeze %dma_wait3A_158 : memref<1x128x16xf32, #tpu.memory_space<vmem>> -> memref<128x16xf32, #tpu.memory_space<vmem>>
        %dma_wait3A_160 = arith.constant 0 : i32
        %dma_wait3A_161 = tpu.memref_slice %arg6[%add3A_54, %dma_wait3A_160] : memref<88x128xi32, #tpu.memory_space<vmem>> -> memref<1x128xi32, #tpu.memory_space<vmem>>
        %dma_wait3A_162 = tpu.memref_squeeze %dma_wait3A_161 : memref<1x128xi32, #tpu.memory_space<vmem>> -> memref<128xi32, #tpu.memory_space<vmem>>
        %dma_wait3A_163 = arith.constant 0 : i32
        %dma_wait3A_164 = arith.constant 0 : i32
        %dma_wait3A_165 = tpu.memref_slice %arg11[%dma_wait3A_163, %dma_wait3A_164] : memref<10000x16xf32, #tpu.memory_space<vmem_shared>> -> memref<10000x16xf32, #tpu.memory_space<vmem_shared>>
        tpu.wait_indirect_dma semaphore(%arg12 : memref<!tpu.dma_semaphore, #tpu.memory_space<semaphore_mem>>) src(%dma_wait3A_165 : memref<10000x16xf32, #tpu.memory_space<vmem_shared>>) dst(%dma_wait3A_159 : memref<128x16xf32, #tpu.memory_space<vmem>>)
        %add3A_166 = arith.constant 0 : i32
        %add3A_167 = arith.addi %mul3A_53, %add3A_166 : i32
        %dma_start3A_168 = arith.constant 0 : i32
        %dma_start3A_169 = arith.constant 0 : i32
        %dma_start3A_170 = arith.constant 0 : i32
        %dma_start3A_171 = tpu.memref_slice %arg8[%dma_start3A_168, %dma_start3A_169, %dma_start3A_170] : memref<8x128x16xf32, #tpu.memory_space<vmem>> -> memref<1x128x16xf32, #tpu.memory_space<vmem>>
        %dma_start3A_172 = tpu.memref_squeeze %dma_start3A_171 : memref<1x128x16xf32, #tpu.memory_space<vmem>> -> memref<128x16xf32, #tpu.memory_space<vmem>>
        %dma_start3A_173 = arith.constant 0 : i32
        %dma_start3A_174 = tpu.memref_slice %arg7[%add3A_167, %dma_start3A_173] : memref<88x128xi32, #tpu.memory_space<vmem>> -> memref<1x128xi32, #tpu.memory_space<vmem>>
        %dma_start3A_175 = tpu.memref_squeeze %dma_start3A_174 : memref<1x128xi32, #tpu.memory_space<vmem>> -> memref<128xi32, #tpu.memory_space<vmem>>
        %dma_start3A_176 = arith.constant 0 : i32
        %dma_start3A_177 = arith.constant 0 : i32
        %dma_start3A_178 = tpu.memref_slice %arg10[%dma_start3A_176, %dma_start3A_177] : memref<10008x16xf32, #tpu.memory_space<vmem_shared>> -> memref<10008x16xf32, #tpu.memory_space<vmem_shared>>
        tpu.enqueue_indirect_dma source(%dma_start3A_172 : memref<128x16xf32, #tpu.memory_space<vmem>>) target(%dma_start3A_178 : memref<10008x16xf32, #tpu.memory_space<vmem_shared>>) offsets(%dma_start3A_175 : memref<128xi32, #tpu.memory_space<vmem>>) semaphore(%arg13 : memref<!tpu.dma_semaphore, #tpu.memory_space<semaphore_mem>>) {add = true}
        %dma_wait3A_179 = arith.constant 1 : i32
        %dma_wait3A_180 = arith.constant 0 : i32
        %dma_wait3A_181 = arith.constant 0 : i32
        %dma_wait3A_182 = tpu.memref_slice %arg8[%dma_wait3A_179, %dma_wait3A_180, %dma_wait3A_181] : memref<8x128x16xf32, #tpu.memory_space<vmem>> -> memref<1x128x16xf32, #tpu.memory_space<vmem>>
        %dma_wait3A_183 = tpu.memref_squeeze %dma_wait3A_182 : memref<1x128x16xf32, #tpu.memory_space<vmem>> -> memref<128x16xf32, #tpu.memory_space<vmem>>
        %dma_wait3A_184 = arith.constant 0 : i32
        %dma_wait3A_185 = tpu.memref_slice %arg6[%add3A_66, %dma_wait3A_184] : memref<88x128xi32, #tpu.memory_space<vmem>> -> memref<1x128xi32, #tpu.memory_space<vmem>>
        %dma_wait3A_186 = tpu.memref_squeeze %dma_wait3A_185 : memref<1x128xi32, #tpu.memory_space<vmem>> -> memref<128xi32, #tpu.memory_space<vmem>>
        %dma_wait3A_187 = arith.constant 0 : i32
        %dma_wait3A_188 = arith.constant 0 : i32
        %dma_wait3A_189 = tpu.memref_slice %arg11[%dma_wait3A_187, %dma_wait3A_188] : memref<10000x16xf32, #tpu.memory_space<vmem_shared>> -> memref<10000x16xf32, #tpu.memory_space<vmem_shared>>
        tpu.wait_indirect_dma semaphore(%arg12 : memref<!tpu.dma_semaphore, #tpu.memory_space<semaphore_mem>>) src(%dma_wait3A_189 : memref<10000x16xf32, #tpu.memory_space<vmem_shared>>) dst(%dma_wait3A_183 : memref<128x16xf32, #tpu.memory_space<vmem>>)
        %add3A_190 = arith.constant 1 : i32
        %add3A_191 = arith.addi %mul3A_53, %add3A_190 : i32
        %dma_start3A_192 = arith.constant 1 : i32
        %dma_start3A_193 = arith.constant 0 : i32
        %dma_start3A_194 = arith.constant 0 : i32
        %dma_start3A_195 = tpu.memref_slice %arg8[%dma_start3A_192, %dma_start3A_193, %dma_start3A_194] : memref<8x128x16xf32, #tpu.memory_space<vmem>> -> memref<1x128x16xf32, #tpu.memory_space<vmem>>
        %dma_start3A_196 = tpu.memref_squeeze %dma_start3A_195 : memref<1x128x16xf32, #tpu.memory_space<vmem>> -> memref<128x16xf32, #tpu.memory_space<vmem>>
        %dma_start3A_197 = arith.constant 0 : i32
        %dma_start3A_198 = tpu.memref_slice %arg7[%add3A_191, %dma_start3A_197] : memref<88x128xi32, #tpu.memory_space<vmem>> -> memref<1x128xi32, #tpu.memory_space<vmem>>
        %dma_start3A_199 = tpu.memref_squeeze %dma_start3A_198 : memref<1x128xi32, #tpu.memory_space<vmem>> -> memref<128xi32, #tpu.memory_space<vmem>>
        %dma_start3A_200 = arith.constant 0 : i32
        %dma_start3A_201 = arith.constant 0 : i32
        %dma_start3A_202 = tpu.memref_slice %arg10[%dma_start3A_200, %dma_start3A_201] : memref<10008x16xf32, #tpu.memory_space<vmem_shared>> -> memref<10008x16xf32, #tpu.memory_space<vmem_shared>>
        tpu.enqueue_indirect_dma source(%dma_start3A_196 : memref<128x16xf32, #tpu.memory_space<vmem>>) target(%dma_start3A_202 : memref<10008x16xf32, #tpu.memory_space<vmem_shared>>) offsets(%dma_start3A_199 : memref<128xi32, #tpu.memory_space<vmem>>) semaphore(%arg13 : memref<!tpu.dma_semaphore, #tpu.memory_space<semaphore_mem>>) {add = true}
        %dma_wait3A_203 = arith.constant 2 : i32
        %dma_wait3A_204 = arith.constant 0 : i32
        %dma_wait3A_205 = arith.constant 0 : i32
        %dma_wait3A_206 = tpu.memref_slice %arg8[%dma_wait3A_203, %dma_wait3A_204, %dma_wait3A_205] : memref<8x128x16xf32, #tpu.memory_space<vmem>> -> memref<1x128x16xf32, #tpu.memory_space<vmem>>
        %dma_wait3A_207 = tpu.memref_squeeze %dma_wait3A_206 : memref<1x128x16xf32, #tpu.memory_space<vmem>> -> memref<128x16xf32, #tpu.memory_space<vmem>>
        %dma_wait3A_208 = arith.constant 0 : i32
        %dma_wait3A_209 = tpu.memref_slice %arg6[%add3A_79, %dma_wait3A_208] : memref<88x128xi32, #tpu.memory_space<vmem>> -> memref<1x128xi32, #tpu.memory_space<vmem>>
        %dma_wait3A_210 = tpu.memref_squeeze %dma_wait3A_209 : memref<1x128xi32, #tpu.memory_space<vmem>> -> memref<128xi32, #tpu.memory_space<vmem>>
        %dma_wait3A_211 = arith.constant 0 : i32
        %dma_wait3A_212 = arith.constant 0 : i32
        %dma_wait3A_213 = tpu.memref_slice %arg11[%dma_wait3A_211, %dma_wait3A_212] : memref<10000x16xf32, #tpu.memory_space<vmem_shared>> -> memref<10000x16xf32, #tpu.memory_space<vmem_shared>>
        tpu.wait_indirect_dma semaphore(%arg12 : memref<!tpu.dma_semaphore, #tpu.memory_space<semaphore_mem>>) src(%dma_wait3A_213 : memref<10000x16xf32, #tpu.memory_space<vmem_shared>>) dst(%dma_wait3A_207 : memref<128x16xf32, #tpu.memory_space<vmem>>)
        %add3A_214 = arith.constant 2 : i32
        %add3A_215 = arith.addi %mul3A_53, %add3A_214 : i32
        %dma_start3A_216 = arith.constant 2 : i32
        %dma_start3A_217 = arith.constant 0 : i32
        %dma_start3A_218 = arith.constant 0 : i32
        %dma_start3A_219 = tpu.memref_slice %arg8[%dma_start3A_216, %dma_start3A_217, %dma_start3A_218] : memref<8x128x16xf32, #tpu.memory_space<vmem>> -> memref<1x128x16xf32, #tpu.memory_space<vmem>>
        %dma_start3A_220 = tpu.memref_squeeze %dma_start3A_219 : memref<1x128x16xf32, #tpu.memory_space<vmem>> -> memref<128x16xf32, #tpu.memory_space<vmem>>
        %dma_start3A_221 = arith.constant 0 : i32
        %dma_start3A_222 = tpu.memref_slice %arg7[%add3A_215, %dma_start3A_221] : memref<88x128xi32, #tpu.memory_space<vmem>> -> memref<1x128xi32, #tpu.memory_space<vmem>>
        %dma_start3A_223 = tpu.memref_squeeze %dma_start3A_222 : memref<1x128xi32, #tpu.memory_space<vmem>> -> memref<128xi32, #tpu.memory_space<vmem>>
        %dma_start3A_224 = arith.constant 0 : i32
        %dma_start3A_225 = arith.constant 0 : i32
        %dma_start3A_226 = tpu.memref_slice %arg10[%dma_start3A_224, %dma_start3A_225] : memref<10008x16xf32, #tpu.memory_space<vmem_shared>> -> memref<10008x16xf32, #tpu.memory_space<vmem_shared>>
        tpu.enqueue_indirect_dma source(%dma_start3A_220 : memref<128x16xf32, #tpu.memory_space<vmem>>) target(%dma_start3A_226 : memref<10008x16xf32, #tpu.memory_space<vmem_shared>>) offsets(%dma_start3A_223 : memref<128xi32, #tpu.memory_space<vmem>>) semaphore(%arg13 : memref<!tpu.dma_semaphore, #tpu.memory_space<semaphore_mem>>) {add = true}
        %dma_wait3A_227 = arith.constant 3 : i32
        %dma_wait3A_228 = arith.constant 0 : i32
        %dma_wait3A_229 = arith.constant 0 : i32
        %dma_wait3A_230 = tpu.memref_slice %arg8[%dma_wait3A_227, %dma_wait3A_228, %dma_wait3A_229] : memref<8x128x16xf32, #tpu.memory_space<vmem>> -> memref<1x128x16xf32, #tpu.memory_space<vmem>>
        %dma_wait3A_231 = tpu.memref_squeeze %dma_wait3A_230 : memref<1x128x16xf32, #tpu.memory_space<vmem>> -> memref<128x16xf32, #tpu.memory_space<vmem>>
        %dma_wait3A_232 = arith.constant 0 : i32
        %dma_wait3A_233 = tpu.memref_slice %arg6[%add3A_92, %dma_wait3A_232] : memref<88x128xi32, #tpu.memory_space<vmem>> -> memref<1x128xi32, #tpu.memory_space<vmem>>
        %dma_wait3A_234 = tpu.memref_squeeze %dma_wait3A_233 : memref<1x128xi32, #tpu.memory_space<vmem>> -> memref<128xi32, #tpu.memory_space<vmem>>
        %dma_wait3A_235 = arith.constant 0 : i32
        %dma_wait3A_236 = arith.constant 0 : i32
        %dma_wait3A_237 = tpu.memref_slice %arg11[%dma_wait3A_235, %dma_wait3A_236] : memref<10000x16xf32, #tpu.memory_space<vmem_shared>> -> memref<10000x16xf32, #tpu.memory_space<vmem_shared>>
        tpu.wait_indirect_dma semaphore(%arg12 : memref<!tpu.dma_semaphore, #tpu.memory_space<semaphore_mem>>) src(%dma_wait3A_237 : memref<10000x16xf32, #tpu.memory_space<vmem_shared>>) dst(%dma_wait3A_231 : memref<128x16xf32, #tpu.memory_space<vmem>>)
        %add3A_238 = arith.constant 3 : i32
        %add3A_239 = arith.addi %mul3A_53, %add3A_238 : i32
        %dma_start3A_240 = arith.constant 3 : i32
        %dma_start3A_241 = arith.constant 0 : i32
        %dma_start3A_242 = arith.constant 0 : i32
        %dma_start3A_243 = tpu.memref_slice %arg8[%dma_start3A_240, %dma_start3A_241, %dma_start3A_242] : memref<8x128x16xf32, #tpu.memory_space<vmem>> -> memref<1x128x16xf32, #tpu.memory_space<vmem>>
        %dma_start3A_244 = tpu.memref_squeeze %dma_start3A_243 : memref<1x128x16xf32, #tpu.memory_space<vmem>> -> memref<128x16xf32, #tpu.memory_space<vmem>>
        %dma_start3A_245 = arith.constant 0 : i32
        %dma_start3A_246 = tpu.memref_slice %arg7[%add3A_239, %dma_start3A_245] : memref<88x128xi32, #tpu.memory_space<vmem>> -> memref<1x128xi32, #tpu.memory_space<vmem>>
        %dma_start3A_247 = tpu.memref_squeeze %dma_start3A_246 : memref<1x128xi32, #tpu.memory_space<vmem>> -> memref<128xi32, #tpu.memory_space<vmem>>
        %dma_start3A_248 = arith.constant 0 : i32
        %dma_start3A_249 = arith.constant 0 : i32
        %dma_start3A_250 = tpu.memref_slice %arg10[%dma_start3A_248, %dma_start3A_249] : memref<10008x16xf32, #tpu.memory_space<vmem_shared>> -> memref<10008x16xf32, #tpu.memory_space<vmem_shared>>
        tpu.enqueue_indirect_dma source(%dma_start3A_244 : memref<128x16xf32, #tpu.memory_space<vmem>>) target(%dma_start3A_250 : memref<10008x16xf32, #tpu.memory_space<vmem_shared>>) offsets(%dma_start3A_247 : memref<128xi32, #tpu.memory_space<vmem>>) semaphore(%arg13 : memref<!tpu.dma_semaphore, #tpu.memory_space<semaphore_mem>>) {add = true}
        %dma_wait3A_251 = arith.constant 4 : i32
        %dma_wait3A_252 = arith.constant 0 : i32
        %dma_wait3A_253 = arith.constant 0 : i32
        %dma_wait3A_254 = tpu.memref_slice %arg8[%dma_wait3A_251, %dma_wait3A_252, %dma_wait3A_253] : memref<8x128x16xf32, #tpu.memory_space<vmem>> -> memref<1x128x16xf32, #tpu.memory_space<vmem>>
        %dma_wait3A_255 = tpu.memref_squeeze %dma_wait3A_254 : memref<1x128x16xf32, #tpu.memory_space<vmem>> -> memref<128x16xf32, #tpu.memory_space<vmem>>
        %dma_wait3A_256 = arith.constant 0 : i32
        %dma_wait3A_257 = tpu.memref_slice %arg6[%add3A_105, %dma_wait3A_256] : memref<88x128xi32, #tpu.memory_space<vmem>> -> memref<1x128xi32, #tpu.memory_space<vmem>>
        %dma_wait3A_258 = tpu.memref_squeeze %dma_wait3A_257 : memref<1x128xi32, #tpu.memory_space<vmem>> -> memref<128xi32, #tpu.memory_space<vmem>>
        %dma_wait3A_259 = arith.constant 0 : i32
        %dma_wait3A_260 = arith.constant 0 : i32
        %dma_wait3A_261 = tpu.memref_slice %arg11[%dma_wait3A_259, %dma_wait3A_260] : memref<10000x16xf32, #tpu.memory_space<vmem_shared>> -> memref<10000x16xf32, #tpu.memory_space<vmem_shared>>
        tpu.wait_indirect_dma semaphore(%arg12 : memref<!tpu.dma_semaphore, #tpu.memory_space<semaphore_mem>>) src(%dma_wait3A_261 : memref<10000x16xf32, #tpu.memory_space<vmem_shared>>) dst(%dma_wait3A_255 : memref<128x16xf32, #tpu.memory_space<vmem>>)
        %add3A_262 = arith.constant 4 : i32
        %add3A_263 = arith.addi %mul3A_53, %add3A_262 : i32
        %dma_start3A_264 = arith.constant 4 : i32
        %dma_start3A_265 = arith.constant 0 : i32
        %dma_start3A_266 = arith.constant 0 : i32
        %dma_start3A_267 = tpu.memref_slice %arg8[%dma_start3A_264, %dma_start3A_265, %dma_start3A_266] : memref<8x128x16xf32, #tpu.memory_space<vmem>> -> memref<1x128x16xf32, #tpu.memory_space<vmem>>
        %dma_start3A_268 = tpu.memref_squeeze %dma_start3A_267 : memref<1x128x16xf32, #tpu.memory_space<vmem>> -> memref<128x16xf32, #tpu.memory_space<vmem>>
        %dma_start3A_269 = arith.constant 0 : i32
        %dma_start3A_270 = tpu.memref_slice %arg7[%add3A_263, %dma_start3A_269] : memref<88x128xi32, #tpu.memory_space<vmem>> -> memref<1x128xi32, #tpu.memory_space<vmem>>
        %dma_start3A_271 = tpu.memref_squeeze %dma_start3A_270 : memref<1x128xi32, #tpu.memory_space<vmem>> -> memref<128xi32, #tpu.memory_space<vmem>>
        %dma_start3A_272 = arith.constant 0 : i32
        %dma_start3A_273 = arith.constant 0 : i32
        %dma_start3A_274 = tpu.memref_slice %arg10[%dma_start3A_272, %dma_start3A_273] : memref<10008x16xf32, #tpu.memory_space<vmem_shared>> -> memref<10008x16xf32, #tpu.memory_space<vmem_shared>>
        tpu.enqueue_indirect_dma source(%dma_start3A_268 : memref<128x16xf32, #tpu.memory_space<vmem>>) target(%dma_start3A_274 : memref<10008x16xf32, #tpu.memory_space<vmem_shared>>) offsets(%dma_start3A_271 : memref<128xi32, #tpu.memory_space<vmem>>) semaphore(%arg13 : memref<!tpu.dma_semaphore, #tpu.memory_space<semaphore_mem>>) {add = true}
        %dma_wait3A_275 = arith.constant 5 : i32
        %dma_wait3A_276 = arith.constant 0 : i32
        %dma_wait3A_277 = arith.constant 0 : i32
        %dma_wait3A_278 = tpu.memref_slice %arg8[%dma_wait3A_275, %dma_wait3A_276, %dma_wait3A_277] : memref<8x128x16xf32, #tpu.memory_space<vmem>> -> memref<1x128x16xf32, #tpu.memory_space<vmem>>
        %dma_wait3A_279 = tpu.memref_squeeze %dma_wait3A_278 : memref<1x128x16xf32, #tpu.memory_space<vmem>> -> memref<128x16xf32, #tpu.memory_space<vmem>>
        %dma_wait3A_280 = arith.constant 0 : i32
        %dma_wait3A_281 = tpu.memref_slice %arg6[%add3A_118, %dma_wait3A_280] : memref<88x128xi32, #tpu.memory_space<vmem>> -> memref<1x128xi32, #tpu.memory_space<vmem>>
        %dma_wait3A_282 = tpu.memref_squeeze %dma_wait3A_281 : memref<1x128xi32, #tpu.memory_space<vmem>> -> memref<128xi32, #tpu.memory_space<vmem>>
        %dma_wait3A_283 = arith.constant 0 : i32
        %dma_wait3A_284 = arith.constant 0 : i32
        %dma_wait3A_285 = tpu.memref_slice %arg11[%dma_wait3A_283, %dma_wait3A_284] : memref<10000x16xf32, #tpu.memory_space<vmem_shared>> -> memref<10000x16xf32, #tpu.memory_space<vmem_shared>>
        tpu.wait_indirect_dma semaphore(%arg12 : memref<!tpu.dma_semaphore, #tpu.memory_space<semaphore_mem>>) src(%dma_wait3A_285 : memref<10000x16xf32, #tpu.memory_space<vmem_shared>>) dst(%dma_wait3A_279 : memref<128x16xf32, #tpu.memory_space<vmem>>)
        %add3A_286 = arith.constant 5 : i32
        %add3A_287 = arith.addi %mul3A_53, %add3A_286 : i32
        %dma_start3A_288 = arith.constant 5 : i32
        %dma_start3A_289 = arith.constant 0 : i32
        %dma_start3A_290 = arith.constant 0 : i32
        %dma_start3A_291 = tpu.memref_slice %arg8[%dma_start3A_288, %dma_start3A_289, %dma_start3A_290] : memref<8x128x16xf32, #tpu.memory_space<vmem>> -> memref<1x128x16xf32, #tpu.memory_space<vmem>>
        %dma_start3A_292 = tpu.memref_squeeze %dma_start3A_291 : memref<1x128x16xf32, #tpu.memory_space<vmem>> -> memref<128x16xf32, #tpu.memory_space<vmem>>
        %dma_start3A_293 = arith.constant 0 : i32
        %dma_start3A_294 = tpu.memref_slice %arg7[%add3A_287, %dma_start3A_293] : memref<88x128xi32, #tpu.memory_space<vmem>> -> memref<1x128xi32, #tpu.memory_space<vmem>>
        %dma_start3A_295 = tpu.memref_squeeze %dma_start3A_294 : memref<1x128xi32, #tpu.memory_space<vmem>> -> memref<128xi32, #tpu.memory_space<vmem>>
        %dma_start3A_296 = arith.constant 0 : i32
        %dma_start3A_297 = arith.constant 0 : i32
        %dma_start3A_298 = tpu.memref_slice %arg10[%dma_start3A_296, %dma_start3A_297] : memref<10008x16xf32, #tpu.memory_space<vmem_shared>> -> memref<10008x16xf32, #tpu.memory_space<vmem_shared>>
        tpu.enqueue_indirect_dma source(%dma_start3A_292 : memref<128x16xf32, #tpu.memory_space<vmem>>) target(%dma_start3A_298 : memref<10008x16xf32, #tpu.memory_space<vmem_shared>>) offsets(%dma_start3A_295 : memref<128xi32, #tpu.memory_space<vmem>>) semaphore(%arg13 : memref<!tpu.dma_semaphore, #tpu.memory_space<semaphore_mem>>) {add = true}
        %dma_wait3A_299 = arith.constant 6 : i32
        %dma_wait3A_300 = arith.constant 0 : i32
        %dma_wait3A_301 = arith.constant 0 : i32
        %dma_wait3A_302 = tpu.memref_slice %arg8[%dma_wait3A_299, %dma_wait3A_300, %dma_wait3A_301] : memref<8x128x16xf32, #tpu.memory_space<vmem>> -> memref<1x128x16xf32, #tpu.memory_space<vmem>>
        %dma_wait3A_303 = tpu.memref_squeeze %dma_wait3A_302 : memref<1x128x16xf32, #tpu.memory_space<vmem>> -> memref<128x16xf32, #tpu.memory_space<vmem>>
        %dma_wait3A_304 = arith.constant 0 : i32
        %dma_wait3A_305 = tpu.memref_slice %arg6[%add3A_131, %dma_wait3A_304] : memref<88x128xi32, #tpu.memory_space<vmem>> -> memref<1x128xi32, #tpu.memory_space<vmem>>
        %dma_wait3A_306 = tpu.memref_squeeze %dma_wait3A_305 : memref<1x128xi32, #tpu.memory_space<vmem>> -> memref<128xi32, #tpu.memory_space<vmem>>
        %dma_wait3A_307 = arith.constant 0 : i32
        %dma_wait3A_308 = arith.constant 0 : i32
        %dma_wait3A_309 = tpu.memref_slice %arg11[%dma_wait3A_307, %dma_wait3A_308] : memref<10000x16xf32, #tpu.memory_space<vmem_shared>> -> memref<10000x16xf32, #tpu.memory_space<vmem_shared>>
        tpu.wait_indirect_dma semaphore(%arg12 : memref<!tpu.dma_semaphore, #tpu.memory_space<semaphore_mem>>) src(%dma_wait3A_309 : memref<10000x16xf32, #tpu.memory_space<vmem_shared>>) dst(%dma_wait3A_303 : memref<128x16xf32, #tpu.memory_space<vmem>>)
        %add3A_310 = arith.constant 6 : i32
        %add3A_311 = arith.addi %mul3A_53, %add3A_310 : i32
        %dma_start3A_312 = arith.constant 6 : i32
        %dma_start3A_313 = arith.constant 0 : i32
        %dma_start3A_314 = arith.constant 0 : i32
        %dma_start3A_315 = tpu.memref_slice %arg8[%dma_start3A_312, %dma_start3A_313, %dma_start3A_314] : memref<8x128x16xf32, #tpu.memory_space<vmem>> -> memref<1x128x16xf32, #tpu.memory_space<vmem>>
        %dma_start3A_316 = tpu.memref_squeeze %dma_start3A_315 : memref<1x128x16xf32, #tpu.memory_space<vmem>> -> memref<128x16xf32, #tpu.memory_space<vmem>>
        %dma_start3A_317 = arith.constant 0 : i32
        %dma_start3A_318 = tpu.memref_slice %arg7[%add3A_311, %dma_start3A_317] : memref<88x128xi32, #tpu.memory_space<vmem>> -> memref<1x128xi32, #tpu.memory_space<vmem>>
        %dma_start3A_319 = tpu.memref_squeeze %dma_start3A_318 : memref<1x128xi32, #tpu.memory_space<vmem>> -> memref<128xi32, #tpu.memory_space<vmem>>
        %dma_start3A_320 = arith.constant 0 : i32
        %dma_start3A_321 = arith.constant 0 : i32
        %dma_start3A_322 = tpu.memref_slice %arg10[%dma_start3A_320, %dma_start3A_321] : memref<10008x16xf32, #tpu.memory_space<vmem_shared>> -> memref<10008x16xf32, #tpu.memory_space<vmem_shared>>
        tpu.enqueue_indirect_dma source(%dma_start3A_316 : memref<128x16xf32, #tpu.memory_space<vmem>>) target(%dma_start3A_322 : memref<10008x16xf32, #tpu.memory_space<vmem_shared>>) offsets(%dma_start3A_319 : memref<128xi32, #tpu.memory_space<vmem>>) semaphore(%arg13 : memref<!tpu.dma_semaphore, #tpu.memory_space<semaphore_mem>>) {add = true}
        %dma_wait3A_323 = arith.constant 7 : i32
        %dma_wait3A_324 = arith.constant 0 : i32
        %dma_wait3A_325 = arith.constant 0 : i32
        %dma_wait3A_326 = tpu.memref_slice %arg8[%dma_wait3A_323, %dma_wait3A_324, %dma_wait3A_325] : memref<8x128x16xf32, #tpu.memory_space<vmem>> -> memref<1x128x16xf32, #tpu.memory_space<vmem>>
        %dma_wait3A_327 = tpu.memref_squeeze %dma_wait3A_326 : memref<1x128x16xf32, #tpu.memory_space<vmem>> -> memref<128x16xf32, #tpu.memory_space<vmem>>
        %dma_wait3A_328 = arith.constant 0 : i32
        %dma_wait3A_329 = tpu.memref_slice %arg6[%add3A_144, %dma_wait3A_328] : memref<88x128xi32, #tpu.memory_space<vmem>> -> memref<1x128xi32, #tpu.memory_space<vmem>>
        %dma_wait3A_330 = tpu.memref_squeeze %dma_wait3A_329 : memref<1x128xi32, #tpu.memory_space<vmem>> -> memref<128xi32, #tpu.memory_space<vmem>>
        %dma_wait3A_331 = arith.constant 0 : i32
        %dma_wait3A_332 = arith.constant 0 : i32
        %dma_wait3A_333 = tpu.memref_slice %arg11[%dma_wait3A_331, %dma_wait3A_332] : memref<10000x16xf32, #tpu.memory_space<vmem_shared>> -> memref<10000x16xf32, #tpu.memory_space<vmem_shared>>
        tpu.wait_indirect_dma semaphore(%arg12 : memref<!tpu.dma_semaphore, #tpu.memory_space<semaphore_mem>>) src(%dma_wait3A_333 : memref<10000x16xf32, #tpu.memory_space<vmem_shared>>) dst(%dma_wait3A_327 : memref<128x16xf32, #tpu.memory_space<vmem>>)
        %add3A_334 = arith.constant 7 : i32
        %add3A_335 = arith.addi %mul3A_53, %add3A_334 : i32
        %dma_start3A_336 = arith.constant 7 : i32
        %dma_start3A_337 = arith.constant 0 : i32
        %dma_start3A_338 = arith.constant 0 : i32
        %dma_start3A_339 = tpu.memref_slice %arg8[%dma_start3A_336, %dma_start3A_337, %dma_start3A_338] : memref<8x128x16xf32, #tpu.memory_space<vmem>> -> memref<1x128x16xf32, #tpu.memory_space<vmem>>
        %dma_start3A_340 = tpu.memref_squeeze %dma_start3A_339 : memref<1x128x16xf32, #tpu.memory_space<vmem>> -> memref<128x16xf32, #tpu.memory_space<vmem>>
        %dma_start3A_341 = arith.constant 0 : i32
        %dma_start3A_342 = tpu.memref_slice %arg7[%add3A_335, %dma_start3A_341] : memref<88x128xi32, #tpu.memory_space<vmem>> -> memref<1x128xi32, #tpu.memory_space<vmem>>
        %dma_start3A_343 = tpu.memref_squeeze %dma_start3A_342 : memref<1x128xi32, #tpu.memory_space<vmem>> -> memref<128xi32, #tpu.memory_space<vmem>>
        %dma_start3A_344 = arith.constant 0 : i32
        %dma_start3A_345 = arith.constant 0 : i32
        %dma_start3A_346 = tpu.memref_slice %arg10[%dma_start3A_344, %dma_start3A_345] : memref<10008x16xf32, #tpu.memory_space<vmem_shared>> -> memref<10008x16xf32, #tpu.memory_space<vmem_shared>>
        tpu.enqueue_indirect_dma source(%dma_start3A_340 : memref<128x16xf32, #tpu.memory_space<vmem>>) target(%dma_start3A_346 : memref<10008x16xf32, #tpu.memory_space<vmem_shared>>) offsets(%dma_start3A_343 : memref<128xi32, #tpu.memory_space<vmem>>) semaphore(%arg13 : memref<!tpu.dma_semaphore, #tpu.memory_space<semaphore_mem>>) {add = true}
        %dma_wait3A_347 = arith.constant 0 : i32
        %dma_wait3A_348 = arith.constant 0 : i32
        %dma_wait3A_349 = arith.constant 0 : i32
        %dma_wait3A_350 = tpu.memref_slice %arg8[%dma_wait3A_347, %dma_wait3A_348, %dma_wait3A_349] : memref<8x128x16xf32, #tpu.memory_space<vmem>> -> memref<1x128x16xf32, #tpu.memory_space<vmem>>
        %dma_wait3A_351 = tpu.memref_squeeze %dma_wait3A_350 : memref<1x128x16xf32, #tpu.memory_space<vmem>> -> memref<128x16xf32, #tpu.memory_space<vmem>>
        %dma_wait3A_352 = arith.constant 0 : i32
        %dma_wait3A_353 = tpu.memref_slice %arg7[%add3A_167, %dma_wait3A_352] : memref<88x128xi32, #tpu.memory_space<vmem>> -> memref<1x128xi32, #tpu.memory_space<vmem>>
        %dma_wait3A_354 = tpu.memref_squeeze %dma_wait3A_353 : memref<1x128xi32, #tpu.memory_space<vmem>> -> memref<128xi32, #tpu.memory_space<vmem>>
        %dma_wait3A_355 = arith.constant 0 : i32
        %dma_wait3A_356 = arith.constant 0 : i32
        %dma_wait3A_357 = tpu.memref_slice %arg10[%dma_wait3A_355, %dma_wait3A_356] : memref<10008x16xf32, #tpu.memory_space<vmem_shared>> -> memref<10008x16xf32, #tpu.memory_space<vmem_shared>>
        tpu.wait_indirect_dma semaphore(%arg13 : memref<!tpu.dma_semaphore, #tpu.memory_space<semaphore_mem>>) src(%dma_wait3A_351 : memref<128x16xf32, #tpu.memory_space<vmem>>) dst(%dma_wait3A_357 : memref<10008x16xf32, #tpu.memory_space<vmem_shared>>)
        %dma_wait3A_358 = arith.constant 1 : i32
        %dma_wait3A_359 = arith.constant 0 : i32
        %dma_wait3A_360 = arith.constant 0 : i32
        %dma_wait3A_361 = tpu.memref_slice %arg8[%dma_wait3A_358, %dma_wait3A_359, %dma_wait3A_360] : memref<8x128x16xf32, #tpu.memory_space<vmem>> -> memref<1x128x16xf32, #tpu.memory_space<vmem>>
        %dma_wait3A_362 = tpu.memref_squeeze %dma_wait3A_361 : memref<1x128x16xf32, #tpu.memory_space<vmem>> -> memref<128x16xf32, #tpu.memory_space<vmem>>
        %dma_wait3A_363 = arith.constant 0 : i32
        %dma_wait3A_364 = tpu.memref_slice %arg7[%add3A_191, %dma_wait3A_363] : memref<88x128xi32, #tpu.memory_space<vmem>> -> memref<1x128xi32, #tpu.memory_space<vmem>>
        %dma_wait3A_365 = tpu.memref_squeeze %dma_wait3A_364 : memref<1x128xi32, #tpu.memory_space<vmem>> -> memref<128xi32, #tpu.memory_space<vmem>>
        %dma_wait3A_366 = arith.constant 0 : i32
        %dma_wait3A_367 = arith.constant 0 : i32
        %dma_wait3A_368 = tpu.memref_slice %arg10[%dma_wait3A_366, %dma_wait3A_367] : memref<10008x16xf32, #tpu.memory_space<vmem_shared>> -> memref<10008x16xf32, #tpu.memory_space<vmem_shared>>
        tpu.wait_indirect_dma semaphore(%arg13 : memref<!tpu.dma_semaphore, #tpu.memory_space<semaphore_mem>>) src(%dma_wait3A_362 : memref<128x16xf32, #tpu.memory_space<vmem>>) dst(%dma_wait3A_368 : memref<10008x16xf32, #tpu.memory_space<vmem_shared>>)
        %dma_wait3A_369 = arith.constant 2 : i32
        %dma_wait3A_370 = arith.constant 0 : i32
        %dma_wait3A_371 = arith.constant 0 : i32
        %dma_wait3A_372 = tpu.memref_slice %arg8[%dma_wait3A_369, %dma_wait3A_370, %dma_wait3A_371] : memref<8x128x16xf32, #tpu.memory_space<vmem>> -> memref<1x128x16xf32, #tpu.memory_space<vmem>>
        %dma_wait3A_373 = tpu.memref_squeeze %dma_wait3A_372 : memref<1x128x16xf32, #tpu.memory_space<vmem>> -> memref<128x16xf32, #tpu.memory_space<vmem>>
        %dma_wait3A_374 = arith.constant 0 : i32
        %dma_wait3A_375 = tpu.memref_slice %arg7[%add3A_215, %dma_wait3A_374] : memref<88x128xi32, #tpu.memory_space<vmem>> -> memref<1x128xi32, #tpu.memory_space<vmem>>
        %dma_wait3A_376 = tpu.memref_squeeze %dma_wait3A_375 : memref<1x128xi32, #tpu.memory_space<vmem>> -> memref<128xi32, #tpu.memory_space<vmem>>
        %dma_wait3A_377 = arith.constant 0 : i32
        %dma_wait3A_378 = arith.constant 0 : i32
        %dma_wait3A_379 = tpu.memref_slice %arg10[%dma_wait3A_377, %dma_wait3A_378] : memref<10008x16xf32, #tpu.memory_space<vmem_shared>> -> memref<10008x16xf32, #tpu.memory_space<vmem_shared>>
        tpu.wait_indirect_dma semaphore(%arg13 : memref<!tpu.dma_semaphore, #tpu.memory_space<semaphore_mem>>) src(%dma_wait3A_373 : memref<128x16xf32, #tpu.memory_space<vmem>>) dst(%dma_wait3A_379 : memref<10008x16xf32, #tpu.memory_space<vmem_shared>>)
        %dma_wait3A_380 = arith.constant 3 : i32
        %dma_wait3A_381 = arith.constant 0 : i32
        %dma_wait3A_382 = arith.constant 0 : i32
        %dma_wait3A_383 = tpu.memref_slice %arg8[%dma_wait3A_380, %dma_wait3A_381, %dma_wait3A_382] : memref<8x128x16xf32, #tpu.memory_space<vmem>> -> memref<1x128x16xf32, #tpu.memory_space<vmem>>
        %dma_wait3A_384 = tpu.memref_squeeze %dma_wait3A_383 : memref<1x128x16xf32, #tpu.memory_space<vmem>> -> memref<128x16xf32, #tpu.memory_space<vmem>>
        %dma_wait3A_385 = arith.constant 0 : i32
        %dma_wait3A_386 = tpu.memref_slice %arg7[%add3A_239, %dma_wait3A_385] : memref<88x128xi32, #tpu.memory_space<vmem>> -> memref<1x128xi32, #tpu.memory_space<vmem>>
        %dma_wait3A_387 = tpu.memref_squeeze %dma_wait3A_386 : memref<1x128xi32, #tpu.memory_space<vmem>> -> memref<128xi32, #tpu.memory_space<vmem>>
        %dma_wait3A_388 = arith.constant 0 : i32
        %dma_wait3A_389 = arith.constant 0 : i32
        %dma_wait3A_390 = tpu.memref_slice %arg10[%dma_wait3A_388, %dma_wait3A_389] : memref<10008x16xf32, #tpu.memory_space<vmem_shared>> -> memref<10008x16xf32, #tpu.memory_space<vmem_shared>>
        tpu.wait_indirect_dma semaphore(%arg13 : memref<!tpu.dma_semaphore, #tpu.memory_space<semaphore_mem>>) src(%dma_wait3A_384 : memref<128x16xf32, #tpu.memory_space<vmem>>) dst(%dma_wait3A_390 : memref<10008x16xf32, #tpu.memory_space<vmem_shared>>)
        %dma_wait3A_391 = arith.constant 4 : i32
        %dma_wait3A_392 = arith.constant 0 : i32
        %dma_wait3A_393 = arith.constant 0 : i32
        %dma_wait3A_394 = tpu.memref_slice %arg8[%dma_wait3A_391, %dma_wait3A_392, %dma_wait3A_393] : memref<8x128x16xf32, #tpu.memory_space<vmem>> -> memref<1x128x16xf32, #tpu.memory_space<vmem>>
        %dma_wait3A_395 = tpu.memref_squeeze %dma_wait3A_394 : memref<1x128x16xf32, #tpu.memory_space<vmem>> -> memref<128x16xf32, #tpu.memory_space<vmem>>
        %dma_wait3A_396 = arith.constant 0 : i32
        %dma_wait3A_397 = tpu.memref_slice %arg7[%add3A_263, %dma_wait3A_396] : memref<88x128xi32, #tpu.memory_space<vmem>> -> memref<1x128xi32, #tpu.memory_space<vmem>>
        %dma_wait3A_398 = tpu.memref_squeeze %dma_wait3A_397 : memref<1x128xi32, #tpu.memory_space<vmem>> -> memref<128xi32, #tpu.memory_space<vmem>>
        %dma_wait3A_399 = arith.constant 0 : i32
        %dma_wait3A_400 = arith.constant 0 : i32
        %dma_wait3A_401 = tpu.memref_slice %arg10[%dma_wait3A_399, %dma_wait3A_400] : memref<10008x16xf32, #tpu.memory_space<vmem_shared>> -> memref<10008x16xf32, #tpu.memory_space<vmem_shared>>
        tpu.wait_indirect_dma semaphore(%arg13 : memref<!tpu.dma_semaphore, #tpu.memory_space<semaphore_mem>>) src(%dma_wait3A_395 : memref<128x16xf32, #tpu.memory_space<vmem>>) dst(%dma_wait3A_401 : memref<10008x16xf32, #tpu.memory_space<vmem_shared>>)
        %dma_wait3A_402 = arith.constant 5 : i32
        %dma_wait3A_403 = arith.constant 0 : i32
        %dma_wait3A_404 = arith.constant 0 : i32
        %dma_wait3A_405 = tpu.memref_slice %arg8[%dma_wait3A_402, %dma_wait3A_403, %dma_wait3A_404] : memref<8x128x16xf32, #tpu.memory_space<vmem>> -> memref<1x128x16xf32, #tpu.memory_space<vmem>>
        %dma_wait3A_406 = tpu.memref_squeeze %dma_wait3A_405 : memref<1x128x16xf32, #tpu.memory_space<vmem>> -> memref<128x16xf32, #tpu.memory_space<vmem>>
        %dma_wait3A_407 = arith.constant 0 : i32
        %dma_wait3A_408 = tpu.memref_slice %arg7[%add3A_287, %dma_wait3A_407] : memref<88x128xi32, #tpu.memory_space<vmem>> -> memref<1x128xi32, #tpu.memory_space<vmem>>
        %dma_wait3A_409 = tpu.memref_squeeze %dma_wait3A_408 : memref<1x128xi32, #tpu.memory_space<vmem>> -> memref<128xi32, #tpu.memory_space<vmem>>
        %dma_wait3A_410 = arith.constant 0 : i32
        %dma_wait3A_411 = arith.constant 0 : i32
        %dma_wait3A_412 = tpu.memref_slice %arg10[%dma_wait3A_410, %dma_wait3A_411] : memref<10008x16xf32, #tpu.memory_space<vmem_shared>> -> memref<10008x16xf32, #tpu.memory_space<vmem_shared>>
        tpu.wait_indirect_dma semaphore(%arg13 : memref<!tpu.dma_semaphore, #tpu.memory_space<semaphore_mem>>) src(%dma_wait3A_406 : memref<128x16xf32, #tpu.memory_space<vmem>>) dst(%dma_wait3A_412 : memref<10008x16xf32, #tpu.memory_space<vmem_shared>>)
        %dma_wait3A_413 = arith.constant 6 : i32
        %dma_wait3A_414 = arith.constant 0 : i32
        %dma_wait3A_415 = arith.constant 0 : i32
        %dma_wait3A_416 = tpu.memref_slice %arg8[%dma_wait3A_413, %dma_wait3A_414, %dma_wait3A_415] : memref<8x128x16xf32, #tpu.memory_space<vmem>> -> memref<1x128x16xf32, #tpu.memory_space<vmem>>
        %dma_wait3A_417 = tpu.memref_squeeze %dma_wait3A_416 : memref<1x128x16xf32, #tpu.memory_space<vmem>> -> memref<128x16xf32, #tpu.memory_space<vmem>>
        %dma_wait3A_418 = arith.constant 0 : i32
        %dma_wait3A_419 = tpu.memref_slice %arg7[%add3A_311, %dma_wait3A_418] : memref<88x128xi32, #tpu.memory_space<vmem>> -> memref<1x128xi32, #tpu.memory_space<vmem>>
        %dma_wait3A_420 = tpu.memref_squeeze %dma_wait3A_419 : memref<1x128xi32, #tpu.memory_space<vmem>> -> memref<128xi32, #tpu.memory_space<vmem>>
        %dma_wait3A_421 = arith.constant 0 : i32
        %dma_wait3A_422 = arith.constant 0 : i32
        %dma_wait3A_423 = tpu.memref_slice %arg10[%dma_wait3A_421, %dma_wait3A_422] : memref<10008x16xf32, #tpu.memory_space<vmem_shared>> -> memref<10008x16xf32, #tpu.memory_space<vmem_shared>>
        tpu.wait_indirect_dma semaphore(%arg13 : memref<!tpu.dma_semaphore, #tpu.memory_space<semaphore_mem>>) src(%dma_wait3A_417 : memref<128x16xf32, #tpu.memory_space<vmem>>) dst(%dma_wait3A_423 : memref<10008x16xf32, #tpu.memory_space<vmem_shared>>)
        %dma_wait3A_424 = arith.constant 7 : i32
        %dma_wait3A_425 = arith.constant 0 : i32
        %dma_wait3A_426 = arith.constant 0 : i32
        %dma_wait3A_427 = tpu.memref_slice %arg8[%dma_wait3A_424, %dma_wait3A_425, %dma_wait3A_426] : memref<8x128x16xf32, #tpu.memory_space<vmem>> -> memref<1x128x16xf32, #tpu.memory_space<vmem>>
        %dma_wait3A_428 = tpu.memref_squeeze %dma_wait3A_427 : memref<1x128x16xf32, #tpu.memory_space<vmem>> -> memref<128x16xf32, #tpu.memory_space<vmem>>
        %dma_wait3A_429 = arith.constant 0 : i32
        %dma_wait3A_430 = tpu.memref_slice %arg7[%add3A_335, %dma_wait3A_429] : memref<88x128xi32, #tpu.memory_space<vmem>> -> memref<1x128xi32, #tpu.memory_space<vmem>>
        %dma_wait3A_431 = tpu.memref_squeeze %dma_wait3A_430 : memref<1x128xi32, #tpu.memory_space<vmem>> -> memref<128xi32, #tpu.memory_space<vmem>>
        %dma_wait3A_432 = arith.constant 0 : i32
        %dma_wait3A_433 = arith.constant 0 : i32
        %dma_wait3A_434 = tpu.memref_slice %arg10[%dma_wait3A_432, %dma_wait3A_433] : memref<10008x16xf32, #tpu.memory_space<vmem_shared>> -> memref<10008x16xf32, #tpu.memory_space<vmem_shared>>
        tpu.wait_indirect_dma semaphore(%arg13 : memref<!tpu.dma_semaphore, #tpu.memory_space<semaphore_mem>>) src(%dma_wait3A_428 : memref<128x16xf32, #tpu.memory_space<vmem>>) dst(%dma_wait3A_434 : memref<10008x16xf32, #tpu.memory_space<vmem_shared>>)
      } else {
      }
    }
    %scan3A_36 = arith.constant 11 : i32
    %barrier3A_37 = arith.constant 0 : index
    tpu.barrier barrier_id(%barrier3A_37)
    %lt3A_38 = arith.constant 15 : i32
    %lt3A_39 = arith.cmpi slt, %arg1, %lt3A_38 : i32
    %convert_element_type3A_40 = arith.extui %lt3A_39 : i1 to i32
    %cond3A_41 = arith.constant 0 : i32
    %cond3A_42 = arith.cmpi ne, %convert_element_type3A_40, %cond3A_41 : i32
    scf.if %cond3A_42 {
      %mul3A = arith.constant 632 : i32
      %mul3A_48 = arith.muli %arg1, %mul3A : i32
      %mul3A_49 = arith.constant 632 : i32
      %mul3A_50 = arith.muli %arg1, %mul3A_49 : i32
      "tpu.region"() ({
        %run_scoped3A = tpu.sem_alloc : memref<!tpu.dma_semaphore, #tpu.memory_space<semaphore_mem>>
        %dma_start3A = arith.constant 0 : i32
        %dma_start3A_51 = tpu.memref_slice %arg5[%arg0, %mul3A_50, %dma_start3A] : memref<2x10000x16xf32, #tpu.memory_space<hbm>> -> memref<1x632x16xf32, #tpu.memory_space<hbm>>
        %dma_start3A_52 = tpu.memref_squeeze %dma_start3A_51 : memref<1x632x16xf32, #tpu.memory_space<hbm>> -> memref<632x16xf32, #tpu.memory_space<hbm>>
        %dma_start3A_53 = arith.constant 0 : i32
        %dma_start3A_54 = tpu.memref_slice %arg10[%mul3A_48, %dma_start3A_53] : memref<10008x16xf32, #tpu.memory_space<vmem_shared>> -> memref<632x16xf32, #tpu.memory_space<vmem_shared>>
        tpu.enqueue_dma source(%dma_start3A_54 : memref<632x16xf32, #tpu.memory_space<vmem_shared>>) target(%dma_start3A_52 : memref<632x16xf32, #tpu.memory_space<hbm>>) target_semaphore(%run_scoped3A : memref<!tpu.dma_semaphore, #tpu.memory_space<semaphore_mem>>)
        %dma_wait3A = arith.constant 0 : i32
        %dma_wait3A_55 = tpu.memref_slice %arg5[%arg0, %mul3A_50, %dma_wait3A] : memref<2x10000x16xf32, #tpu.memory_space<hbm>> -> memref<1x632x16xf32, #tpu.memory_space<hbm>>
        %dma_wait3A_56 = tpu.memref_squeeze %dma_wait3A_55 : memref<1x632x16xf32, #tpu.memory_space<hbm>> -> memref<632x16xf32, #tpu.memory_space<hbm>>
        %dma_wait3A_57 = arith.constant 0 : i32
        %dma_wait3A_58 = tpu.memref_slice %arg10[%mul3A_48, %dma_wait3A_57] : memref<10008x16xf32, #tpu.memory_space<vmem_shared>> -> memref<632x16xf32, #tpu.memory_space<vmem_shared>>
        tpu.wait_dma2 semaphore(%run_scoped3A : memref<!tpu.dma_semaphore, #tpu.memory_space<semaphore_mem>>) src(%dma_wait3A_58 : memref<632x16xf32, #tpu.memory_space<vmem_shared>>) dst(%dma_wait3A_56 : memref<632x16xf32, #tpu.memory_space<hbm>>)
        tpu.yield
      }) : () -> ()
    } else {
    }
    %eq3A_43 = arith.constant 15 : i32
    %eq3A_44 = arith.cmpi eq, %arg1, %eq3A_43 : i32
    %convert_element_type3A_45 = arith.extui %eq3A_44 : i1 to i32
    %cond3A_46 = arith.constant 0 : i32
    %cond3A_47 = arith.cmpi ne, %convert_element_type3A_45, %cond3A_46 : i32
    scf.if %cond3A_47 {
      "tpu.region"() ({
        %run_scoped3A = tpu.sem_alloc : memref<!tpu.dma_semaphore, #tpu.memory_space<semaphore_mem>>
        %dma_start3A = arith.constant 9480 : i32
        %dma_start3A_48 = arith.constant 0 : i32
        %dma_start3A_49 = tpu.memref_slice %arg5[%arg0, %dma_start3A, %dma_start3A_48] : memref<2x10000x16xf32, #tpu.memory_space<hbm>> -> memref<1x520x16xf32, #tpu.memory_space<hbm>>
        %dma_start3A_50 = tpu.memref_squeeze %dma_start3A_49 : memref<1x520x16xf32, #tpu.memory_space<hbm>> -> memref<520x16xf32, #tpu.memory_space<hbm>>
        %dma_start3A_51 = arith.constant 9480 : i32
        %dma_start3A_52 = arith.constant 0 : i32
        %dma_start3A_53 = tpu.memref_slice %arg10[%dma_start3A_51, %dma_start3A_52] : memref<10008x16xf32, #tpu.memory_space<vmem_shared>> -> memref<520x16xf32, #tpu.memory_space<vmem_shared>>
        tpu.enqueue_dma source(%dma_start3A_53 : memref<520x16xf32, #tpu.memory_space<vmem_shared>>) target(%dma_start3A_50 : memref<520x16xf32, #tpu.memory_space<hbm>>) target_semaphore(%run_scoped3A : memref<!tpu.dma_semaphore, #tpu.memory_space<semaphore_mem>>)
        %dma_wait3A = arith.constant 9480 : i32
        %dma_wait3A_54 = arith.constant 0 : i32
        %dma_wait3A_55 = tpu.memref_slice %arg5[%arg0, %dma_wait3A, %dma_wait3A_54] : memref<2x10000x16xf32, #tpu.memory_space<hbm>> -> memref<1x520x16xf32, #tpu.memory_space<hbm>>
        %dma_wait3A_56 = tpu.memref_squeeze %dma_wait3A_55 : memref<1x520x16xf32, #tpu.memory_space<hbm>> -> memref<520x16xf32, #tpu.memory_space<hbm>>
        %dma_wait3A_57 = arith.constant 9480 : i32
        %dma_wait3A_58 = arith.constant 0 : i32
        %dma_wait3A_59 = tpu.memref_slice %arg10[%dma_wait3A_57, %dma_wait3A_58] : memref<10008x16xf32, #tpu.memory_space<vmem_shared>> -> memref<520x16xf32, #tpu.memory_space<vmem_shared>>
        tpu.wait_dma2 semaphore(%run_scoped3A : memref<!tpu.dma_semaphore, #tpu.memory_space<semaphore_mem>>) src(%dma_wait3A_59 : memref<520x16xf32, #tpu.memory_space<vmem_shared>>) dst(%dma_wait3A_56 : memref<520x16xf32, #tpu.memory_space<hbm>>)
        tpu.yield
      }) : () -> ()
    } else {
    }
    return
  }
}

#map = affine_map<(d0, d1) -> (0, 0)>
#map1 = affine_map<(d0, d1) -> (0, 0, 0)>
module attributes {stable_mosaic.version = 14 : i64} {
  func.func @_segsum(%arg0: i32, %arg1: i32, %arg2: memref<2560x128xi32, #tpu.memory_space<hbm>>, %arg3: memref<2560x128xi32, #tpu.memory_space<hbm>>, %arg4: memref<10000x16xf32, #tpu.memory_space<hbm>>, %arg5: memref<2x10000x16xf32, #tpu.memory_space<hbm>>, %arg6: memref<88x128xi32, #tpu.memory_space<vmem>>, %arg7: memref<88x128xi32, #tpu.memory_space<vmem>>, %arg8: memref<8x128x16xf32, #tpu.memory_space<vmem>>, %arg9: memref<632x16xf32, #tpu.memory_space<vmem>>, %arg10: memref<10008x16xf32, #tpu.memory_space<vmem_shared>>, %arg11: memref<10000x16xf32, #tpu.memory_space<vmem_shared>>, %arg12: memref<!tpu.dma_semaphore, #tpu.memory_space<semaphore_mem>>, %arg13: memref<!tpu.dma_semaphore, #tpu.memory_space<semaphore_mem>>) attributes {dimension_semantics = [#tpu.dimension_semantics<core_parallel>, #tpu.dimension_semantics<subcore_parallel>], iteration_bounds = array<i64: 2, 16>, scalar_prefetch = 0 : i64, scratch_operands = 8 : i64, tpu.core_type = #tpu.core_type<sc_vector_subcore>, window_params = [{transform_indices = #map}, {transform_indices = #map}, {transform_indices = #map}, {transform_indices = #map1}]} {
    %scan3A = arith.constant 0 : i32
    %scan3A_0 = arith.constant 0 : i32
    %scan3A_1 = arith.constant 632 : i32
    %scan3A_2 = arith.addi %scan3A_0, %scan3A_1 : i32
    %scan3A_3 = arith.constant 1 : i32
    scf.for %scan3A_48 = %scan3A_0 to %scan3A_2 step %scan3A_3  : i32 {
      %broadcast_in_dim3A = arith.constant 0.000000e+00 : f32
      %broadcast_in_dim3A_49 = vector.broadcast %broadcast_in_dim3A : f32 to vector<16xf32>
      %swap3A = arith.index_cast %scan3A_48 : i32 to index
      %swap3A_50 = arith.constant 0 : index
      %swap3A_51 = tpu.vector_load %arg9[%swap3A, %swap3A_50] {strides = array<i32>} : memref<632x16xf32, #tpu.memory_space<vmem>>, vector<1x16xf32>,
      %swap3A_52 = vector.shape_cast %swap3A_51 : vector<1x16xf32> to vector<16xf32>
      %swap3A_53 = vector.shape_cast %broadcast_in_dim3A_49 : vector<16xf32> to vector<1x16xf32>
      tpu.vector_store %arg9[%swap3A, %swap3A_50], %swap3A_53 {strides = array<i32>} : memref<632x16xf32, #tpu.memory_space<vmem>>, vector<1x16xf32>,
    }
    %scan3A_4 = arith.constant 632 : i32
    %lt3A = arith.constant 15 : i32
    %lt3A_5 = arith.cmpi slt, %arg1, %lt3A : i32
    %convert_element_type3A = arith.extui %lt3A_5 : i1 to i32
    %cond3A = arith.constant 0 : i32
    %cond3A_6 = arith.cmpi ne, %convert_element_type3A, %cond3A : i32
    scf.if %cond3A_6 {
      %mul3A = arith.constant 632 : i32
      %mul3A_48 = arith.muli %arg1, %mul3A : i32
      "tpu.region"() ({
        %run_scoped3A = tpu.sem_alloc : memref<!tpu.dma_semaphore, #tpu.memory_space<semaphore_mem>>
        %dma_start3A = arith.constant 0 : i32
        %dma_start3A_49 = tpu.memref_slice %arg10[%mul3A_48, %dma_start3A] : memref<10008x16xf32, #tpu.memory_space<vmem_shared>> -> memref<632x16xf32, #tpu.memory_space<vmem_shared>>
        %dma_start3A_50 = arith.constant 0 : i32
        %dma_start3A_51 = tpu.memref_slice %arg10[%mul3A_48, %dma_start3A_50] : memref<10008x16xf32, #tpu.memory_space<vmem_shared>> -> memref<632x16xf32, #tpu.memory_space<vmem_shared>>
        tpu.enqueue_dma source(%arg9 : memref<632x16xf32, #tpu.memory_space<vmem>>) target(%dma_start3A_51 : memref<632x16xf32, #tpu.memory_space<vmem_shared>>) target_semaphore(%run_scoped3A : memref<!tpu.dma_semaphore, #tpu.memory_space<semaphore_mem>>)
        %dma_wait3A = arith.constant 0 : i32
        %dma_wait3A_52 = tpu.memref_slice %arg10[%mul3A_48, %dma_wait3A] : memref<10008x16xf32, #tpu.memory_space<vmem_shared>> -> memref<632x16xf32, #tpu.memory_space<vmem_shared>>
        %dma_wait3A_53 = arith.constant 0 : i32
        %dma_wait3A_54 = tpu.memref_slice %arg10[%mul3A_48, %dma_wait3A_53] : memref<10008x16xf32, #tpu.memory_space<vmem_shared>> -> memref<632x16xf32, #tpu.memory_space<vmem_shared>>
        tpu.wait_dma2 semaphore(%run_scoped3A : memref<!tpu.dma_semaphore, #tpu.memory_space<semaphore_mem>>) src(%arg9 : memref<632x16xf32, #tpu.memory_space<vmem>>) dst(%dma_wait3A_54 : memref<632x16xf32, #tpu.memory_space<vmem_shared>>)
        tpu.yield
      }) : () -> ()
    } else {
    }
    %eq3A = arith.constant 15 : i32
    %eq3A_7 = arith.cmpi eq, %arg1, %eq3A : i32
    %convert_element_type3A_8 = arith.extui %eq3A_7 : i1 to i32
    %cond3A_9 = arith.constant 0 : i32
    %cond3A_10 = arith.cmpi ne, %convert_element_type3A_8, %cond3A_9 : i32
    scf.if %cond3A_10 {
      "tpu.region"() ({
        %run_scoped3A = tpu.sem_alloc : memref<!tpu.dma_semaphore, #tpu.memory_space<semaphore_mem>>
        %dma_start3A = arith.constant 0 : i32
        %dma_start3A_48 = arith.constant 0 : i32
        %dma_start3A_49 = tpu.memref_slice %arg9[%dma_start3A, %dma_start3A_48] : memref<632x16xf32, #tpu.memory_space<vmem>> -> memref<528x16xf32, #tpu.memory_space<vmem>>
        %dma_start3A_50 = arith.constant 9480 : i32
        %dma_start3A_51 = arith.constant 0 : i32
        %dma_start3A_52 = tpu.memref_slice %arg10[%dma_start3A_50, %dma_start3A_51] : memref<10008x16xf32, #tpu.memory_space<vmem_shared>> -> memref<528x16xf32, #tpu.memory_space<vmem_shared>>
        %dma_start3A_53 = arith.constant 9480 : i32
        %dma_start3A_54 = arith.constant 0 : i32
        %dma_start3A_55 = tpu.memref_slice %arg10[%dma_start3A_53, %dma_start3A_54] : memref<10008x16xf32, #tpu.memory_space<vmem_shared>> -> memref<528x16xf32, #tpu.memory_space<vmem_shared>>
        %dma_start3A_56 = arith.constant 0 : i32
        %dma_start3A_57 = arith.constant 0 : i32
        %dma_start3A_58 = tpu.memref_slice %arg9[%dma_start3A_56, %dma_start3A_57] : memref<632x16xf32, #tpu.memory_space<vmem>> -> memref<528x16xf32, #tpu.memory_space<vmem>>
        tpu.enqueue_dma source(%dma_start3A_58 : memref<528x16xf32, #tpu.memory_space<vmem>>) target(%dma_start3A_55 : memref<528x16xf32, #tpu.memory_space<vmem_shared>>) target_semaphore(%run_scoped3A : memref<!tpu.dma_semaphore, #tpu.memory_space<semaphore_mem>>)
        %dma_wait3A = arith.constant 0 : i32
        %dma_wait3A_59 = arith.constant 0 : i32
        %dma_wait3A_60 = tpu.memref_slice %arg9[%dma_wait3A, %dma_wait3A_59] : memref<632x16xf32, #tpu.memory_space<vmem>> -> memref<528x16xf32, #tpu.memory_space<vmem>>
        %dma_wait3A_61 = arith.constant 9480 : i32
        %dma_wait3A_62 = arith.constant 0 : i32
        %dma_wait3A_63 = tpu.memref_slice %arg10[%dma_wait3A_61, %dma_wait3A_62] : memref<10008x16xf32, #tpu.memory_space<vmem_shared>> -> memref<528x16xf32, #tpu.memory_space<vmem_shared>>
        %dma_wait3A_64 = arith.constant 9480 : i32
        %dma_wait3A_65 = arith.constant 0 : i32
        %dma_wait3A_66 = tpu.memref_slice %arg10[%dma_wait3A_64, %dma_wait3A_65] : memref<10008x16xf32, #tpu.memory_space<vmem_shared>> -> memref<528x16xf32, #tpu.memory_space<vmem_shared>>
        %dma_wait3A_67 = arith.constant 0 : i32
        %dma_wait3A_68 = arith.constant 0 : i32
        %dma_wait3A_69 = tpu.memref_slice %arg9[%dma_wait3A_67, %dma_wait3A_68] : memref<632x16xf32, #tpu.memory_space<vmem>> -> memref<528x16xf32, #tpu.memory_space<vmem>>
        tpu.wait_dma2 semaphore(%run_scoped3A : memref<!tpu.dma_semaphore, #tpu.memory_space<semaphore_mem>>) src(%dma_wait3A_69 : memref<528x16xf32, #tpu.memory_space<vmem>>) dst(%dma_wait3A_66 : memref<528x16xf32, #tpu.memory_space<vmem_shared>>)
        tpu.yield
      }) : () -> ()
    } else {
    }
    %lt3A_11 = arith.constant 15 : i32
    %lt3A_12 = arith.cmpi slt, %arg1, %lt3A_11 : i32
    %convert_element_type3A_13 = arith.extui %lt3A_12 : i1 to i32
    %cond3A_14 = arith.constant 0 : i32
    %cond3A_15 = arith.cmpi ne, %convert_element_type3A_13, %cond3A_14 : i32
    scf.if %cond3A_15 {
      %mul3A = arith.constant 632 : i32
      %mul3A_48 = arith.muli %arg1, %mul3A : i32
      %mul3A_49 = arith.constant 632 : i32
      %mul3A_50 = arith.muli %arg1, %mul3A_49 : i32
      "tpu.region"() ({
        %run_scoped3A = tpu.sem_alloc : memref<!tpu.dma_semaphore, #tpu.memory_space<semaphore_mem>>
        %dma_start3A = arith.constant 0 : i32
        %dma_start3A_51 = tpu.memref_slice %arg11[%mul3A_50, %dma_start3A] : memref<10000x16xf32, #tpu.memory_space<vmem_shared>> -> memref<632x16xf32, #tpu.memory_space<vmem_shared>>
        %dma_start3A_52 = arith.constant 0 : i32
        %dma_start3A_53 = tpu.memref_slice %arg4[%mul3A_48, %dma_start3A_52] : memref<10000x16xf32, #tpu.memory_space<hbm>> -> memref<632x16xf32, #tpu.memory_space<hbm>>
        tpu.enqueue_dma source(%dma_start3A_53 : memref<632x16xf32, #tpu.memory_space<hbm>>) target(%dma_start3A_51 : memref<632x16xf32, #tpu.memory_space<vmem_shared>>) target_semaphore(%run_scoped3A : memref<!tpu.dma_semaphore, #tpu.memory_space<semaphore_mem>>)
        %dma_wait3A = arith.constant 0 : i32
        %dma_wait3A_54 = tpu.memref_slice %arg11[%mul3A_50, %dma_wait3A] : memref<10000x16xf32, #tpu.memory_space<vmem_shared>> -> memref<632x16xf32, #tpu.memory_space<vmem_shared>>
        %dma_wait3A_55 = arith.constant 0 : i32
        %dma_wait3A_56 = tpu.memref_slice %arg4[%mul3A_48, %dma_wait3A_55] : memref<10000x16xf32, #tpu.memory_space<hbm>> -> memref<632x16xf32, #tpu.memory_space<hbm>>
        tpu.wait_dma2 semaphore(%run_scoped3A : memref<!tpu.dma_semaphore, #tpu.memory_space<semaphore_mem>>) src(%dma_wait3A_56 : memref<632x16xf32, #tpu.memory_space<hbm>>) dst(%dma_wait3A_54 : memref<632x16xf32, #tpu.memory_space<vmem_shared>>)
        tpu.yield
      }) : () -> ()
    } else {
    }
    %eq3A_16 = arith.constant 15 : i32
    %eq3A_17 = arith.cmpi eq, %arg1, %eq3A_16 : i32
    %convert_element_type3A_18 = arith.extui %eq3A_17 : i1 to i32
    %cond3A_19 = arith.constant 0 : i32
    %cond3A_20 = arith.cmpi ne, %convert_element_type3A_18, %cond3A_19 : i32
    scf.if %cond3A_20 {
      "tpu.region"() ({
        %run_scoped3A = tpu.sem_alloc : memref<!tpu.dma_semaphore, #tpu.memory_space<semaphore_mem>>
        %dma_start3A = arith.constant 9480 : i32
        %dma_start3A_48 = arith.constant 0 : i32
        %dma_start3A_49 = tpu.memref_slice %arg11[%dma_start3A, %dma_start3A_48] : memref<10000x16xf32, #tpu.memory_space<vmem_shared>> -> memref<520x16xf32, #tpu.memory_space<vmem_shared>>
        %dma_start3A_50 = arith.constant 9480 : i32
        %dma_start3A_51 = arith.constant 0 : i32
        %dma_start3A_52 = tpu.memref_slice %arg4[%dma_start3A_50, %dma_start3A_51] : memref<10000x16xf32, #tpu.memory_space<hbm>> -> memref<520x16xf32, #tpu.memory_space<hbm>>
        tpu.enqueue_dma source(%dma_start3A_52 : memref<520x16xf32, #tpu.memory_space<hbm>>) target(%dma_start3A_49 : memref<520x16xf32, #tpu.memory_space<vmem_shared>>) target_semaphore(%run_scoped3A : memref<!tpu.dma_semaphore, #tpu.memory_space<semaphore_mem>>)
        %dma_wait3A = arith.constant 9480 : i32
        %dma_wait3A_53 = arith.constant 0 : i32
        %dma_wait3A_54 = tpu.memref_slice %arg11[%dma_wait3A, %dma_wait3A_53] : memref<10000x16xf32, #tpu.memory_space<vmem_shared>> -> memref<520x16xf32, #tpu.memory_space<vmem_shared>>
        %dma_wait3A_55 = arith.constant 9480 : i32
        %dma_wait3A_56 = arith.constant 0 : i32
        %dma_wait3A_57 = tpu.memref_slice %arg4[%dma_wait3A_55, %dma_wait3A_56] : memref<10000x16xf32, #tpu.memory_space<hbm>> -> memref<520x16xf32, #tpu.memory_space<hbm>>
        tpu.wait_dma2 semaphore(%run_scoped3A : memref<!tpu.dma_semaphore, #tpu.memory_space<semaphore_mem>>) src(%dma_wait3A_57 : memref<520x16xf32, #tpu.memory_space<hbm>>) dst(%dma_wait3A_54 : memref<520x16xf32, #tpu.memory_space<vmem_shared>>)
        tpu.yield
      }) : () -> ()
    } else {
    }
    %eq3A_21 = arith.constant 0 : i32
    %eq3A_22 = arith.cmpi eq, %arg0, %eq3A_21 : i32
    %convert_element_type3A_23 = arith.extui %eq3A_22 : i1 to i32
    %cond3A_24 = arith.constant 0 : i32
    %cond3A_25 = arith.cmpi ne, %convert_element_type3A_23, %cond3A_24 : i32
    scf.if %cond3A_25 {
      %mul3A = arith.constant 88 : i32
      %mul3A_48 = arith.muli %arg1, %mul3A : i32
      "tpu.region"() ({
        %run_scoped3A = tpu.sem_alloc : memref<!tpu.dma_semaphore, #tpu.memory_space<semaphore_mem>>
        %dma_start3A = arith.constant 0 : i32
        %dma_start3A_51 = tpu.memref_slice %arg2[%mul3A_48, %dma_start3A] : memref<2560x128xi32, #tpu.memory_space<hbm>> -> memref<88x128xi32, #tpu.memory_space<hbm>>
        %dma_start3A_52 = arith.constant 0 : i32
        %dma_start3A_53 = tpu.memref_slice %arg2[%mul3A_48, %dma_start3A_52] : memref<2560x128xi32, #tpu.memory_space<hbm>> -> memref<88x128xi32, #tpu.memory_space<hbm>>
        tpu.enqueue_dma source(%dma_start3A_53 : memref<88x128xi32, #tpu.memory_space<hbm>>) target(%arg6 : memref<88x128xi32, #tpu.memory_space<vmem>>) target_semaphore(%run_scoped3A : memref<!tpu.dma_semaphore, #tpu.memory_space<semaphore_mem>>)
        %dma_wait3A = arith.constant 0 : i32
        %dma_wait3A_54 = tpu.memref_slice %arg2[%mul3A_48, %dma_wait3A] : memref<2560x128xi32, #tpu.memory_space<hbm>> -> memref<88x128xi32, #tpu.memory_space<hbm>>
        %dma_wait3A_55 = arith.constant 0 : i32
        %dma_wait3A_56 = tpu.memref_slice %arg2[%mul3A_48, %dma_wait3A_55] : memref<2560x128xi32, #tpu.memory_space<hbm>> -> memref<88x128xi32, #tpu.memory_space<hbm>>
        tpu.wait_dma2 semaphore(%run_scoped3A : memref<!tpu.dma_semaphore, #tpu.memory_space<semaphore_mem>>) src(%dma_wait3A_56 : memref<88x128xi32, #tpu.memory_space<hbm>>) dst(%arg6 : memref<88x128xi32, #tpu.memory_space<vmem>>)
        tpu.yield
      }) : () -> ()
      %mul3A_49 = arith.constant 88 : i32
      %mul3A_50 = arith.muli %arg1, %mul3A_49 : i32
      "tpu.region"() ({
        %run_scoped3A = tpu.sem_alloc : memref<!tpu.dma_semaphore, #tpu.memory_space<semaphore_mem>>
        %dma_start3A = arith.constant 0 : i32
        %dma_start3A_51 = tpu.memref_slice %arg3[%mul3A_50, %dma_start3A] : memref<2560x128xi32, #tpu.memory_space<hbm>> -> memref<88x128xi32, #tpu.memory_space<hbm>>
        %dma_start3A_52 = arith.constant 0 : i32
        %dma_start3A_53 = tpu.memref_slice %arg3[%mul3A_50, %dma_start3A_52] : memref<2560x128xi32, #tpu.memory_space<hbm>> -> memref<88x128xi32, #tpu.memory_space<hbm>>
        tpu.enqueue_dma source(%dma_start3A_53 : memref<88x128xi32, #tpu.memory_space<hbm>>) target(%arg7 : memref<88x128xi32, #tpu.memory_space<vmem>>) target_semaphore(%run_scoped3A : memref<!tpu.dma_semaphore, #tpu.memory_space<semaphore_mem>>)
        %dma_wait3A = arith.constant 0 : i32
        %dma_wait3A_54 = tpu.memref_slice %arg3[%mul3A_50, %dma_wait3A] : memref<2560x128xi32, #tpu.memory_space<hbm>> -> memref<88x128xi32, #tpu.memory_space<hbm>>
        %dma_wait3A_55 = arith.constant 0 : i32
        %dma_wait3A_56 = tpu.memref_slice %arg3[%mul3A_50, %dma_wait3A_55] : memref<2560x128xi32, #tpu.memory_space<hbm>> -> memref<88x128xi32, #tpu.memory_space<hbm>>
        tpu.wait_dma2 semaphore(%run_scoped3A : memref<!tpu.dma_semaphore, #tpu.memory_space<semaphore_mem>>) src(%dma_wait3A_56 : memref<88x128xi32, #tpu.memory_space<hbm>>) dst(%arg7 : memref<88x128xi32, #tpu.memory_space<vmem>>)
        tpu.yield
      }) : () -> ()
    } else {
    }
    %not3A = arith.constant true
    %not3A_26 = arith.xori %eq3A_22, %not3A : i1
    %convert_element_type3A_27 = arith.extui %not3A_26 : i1 to i32
    %cond3A_28 = arith.constant 0 : i32
    %cond3A_29 = arith.cmpi ne, %convert_element_type3A_27, %cond3A_28 : i32
    scf.if %cond3A_29 {
      %mul3A = arith.constant 72 : i32
      %mul3A_48 = arith.muli %arg1, %mul3A : i32
      %add3A = arith.constant 1408 : i32
      %add3A_49 = arith.addi %add3A, %mul3A_48 : i32
      "tpu.region"() ({
        %run_scoped3A = tpu.sem_alloc : memref<!tpu.dma_semaphore, #tpu.memory_space<semaphore_mem>>
        %dma_start3A = arith.constant 0 : i32
        %dma_start3A_54 = arith.constant 0 : i32
        %dma_start3A_55 = tpu.memref_slice %arg6[%dma_start3A, %dma_start3A_54] : memref<88x128xi32, #tpu.memory_space<vmem>> -> memref<72x128xi32, #tpu.memory_space<vmem>>
        %dma_start3A_56 = arith.constant 0 : i32
        %dma_start3A_57 = tpu.memref_slice %arg2[%add3A_49, %dma_start3A_56] : memref<2560x128xi32, #tpu.memory_space<hbm>> -> memref<72x128xi32, #tpu.memory_space<hbm>>
        %dma_start3A_58 = arith.constant 0 : i32
        %dma_start3A_59 = arith.constant 0 : i32
        %dma_start3A_60 = tpu.memref_slice %arg6[%dma_start3A_58, %dma_start3A_59] : memref<88x128xi32, #tpu.memory_space<vmem>> -> memref<72x128xi32, #tpu.memory_space<vmem>>
        %dma_start3A_61 = arith.constant 0 : i32
        %dma_start3A_62 = tpu.memref_slice %arg2[%add3A_49, %dma_start3A_61] : memref<2560x128xi32, #tpu.memory_space<hbm>> -> memref<72x128xi32, #tpu.memory_space<hbm>>
        tpu.enqueue_dma source(%dma_start3A_62 : memref<72x128xi32, #tpu.memory_space<hbm>>) target(%dma_start3A_60 : memref<72x128xi32, #tpu.memory_space<vmem>>) target_semaphore(%run_scoped3A : memref<!tpu.dma_semaphore, #tpu.memory_space<semaphore_mem>>)
        %dma_wait3A = arith.constant 0 : i32
        %dma_wait3A_63 = arith.constant 0 : i32
        %dma_wait3A_64 = tpu.memref_slice %arg6[%dma_wait3A, %dma_wait3A_63] : memref<88x128xi32, #tpu.memory_space<vmem>> -> memref<72x128xi32, #tpu.memory_space<vmem>>
        %dma_wait3A_65 = arith.constant 0 : i32
        %dma_wait3A_66 = tpu.memref_slice %arg2[%add3A_49, %dma_wait3A_65] : memref<2560x128xi32, #tpu.memory_space<hbm>> -> memref<72x128xi32, #tpu.memory_space<hbm>>
        %dma_wait3A_67 = arith.constant 0 : i32
        %dma_wait3A_68 = arith.constant 0 : i32
        %dma_wait3A_69 = tpu.memref_slice %arg6[%dma_wait3A_67, %dma_wait3A_68] : memref<88x128xi32, #tpu.memory_space<vmem>> -> memref<72x128xi32, #tpu.memory_space<vmem>>
        %dma_wait3A_70 = arith.constant 0 : i32
        %dma_wait3A_71 = tpu.memref_slice %arg2[%add3A_49, %dma_wait3A_70] : memref<2560x128xi32, #tpu.memory_space<hbm>> -> memref<72x128xi32, #tpu.memory_space<hbm>>
        tpu.wait_dma2 semaphore(%run_scoped3A : memref<!tpu.dma_semaphore, #tpu.memory_space<semaphore_mem>>) src(%dma_wait3A_71 : memref<72x128xi32, #tpu.memory_space<hbm>>) dst(%dma_wait3A_69 : memref<72x128xi32, #tpu.memory_space<vmem>>)
        tpu.yield
      }) : () -> ()
      %mul3A_50 = arith.constant 72 : i32
      %mul3A_51 = arith.muli %arg1, %mul3A_50 : i32
      %add3A_52 = arith.constant 1408 : i32
      %add3A_53 = arith.addi %add3A_52, %mul3A_51 : i32
      "tpu.region"() ({
        %run_scoped3A = tpu.sem_alloc : memref<!tpu.dma_semaphore, #tpu.memory_space<semaphore_mem>>
        %dma_start3A = arith.constant 0 : i32
        %dma_start3A_54 = arith.constant 0 : i32
        %dma_start3A_55 = tpu.memref_slice %arg7[%dma_start3A, %dma_start3A_54] : memref<88x128xi32, #tpu.memory_space<vmem>> -> memref<72x128xi32, #tpu.memory_space<vmem>>
        %dma_start3A_56 = arith.constant 0 : i32
        %dma_start3A_57 = tpu.memref_slice %arg3[%add3A_53, %dma_start3A_56] : memref<2560x128xi32, #tpu.memory_space<hbm>> -> memref<72x128xi32, #tpu.memory_space<hbm>>
        %dma_start3A_58 = arith.constant 0 : i32
        %dma_start3A_59 = arith.constant 0 : i32
        %dma_start3A_60 = tpu.memref_slice %arg7[%dma_start3A_58, %dma_start3A_59] : memref<88x128xi32, #tpu.memory_space<vmem>> -> memref<72x128xi32, #tpu.memory_space<vmem>>
        %dma_start3A_61 = arith.constant 0 : i32
        %dma_start3A_62 = tpu.memref_slice %arg3[%add3A_53, %dma_start3A_61] : memref<2560x128xi32, #tpu.memory_space<hbm>> -> memref<72x128xi32, #tpu.memory_space<hbm>>
        tpu.enqueue_dma source(%dma_start3A_62 : memref<72x128xi32, #tpu.memory_space<hbm>>) target(%dma_start3A_60 : memref<72x128xi32, #tpu.memory_space<vmem>>) target_semaphore(%run_scoped3A : memref<!tpu.dma_semaphore, #tpu.memory_space<semaphore_mem>>)
        %dma_wait3A = arith.constant 0 : i32
        %dma_wait3A_63 = arith.constant 0 : i32
        %dma_wait3A_64 = tpu.memref_slice %arg7[%dma_wait3A, %dma_wait3A_63] : memref<88x128xi32, #tpu.memory_space<vmem>> -> memref<72x128xi32, #tpu.memory_space<vmem>>
        %dma_wait3A_65 = arith.constant 0 : i32
        %dma_wait3A_66 = tpu.memref_slice %arg3[%add3A_53, %dma_wait3A_65] : memref<2560x128xi32, #tpu.memory_space<hbm>> -> memref<72x128xi32, #tpu.memory_space<hbm>>
        %dma_wait3A_67 = arith.constant 0 : i32
        %dma_wait3A_68 = arith.constant 0 : i32
        %dma_wait3A_69 = tpu.memref_slice %arg7[%dma_wait3A_67, %dma_wait3A_68] : memref<88x128xi32, #tpu.memory_space<vmem>> -> memref<72x128xi32, #tpu.memory_space<vmem>>
        %dma_wait3A_70 = arith.constant 0 : i32
        %dma_wait3A_71 = tpu.memref_slice %arg3[%add3A_53, %dma_wait3A_70] : memref<2560x128xi32, #tpu.memory_space<hbm>> -> memref<72x128xi32, #tpu.memory_space<hbm>>
        tpu.wait_dma2 semaphore(%run_scoped3A : memref<!tpu.dma_semaphore, #tpu.memory_space<semaphore_mem>>) src(%dma_wait3A_71 : memref<72x128xi32, #tpu.memory_space<hbm>>) dst(%dma_wait3A_69 : memref<72x128xi32, #tpu.memory_space<vmem>>)
        tpu.yield
      }) : () -> ()
    } else {
    }
    %barrier3A = arith.constant 0 : index
    tpu.barrier barrier_id(%barrier3A)
    %jit3A = arith.constant 11 : i32
    %jit3A_30 = arith.constant 9 : i32
    %select_n3A = arith.select %eq3A_22, %jit3A, %jit3A_30 : i32
    %scan3A_31 = arith.constant 0 : i32
    %scan3A_32 = arith.constant 0 : i32
    %scan3A_33 = arith.constant 11 : i32
    %scan3A_34 = arith.addi %scan3A_32, %scan3A_33 : i32
    %scan3A_35 = arith.constant 1 : i32
    scf.for %scan3A_48 = %scan3A_32 to %scan3A_34 step %scan3A_35  : i32 {
      %lt3A_49 = arith.cmpi slt, %scan3A_48, %select_n3A : i32
      %convert_element_type3A_50 = arith.extui %lt3A_49 : i1 to i32
      %cond3A_51 = arith.constant 0 : i32
      %cond3A_52 = arith.cmpi ne, %convert_element_type3A_50, %cond3A_51 : i32
      scf.if %cond3A_52 {
        %mul3A = arith.constant 8 : i32
        %mul3A_53 = arith.muli %scan3A_48, %mul3A : i32
        %add3A = arith.constant 0 : i32
        %add3A_54 = arith.addi %mul3A_53, %add3A : i32
        %dma_start3A = arith.constant 0 : i32
        %dma_start3A_55 = arith.constant 0 : i32
        %dma_start3A_56 = arith.constant 0 : i32
        %dma_start3A_57 = tpu.memref_slice %arg8[%dma_start3A, %dma_start3A_55, %dma_start3A_56] : memref<8x128x16xf32, #tpu.memory_space<vmem>> -> memref<1x128x16xf32, #tpu.memory_space<vmem>>
        %dma_start3A_58 = tpu.memref_squeeze %dma_start3A_57 : memref<1x128x16xf32, #tpu.memory_space<vmem>> -> memref<128x16xf32, #tpu.memory_space<vmem>>
        %dma_start3A_59 = arith.constant 0 : i32
        %dma_start3A_60 = tpu.memref_slice %arg6[%add3A_54, %dma_start3A_59] : memref<88x128xi32, #tpu.memory_space<vmem>> -> memref<1x128xi32, #tpu.memory_space<vmem>>
        %dma_start3A_61 = tpu.memref_squeeze %dma_start3A_60 : memref<1x128xi32, #tpu.memory_space<vmem>> -> memref<128xi32, #tpu.memory_space<vmem>>
        %dma_start3A_62 = arith.constant 0 : i32
        %dma_start3A_63 = arith.constant 0 : i32
        %dma_start3A_64 = tpu.memref_slice %arg11[%dma_start3A_62, %dma_start3A_63] : memref<10000x16xf32, #tpu.memory_space<vmem_shared>> -> memref<10000x16xf32, #tpu.memory_space<vmem_shared>>
        tpu.enqueue_indirect_dma source(%dma_start3A_64 : memref<10000x16xf32, #tpu.memory_space<vmem_shared>>) target(%dma_start3A_58 : memref<128x16xf32, #tpu.memory_space<vmem>>) offsets(%dma_start3A_61 : memref<128xi32, #tpu.memory_space<vmem>>) semaphore(%arg12 : memref<!tpu.dma_semaphore, #tpu.memory_space<semaphore_mem>>)
        %add3A_65 = arith.constant 1 : i32
        %add3A_66 = arith.addi %mul3A_53, %add3A_65 : i32
        %dma_start3A_67 = arith.constant 1 : i32
        %dma_start3A_68 = arith.constant 0 : i32
        %dma_start3A_69 = arith.constant 0 : i32
        %dma_start3A_70 = tpu.memref_slice %arg8[%dma_start3A_67, %dma_start3A_68, %dma_start3A_69] : memref<8x128x16xf32, #tpu.memory_space<vmem>> -> memref<1x128x16xf32, #tpu.memory_space<vmem>>
        %dma_start3A_71 = tpu.memref_squeeze %dma_start3A_70 : memref<1x128x16xf32, #tpu.memory_space<vmem>> -> memref<128x16xf32, #tpu.memory_space<vmem>>
        %dma_start3A_72 = arith.constant 0 : i32
        %dma_start3A_73 = tpu.memref_slice %arg6[%add3A_66, %dma_start3A_72] : memref<88x128xi32, #tpu.memory_space<vmem>> -> memref<1x128xi32, #tpu.memory_space<vmem>>
        %dma_start3A_74 = tpu.memref_squeeze %dma_start3A_73 : memref<1x128xi32, #tpu.memory_space<vmem>> -> memref<128xi32, #tpu.memory_space<vmem>>
        %dma_start3A_75 = arith.constant 0 : i32
        %dma_start3A_76 = arith.constant 0 : i32
        %dma_start3A_77 = tpu.memref_slice %arg11[%dma_start3A_75, %dma_start3A_76] : memref<10000x16xf32, #tpu.memory_space<vmem_shared>> -> memref<10000x16xf32, #tpu.memory_space<vmem_shared>>
        tpu.enqueue_indirect_dma source(%dma_start3A_77 : memref<10000x16xf32, #tpu.memory_space<vmem_shared>>) target(%dma_start3A_71 : memref<128x16xf32, #tpu.memory_space<vmem>>) offsets(%dma_start3A_74 : memref<128xi32, #tpu.memory_space<vmem>>) semaphore(%arg12 : memref<!tpu.dma_semaphore, #tpu.memory_space<semaphore_mem>>)
        %add3A_78 = arith.constant 2 : i32
        %add3A_79 = arith.addi %mul3A_53, %add3A_78 : i32
        %dma_start3A_80 = arith.constant 2 : i32
        %dma_start3A_81 = arith.constant 0 : i32
        %dma_start3A_82 = arith.constant 0 : i32
        %dma_start3A_83 = tpu.memref_slice %arg8[%dma_start3A_80, %dma_start3A_81, %dma_start3A_82] : memref<8x128x16xf32, #tpu.memory_space<vmem>> -> memref<1x128x16xf32, #tpu.memory_space<vmem>>
        %dma_start3A_84 = tpu.memref_squeeze %dma_start3A_83 : memref<1x128x16xf32, #tpu.memory_space<vmem>> -> memref<128x16xf32, #tpu.memory_space<vmem>>
        %dma_start3A_85 = arith.constant 0 : i32
        %dma_start3A_86 = tpu.memref_slice %arg6[%add3A_79, %dma_start3A_85] : memref<88x128xi32, #tpu.memory_space<vmem>> -> memref<1x128xi32, #tpu.memory_space<vmem>>
        %dma_start3A_87 = tpu.memref_squeeze %dma_start3A_86 : memref<1x128xi32, #tpu.memory_space<vmem>> -> memref<128xi32, #tpu.memory_space<vmem>>
        %dma_start3A_88 = arith.constant 0 : i32
        %dma_start3A_89 = arith.constant 0 : i32
        %dma_start3A_90 = tpu.memref_slice %arg11[%dma_start3A_88, %dma_start3A_89] : memref<10000x16xf32, #tpu.memory_space<vmem_shared>> -> memref<10000x16xf32, #tpu.memory_space<vmem_shared>>
        tpu.enqueue_indirect_dma source(%dma_start3A_90 : memref<10000x16xf32, #tpu.memory_space<vmem_shared>>) target(%dma_start3A_84 : memref<128x16xf32, #tpu.memory_space<vmem>>) offsets(%dma_start3A_87 : memref<128xi32, #tpu.memory_space<vmem>>) semaphore(%arg12 : memref<!tpu.dma_semaphore, #tpu.memory_space<semaphore_mem>>)
        %add3A_91 = arith.constant 3 : i32
        %add3A_92 = arith.addi %mul3A_53, %add3A_91 : i32
        %dma_start3A_93 = arith.constant 3 : i32
        %dma_start3A_94 = arith.constant 0 : i32
        %dma_start3A_95 = arith.constant 0 : i32
        %dma_start3A_96 = tpu.memref_slice %arg8[%dma_start3A_93, %dma_start3A_94, %dma_start3A_95] : memref<8x128x16xf32, #tpu.memory_space<vmem>> -> memref<1x128x16xf32, #tpu.memory_space<vmem>>
        %dma_start3A_97 = tpu.memref_squeeze %dma_start3A_96 : memref<1x128x16xf32, #tpu.memory_space<vmem>> -> memref<128x16xf32, #tpu.memory_space<vmem>>
        %dma_start3A_98 = arith.constant 0 : i32
        %dma_start3A_99 = tpu.memref_slice %arg6[%add3A_92, %dma_start3A_98] : memref<88x128xi32, #tpu.memory_space<vmem>> -> memref<1x128xi32, #tpu.memory_space<vmem>>
        %dma_start3A_100 = tpu.memref_squeeze %dma_start3A_99 : memref<1x128xi32, #tpu.memory_space<vmem>> -> memref<128xi32, #tpu.memory_space<vmem>>
        %dma_start3A_101 = arith.constant 0 : i32
        %dma_start3A_102 = arith.constant 0 : i32
        %dma_start3A_103 = tpu.memref_slice %arg11[%dma_start3A_101, %dma_start3A_102] : memref<10000x16xf32, #tpu.memory_space<vmem_shared>> -> memref<10000x16xf32, #tpu.memory_space<vmem_shared>>
        tpu.enqueue_indirect_dma source(%dma_start3A_103 : memref<10000x16xf32, #tpu.memory_space<vmem_shared>>) target(%dma_start3A_97 : memref<128x16xf32, #tpu.memory_space<vmem>>) offsets(%dma_start3A_100 : memref<128xi32, #tpu.memory_space<vmem>>) semaphore(%arg12 : memref<!tpu.dma_semaphore, #tpu.memory_space<semaphore_mem>>)
        %add3A_104 = arith.constant 4 : i32
        %add3A_105 = arith.addi %mul3A_53, %add3A_104 : i32
        %dma_start3A_106 = arith.constant 4 : i32
        %dma_start3A_107 = arith.constant 0 : i32
        %dma_start3A_108 = arith.constant 0 : i32
        %dma_start3A_109 = tpu.memref_slice %arg8[%dma_start3A_106, %dma_start3A_107, %dma_start3A_108] : memref<8x128x16xf32, #tpu.memory_space<vmem>> -> memref<1x128x16xf32, #tpu.memory_space<vmem>>
        %dma_start3A_110 = tpu.memref_squeeze %dma_start3A_109 : memref<1x128x16xf32, #tpu.memory_space<vmem>> -> memref<128x16xf32, #tpu.memory_space<vmem>>
        %dma_start3A_111 = arith.constant 0 : i32
        %dma_start3A_112 = tpu.memref_slice %arg6[%add3A_105, %dma_start3A_111] : memref<88x128xi32, #tpu.memory_space<vmem>> -> memref<1x128xi32, #tpu.memory_space<vmem>>
        %dma_start3A_113 = tpu.memref_squeeze %dma_start3A_112 : memref<1x128xi32, #tpu.memory_space<vmem>> -> memref<128xi32, #tpu.memory_space<vmem>>
        %dma_start3A_114 = arith.constant 0 : i32
        %dma_start3A_115 = arith.constant 0 : i32
        %dma_start3A_116 = tpu.memref_slice %arg11[%dma_start3A_114, %dma_start3A_115] : memref<10000x16xf32, #tpu.memory_space<vmem_shared>> -> memref<10000x16xf32, #tpu.memory_space<vmem_shared>>
        tpu.enqueue_indirect_dma source(%dma_start3A_116 : memref<10000x16xf32, #tpu.memory_space<vmem_shared>>) target(%dma_start3A_110 : memref<128x16xf32, #tpu.memory_space<vmem>>) offsets(%dma_start3A_113 : memref<128xi32, #tpu.memory_space<vmem>>) semaphore(%arg12 : memref<!tpu.dma_semaphore, #tpu.memory_space<semaphore_mem>>)
        %add3A_117 = arith.constant 5 : i32
        %add3A_118 = arith.addi %mul3A_53, %add3A_117 : i32
        %dma_start3A_119 = arith.constant 5 : i32
        %dma_start3A_120 = arith.constant 0 : i32
        %dma_start3A_121 = arith.constant 0 : i32
        %dma_start3A_122 = tpu.memref_slice %arg8[%dma_start3A_119, %dma_start3A_120, %dma_start3A_121] : memref<8x128x16xf32, #tpu.memory_space<vmem>> -> memref<1x128x16xf32, #tpu.memory_space<vmem>>
        %dma_start3A_123 = tpu.memref_squeeze %dma_start3A_122 : memref<1x128x16xf32, #tpu.memory_space<vmem>> -> memref<128x16xf32, #tpu.memory_space<vmem>>
        %dma_start3A_124 = arith.constant 0 : i32
        %dma_start3A_125 = tpu.memref_slice %arg6[%add3A_118, %dma_start3A_124] : memref<88x128xi32, #tpu.memory_space<vmem>> -> memref<1x128xi32, #tpu.memory_space<vmem>>
        %dma_start3A_126 = tpu.memref_squeeze %dma_start3A_125 : memref<1x128xi32, #tpu.memory_space<vmem>> -> memref<128xi32, #tpu.memory_space<vmem>>
        %dma_start3A_127 = arith.constant 0 : i32
        %dma_start3A_128 = arith.constant 0 : i32
        %dma_start3A_129 = tpu.memref_slice %arg11[%dma_start3A_127, %dma_start3A_128] : memref<10000x16xf32, #tpu.memory_space<vmem_shared>> -> memref<10000x16xf32, #tpu.memory_space<vmem_shared>>
        tpu.enqueue_indirect_dma source(%dma_start3A_129 : memref<10000x16xf32, #tpu.memory_space<vmem_shared>>) target(%dma_start3A_123 : memref<128x16xf32, #tpu.memory_space<vmem>>) offsets(%dma_start3A_126 : memref<128xi32, #tpu.memory_space<vmem>>) semaphore(%arg12 : memref<!tpu.dma_semaphore, #tpu.memory_space<semaphore_mem>>)
        %add3A_130 = arith.constant 6 : i32
        %add3A_131 = arith.addi %mul3A_53, %add3A_130 : i32
        %dma_start3A_132 = arith.constant 6 : i32
        %dma_start3A_133 = arith.constant 0 : i32
        %dma_start3A_134 = arith.constant 0 : i32
        %dma_start3A_135 = tpu.memref_slice %arg8[%dma_start3A_132, %dma_start3A_133, %dma_start3A_134] : memref<8x128x16xf32, #tpu.memory_space<vmem>> -> memref<1x128x16xf32, #tpu.memory_space<vmem>>
        %dma_start3A_136 = tpu.memref_squeeze %dma_start3A_135 : memref<1x128x16xf32, #tpu.memory_space<vmem>> -> memref<128x16xf32, #tpu.memory_space<vmem>>
        %dma_start3A_137 = arith.constant 0 : i32
        %dma_start3A_138 = tpu.memref_slice %arg6[%add3A_131, %dma_start3A_137] : memref<88x128xi32, #tpu.memory_space<vmem>> -> memref<1x128xi32, #tpu.memory_space<vmem>>
        %dma_start3A_139 = tpu.memref_squeeze %dma_start3A_138 : memref<1x128xi32, #tpu.memory_space<vmem>> -> memref<128xi32, #tpu.memory_space<vmem>>
        %dma_start3A_140 = arith.constant 0 : i32
        %dma_start3A_141 = arith.constant 0 : i32
        %dma_start3A_142 = tpu.memref_slice %arg11[%dma_start3A_140, %dma_start3A_141] : memref<10000x16xf32, #tpu.memory_space<vmem_shared>> -> memref<10000x16xf32, #tpu.memory_space<vmem_shared>>
        tpu.enqueue_indirect_dma source(%dma_start3A_142 : memref<10000x16xf32, #tpu.memory_space<vmem_shared>>) target(%dma_start3A_136 : memref<128x16xf32, #tpu.memory_space<vmem>>) offsets(%dma_start3A_139 : memref<128xi32, #tpu.memory_space<vmem>>) semaphore(%arg12 : memref<!tpu.dma_semaphore, #tpu.memory_space<semaphore_mem>>)
        %add3A_143 = arith.constant 7 : i32
        %add3A_144 = arith.addi %mul3A_53, %add3A_143 : i32
        %dma_start3A_145 = arith.constant 7 : i32
        %dma_start3A_146 = arith.constant 0 : i32
        %dma_start3A_147 = arith.constant 0 : i32
        %dma_start3A_148 = tpu.memref_slice %arg8[%dma_start3A_145, %dma_start3A_146, %dma_start3A_147] : memref<8x128x16xf32, #tpu.memory_space<vmem>> -> memref<1x128x16xf32, #tpu.memory_space<vmem>>
        %dma_start3A_149 = tpu.memref_squeeze %dma_start3A_148 : memref<1x128x16xf32, #tpu.memory_space<vmem>> -> memref<128x16xf32, #tpu.memory_space<vmem>>
        %dma_start3A_150 = arith.constant 0 : i32
        %dma_start3A_151 = tpu.memref_slice %arg6[%add3A_144, %dma_start3A_150] : memref<88x128xi32, #tpu.memory_space<vmem>> -> memref<1x128xi32, #tpu.memory_space<vmem>>
        %dma_start3A_152 = tpu.memref_squeeze %dma_start3A_151 : memref<1x128xi32, #tpu.memory_space<vmem>> -> memref<128xi32, #tpu.memory_space<vmem>>
        %dma_start3A_153 = arith.constant 0 : i32
        %dma_start3A_154 = arith.constant 0 : i32
        %dma_start3A_155 = tpu.memref_slice %arg11[%dma_start3A_153, %dma_start3A_154] : memref<10000x16xf32, #tpu.memory_space<vmem_shared>> -> memref<10000x16xf32, #tpu.memory_space<vmem_shared>>
        tpu.enqueue_indirect_dma source(%dma_start3A_155 : memref<10000x16xf32, #tpu.memory_space<vmem_shared>>) target(%dma_start3A_149 : memref<128x16xf32, #tpu.memory_space<vmem>>) offsets(%dma_start3A_152 : memref<128xi32, #tpu.memory_space<vmem>>) semaphore(%arg12 : memref<!tpu.dma_semaphore, #tpu.memory_space<semaphore_mem>>)
        %dma_wait3A = arith.constant 0 : i32
        %dma_wait3A_156 = arith.constant 0 : i32
        %dma_wait3A_157 = arith.constant 0 : i32
        %dma_wait3A_158 = tpu.memref_slice %arg8[%dma_wait3A, %dma_wait3A_156, %dma_wait3A_157] : memref<8x128x16xf32, #tpu.memory_space<vmem>> -> memref<1x128x16xf32, #tpu.memory_space<vmem>>
        %dma_wait3A_159 = tpu.memref_squeeze %dma_wait3A_158 : memref<1x128x16xf32, #tpu.memory_space<vmem>> -> memref<128x16xf32, #tpu.memory_space<vmem>>
        %dma_wait3A_160 = arith.constant 0 : i32
        %dma_wait3A_161 = tpu.memref_slice %arg6[%add3A_54, %dma_wait3A_160] : memref<88x128xi32, #tpu.memory_space<vmem>> -> memref<1x128xi32, #tpu.memory_space<vmem>>
        %dma_wait3A_162 = tpu.memref_squeeze %dma_wait3A_161 : memref<1x128xi32, #tpu.memory_space<vmem>> -> memref<128xi32, #tpu.memory_space<vmem>>
        %dma_wait3A_163 = arith.constant 0 : i32
        %dma_wait3A_164 = arith.constant 0 : i32
        %dma_wait3A_165 = tpu.memref_slice %arg11[%dma_wait3A_163, %dma_wait3A_164] : memref<10000x16xf32, #tpu.memory_space<vmem_shared>> -> memref<10000x16xf32, #tpu.memory_space<vmem_shared>>
        tpu.wait_indirect_dma semaphore(%arg12 : memref<!tpu.dma_semaphore, #tpu.memory_space<semaphore_mem>>) src(%dma_wait3A_165 : memref<10000x16xf32, #tpu.memory_space<vmem_shared>>) dst(%dma_wait3A_159 : memref<128x16xf32, #tpu.memory_space<vmem>>)
        %add3A_166 = arith.constant 0 : i32
        %add3A_167 = arith.addi %mul3A_53, %add3A_166 : i32
        %dma_start3A_168 = arith.constant 0 : i32
        %dma_start3A_169 = arith.constant 0 : i32
        %dma_start3A_170 = arith.constant 0 : i32
        %dma_start3A_171 = tpu.memref_slice %arg8[%dma_start3A_168, %dma_start3A_169, %dma_start3A_170] : memref<8x128x16xf32, #tpu.memory_space<vmem>> -> memref<1x128x16xf32, #tpu.memory_space<vmem>>
        %dma_start3A_172 = tpu.memref_squeeze %dma_start3A_171 : memref<1x128x16xf32, #tpu.memory_space<vmem>> -> memref<128x16xf32, #tpu.memory_space<vmem>>
        %dma_start3A_173 = arith.constant 0 : i32
        %dma_start3A_174 = tpu.memref_slice %arg7[%add3A_167, %dma_start3A_173] : memref<88x128xi32, #tpu.memory_space<vmem>> -> memref<1x128xi32, #tpu.memory_space<vmem>>
        %dma_start3A_175 = tpu.memref_squeeze %dma_start3A_174 : memref<1x128xi32, #tpu.memory_space<vmem>> -> memref<128xi32, #tpu.memory_space<vmem>>
        %dma_start3A_176 = arith.constant 0 : i32
        %dma_start3A_177 = arith.constant 0 : i32
        %dma_start3A_178 = tpu.memref_slice %arg10[%dma_start3A_176, %dma_start3A_177] : memref<10008x16xf32, #tpu.memory_space<vmem_shared>> -> memref<10008x16xf32, #tpu.memory_space<vmem_shared>>
        tpu.enqueue_indirect_dma source(%dma_start3A_172 : memref<128x16xf32, #tpu.memory_space<vmem>>) target(%dma_start3A_178 : memref<10008x16xf32, #tpu.memory_space<vmem_shared>>) offsets(%dma_start3A_175 : memref<128xi32, #tpu.memory_space<vmem>>) semaphore(%arg13 : memref<!tpu.dma_semaphore, #tpu.memory_space<semaphore_mem>>) {add = true}
        %dma_wait3A_179 = arith.constant 1 : i32
        %dma_wait3A_180 = arith.constant 0 : i32
        %dma_wait3A_181 = arith.constant 0 : i32
        %dma_wait3A_182 = tpu.memref_slice %arg8[%dma_wait3A_179, %dma_wait3A_180, %dma_wait3A_181] : memref<8x128x16xf32, #tpu.memory_space<vmem>> -> memref<1x128x16xf32, #tpu.memory_space<vmem>>
        %dma_wait3A_183 = tpu.memref_squeeze %dma_wait3A_182 : memref<1x128x16xf32, #tpu.memory_space<vmem>> -> memref<128x16xf32, #tpu.memory_space<vmem>>
        %dma_wait3A_184 = arith.constant 0 : i32
        %dma_wait3A_185 = tpu.memref_slice %arg6[%add3A_66, %dma_wait3A_184] : memref<88x128xi32, #tpu.memory_space<vmem>> -> memref<1x128xi32, #tpu.memory_space<vmem>>
        %dma_wait3A_186 = tpu.memref_squeeze %dma_wait3A_185 : memref<1x128xi32, #tpu.memory_space<vmem>> -> memref<128xi32, #tpu.memory_space<vmem>>
        %dma_wait3A_187 = arith.constant 0 : i32
        %dma_wait3A_188 = arith.constant 0 : i32
        %dma_wait3A_189 = tpu.memref_slice %arg11[%dma_wait3A_187, %dma_wait3A_188] : memref<10000x16xf32, #tpu.memory_space<vmem_shared>> -> memref<10000x16xf32, #tpu.memory_space<vmem_shared>>
        tpu.wait_indirect_dma semaphore(%arg12 : memref<!tpu.dma_semaphore, #tpu.memory_space<semaphore_mem>>) src(%dma_wait3A_189 : memref<10000x16xf32, #tpu.memory_space<vmem_shared>>) dst(%dma_wait3A_183 : memref<128x16xf32, #tpu.memory_space<vmem>>)
        %add3A_190 = arith.constant 1 : i32
        %add3A_191 = arith.addi %mul3A_53, %add3A_190 : i32
        %dma_start3A_192 = arith.constant 1 : i32
        %dma_start3A_193 = arith.constant 0 : i32
        %dma_start3A_194 = arith.constant 0 : i32
        %dma_start3A_195 = tpu.memref_slice %arg8[%dma_start3A_192, %dma_start3A_193, %dma_start3A_194] : memref<8x128x16xf32, #tpu.memory_space<vmem>> -> memref<1x128x16xf32, #tpu.memory_space<vmem>>
        %dma_start3A_196 = tpu.memref_squeeze %dma_start3A_195 : memref<1x128x16xf32, #tpu.memory_space<vmem>> -> memref<128x16xf32, #tpu.memory_space<vmem>>
        %dma_start3A_197 = arith.constant 0 : i32
        %dma_start3A_198 = tpu.memref_slice %arg7[%add3A_191, %dma_start3A_197] : memref<88x128xi32, #tpu.memory_space<vmem>> -> memref<1x128xi32, #tpu.memory_space<vmem>>
        %dma_start3A_199 = tpu.memref_squeeze %dma_start3A_198 : memref<1x128xi32, #tpu.memory_space<vmem>> -> memref<128xi32, #tpu.memory_space<vmem>>
        %dma_start3A_200 = arith.constant 0 : i32
        %dma_start3A_201 = arith.constant 0 : i32
        %dma_start3A_202 = tpu.memref_slice %arg10[%dma_start3A_200, %dma_start3A_201] : memref<10008x16xf32, #tpu.memory_space<vmem_shared>> -> memref<10008x16xf32, #tpu.memory_space<vmem_shared>>
        tpu.enqueue_indirect_dma source(%dma_start3A_196 : memref<128x16xf32, #tpu.memory_space<vmem>>) target(%dma_start3A_202 : memref<10008x16xf32, #tpu.memory_space<vmem_shared>>) offsets(%dma_start3A_199 : memref<128xi32, #tpu.memory_space<vmem>>) semaphore(%arg13 : memref<!tpu.dma_semaphore, #tpu.memory_space<semaphore_mem>>) {add = true}
        %dma_wait3A_203 = arith.constant 2 : i32
        %dma_wait3A_204 = arith.constant 0 : i32
        %dma_wait3A_205 = arith.constant 0 : i32
        %dma_wait3A_206 = tpu.memref_slice %arg8[%dma_wait3A_203, %dma_wait3A_204, %dma_wait3A_205] : memref<8x128x16xf32, #tpu.memory_space<vmem>> -> memref<1x128x16xf32, #tpu.memory_space<vmem>>
        %dma_wait3A_207 = tpu.memref_squeeze %dma_wait3A_206 : memref<1x128x16xf32, #tpu.memory_space<vmem>> -> memref<128x16xf32, #tpu.memory_space<vmem>>
        %dma_wait3A_208 = arith.constant 0 : i32
        %dma_wait3A_209 = tpu.memref_slice %arg6[%add3A_79, %dma_wait3A_208] : memref<88x128xi32, #tpu.memory_space<vmem>> -> memref<1x128xi32, #tpu.memory_space<vmem>>
        %dma_wait3A_210 = tpu.memref_squeeze %dma_wait3A_209 : memref<1x128xi32, #tpu.memory_space<vmem>> -> memref<128xi32, #tpu.memory_space<vmem>>
        %dma_wait3A_211 = arith.constant 0 : i32
        %dma_wait3A_212 = arith.constant 0 : i32
        %dma_wait3A_213 = tpu.memref_slice %arg11[%dma_wait3A_211, %dma_wait3A_212] : memref<10000x16xf32, #tpu.memory_space<vmem_shared>> -> memref<10000x16xf32, #tpu.memory_space<vmem_shared>>
        tpu.wait_indirect_dma semaphore(%arg12 : memref<!tpu.dma_semaphore, #tpu.memory_space<semaphore_mem>>) src(%dma_wait3A_213 : memref<10000x16xf32, #tpu.memory_space<vmem_shared>>) dst(%dma_wait3A_207 : memref<128x16xf32, #tpu.memory_space<vmem>>)
        %add3A_214 = arith.constant 2 : i32
        %add3A_215 = arith.addi %mul3A_53, %add3A_214 : i32
        %dma_start3A_216 = arith.constant 2 : i32
        %dma_start3A_217 = arith.constant 0 : i32
        %dma_start3A_218 = arith.constant 0 : i32
        %dma_start3A_219 = tpu.memref_slice %arg8[%dma_start3A_216, %dma_start3A_217, %dma_start3A_218] : memref<8x128x16xf32, #tpu.memory_space<vmem>> -> memref<1x128x16xf32, #tpu.memory_space<vmem>>
        %dma_start3A_220 = tpu.memref_squeeze %dma_start3A_219 : memref<1x128x16xf32, #tpu.memory_space<vmem>> -> memref<128x16xf32, #tpu.memory_space<vmem>>
        %dma_start3A_221 = arith.constant 0 : i32
        %dma_start3A_222 = tpu.memref_slice %arg7[%add3A_215, %dma_start3A_221] : memref<88x128xi32, #tpu.memory_space<vmem>> -> memref<1x128xi32, #tpu.memory_space<vmem>>
        %dma_start3A_223 = tpu.memref_squeeze %dma_start3A_222 : memref<1x128xi32, #tpu.memory_space<vmem>> -> memref<128xi32, #tpu.memory_space<vmem>>
        %dma_start3A_224 = arith.constant 0 : i32
        %dma_start3A_225 = arith.constant 0 : i32
        %dma_start3A_226 = tpu.memref_slice %arg10[%dma_start3A_224, %dma_start3A_225] : memref<10008x16xf32, #tpu.memory_space<vmem_shared>> -> memref<10008x16xf32, #tpu.memory_space<vmem_shared>>
        tpu.enqueue_indirect_dma source(%dma_start3A_220 : memref<128x16xf32, #tpu.memory_space<vmem>>) target(%dma_start3A_226 : memref<10008x16xf32, #tpu.memory_space<vmem_shared>>) offsets(%dma_start3A_223 : memref<128xi32, #tpu.memory_space<vmem>>) semaphore(%arg13 : memref<!tpu.dma_semaphore, #tpu.memory_space<semaphore_mem>>) {add = true}
        %dma_wait3A_227 = arith.constant 3 : i32
        %dma_wait3A_228 = arith.constant 0 : i32
        %dma_wait3A_229 = arith.constant 0 : i32
        %dma_wait3A_230 = tpu.memref_slice %arg8[%dma_wait3A_227, %dma_wait3A_228, %dma_wait3A_229] : memref<8x128x16xf32, #tpu.memory_space<vmem>> -> memref<1x128x16xf32, #tpu.memory_space<vmem>>
        %dma_wait3A_231 = tpu.memref_squeeze %dma_wait3A_230 : memref<1x128x16xf32, #tpu.memory_space<vmem>> -> memref<128x16xf32, #tpu.memory_space<vmem>>
        %dma_wait3A_232 = arith.constant 0 : i32
        %dma_wait3A_233 = tpu.memref_slice %arg6[%add3A_92, %dma_wait3A_232] : memref<88x128xi32, #tpu.memory_space<vmem>> -> memref<1x128xi32, #tpu.memory_space<vmem>>
        %dma_wait3A_234 = tpu.memref_squeeze %dma_wait3A_233 : memref<1x128xi32, #tpu.memory_space<vmem>> -> memref<128xi32, #tpu.memory_space<vmem>>
        %dma_wait3A_235 = arith.constant 0 : i32
        %dma_wait3A_236 = arith.constant 0 : i32
        %dma_wait3A_237 = tpu.memref_slice %arg11[%dma_wait3A_235, %dma_wait3A_236] : memref<10000x16xf32, #tpu.memory_space<vmem_shared>> -> memref<10000x16xf32, #tpu.memory_space<vmem_shared>>
        tpu.wait_indirect_dma semaphore(%arg12 : memref<!tpu.dma_semaphore, #tpu.memory_space<semaphore_mem>>) src(%dma_wait3A_237 : memref<10000x16xf32, #tpu.memory_space<vmem_shared>>) dst(%dma_wait3A_231 : memref<128x16xf32, #tpu.memory_space<vmem>>)
        %add3A_238 = arith.constant 3 : i32
        %add3A_239 = arith.addi %mul3A_53, %add3A_238 : i32
        %dma_start3A_240 = arith.constant 3 : i32
        %dma_start3A_241 = arith.constant 0 : i32
        %dma_start3A_242 = arith.constant 0 : i32
        %dma_start3A_243 = tpu.memref_slice %arg8[%dma_start3A_240, %dma_start3A_241, %dma_start3A_242] : memref<8x128x16xf32, #tpu.memory_space<vmem>> -> memref<1x128x16xf32, #tpu.memory_space<vmem>>
        %dma_start3A_244 = tpu.memref_squeeze %dma_start3A_243 : memref<1x128x16xf32, #tpu.memory_space<vmem>> -> memref<128x16xf32, #tpu.memory_space<vmem>>
        %dma_start3A_245 = arith.constant 0 : i32
        %dma_start3A_246 = tpu.memref_slice %arg7[%add3A_239, %dma_start3A_245] : memref<88x128xi32, #tpu.memory_space<vmem>> -> memref<1x128xi32, #tpu.memory_space<vmem>>
        %dma_start3A_247 = tpu.memref_squeeze %dma_start3A_246 : memref<1x128xi32, #tpu.memory_space<vmem>> -> memref<128xi32, #tpu.memory_space<vmem>>
        %dma_start3A_248 = arith.constant 0 : i32
        %dma_start3A_249 = arith.constant 0 : i32
        %dma_start3A_250 = tpu.memref_slice %arg10[%dma_start3A_248, %dma_start3A_249] : memref<10008x16xf32, #tpu.memory_space<vmem_shared>> -> memref<10008x16xf32, #tpu.memory_space<vmem_shared>>
        tpu.enqueue_indirect_dma source(%dma_start3A_244 : memref<128x16xf32, #tpu.memory_space<vmem>>) target(%dma_start3A_250 : memref<10008x16xf32, #tpu.memory_space<vmem_shared>>) offsets(%dma_start3A_247 : memref<128xi32, #tpu.memory_space<vmem>>) semaphore(%arg13 : memref<!tpu.dma_semaphore, #tpu.memory_space<semaphore_mem>>) {add = true}
        %dma_wait3A_251 = arith.constant 4 : i32
        %dma_wait3A_252 = arith.constant 0 : i32
        %dma_wait3A_253 = arith.constant 0 : i32
        %dma_wait3A_254 = tpu.memref_slice %arg8[%dma_wait3A_251, %dma_wait3A_252, %dma_wait3A_253] : memref<8x128x16xf32, #tpu.memory_space<vmem>> -> memref<1x128x16xf32, #tpu.memory_space<vmem>>
        %dma_wait3A_255 = tpu.memref_squeeze %dma_wait3A_254 : memref<1x128x16xf32, #tpu.memory_space<vmem>> -> memref<128x16xf32, #tpu.memory_space<vmem>>
        %dma_wait3A_256 = arith.constant 0 : i32
        %dma_wait3A_257 = tpu.memref_slice %arg6[%add3A_105, %dma_wait3A_256] : memref<88x128xi32, #tpu.memory_space<vmem>> -> memref<1x128xi32, #tpu.memory_space<vmem>>
        %dma_wait3A_258 = tpu.memref_squeeze %dma_wait3A_257 : memref<1x128xi32, #tpu.memory_space<vmem>> -> memref<128xi32, #tpu.memory_space<vmem>>
        %dma_wait3A_259 = arith.constant 0 : i32
        %dma_wait3A_260 = arith.constant 0 : i32
        %dma_wait3A_261 = tpu.memref_slice %arg11[%dma_wait3A_259, %dma_wait3A_260] : memref<10000x16xf32, #tpu.memory_space<vmem_shared>> -> memref<10000x16xf32, #tpu.memory_space<vmem_shared>>
        tpu.wait_indirect_dma semaphore(%arg12 : memref<!tpu.dma_semaphore, #tpu.memory_space<semaphore_mem>>) src(%dma_wait3A_261 : memref<10000x16xf32, #tpu.memory_space<vmem_shared>>) dst(%dma_wait3A_255 : memref<128x16xf32, #tpu.memory_space<vmem>>)
        %add3A_262 = arith.constant 4 : i32
        %add3A_263 = arith.addi %mul3A_53, %add3A_262 : i32
        %dma_start3A_264 = arith.constant 4 : i32
        %dma_start3A_265 = arith.constant 0 : i32
        %dma_start3A_266 = arith.constant 0 : i32
        %dma_start3A_267 = tpu.memref_slice %arg8[%dma_start3A_264, %dma_start3A_265, %dma_start3A_266] : memref<8x128x16xf32, #tpu.memory_space<vmem>> -> memref<1x128x16xf32, #tpu.memory_space<vmem>>
        %dma_start3A_268 = tpu.memref_squeeze %dma_start3A_267 : memref<1x128x16xf32, #tpu.memory_space<vmem>> -> memref<128x16xf32, #tpu.memory_space<vmem>>
        %dma_start3A_269 = arith.constant 0 : i32
        %dma_start3A_270 = tpu.memref_slice %arg7[%add3A_263, %dma_start3A_269] : memref<88x128xi32, #tpu.memory_space<vmem>> -> memref<1x128xi32, #tpu.memory_space<vmem>>
        %dma_start3A_271 = tpu.memref_squeeze %dma_start3A_270 : memref<1x128xi32, #tpu.memory_space<vmem>> -> memref<128xi32, #tpu.memory_space<vmem>>
        %dma_start3A_272 = arith.constant 0 : i32
        %dma_start3A_273 = arith.constant 0 : i32
        %dma_start3A_274 = tpu.memref_slice %arg10[%dma_start3A_272, %dma_start3A_273] : memref<10008x16xf32, #tpu.memory_space<vmem_shared>> -> memref<10008x16xf32, #tpu.memory_space<vmem_shared>>
        tpu.enqueue_indirect_dma source(%dma_start3A_268 : memref<128x16xf32, #tpu.memory_space<vmem>>) target(%dma_start3A_274 : memref<10008x16xf32, #tpu.memory_space<vmem_shared>>) offsets(%dma_start3A_271 : memref<128xi32, #tpu.memory_space<vmem>>) semaphore(%arg13 : memref<!tpu.dma_semaphore, #tpu.memory_space<semaphore_mem>>) {add = true}
        %dma_wait3A_275 = arith.constant 5 : i32
        %dma_wait3A_276 = arith.constant 0 : i32
        %dma_wait3A_277 = arith.constant 0 : i32
        %dma_wait3A_278 = tpu.memref_slice %arg8[%dma_wait3A_275, %dma_wait3A_276, %dma_wait3A_277] : memref<8x128x16xf32, #tpu.memory_space<vmem>> -> memref<1x128x16xf32, #tpu.memory_space<vmem>>
        %dma_wait3A_279 = tpu.memref_squeeze %dma_wait3A_278 : memref<1x128x16xf32, #tpu.memory_space<vmem>> -> memref<128x16xf32, #tpu.memory_space<vmem>>
        %dma_wait3A_280 = arith.constant 0 : i32
        %dma_wait3A_281 = tpu.memref_slice %arg6[%add3A_118, %dma_wait3A_280] : memref<88x128xi32, #tpu.memory_space<vmem>> -> memref<1x128xi32, #tpu.memory_space<vmem>>
        %dma_wait3A_282 = tpu.memref_squeeze %dma_wait3A_281 : memref<1x128xi32, #tpu.memory_space<vmem>> -> memref<128xi32, #tpu.memory_space<vmem>>
        %dma_wait3A_283 = arith.constant 0 : i32
        %dma_wait3A_284 = arith.constant 0 : i32
        %dma_wait3A_285 = tpu.memref_slice %arg11[%dma_wait3A_283, %dma_wait3A_284] : memref<10000x16xf32, #tpu.memory_space<vmem_shared>> -> memref<10000x16xf32, #tpu.memory_space<vmem_shared>>
        tpu.wait_indirect_dma semaphore(%arg12 : memref<!tpu.dma_semaphore, #tpu.memory_space<semaphore_mem>>) src(%dma_wait3A_285 : memref<10000x16xf32, #tpu.memory_space<vmem_shared>>) dst(%dma_wait3A_279 : memref<128x16xf32, #tpu.memory_space<vmem>>)
        %add3A_286 = arith.constant 5 : i32
        %add3A_287 = arith.addi %mul3A_53, %add3A_286 : i32
        %dma_start3A_288 = arith.constant 5 : i32
        %dma_start3A_289 = arith.constant 0 : i32
        %dma_start3A_290 = arith.constant 0 : i32
        %dma_start3A_291 = tpu.memref_slice %arg8[%dma_start3A_288, %dma_start3A_289, %dma_start3A_290] : memref<8x128x16xf32, #tpu.memory_space<vmem>> -> memref<1x128x16xf32, #tpu.memory_space<vmem>>
        %dma_start3A_292 = tpu.memref_squeeze %dma_start3A_291 : memref<1x128x16xf32, #tpu.memory_space<vmem>> -> memref<128x16xf32, #tpu.memory_space<vmem>>
        %dma_start3A_293 = arith.constant 0 : i32
        %dma_start3A_294 = tpu.memref_slice %arg7[%add3A_287, %dma_start3A_293] : memref<88x128xi32, #tpu.memory_space<vmem>> -> memref<1x128xi32, #tpu.memory_space<vmem>>
        %dma_start3A_295 = tpu.memref_squeeze %dma_start3A_294 : memref<1x128xi32, #tpu.memory_space<vmem>> -> memref<128xi32, #tpu.memory_space<vmem>>
        %dma_start3A_296 = arith.constant 0 : i32
        %dma_start3A_297 = arith.constant 0 : i32
        %dma_start3A_298 = tpu.memref_slice %arg10[%dma_start3A_296, %dma_start3A_297] : memref<10008x16xf32, #tpu.memory_space<vmem_shared>> -> memref<10008x16xf32, #tpu.memory_space<vmem_shared>>
        tpu.enqueue_indirect_dma source(%dma_start3A_292 : memref<128x16xf32, #tpu.memory_space<vmem>>) target(%dma_start3A_298 : memref<10008x16xf32, #tpu.memory_space<vmem_shared>>) offsets(%dma_start3A_295 : memref<128xi32, #tpu.memory_space<vmem>>) semaphore(%arg13 : memref<!tpu.dma_semaphore, #tpu.memory_space<semaphore_mem>>) {add = true}
        %dma_wait3A_299 = arith.constant 6 : i32
        %dma_wait3A_300 = arith.constant 0 : i32
        %dma_wait3A_301 = arith.constant 0 : i32
        %dma_wait3A_302 = tpu.memref_slice %arg8[%dma_wait3A_299, %dma_wait3A_300, %dma_wait3A_301] : memref<8x128x16xf32, #tpu.memory_space<vmem>> -> memref<1x128x16xf32, #tpu.memory_space<vmem>>
        %dma_wait3A_303 = tpu.memref_squeeze %dma_wait3A_302 : memref<1x128x16xf32, #tpu.memory_space<vmem>> -> memref<128x16xf32, #tpu.memory_space<vmem>>
        %dma_wait3A_304 = arith.constant 0 : i32
        %dma_wait3A_305 = tpu.memref_slice %arg6[%add3A_131, %dma_wait3A_304] : memref<88x128xi32, #tpu.memory_space<vmem>> -> memref<1x128xi32, #tpu.memory_space<vmem>>
        %dma_wait3A_306 = tpu.memref_squeeze %dma_wait3A_305 : memref<1x128xi32, #tpu.memory_space<vmem>> -> memref<128xi32, #tpu.memory_space<vmem>>
        %dma_wait3A_307 = arith.constant 0 : i32
        %dma_wait3A_308 = arith.constant 0 : i32
        %dma_wait3A_309 = tpu.memref_slice %arg11[%dma_wait3A_307, %dma_wait3A_308] : memref<10000x16xf32, #tpu.memory_space<vmem_shared>> -> memref<10000x16xf32, #tpu.memory_space<vmem_shared>>
        tpu.wait_indirect_dma semaphore(%arg12 : memref<!tpu.dma_semaphore, #tpu.memory_space<semaphore_mem>>) src(%dma_wait3A_309 : memref<10000x16xf32, #tpu.memory_space<vmem_shared>>) dst(%dma_wait3A_303 : memref<128x16xf32, #tpu.memory_space<vmem>>)
        %add3A_310 = arith.constant 6 : i32
        %add3A_311 = arith.addi %mul3A_53, %add3A_310 : i32
        %dma_start3A_312 = arith.constant 6 : i32
        %dma_start3A_313 = arith.constant 0 : i32
        %dma_start3A_314 = arith.constant 0 : i32
        %dma_start3A_315 = tpu.memref_slice %arg8[%dma_start3A_312, %dma_start3A_313, %dma_start3A_314] : memref<8x128x16xf32, #tpu.memory_space<vmem>> -> memref<1x128x16xf32, #tpu.memory_space<vmem>>
        %dma_start3A_316 = tpu.memref_squeeze %dma_start3A_315 : memref<1x128x16xf32, #tpu.memory_space<vmem>> -> memref<128x16xf32, #tpu.memory_space<vmem>>
        %dma_start3A_317 = arith.constant 0 : i32
        %dma_start3A_318 = tpu.memref_slice %arg7[%add3A_311, %dma_start3A_317] : memref<88x128xi32, #tpu.memory_space<vmem>> -> memref<1x128xi32, #tpu.memory_space<vmem>>
        %dma_start3A_319 = tpu.memref_squeeze %dma_start3A_318 : memref<1x128xi32, #tpu.memory_space<vmem>> -> memref<128xi32, #tpu.memory_space<vmem>>
        %dma_start3A_320 = arith.constant 0 : i32
        %dma_start3A_321 = arith.constant 0 : i32
        %dma_start3A_322 = tpu.memref_slice %arg10[%dma_start3A_320, %dma_start3A_321] : memref<10008x16xf32, #tpu.memory_space<vmem_shared>> -> memref<10008x16xf32, #tpu.memory_space<vmem_shared>>
        tpu.enqueue_indirect_dma source(%dma_start3A_316 : memref<128x16xf32, #tpu.memory_space<vmem>>) target(%dma_start3A_322 : memref<10008x16xf32, #tpu.memory_space<vmem_shared>>) offsets(%dma_start3A_319 : memref<128xi32, #tpu.memory_space<vmem>>) semaphore(%arg13 : memref<!tpu.dma_semaphore, #tpu.memory_space<semaphore_mem>>) {add = true}
        %dma_wait3A_323 = arith.constant 7 : i32
        %dma_wait3A_324 = arith.constant 0 : i32
        %dma_wait3A_325 = arith.constant 0 : i32
        %dma_wait3A_326 = tpu.memref_slice %arg8[%dma_wait3A_323, %dma_wait3A_324, %dma_wait3A_325] : memref<8x128x16xf32, #tpu.memory_space<vmem>> -> memref<1x128x16xf32, #tpu.memory_space<vmem>>
        %dma_wait3A_327 = tpu.memref_squeeze %dma_wait3A_326 : memref<1x128x16xf32, #tpu.memory_space<vmem>> -> memref<128x16xf32, #tpu.memory_space<vmem>>
        %dma_wait3A_328 = arith.constant 0 : i32
        %dma_wait3A_329 = tpu.memref_slice %arg6[%add3A_144, %dma_wait3A_328] : memref<88x128xi32, #tpu.memory_space<vmem>> -> memref<1x128xi32, #tpu.memory_space<vmem>>
        %dma_wait3A_330 = tpu.memref_squeeze %dma_wait3A_329 : memref<1x128xi32, #tpu.memory_space<vmem>> -> memref<128xi32, #tpu.memory_space<vmem>>
        %dma_wait3A_331 = arith.constant 0 : i32
        %dma_wait3A_332 = arith.constant 0 : i32
        %dma_wait3A_333 = tpu.memref_slice %arg11[%dma_wait3A_331, %dma_wait3A_332] : memref<10000x16xf32, #tpu.memory_space<vmem_shared>> -> memref<10000x16xf32, #tpu.memory_space<vmem_shared>>
        tpu.wait_indirect_dma semaphore(%arg12 : memref<!tpu.dma_semaphore, #tpu.memory_space<semaphore_mem>>) src(%dma_wait3A_333 : memref<10000x16xf32, #tpu.memory_space<vmem_shared>>) dst(%dma_wait3A_327 : memref<128x16xf32, #tpu.memory_space<vmem>>)
        %add3A_334 = arith.constant 7 : i32
        %add3A_335 = arith.addi %mul3A_53, %add3A_334 : i32
        %dma_start3A_336 = arith.constant 7 : i32
        %dma_start3A_337 = arith.constant 0 : i32
        %dma_start3A_338 = arith.constant 0 : i32
        %dma_start3A_339 = tpu.memref_slice %arg8[%dma_start3A_336, %dma_start3A_337, %dma_start3A_338] : memref<8x128x16xf32, #tpu.memory_space<vmem>> -> memref<1x128x16xf32, #tpu.memory_space<vmem>>
        %dma_start3A_340 = tpu.memref_squeeze %dma_start3A_339 : memref<1x128x16xf32, #tpu.memory_space<vmem>> -> memref<128x16xf32, #tpu.memory_space<vmem>>
        %dma_start3A_341 = arith.constant 0 : i32
        %dma_start3A_342 = tpu.memref_slice %arg7[%add3A_335, %dma_start3A_341] : memref<88x128xi32, #tpu.memory_space<vmem>> -> memref<1x128xi32, #tpu.memory_space<vmem>>
        %dma_start3A_343 = tpu.memref_squeeze %dma_start3A_342 : memref<1x128xi32, #tpu.memory_space<vmem>> -> memref<128xi32, #tpu.memory_space<vmem>>
        %dma_start3A_344 = arith.constant 0 : i32
        %dma_start3A_345 = arith.constant 0 : i32
        %dma_start3A_346 = tpu.memref_slice %arg10[%dma_start3A_344, %dma_start3A_345] : memref<10008x16xf32, #tpu.memory_space<vmem_shared>> -> memref<10008x16xf32, #tpu.memory_space<vmem_shared>>
        tpu.enqueue_indirect_dma source(%dma_start3A_340 : memref<128x16xf32, #tpu.memory_space<vmem>>) target(%dma_start3A_346 : memref<10008x16xf32, #tpu.memory_space<vmem_shared>>) offsets(%dma_start3A_343 : memref<128xi32, #tpu.memory_space<vmem>>) semaphore(%arg13 : memref<!tpu.dma_semaphore, #tpu.memory_space<semaphore_mem>>) {add = true}
        %dma_wait3A_347 = arith.constant 0 : i32
        %dma_wait3A_348 = arith.constant 0 : i32
        %dma_wait3A_349 = arith.constant 0 : i32
        %dma_wait3A_350 = tpu.memref_slice %arg8[%dma_wait3A_347, %dma_wait3A_348, %dma_wait3A_349] : memref<8x128x16xf32, #tpu.memory_space<vmem>> -> memref<1x128x16xf32, #tpu.memory_space<vmem>>
        %dma_wait3A_351 = tpu.memref_squeeze %dma_wait3A_350 : memref<1x128x16xf32, #tpu.memory_space<vmem>> -> memref<128x16xf32, #tpu.memory_space<vmem>>
        %dma_wait3A_352 = arith.constant 0 : i32
        %dma_wait3A_353 = tpu.memref_slice %arg7[%add3A_167, %dma_wait3A_352] : memref<88x128xi32, #tpu.memory_space<vmem>> -> memref<1x128xi32, #tpu.memory_space<vmem>>
        %dma_wait3A_354 = tpu.memref_squeeze %dma_wait3A_353 : memref<1x128xi32, #tpu.memory_space<vmem>> -> memref<128xi32, #tpu.memory_space<vmem>>
        %dma_wait3A_355 = arith.constant 0 : i32
        %dma_wait3A_356 = arith.constant 0 : i32
        %dma_wait3A_357 = tpu.memref_slice %arg10[%dma_wait3A_355, %dma_wait3A_356] : memref<10008x16xf32, #tpu.memory_space<vmem_shared>> -> memref<10008x16xf32, #tpu.memory_space<vmem_shared>>
        tpu.wait_indirect_dma semaphore(%arg13 : memref<!tpu.dma_semaphore, #tpu.memory_space<semaphore_mem>>) src(%dma_wait3A_351 : memref<128x16xf32, #tpu.memory_space<vmem>>) dst(%dma_wait3A_357 : memref<10008x16xf32, #tpu.memory_space<vmem_shared>>)
        %dma_wait3A_358 = arith.constant 1 : i32
        %dma_wait3A_359 = arith.constant 0 : i32
        %dma_wait3A_360 = arith.constant 0 : i32
        %dma_wait3A_361 = tpu.memref_slice %arg8[%dma_wait3A_358, %dma_wait3A_359, %dma_wait3A_360] : memref<8x128x16xf32, #tpu.memory_space<vmem>> -> memref<1x128x16xf32, #tpu.memory_space<vmem>>
        %dma_wait3A_362 = tpu.memref_squeeze %dma_wait3A_361 : memref<1x128x16xf32, #tpu.memory_space<vmem>> -> memref<128x16xf32, #tpu.memory_space<vmem>>
        %dma_wait3A_363 = arith.constant 0 : i32
        %dma_wait3A_364 = tpu.memref_slice %arg7[%add3A_191, %dma_wait3A_363] : memref<88x128xi32, #tpu.memory_space<vmem>> -> memref<1x128xi32, #tpu.memory_space<vmem>>
        %dma_wait3A_365 = tpu.memref_squeeze %dma_wait3A_364 : memref<1x128xi32, #tpu.memory_space<vmem>> -> memref<128xi32, #tpu.memory_space<vmem>>
        %dma_wait3A_366 = arith.constant 0 : i32
        %dma_wait3A_367 = arith.constant 0 : i32
        %dma_wait3A_368 = tpu.memref_slice %arg10[%dma_wait3A_366, %dma_wait3A_367] : memref<10008x16xf32, #tpu.memory_space<vmem_shared>> -> memref<10008x16xf32, #tpu.memory_space<vmem_shared>>
        tpu.wait_indirect_dma semaphore(%arg13 : memref<!tpu.dma_semaphore, #tpu.memory_space<semaphore_mem>>) src(%dma_wait3A_362 : memref<128x16xf32, #tpu.memory_space<vmem>>) dst(%dma_wait3A_368 : memref<10008x16xf32, #tpu.memory_space<vmem_shared>>)
        %dma_wait3A_369 = arith.constant 2 : i32
        %dma_wait3A_370 = arith.constant 0 : i32
        %dma_wait3A_371 = arith.constant 0 : i32
        %dma_wait3A_372 = tpu.memref_slice %arg8[%dma_wait3A_369, %dma_wait3A_370, %dma_wait3A_371] : memref<8x128x16xf32, #tpu.memory_space<vmem>> -> memref<1x128x16xf32, #tpu.memory_space<vmem>>
        %dma_wait3A_373 = tpu.memref_squeeze %dma_wait3A_372 : memref<1x128x16xf32, #tpu.memory_space<vmem>> -> memref<128x16xf32, #tpu.memory_space<vmem>>
        %dma_wait3A_374 = arith.constant 0 : i32
        %dma_wait3A_375 = tpu.memref_slice %arg7[%add3A_215, %dma_wait3A_374] : memref<88x128xi32, #tpu.memory_space<vmem>> -> memref<1x128xi32, #tpu.memory_space<vmem>>
        %dma_wait3A_376 = tpu.memref_squeeze %dma_wait3A_375 : memref<1x128xi32, #tpu.memory_space<vmem>> -> memref<128xi32, #tpu.memory_space<vmem>>
        %dma_wait3A_377 = arith.constant 0 : i32
        %dma_wait3A_378 = arith.constant 0 : i32
        %dma_wait3A_379 = tpu.memref_slice %arg10[%dma_wait3A_377, %dma_wait3A_378] : memref<10008x16xf32, #tpu.memory_space<vmem_shared>> -> memref<10008x16xf32, #tpu.memory_space<vmem_shared>>
        tpu.wait_indirect_dma semaphore(%arg13 : memref<!tpu.dma_semaphore, #tpu.memory_space<semaphore_mem>>) src(%dma_wait3A_373 : memref<128x16xf32, #tpu.memory_space<vmem>>) dst(%dma_wait3A_379 : memref<10008x16xf32, #tpu.memory_space<vmem_shared>>)
        %dma_wait3A_380 = arith.constant 3 : i32
        %dma_wait3A_381 = arith.constant 0 : i32
        %dma_wait3A_382 = arith.constant 0 : i32
        %dma_wait3A_383 = tpu.memref_slice %arg8[%dma_wait3A_380, %dma_wait3A_381, %dma_wait3A_382] : memref<8x128x16xf32, #tpu.memory_space<vmem>> -> memref<1x128x16xf32, #tpu.memory_space<vmem>>
        %dma_wait3A_384 = tpu.memref_squeeze %dma_wait3A_383 : memref<1x128x16xf32, #tpu.memory_space<vmem>> -> memref<128x16xf32, #tpu.memory_space<vmem>>
        %dma_wait3A_385 = arith.constant 0 : i32
        %dma_wait3A_386 = tpu.memref_slice %arg7[%add3A_239, %dma_wait3A_385] : memref<88x128xi32, #tpu.memory_space<vmem>> -> memref<1x128xi32, #tpu.memory_space<vmem>>
        %dma_wait3A_387 = tpu.memref_squeeze %dma_wait3A_386 : memref<1x128xi32, #tpu.memory_space<vmem>> -> memref<128xi32, #tpu.memory_space<vmem>>
        %dma_wait3A_388 = arith.constant 0 : i32
        %dma_wait3A_389 = arith.constant 0 : i32
        %dma_wait3A_390 = tpu.memref_slice %arg10[%dma_wait3A_388, %dma_wait3A_389] : memref<10008x16xf32, #tpu.memory_space<vmem_shared>> -> memref<10008x16xf32, #tpu.memory_space<vmem_shared>>
        tpu.wait_indirect_dma semaphore(%arg13 : memref<!tpu.dma_semaphore, #tpu.memory_space<semaphore_mem>>) src(%dma_wait3A_384 : memref<128x16xf32, #tpu.memory_space<vmem>>) dst(%dma_wait3A_390 : memref<10008x16xf32, #tpu.memory_space<vmem_shared>>)
        %dma_wait3A_391 = arith.constant 4 : i32
        %dma_wait3A_392 = arith.constant 0 : i32
        %dma_wait3A_393 = arith.constant 0 : i32
        %dma_wait3A_394 = tpu.memref_slice %arg8[%dma_wait3A_391, %dma_wait3A_392, %dma_wait3A_393] : memref<8x128x16xf32, #tpu.memory_space<vmem>> -> memref<1x128x16xf32, #tpu.memory_space<vmem>>
        %dma_wait3A_395 = tpu.memref_squeeze %dma_wait3A_394 : memref<1x128x16xf32, #tpu.memory_space<vmem>> -> memref<128x16xf32, #tpu.memory_space<vmem>>
        %dma_wait3A_396 = arith.constant 0 : i32
        %dma_wait3A_397 = tpu.memref_slice %arg7[%add3A_263, %dma_wait3A_396] : memref<88x128xi32, #tpu.memory_space<vmem>> -> memref<1x128xi32, #tpu.memory_space<vmem>>
        %dma_wait3A_398 = tpu.memref_squeeze %dma_wait3A_397 : memref<1x128xi32, #tpu.memory_space<vmem>> -> memref<128xi32, #tpu.memory_space<vmem>>
        %dma_wait3A_399 = arith.constant 0 : i32
        %dma_wait3A_400 = arith.constant 0 : i32
        %dma_wait3A_401 = tpu.memref_slice %arg10[%dma_wait3A_399, %dma_wait3A_400] : memref<10008x16xf32, #tpu.memory_space<vmem_shared>> -> memref<10008x16xf32, #tpu.memory_space<vmem_shared>>
        tpu.wait_indirect_dma semaphore(%arg13 : memref<!tpu.dma_semaphore, #tpu.memory_space<semaphore_mem>>) src(%dma_wait3A_395 : memref<128x16xf32, #tpu.memory_space<vmem>>) dst(%dma_wait3A_401 : memref<10008x16xf32, #tpu.memory_space<vmem_shared>>)
        %dma_wait3A_402 = arith.constant 5 : i32
        %dma_wait3A_403 = arith.constant 0 : i32
        %dma_wait3A_404 = arith.constant 0 : i32
        %dma_wait3A_405 = tpu.memref_slice %arg8[%dma_wait3A_402, %dma_wait3A_403, %dma_wait3A_404] : memref<8x128x16xf32, #tpu.memory_space<vmem>> -> memref<1x128x16xf32, #tpu.memory_space<vmem>>
        %dma_wait3A_406 = tpu.memref_squeeze %dma_wait3A_405 : memref<1x128x16xf32, #tpu.memory_space<vmem>> -> memref<128x16xf32, #tpu.memory_space<vmem>>
        %dma_wait3A_407 = arith.constant 0 : i32
        %dma_wait3A_408 = tpu.memref_slice %arg7[%add3A_287, %dma_wait3A_407] : memref<88x128xi32, #tpu.memory_space<vmem>> -> memref<1x128xi32, #tpu.memory_space<vmem>>
        %dma_wait3A_409 = tpu.memref_squeeze %dma_wait3A_408 : memref<1x128xi32, #tpu.memory_space<vmem>> -> memref<128xi32, #tpu.memory_space<vmem>>
        %dma_wait3A_410 = arith.constant 0 : i32
        %dma_wait3A_411 = arith.constant 0 : i32
        %dma_wait3A_412 = tpu.memref_slice %arg10[%dma_wait3A_410, %dma_wait3A_411] : memref<10008x16xf32, #tpu.memory_space<vmem_shared>> -> memref<10008x16xf32, #tpu.memory_space<vmem_shared>>
        tpu.wait_indirect_dma semaphore(%arg13 : memref<!tpu.dma_semaphore, #tpu.memory_space<semaphore_mem>>) src(%dma_wait3A_406 : memref<128x16xf32, #tpu.memory_space<vmem>>) dst(%dma_wait3A_412 : memref<10008x16xf32, #tpu.memory_space<vmem_shared>>)
        %dma_wait3A_413 = arith.constant 6 : i32
        %dma_wait3A_414 = arith.constant 0 : i32
        %dma_wait3A_415 = arith.constant 0 : i32
        %dma_wait3A_416 = tpu.memref_slice %arg8[%dma_wait3A_413, %dma_wait3A_414, %dma_wait3A_415] : memref<8x128x16xf32, #tpu.memory_space<vmem>> -> memref<1x128x16xf32, #tpu.memory_space<vmem>>
        %dma_wait3A_417 = tpu.memref_squeeze %dma_wait3A_416 : memref<1x128x16xf32, #tpu.memory_space<vmem>> -> memref<128x16xf32, #tpu.memory_space<vmem>>
        %dma_wait3A_418 = arith.constant 0 : i32
        %dma_wait3A_419 = tpu.memref_slice %arg7[%add3A_311, %dma_wait3A_418] : memref<88x128xi32, #tpu.memory_space<vmem>> -> memref<1x128xi32, #tpu.memory_space<vmem>>
        %dma_wait3A_420 = tpu.memref_squeeze %dma_wait3A_419 : memref<1x128xi32, #tpu.memory_space<vmem>> -> memref<128xi32, #tpu.memory_space<vmem>>
        %dma_wait3A_421 = arith.constant 0 : i32
        %dma_wait3A_422 = arith.constant 0 : i32
        %dma_wait3A_423 = tpu.memref_slice %arg10[%dma_wait3A_421, %dma_wait3A_422] : memref<10008x16xf32, #tpu.memory_space<vmem_shared>> -> memref<10008x16xf32, #tpu.memory_space<vmem_shared>>
        tpu.wait_indirect_dma semaphore(%arg13 : memref<!tpu.dma_semaphore, #tpu.memory_space<semaphore_mem>>) src(%dma_wait3A_417 : memref<128x16xf32, #tpu.memory_space<vmem>>) dst(%dma_wait3A_423 : memref<10008x16xf32, #tpu.memory_space<vmem_shared>>)
        %dma_wait3A_424 = arith.constant 7 : i32
        %dma_wait3A_425 = arith.constant 0 : i32
        %dma_wait3A_426 = arith.constant 0 : i32
        %dma_wait3A_427 = tpu.memref_slice %arg8[%dma_wait3A_424, %dma_wait3A_425, %dma_wait3A_426] : memref<8x128x16xf32, #tpu.memory_space<vmem>> -> memref<1x128x16xf32, #tpu.memory_space<vmem>>
        %dma_wait3A_428 = tpu.memref_squeeze %dma_wait3A_427 : memref<1x128x16xf32, #tpu.memory_space<vmem>> -> memref<128x16xf32, #tpu.memory_space<vmem>>
        %dma_wait3A_429 = arith.constant 0 : i32
        %dma_wait3A_430 = tpu.memref_slice %arg7[%add3A_335, %dma_wait3A_429] : memref<88x128xi32, #tpu.memory_space<vmem>> -> memref<1x128xi32, #tpu.memory_space<vmem>>
        %dma_wait3A_431 = tpu.memref_squeeze %dma_wait3A_430 : memref<1x128xi32, #tpu.memory_space<vmem>> -> memref<128xi32, #tpu.memory_space<vmem>>
        %dma_wait3A_432 = arith.constant 0 : i32
        %dma_wait3A_433 = arith.constant 0 : i32
        %dma_wait3A_434 = tpu.memref_slice %arg10[%dma_wait3A_432, %dma_wait3A_433] : memref<10008x16xf32, #tpu.memory_space<vmem_shared>> -> memref<10008x16xf32, #tpu.memory_space<vmem_shared>>
        tpu.wait_indirect_dma semaphore(%arg13 : memref<!tpu.dma_semaphore, #tpu.memory_space<semaphore_mem>>) src(%dma_wait3A_428 : memref<128x16xf32, #tpu.memory_space<vmem>>) dst(%dma_wait3A_434 : memref<10008x16xf32, #tpu.memory_space<vmem_shared>>)
      } else {
      }
    }
    %scan3A_36 = arith.constant 11 : i32
    %barrier3A_37 = arith.constant 0 : index
    tpu.barrier barrier_id(%barrier3A_37)
    %lt3A_38 = arith.constant 15 : i32
    %lt3A_39 = arith.cmpi slt, %arg1, %lt3A_38 : i32
    %convert_element_type3A_40 = arith.extui %lt3A_39 : i1 to i32
    %cond3A_41 = arith.constant 0 : i32
    %cond3A_42 = arith.cmpi ne, %convert_element_type3A_40, %cond3A_41 : i32
    scf.if %cond3A_42 {
      %mul3A = arith.constant 632 : i32
      %mul3A_48 = arith.muli %arg1, %mul3A : i32
      %mul3A_49 = arith.constant 632 : i32
      %mul3A_50 = arith.muli %arg1, %mul3A_49 : i32
      "tpu.region"() ({
        %run_scoped3A = tpu.sem_alloc : memref<!tpu.dma_semaphore, #tpu.memory_space<semaphore_mem>>
        %dma_start3A = arith.constant 0 : i32
        %dma_start3A_51 = tpu.memref_slice %arg5[%arg0, %mul3A_50, %dma_start3A] : memref<2x10000x16xf32, #tpu.memory_space<hbm>> -> memref<1x632x16xf32, #tpu.memory_space<hbm>>
        %dma_start3A_52 = tpu.memref_squeeze %dma_start3A_51 : memref<1x632x16xf32, #tpu.memory_space<hbm>> -> memref<632x16xf32, #tpu.memory_space<hbm>>
        %dma_start3A_53 = arith.constant 0 : i32
        %dma_start3A_54 = tpu.memref_slice %arg10[%mul3A_48, %dma_start3A_53] : memref<10008x16xf32, #tpu.memory_space<vmem_shared>> -> memref<632x16xf32, #tpu.memory_space<vmem_shared>>
        tpu.enqueue_dma source(%dma_start3A_54 : memref<632x16xf32, #tpu.memory_space<vmem_shared>>) target(%dma_start3A_52 : memref<632x16xf32, #tpu.memory_space<hbm>>) target_semaphore(%run_scoped3A : memref<!tpu.dma_semaphore, #tpu.memory_space<semaphore_mem>>)
        %dma_wait3A = arith.constant 0 : i32
        %dma_wait3A_55 = tpu.memref_slice %arg5[%arg0, %mul3A_50, %dma_wait3A] : memref<2x10000x16xf32, #tpu.memory_space<hbm>> -> memref<1x632x16xf32, #tpu.memory_space<hbm>>
        %dma_wait3A_56 = tpu.memref_squeeze %dma_wait3A_55 : memref<1x632x16xf32, #tpu.memory_space<hbm>> -> memref<632x16xf32, #tpu.memory_space<hbm>>
        %dma_wait3A_57 = arith.constant 0 : i32
        %dma_wait3A_58 = tpu.memref_slice %arg10[%mul3A_48, %dma_wait3A_57] : memref<10008x16xf32, #tpu.memory_space<vmem_shared>> -> memref<632x16xf32, #tpu.memory_space<vmem_shared>>
        tpu.wait_dma2 semaphore(%run_scoped3A : memref<!tpu.dma_semaphore, #tpu.memory_space<semaphore_mem>>) src(%dma_wait3A_58 : memref<632x16xf32, #tpu.memory_space<vmem_shared>>) dst(%dma_wait3A_56 : memref<632x16xf32, #tpu.memory_space<hbm>>)
        tpu.yield
      }) : () -> ()
    } else {
    }
    %eq3A_43 = arith.constant 15 : i32
    %eq3A_44 = arith.cmpi eq, %arg1, %eq3A_43 : i32
    %convert_element_type3A_45 = arith.extui %eq3A_44 : i1 to i32
    %cond3A_46 = arith.constant 0 : i32
    %cond3A_47 = arith.cmpi ne, %convert_element_type3A_45, %cond3A_46 : i32
    scf.if %cond3A_47 {
      "tpu.region"() ({
        %run_scoped3A = tpu.sem_alloc : memref<!tpu.dma_semaphore, #tpu.memory_space<semaphore_mem>>
        %dma_start3A = arith.constant 9480 : i32
        %dma_start3A_48 = arith.constant 0 : i32
        %dma_start3A_49 = tpu.memref_slice %arg5[%arg0, %dma_start3A, %dma_start3A_48] : memref<2x10000x16xf32, #tpu.memory_space<hbm>> -> memref<1x520x16xf32, #tpu.memory_space<hbm>>
        %dma_start3A_50 = tpu.memref_squeeze %dma_start3A_49 : memref<1x520x16xf32, #tpu.memory_space<hbm>> -> memref<520x16xf32, #tpu.memory_space<hbm>>
        %dma_start3A_51 = arith.constant 9480 : i32
        %dma_start3A_52 = arith.constant 0 : i32
        %dma_start3A_53 = tpu.memref_slice %arg10[%dma_start3A_51, %dma_start3A_52] : memref<10008x16xf32, #tpu.memory_space<vmem_shared>> -> memref<520x16xf32, #tpu.memory_space<vmem_shared>>
        tpu.enqueue_dma source(%dma_start3A_53 : memref<520x16xf32, #tpu.memory_space<vmem_shared>>) target(%dma_start3A_50 : memref<520x16xf32, #tpu.memory_space<hbm>>) target_semaphore(%run_scoped3A : memref<!tpu.dma_semaphore, #tpu.memory_space<semaphore_mem>>)
        %dma_wait3A = arith.constant 9480 : i32
        %dma_wait3A_54 = arith.constant 0 : i32
        %dma_wait3A_55 = tpu.memref_slice %arg5[%arg0, %dma_wait3A, %dma_wait3A_54] : memref<2x10000x16xf32, #tpu.memory_space<hbm>> -> memref<1x520x16xf32, #tpu.memory_space<hbm>>
        %dma_wait3A_56 = tpu.memref_squeeze %dma_wait3A_55 : memref<1x520x16xf32, #tpu.memory_space<hbm>> -> memref<520x16xf32, #tpu.memory_space<hbm>>
        %dma_wait3A_57 = arith.constant 9480 : i32
        %dma_wait3A_58 = arith.constant 0 : i32
        %dma_wait3A_59 = tpu.memref_slice %arg10[%dma_wait3A_57, %dma_wait3A_58] : memref<10008x16xf32, #tpu.memory_space<vmem_shared>> -> memref<520x16xf32, #tpu.memory_space<vmem_shared>>
        tpu.wait_dma2 semaphore(%run_scoped3A : memref<!tpu.dma_semaphore, #tpu.memory_space<semaphore_mem>>) src(%dma_wait3A_59 : memref<520x16xf32, #tpu.memory_space<vmem_shared>>) dst(%dma_wait3A_56 : memref<520x16xf32, #tpu.memory_space<hbm>>)
        tpu.yield
      }) : () -> ()
    } else {
    }
    return
  }
}

module attributes {stable_mosaic.version = 14 : i64} {
  func.func @_tc1_body(%arg0: i32, %arg1: memref<2x1000x16xf32, #tpu.memory_space<vmem>>, %arg2: memref<1000x128xf32, #tpu.memory_space<vmem>>, %arg3: memref<128x16xf32, #tpu.memory_space<vmem>>, %arg4: memref<1000x16xf32, #tpu.memory_space<vmem>>, %arg5: memref<1000x16xf32, #tpu.memory_space<vmem>>) attributes {dimension_semantics = [#tpu.dimension_semantics<arbitrary>], iteration_bounds = array<i64: 10>, scalar_prefetch = 0 : i64, scratch_operands = 0 : i64, tpu.core_type = #tpu.core_type<tc>, window_params = [{transform_indices = @transform_0, window_bounds = array<i64: 2, 1000, 16>}, {transform_indices = @transform_1, window_bounds = array<i64: 1000, 128>}, {pipeline_mode = #tpu.pipeline_mode<synchronous>, transform_indices = @transform_2, window_bounds = array<i64: 128, 16>}, {transform_indices = @transform_3, window_bounds = array<i64: 1000, 16>}, {transform_indices = @transform_4, window_bounds = array<i64: 1000, 16>}]} {
    %get3A = arith.constant 0 : index
    %get3A_0 = arith.constant 0 : index
    %get3A_1 = arith.constant 0 : index
    %get3A_2 = vector.load %arg1[%get3A, %get3A_0, %get3A_1] : memref<2x1000x16xf32, #tpu.memory_space<vmem>>, vector<1x1000x16xf32>
    %get3A_3 = vector.shape_cast %get3A_2 : vector<1x1000x16xf32> to vector<1000x16xf32>
    %get3A_4 = arith.constant 1 : index
    %get3A_5 = arith.constant 0 : index
    %get3A_6 = arith.constant 0 : index
    %get3A_7 = vector.load %arg1[%get3A_4, %get3A_5, %get3A_6] : memref<2x1000x16xf32, #tpu.memory_space<vmem>>, vector<1x1000x16xf32>
    %get3A_8 = vector.shape_cast %get3A_7 : vector<1x1000x16xf32> to vector<1000x16xf32>
    %add3A = arith.addf %get3A_3, %get3A_8 : vector<1000x16xf32>
    %add3A_9 = arith.constant 1.000000e+00 : f32
    %add3A_10 = vector.broadcast %add3A_9 : f32 to vector<1000x16xf32>
    %add3A_11 = arith.addf %add3A, %add3A_10 : vector<1000x16xf32>
    %rsqrt3A = math.rsqrt %add3A_11 : vector<1000x16xf32>
    %swap3A = arith.constant 0 : index
    %swap3A_12 = arith.constant 0 : index
    %swap3A_13 = vector.load %arg4[%swap3A, %swap3A_12] : memref<1000x16xf32, #tpu.memory_space<vmem>>, vector<1000x16xf32>
    tpu.vector_store %arg4[%swap3A, %swap3A_12], %rsqrt3A {strides = array<i32>} : memref<1000x16xf32, #tpu.memory_space<vmem>>, vector<1000x16xf32>,
    %get3A_14 = arith.constant 0 : index
    %get3A_15 = arith.constant 0 : index
    %get3A_16 = vector.load %arg2[%get3A_14, %get3A_15] : memref<1000x128xf32, #tpu.memory_space<vmem>>, vector<1000x128xf32>
    %get3A_17 = arith.constant 0 : index
    %get3A_18 = arith.constant 0 : index
    %get3A_19 = vector.load %arg3[%get3A_17, %get3A_18] : memref<128x16xf32, #tpu.memory_space<vmem>>, vector<128x16xf32>
    %dot_general3A = arith.constant dense<0.000000e+00> : vector<1000x16xf32>
    %dot_general3A_20 = tpu.matmul %get3A_16, %get3A_19, %dot_general3A {dimension_numbers = #tpu.dot_dimension_numbers<[1], [0], [0], [1], [0, 0, 1, 1], [], []>, transpose_lhs_hint = false} : vector<1000x128xf32>, vector<128x16xf32>, vector<1000x16xf32> -> vector<1000x16xf32>
    %mul3A = arith.mulf %dot_general3A_20, %rsqrt3A : vector<1000x16xf32>
    %swap3A_21 = arith.constant 0 : index
    %swap3A_22 = arith.constant 0 : index
    %swap3A_23 = vector.load %arg5[%swap3A_21, %swap3A_22] : memref<1000x16xf32, #tpu.memory_space<vmem>>, vector<1000x16xf32>
    tpu.vector_store %arg5[%swap3A_21, %swap3A_22], %mul3A {strides = array<i32>} : memref<1000x16xf32, #tpu.memory_space<vmem>>, vector<1000x16xf32>,
    return
  }
  func.func @transform_0(%arg0: i32) -> (i32, i32, i32) {
    %c0_i32 = arith.constant 0 : i32
    %c0_i32_0 = arith.constant 0 : i32
    %c0_i32_1 = arith.constant 0 : i32
    return %c0_i32, %arg0, %c0_i32_0 : i32, i32, i32
  }
  func.func @transform_1(%arg0: i32) -> (i32, i32) {
    %c0_i32 = arith.constant 0 : i32
    %c0_i32_0 = arith.constant 0 : i32
    return %arg0, %c0_i32 : i32, i32
  }
  func.func @transform_2(%arg0: i32) -> (i32, i32) {
    %c0_i32 = arith.constant 0 : i32
    %c0_i32_0 = arith.constant 0 : i32
    %c0_i32_1 = arith.constant 0 : i32
    return %c0_i32, %c0_i32_0 : i32, i32
  }
  func.func @transform_3(%arg0: i32) -> (i32, i32) {
    %c0_i32 = arith.constant 0 : i32
    %c0_i32_0 = arith.constant 0 : i32
    return %arg0, %c0_i32 : i32, i32
  }
  func.func @transform_4(%arg0: i32) -> (i32, i32) {
    %c0_i32 = arith.constant 0 : i32
    %c0_i32_0 = arith.constant 0 : i32
    return %arg0, %c0_i32 : i32, i32
  }
}

module attributes {stable_mosaic.version = 14 : i64} {
  func.func @_tc2_body(%arg0: i32, %arg1: memref<2x1000x16xf32, #tpu.memory_space<vmem>>, %arg2: memref<1000x16xf32, #tpu.memory_space<vmem>>, %arg3: memref<1000x16xf32, #tpu.memory_space<vmem>>, %arg4: memref<1x16xf32, #tpu.memory_space<vmem>>, %arg5: memref<16x16xf32, #tpu.memory_space<vmem>>, %arg6: memref<1000x16xf32, #tpu.memory_space<vmem>>, %arg7: memref<1000x16xf32, #tpu.memory_space<vmem>>) attributes {dimension_semantics = [#tpu.dimension_semantics<arbitrary>], iteration_bounds = array<i64: 10>, scalar_prefetch = 0 : i64, scratch_operands = 0 : i64, tpu.core_type = #tpu.core_type<tc>, window_params = [{transform_indices = @transform_0, window_bounds = array<i64: 2, 1000, 16>}, {transform_indices = @transform_1, window_bounds = array<i64: 1000, 16>}, {transform_indices = @transform_2, window_bounds = array<i64: 1000, 16>}, {pipeline_mode = #tpu.pipeline_mode<synchronous>, transform_indices = @transform_3, window_bounds = array<i64: 1, 16>}, {pipeline_mode = #tpu.pipeline_mode<synchronous>, transform_indices = @transform_4, window_bounds = array<i64: 16, 16>}, {transform_indices = @transform_5, window_bounds = array<i64: 1000, 16>}, {transform_indices = @transform_6, window_bounds = array<i64: 1000, 16>}]} {
    %get3A = arith.constant 0 : index
    %get3A_0 = arith.constant 0 : index
    %get3A_1 = vector.load %arg3[%get3A, %get3A_0] : memref<1000x16xf32, #tpu.memory_space<vmem>>, vector<1000x16xf32>
    %get3A_2 = arith.constant 0 : index
    %get3A_3 = arith.constant 0 : index
    %get3A_4 = arith.constant 0 : index
    %get3A_5 = vector.load %arg1[%get3A_2, %get3A_3, %get3A_4] : memref<2x1000x16xf32, #tpu.memory_space<vmem>>, vector<1x1000x16xf32>
    %get3A_6 = vector.shape_cast %get3A_5 : vector<1x1000x16xf32> to vector<1000x16xf32>
    %get3A_7 = arith.constant 1 : index
    %get3A_8 = arith.constant 0 : index
    %get3A_9 = arith.constant 0 : index
    %get3A_10 = vector.load %arg1[%get3A_7, %get3A_8, %get3A_9] : memref<2x1000x16xf32, #tpu.memory_space<vmem>>, vector<1x1000x16xf32>
    %get3A_11 = vector.shape_cast %get3A_10 : vector<1x1000x16xf32> to vector<1000x16xf32>
    %add3A = arith.addf %get3A_6, %get3A_11 : vector<1000x16xf32>
    %get3A_12 = arith.constant 0 : index
    %get3A_13 = arith.constant 0 : index
    %get3A_14 = vector.load %arg2[%get3A_12, %get3A_13] : memref<1000x16xf32, #tpu.memory_space<vmem>>, vector<1000x16xf32>
    %add3A_15 = arith.addf %add3A, %get3A_14 : vector<1000x16xf32>
    %mul3A = arith.mulf %get3A_1, %add3A_15 : vector<1000x16xf32>
    %get3A_16 = arith.constant 0 : index
    %get3A_17 = arith.constant 0 : index
    %get3A_18 = vector.load %arg4[%get3A_16, %get3A_17] : memref<1x16xf32, #tpu.memory_space<vmem>>, vector<1x16xf32>
    %add3A_19 = vector.broadcast %get3A_18 : vector<1x16xf32> to vector<1000x16xf32>
    %add3A_20 = arith.addf %mul3A, %add3A_19 : vector<1000x16xf32>
    %max3A = arith.constant 0.000000e+00 : f32
    %max3A_21 = vector.broadcast %max3A : f32 to vector<1000x16xf32>
    %max3A_22 = arith.maximumf %add3A_20, %max3A_21 : vector<1000x16xf32>
    %swap3A = arith.constant 0 : index
    %swap3A_23 = arith.constant 0 : index
    %swap3A_24 = vector.load %arg6[%swap3A, %swap3A_23] : memref<1000x16xf32, #tpu.memory_space<vmem>>, vector<1000x16xf32>
    tpu.vector_store %arg6[%swap3A, %swap3A_23], %max3A_22 {strides = array<i32>} : memref<1000x16xf32, #tpu.memory_space<vmem>>, vector<1000x16xf32>,
    %get3A_25 = arith.constant 0 : index
    %get3A_26 = arith.constant 0 : index
    %get3A_27 = vector.load %arg5[%get3A_25, %get3A_26] : memref<16x16xf32, #tpu.memory_space<vmem>>, vector<16x16xf32>
    %dot_general3A = arith.constant dense<0.000000e+00> : vector<1000x16xf32>
    %dot_general3A_28 = tpu.matmul %max3A_22, %get3A_27, %dot_general3A {dimension_numbers = #tpu.dot_dimension_numbers<[1], [0], [0], [1], [0, 0, 1, 1], [], []>, transpose_lhs_hint = false} : vector<1000x16xf32>, vector<16x16xf32>, vector<1000x16xf32> -> vector<1000x16xf32>
    %mul3A_29 = arith.mulf %dot_general3A_28, %get3A_1 : vector<1000x16xf32>
    %swap3A_30 = arith.constant 0 : index
    %swap3A_31 = arith.constant 0 : index
    %swap3A_32 = vector.load %arg7[%swap3A_30, %swap3A_31] : memref<1000x16xf32, #tpu.memory_space<vmem>>, vector<1000x16xf32>
    tpu.vector_store %arg7[%swap3A_30, %swap3A_31], %mul3A_29 {strides = array<i32>} : memref<1000x16xf32, #tpu.memory_space<vmem>>, vector<1000x16xf32>,
    return
  }
  func.func @transform_0(%arg0: i32) -> (i32, i32, i32) {
    %c0_i32 = arith.constant 0 : i32
    %c0_i32_0 = arith.constant 0 : i32
    %c0_i32_1 = arith.constant 0 : i32
    return %c0_i32, %arg0, %c0_i32_0 : i32, i32, i32
  }
  func.func @transform_1(%arg0: i32) -> (i32, i32) {
    %c0_i32 = arith.constant 0 : i32
    %c0_i32_0 = arith.constant 0 : i32
    return %arg0, %c0_i32 : i32, i32
  }
  func.func @transform_2(%arg0: i32) -> (i32, i32) {
    %c0_i32 = arith.constant 0 : i32
    %c0_i32_0 = arith.constant 0 : i32
    return %arg0, %c0_i32 : i32, i32
  }
  func.func @transform_3(%arg0: i32) -> (i32, i32) {
    %c0_i32 = arith.constant 0 : i32
    %c0_i32_0 = arith.constant 0 : i32
    %c0_i32_1 = arith.constant 0 : i32
    return %c0_i32, %c0_i32_0 : i32, i32
  }
  func.func @transform_4(%arg0: i32) -> (i32, i32) {
    %c0_i32 = arith.constant 0 : i32
    %c0_i32_0 = arith.constant 0 : i32
    %c0_i32_1 = arith.constant 0 : i32
    return %c0_i32, %c0_i32_0 : i32, i32
  }
  func.func @transform_5(%arg0: i32) -> (i32, i32) {
    %c0_i32 = arith.constant 0 : i32
    %c0_i32_0 = arith.constant 0 : i32
    return %arg0, %c0_i32 : i32, i32
  }
  func.func @transform_6(%arg0: i32) -> (i32, i32) {
    %c0_i32 = arith.constant 0 : i32
    %c0_i32_0 = arith.constant 0 : i32
    return %arg0, %c0_i32 : i32, i32
  }
}

module attributes {stable_mosaic.version = 14 : i64} {
  func.func @_tc3_body(%arg0: i32, %arg1: memref<2x2000x16xf32, #tpu.memory_space<vmem>>, %arg2: memref<2000x16xf32, #tpu.memory_space<vmem>>, %arg3: memref<2000x16xf32, #tpu.memory_space<vmem>>, %arg4: memref<1x16xf32, #tpu.memory_space<vmem>>, %arg5: memref<2000x16xf32, #tpu.memory_space<vmem>>, %arg6: memref<16x128xf32, #tpu.memory_space<vmem>>, %arg7: memref<32x128xf32, #tpu.memory_space<vmem>>, %arg8: memref<1x128xf32, #tpu.memory_space<vmem>>, %arg9: memref<16x128xf32, #tpu.memory_space<vmem>>, %arg10: memref<32x128xf32, #tpu.memory_space<vmem>>, %arg11: memref<1x128xf32, #tpu.memory_space<vmem>>, %arg12: memref<1x64xf32, #tpu.memory_space<vmem>>, %arg13: memref<1x1xf32, #tpu.memory_space<vmem>>, %arg14: memref<2000x16xf32, #tpu.memory_space<vmem>>) attributes {dimension_semantics = [#tpu.dimension_semantics<arbitrary>], iteration_bounds = array<i64: 5>, scalar_prefetch = 0 : i64, scratch_operands = 0 : i64, tpu.core_type = #tpu.core_type<tc>, window_params = [{transform_indices = @transform_0, window_bounds = array<i64: 2, 2000, 16>}, {transform_indices = @transform_1, window_bounds = array<i64: 2000, 16>}, {transform_indices = @transform_2, window_bounds = array<i64: 2000, 16>}, {pipeline_mode = #tpu.pipeline_mode<synchronous>, transform_indices = @transform_3, window_bounds = array<i64: 1, 16>}, {transform_indices = @transform_4, window_bounds = array<i64: 2000, 16>}, {pipeline_mode = #tpu.pipeline_mode<synchronous>, transform_indices = @transform_5, window_bounds = array<i64: 16, 128>}, {pipeline_mode = #tpu.pipeline_mode<synchronous>, transform_indices = @transform_6, window_bounds = array<i64: 32, 128>}, {pipeline_mode = #tpu.pipeline_mode<synchronous>, transform_indices = @transform_7, window_bounds = array<i64: 1, 128>}, {pipeline_mode = #tpu.pipeline_mode<synchronous>, transform_indices = @transform_8, window_bounds = array<i64: 16, 128>}, {pipeline_mode = #tpu.pipeline_mode<synchronous>, transform_indices = @transform_9, window_bounds = array<i64: 32, 128>}, {pipeline_mode = #tpu.pipeline_mode<synchronous>, transform_indices = @transform_10, window_bounds = array<i64: 1, 128>}, {pipeline_mode = #tpu.pipeline_mode<synchronous>, transform_indices = @transform_11, window_bounds = array<i64: 1, 64>}, {pipeline_mode = #tpu.pipeline_mode<synchronous>, transform_indices = @transform_12, window_bounds = array<i64: 1, 1>}, {transform_indices = @transform_13, window_bounds = array<i64: 2000, 16>}]} {
    %get3A = arith.constant 0 : index
    %get3A_0 = arith.constant 0 : index
    %get3A_1 = vector.load %arg3[%get3A, %get3A_0] : memref<2000x16xf32, #tpu.memory_space<vmem>>, vector<2000x16xf32>
    %get3A_2 = arith.constant 0 : index
    %get3A_3 = arith.constant 0 : index
    %get3A_4 = vector.load %arg5[%get3A_2, %get3A_3] : memref<2000x16xf32, #tpu.memory_space<vmem>>, vector<2000x16xf32>
    %get3A_5 = arith.constant 0 : index
    %get3A_6 = arith.constant 0 : index
    %get3A_7 = arith.constant 0 : index
    %get3A_8 = vector.load %arg1[%get3A_5, %get3A_6, %get3A_7] : memref<2x2000x16xf32, #tpu.memory_space<vmem>>, vector<1x2000x16xf32>
    %get3A_9 = vector.shape_cast %get3A_8 : vector<1x2000x16xf32> to vector<2000x16xf32>
    %get3A_10 = arith.constant 1 : index
    %get3A_11 = arith.constant 0 : index
    %get3A_12 = arith.constant 0 : index
    %get3A_13 = vector.load %arg1[%get3A_10, %get3A_11, %get3A_12] : memref<2x2000x16xf32, #tpu.memory_space<vmem>>, vector<1x2000x16xf32>
    %get3A_14 = vector.shape_cast %get3A_13 : vector<1x2000x16xf32> to vector<2000x16xf32>
    %add3A = arith.addf %get3A_9, %get3A_14 : vector<2000x16xf32>
    %get3A_15 = arith.constant 0 : index
    %get3A_16 = arith.constant 0 : index
    %get3A_17 = vector.load %arg2[%get3A_15, %get3A_16] : memref<2000x16xf32, #tpu.memory_space<vmem>>, vector<2000x16xf32>
    %add3A_18 = arith.addf %add3A, %get3A_17 : vector<2000x16xf32>
    %mul3A = arith.mulf %get3A_1, %add3A_18 : vector<2000x16xf32>
    %get3A_19 = arith.constant 0 : index
    %get3A_20 = arith.constant 0 : index
    %get3A_21 = vector.load %arg4[%get3A_19, %get3A_20] : memref<1x16xf32, #tpu.memory_space<vmem>>, vector<1x16xf32>
    %add3A_22 = vector.broadcast %get3A_21 : vector<1x16xf32> to vector<2000x16xf32>
    %add3A_23 = arith.addf %mul3A, %add3A_22 : vector<2000x16xf32>
    %max3A = arith.constant 0.000000e+00 : f32
    %max3A_24 = vector.broadcast %max3A : f32 to vector<2000x16xf32>
    %max3A_25 = arith.maximumf %add3A_23, %max3A_24 : vector<2000x16xf32>
    %get3A_26 = arith.constant 0 : index
    %get3A_27 = arith.constant 0 : index
    %get3A_28 = vector.load %arg6[%get3A_26, %get3A_27] : memref<16x128xf32, #tpu.memory_space<vmem>>, vector<16x128xf32>
    %dot_general3A = arith.constant dense<0.000000e+00> : vector<2000x128xf32>
    %dot_general3A_29 = tpu.matmul %get3A_4, %get3A_28, %dot_general3A {dimension_numbers = #tpu.dot_dimension_numbers<[1], [0], [0], [1], [0, 0, 1, 1], [], []>, transpose_lhs_hint = false} : vector<2000x16xf32>, vector<16x128xf32>, vector<2000x128xf32> -> vector<2000x128xf32>
    %get3A_30 = arith.constant 0 : index
    %get3A_31 = arith.constant 0 : index
    %get3A_32 = vector.load %arg8[%get3A_30, %get3A_31] : memref<1x128xf32, #tpu.memory_space<vmem>>, vector<1x128xf32>
    %add3A_33 = vector.broadcast %get3A_32 : vector<1x128xf32> to vector<2000x128xf32>
    %add3A_34 = arith.addf %dot_general3A_29, %add3A_33 : vector<2000x128xf32>
    %split3A = vector.extract_strided_slice %add3A_34 {offsets = [0, 0], sizes = [2000, 32], strides = [1, 1]} : vector<2000x128xf32> to vector<2000x32xf32>
    %split3A_35 = vector.extract_strided_slice %add3A_34 {offsets = [0, 32], sizes = [2000, 32], strides = [1, 1]} : vector<2000x128xf32> to vector<2000x32xf32>
    %split3A_36 = vector.extract_strided_slice %add3A_34 {offsets = [0, 64], sizes = [2000, 32], strides = [1, 1]} : vector<2000x128xf32> to vector<2000x32xf32>
    %split3A_37 = vector.extract_strided_slice %add3A_34 {offsets = [0, 96], sizes = [2000, 32], strides = [1, 1]} : vector<2000x128xf32> to vector<2000x32xf32>
    %mul3A_38 = arith.constant 5.000000e-01 : f32
    %mul3A_39 = vector.broadcast %mul3A_38 : f32 to vector<2000x32xf32>
    %mul3A_40 = arith.mulf %mul3A_39, %split3A : vector<2000x32xf32>
    %tanh3A = math.tanh %mul3A_40 : vector<2000x32xf32>
    %mul3A_41 = arith.constant 5.000000e-01 : f32
    %mul3A_42 = vector.broadcast %mul3A_41 : f32 to vector<2000x32xf32>
    %mul3A_43 = arith.mulf %mul3A_42, %tanh3A : vector<2000x32xf32>
    %add3A_44 = arith.constant 5.000000e-01 : f32
    %add3A_45 = vector.broadcast %add3A_44 : f32 to vector<2000x32xf32>
    %add3A_46 = arith.addf %mul3A_43, %add3A_45 : vector<2000x32xf32>
    %tanh3A_47 = math.tanh %split3A_36 : vector<2000x32xf32>
    %mul3A_48 = arith.mulf %add3A_46, %tanh3A_47 : vector<2000x32xf32>
    %mul3A_49 = arith.constant 5.000000e-01 : f32
    %mul3A_50 = vector.broadcast %mul3A_49 : f32 to vector<2000x32xf32>
    %mul3A_51 = arith.mulf %mul3A_50, %split3A_37 : vector<2000x32xf32>
    %tanh3A_52 = math.tanh %mul3A_51 : vector<2000x32xf32>
    %mul3A_53 = arith.constant 5.000000e-01 : f32
    %mul3A_54 = vector.broadcast %mul3A_53 : f32 to vector<2000x32xf32>
    %mul3A_55 = arith.mulf %mul3A_54, %tanh3A_52 : vector<2000x32xf32>
    %add3A_56 = arith.constant 5.000000e-01 : f32
    %add3A_57 = vector.broadcast %add3A_56 : f32 to vector<2000x32xf32>
    %add3A_58 = arith.addf %mul3A_55, %add3A_57 : vector<2000x32xf32>
    %tanh3A_59 = math.tanh %mul3A_48 : vector<2000x32xf32>
    %mul3A_60 = arith.mulf %add3A_58, %tanh3A_59 : vector<2000x32xf32>
    %get3A_61 = arith.constant 0 : index
    %get3A_62 = arith.constant 0 : index
    %get3A_63 = vector.load %arg6[%get3A_61, %get3A_62] : memref<16x128xf32, #tpu.memory_space<vmem>>, vector<16x128xf32>
    %dot_general3A_64 = arith.constant dense<0.000000e+00> : vector<2000x128xf32>
    %dot_general3A_65 = tpu.matmul %max3A_25, %get3A_63, %dot_general3A_64 {dimension_numbers = #tpu.dot_dimension_numbers<[1], [0], [0], [1], [0, 0, 1, 1], [], []>, transpose_lhs_hint = false} : vector<2000x16xf32>, vector<16x128xf32>, vector<2000x128xf32> -> vector<2000x128xf32>
    %get3A_66 = arith.constant 0 : index
    %get3A_67 = arith.constant 0 : index
    %get3A_68 = vector.load %arg7[%get3A_66, %get3A_67] : memref<32x128xf32, #tpu.memory_space<vmem>>, vector<32x128xf32>
    %dot_general3A_69 = arith.constant dense<0.000000e+00> : vector<2000x128xf32>
    %dot_general3A_70 = tpu.matmul %mul3A_60, %get3A_68, %dot_general3A_69 {dimension_numbers = #tpu.dot_dimension_numbers<[1], [0], [0], [1], [0, 0, 1, 1], [], []>, transpose_lhs_hint = false} : vector<2000x32xf32>, vector<32x128xf32>, vector<2000x128xf32> -> vector<2000x128xf32>
    %add3A_71 = arith.addf %dot_general3A_65, %dot_general3A_70 : vector<2000x128xf32>
    %get3A_72 = arith.constant 0 : index
    %get3A_73 = arith.constant 0 : index
    %get3A_74 = vector.load %arg8[%get3A_72, %get3A_73] : memref<1x128xf32, #tpu.memory_space<vmem>>, vector<1x128xf32>
    %add3A_75 = vector.broadcast %get3A_74 : vector<1x128xf32> to vector<2000x128xf32>
    %add3A_76 = arith.addf %add3A_71, %add3A_75 : vector<2000x128xf32>
    %split3A_77 = vector.extract_strided_slice %add3A_76 {offsets = [0, 0], sizes = [2000, 32], strides = [1, 1]} : vector<2000x128xf32> to vector<2000x32xf32>
    %split3A_78 = vector.extract_strided_slice %add3A_76 {offsets = [0, 32], sizes = [2000, 32], strides = [1, 1]} : vector<2000x128xf32> to vector<2000x32xf32>
    %split3A_79 = vector.extract_strided_slice %add3A_76 {offsets = [0, 64], sizes = [2000, 32], strides = [1, 1]} : vector<2000x128xf32> to vector<2000x32xf32>
    %split3A_80 = vector.extract_strided_slice %add3A_76 {offsets = [0, 96], sizes = [2000, 32], strides = [1, 1]} : vector<2000x128xf32> to vector<2000x32xf32>
    %mul3A_81 = arith.constant 5.000000e-01 : f32
    %mul3A_82 = vector.broadcast %mul3A_81 : f32 to vector<2000x32xf32>
    %mul3A_83 = arith.mulf %mul3A_82, %split3A_78 : vector<2000x32xf32>
    %tanh3A_84 = math.tanh %mul3A_83 : vector<2000x32xf32>
    %mul3A_85 = arith.constant 5.000000e-01 : f32
    %mul3A_86 = vector.broadcast %mul3A_85 : f32 to vector<2000x32xf32>
    %mul3A_87 = arith.mulf %mul3A_86, %tanh3A_84 : vector<2000x32xf32>
    %add3A_88 = arith.constant 5.000000e-01 : f32
    %add3A_89 = vector.broadcast %add3A_88 : f32 to vector<2000x32xf32>
    %add3A_90 = arith.addf %mul3A_87, %add3A_89 : vector<2000x32xf32>
    %mul3A_91 = arith.mulf %add3A_90, %mul3A_48 : vector<2000x32xf32>
    %mul3A_92 = arith.constant 5.000000e-01 : f32
    %mul3A_93 = vector.broadcast %mul3A_92 : f32 to vector<2000x32xf32>
    %mul3A_94 = arith.mulf %mul3A_93, %split3A_77 : vector<2000x32xf32>
    %tanh3A_95 = math.tanh %mul3A_94 : vector<2000x32xf32>
    %mul3A_96 = arith.constant 5.000000e-01 : f32
    %mul3A_97 = vector.broadcast %mul3A_96 : f32 to vector<2000x32xf32>
    %mul3A_98 = arith.mulf %mul3A_97, %tanh3A_95 : vector<2000x32xf32>
    %add3A_99 = arith.constant 5.000000e-01 : f32
    %add3A_100 = vector.broadcast %add3A_99 : f32 to vector<2000x32xf32>
    %add3A_101 = arith.addf %mul3A_98, %add3A_100 : vector<2000x32xf32>
    %tanh3A_102 = math.tanh %split3A_79 : vector<2000x32xf32>
    %mul3A_103 = arith.mulf %add3A_101, %tanh3A_102 : vector<2000x32xf32>
    %add3A_104 = arith.addf %mul3A_91, %mul3A_103 : vector<2000x32xf32>
    %mul3A_105 = arith.constant 5.000000e-01 : f32
    %mul3A_106 = vector.broadcast %mul3A_105 : f32 to vector<2000x32xf32>
    %mul3A_107 = arith.mulf %mul3A_106, %split3A_80 : vector<2000x32xf32>
    %tanh3A_108 = math.tanh %mul3A_107 : vector<2000x32xf32>
    %mul3A_109 = arith.constant 5.000000e-01 : f32
    %mul3A_110 = vector.broadcast %mul3A_109 : f32 to vector<2000x32xf32>
    %mul3A_111 = arith.mulf %mul3A_110, %tanh3A_108 : vector<2000x32xf32>
    %add3A_112 = arith.constant 5.000000e-01 : f32
    %add3A_113 = vector.broadcast %add3A_112 : f32 to vector<2000x32xf32>
    %add3A_114 = arith.addf %mul3A_111, %add3A_113 : vector<2000x32xf32>
    %tanh3A_115 = math.tanh %add3A_104 : vector<2000x32xf32>
    %mul3A_116 = arith.mulf %add3A_114, %tanh3A_115 : vector<2000x32xf32>
    %get3A_117 = arith.constant 0 : index
    %get3A_118 = arith.constant 0 : index
    %get3A_119 = vector.load %arg9[%get3A_117, %get3A_118] : memref<16x128xf32, #tpu.memory_space<vmem>>, vector<16x128xf32>
    %dot_general3A_120 = arith.constant dense<0.000000e+00> : vector<2000x128xf32>
    %dot_general3A_121 = tpu.matmul %max3A_25, %get3A_119, %dot_general3A_120 {dimension_numbers = #tpu.dot_dimension_numbers<[1], [0], [0], [1], [0, 0, 1, 1], [], []>, transpose_lhs_hint = false} : vector<2000x16xf32>, vector<16x128xf32>, vector<2000x128xf32> -> vector<2000x128xf32>
    %get3A_122 = arith.constant 0 : index
    %get3A_123 = arith.constant 0 : index
    %get3A_124 = vector.load %arg11[%get3A_122, %get3A_123] : memref<1x128xf32, #tpu.memory_space<vmem>>, vector<1x128xf32>
    %add3A_125 = vector.broadcast %get3A_124 : vector<1x128xf32> to vector<2000x128xf32>
    %add3A_126 = arith.addf %dot_general3A_121, %add3A_125 : vector<2000x128xf32>
    %split3A_127 = vector.extract_strided_slice %add3A_126 {offsets = [0, 0], sizes = [2000, 32], strides = [1, 1]} : vector<2000x128xf32> to vector<2000x32xf32>
    %split3A_128 = vector.extract_strided_slice %add3A_126 {offsets = [0, 32], sizes = [2000, 32], strides = [1, 1]} : vector<2000x128xf32> to vector<2000x32xf32>
    %split3A_129 = vector.extract_strided_slice %add3A_126 {offsets = [0, 64], sizes = [2000, 32], strides = [1, 1]} : vector<2000x128xf32> to vector<2000x32xf32>
    %split3A_130 = vector.extract_strided_slice %add3A_126 {offsets = [0, 96], sizes = [2000, 32], strides = [1, 1]} : vector<2000x128xf32> to vector<2000x32xf32>
    %mul3A_131 = arith.constant 5.000000e-01 : f32
    %mul3A_132 = vector.broadcast %mul3A_131 : f32 to vector<2000x32xf32>
    %mul3A_133 = arith.mulf %mul3A_132, %split3A_127 : vector<2000x32xf32>
    %tanh3A_134 = math.tanh %mul3A_133 : vector<2000x32xf32>
    %mul3A_135 = arith.constant 5.000000e-01 : f32
    %mul3A_136 = vector.broadcast %mul3A_135 : f32 to vector<2000x32xf32>
    %mul3A_137 = arith.mulf %mul3A_136, %tanh3A_134 : vector<2000x32xf32>
    %add3A_138 = arith.constant 5.000000e-01 : f32
    %add3A_139 = vector.broadcast %add3A_138 : f32 to vector<2000x32xf32>
    %add3A_140 = arith.addf %mul3A_137, %add3A_139 : vector<2000x32xf32>
    %tanh3A_141 = math.tanh %split3A_129 : vector<2000x32xf32>
    %mul3A_142 = arith.mulf %add3A_140, %tanh3A_141 : vector<2000x32xf32>
    %mul3A_143 = arith.constant 5.000000e-01 : f32
    %mul3A_144 = vector.broadcast %mul3A_143 : f32 to vector<2000x32xf32>
    %mul3A_145 = arith.mulf %mul3A_144, %split3A_130 : vector<2000x32xf32>
    %tanh3A_146 = math.tanh %mul3A_145 : vector<2000x32xf32>
    %mul3A_147 = arith.constant 5.000000e-01 : f32
    %mul3A_148 = vector.broadcast %mul3A_147 : f32 to vector<2000x32xf32>
    %mul3A_149 = arith.mulf %mul3A_148, %tanh3A_146 : vector<2000x32xf32>
    %add3A_150 = arith.constant 5.000000e-01 : f32
    %add3A_151 = vector.broadcast %add3A_150 : f32 to vector<2000x32xf32>
    %add3A_152 = arith.addf %mul3A_149, %add3A_151 : vector<2000x32xf32>
    %tanh3A_153 = math.tanh %mul3A_142 : vector<2000x32xf32>
    %mul3A_154 = arith.mulf %add3A_152, %tanh3A_153 : vector<2000x32xf32>
    %get3A_155 = arith.constant 0 : index
    %get3A_156 = arith.constant 0 : index
    %get3A_157 = vector.load %arg9[%get3A_155, %get3A_156] : memref<16x128xf32, #tpu.memory_space<vmem>>, vector<16x128xf32>
    %dot_general3A_158 = arith.constant dense<0.000000e+00> : vector<2000x128xf32>
    %dot_general3A_159 = tpu.matmul %get3A_4, %get3A_157, %dot_general3A_158 {dimension_numbers = #tpu.dot_dimension_numbers<[1], [0], [0], [1], [0, 0, 1, 1], [], []>, transpose_lhs_hint = false} : vector<2000x16xf32>, vector<16x128xf32>, vector<2000x128xf32> -> vector<2000x128xf32>
    %get3A_160 = arith.constant 0 : index
    %get3A_161 = arith.constant 0 : index
    %get3A_162 = vector.load %arg10[%get3A_160, %get3A_161] : memref<32x128xf32, #tpu.memory_space<vmem>>, vector<32x128xf32>
    %dot_general3A_163 = arith.constant dense<0.000000e+00> : vector<2000x128xf32>
    %dot_general3A_164 = tpu.matmul %mul3A_154, %get3A_162, %dot_general3A_163 {dimension_numbers = #tpu.dot_dimension_numbers<[1], [0], [0], [1], [0, 0, 1, 1], [], []>, transpose_lhs_hint = false} : vector<2000x32xf32>, vector<32x128xf32>, vector<2000x128xf32> -> vector<2000x128xf32>
    %add3A_165 = arith.addf %dot_general3A_159, %dot_general3A_164 : vector<2000x128xf32>
    %get3A_166 = arith.constant 0 : index
    %get3A_167 = arith.constant 0 : index
    %get3A_168 = vector.load %arg11[%get3A_166, %get3A_167] : memref<1x128xf32, #tpu.memory_space<vmem>>, vector<1x128xf32>
    %add3A_169 = vector.broadcast %get3A_168 : vector<1x128xf32> to vector<2000x128xf32>
    %add3A_170 = arith.addf %add3A_165, %add3A_169 : vector<2000x128xf32>
    %split3A_171 = vector.extract_strided_slice %add3A_170 {offsets = [0, 0], sizes = [2000, 32], strides = [1, 1]} : vector<2000x128xf32> to vector<2000x32xf32>
    %split3A_172 = vector.extract_strided_slice %add3A_170 {offsets = [0, 32], sizes = [2000, 32], strides = [1, 1]} : vector<2000x128xf32> to vector<2000x32xf32>
    %split3A_173 = vector.extract_strided_slice %add3A_170 {offsets = [0, 64], sizes = [2000, 32], strides = [1, 1]} : vector<2000x128xf32> to vector<2000x32xf32>
    %split3A_174 = vector.extract_strided_slice %add3A_170 {offsets = [0, 96], sizes = [2000, 32], strides = [1, 1]} : vector<2000x128xf32> to vector<2000x32xf32>
    %mul3A_175 = arith.constant 5.000000e-01 : f32
    %mul3A_176 = vector.broadcast %mul3A_175 : f32 to vector<2000x32xf32>
    %mul3A_177 = arith.mulf %mul3A_176, %split3A_172 : vector<2000x32xf32>
    %tanh3A_178 = math.tanh %mul3A_177 : vector<2000x32xf32>
    %mul3A_179 = arith.constant 5.000000e-01 : f32
    %mul3A_180 = vector.broadcast %mul3A_179 : f32 to vector<2000x32xf32>
    %mul3A_181 = arith.mulf %mul3A_180, %tanh3A_178 : vector<2000x32xf32>
    %add3A_182 = arith.constant 5.000000e-01 : f32
    %add3A_183 = vector.broadcast %add3A_182 : f32 to vector<2000x32xf32>
    %add3A_184 = arith.addf %mul3A_181, %add3A_183 : vector<2000x32xf32>
    %mul3A_185 = arith.mulf %add3A_184, %mul3A_142 : vector<2000x32xf32>
    %mul3A_186 = arith.constant 5.000000e-01 : f32
    %mul3A_187 = vector.broadcast %mul3A_186 : f32 to vector<2000x32xf32>
    %mul3A_188 = arith.mulf %mul3A_187, %split3A_171 : vector<2000x32xf32>
    %tanh3A_189 = math.tanh %mul3A_188 : vector<2000x32xf32>
    %mul3A_190 = arith.constant 5.000000e-01 : f32
    %mul3A_191 = vector.broadcast %mul3A_190 : f32 to vector<2000x32xf32>
    %mul3A_192 = arith.mulf %mul3A_191, %tanh3A_189 : vector<2000x32xf32>
    %add3A_193 = arith.constant 5.000000e-01 : f32
    %add3A_194 = vector.broadcast %add3A_193 : f32 to vector<2000x32xf32>
    %add3A_195 = arith.addf %mul3A_192, %add3A_194 : vector<2000x32xf32>
    %tanh3A_196 = math.tanh %split3A_173 : vector<2000x32xf32>
    %mul3A_197 = arith.mulf %add3A_195, %tanh3A_196 : vector<2000x32xf32>
    %add3A_198 = arith.addf %mul3A_185, %mul3A_197 : vector<2000x32xf32>
    %mul3A_199 = arith.constant 5.000000e-01 : f32
    %mul3A_200 = vector.broadcast %mul3A_199 : f32 to vector<2000x32xf32>
    %mul3A_201 = arith.mulf %mul3A_200, %split3A_174 : vector<2000x32xf32>
    %tanh3A_202 = math.tanh %mul3A_201 : vector<2000x32xf32>
    %mul3A_203 = arith.constant 5.000000e-01 : f32
    %mul3A_204 = vector.broadcast %mul3A_203 : f32 to vector<2000x32xf32>
    %mul3A_205 = arith.mulf %mul3A_204, %tanh3A_202 : vector<2000x32xf32>
    %add3A_206 = arith.constant 5.000000e-01 : f32
    %add3A_207 = vector.broadcast %add3A_206 : f32 to vector<2000x32xf32>
    %add3A_208 = arith.addf %mul3A_205, %add3A_207 : vector<2000x32xf32>
    %tanh3A_209 = math.tanh %add3A_198 : vector<2000x32xf32>
    %mul3A_210 = arith.mulf %add3A_208, %tanh3A_209 : vector<2000x32xf32>
    %get3A_211 = arith.constant 0 : index
    %get3A_212 = arith.constant 0 : index
    %get3A_213 = vector.load %arg12[%get3A_211, %get3A_212] : memref<1x64xf32, #tpu.memory_space<vmem>>, vector<1x64xf32>
    %concatenate3A = tpu.concatenate %mul3A_60, %mul3A_210 in 1 : vector<2000x32xf32>, vector<2000x32xf32> -> vector<2000x64xf32>
    %mul3A_214 = vector.broadcast %get3A_213 : vector<1x64xf32> to vector<2000x64xf32>
    %mul3A_215 = arith.mulf %concatenate3A, %mul3A_214 : vector<2000x64xf32>
    %reduce_sum3A = arith.constant dense<0.000000e+00> : vector<2000xf32>
    %reduce_sum3A_216 = vector.multi_reduction <add>, %mul3A_215, %reduce_sum3A [1] : vector<2000x64xf32> to vector<2000xf32>
    %broadcast_in_dim3A = vector.shape_cast %reduce_sum3A_216 : vector<2000xf32> to vector<2000x1xf32>
    %get3A_217 = arith.constant 0 : index
    %get3A_218 = arith.constant 0 : index
    %get3A_219 = vector.load %arg13[%get3A_217, %get3A_218] : memref<1x1xf32, #tpu.memory_space<vmem>>, vector<1x1xf32>
    %add3A_220 = vector.broadcast %get3A_219 : vector<1x1xf32> to vector<2000x1xf32>
    %add3A_221 = arith.addf %broadcast_in_dim3A, %add3A_220 : vector<2000x1xf32>
    %concatenate3A_222 = tpu.concatenate %mul3A_116, %mul3A_154 in 1 : vector<2000x32xf32>, vector<2000x32xf32> -> vector<2000x64xf32>
    %mul3A_223 = vector.broadcast %get3A_213 : vector<1x64xf32> to vector<2000x64xf32>
    %mul3A_224 = arith.mulf %concatenate3A_222, %mul3A_223 : vector<2000x64xf32>
    %reduce_sum3A_225 = arith.constant dense<0.000000e+00> : vector<2000xf32>
    %reduce_sum3A_226 = vector.multi_reduction <add>, %mul3A_224, %reduce_sum3A_225 [1] : vector<2000x64xf32> to vector<2000xf32>
    %broadcast_in_dim3A_227 = vector.shape_cast %reduce_sum3A_226 : vector<2000xf32> to vector<2000x1xf32>
    %get3A_228 = arith.constant 0 : index
    %get3A_229 = arith.constant 0 : index
    %get3A_230 = vector.load %arg13[%get3A_228, %get3A_229] : memref<1x1xf32, #tpu.memory_space<vmem>>, vector<1x1xf32>
    %add3A_231 = vector.broadcast %get3A_230 : vector<1x1xf32> to vector<2000x1xf32>
    %add3A_232 = arith.addf %broadcast_in_dim3A_227, %add3A_231 : vector<2000x1xf32>
    %max3A_233 = arith.maximumf %add3A_221, %add3A_232 : vector<2000x1xf32>
    %sub3A = arith.subf %add3A_221, %max3A_233 : vector<2000x1xf32>
    %exp3A = math.exp %sub3A : vector<2000x1xf32>
    %sub3A_234 = arith.subf %add3A_232, %max3A_233 : vector<2000x1xf32>
    %exp3A_235 = math.exp %sub3A_234 : vector<2000x1xf32>
    %mul3A_236 = vector.broadcast %exp3A : vector<2000x1xf32> to vector<2000x16xf32>
    %mul3A_237 = arith.mulf %mul3A_236, %get3A_4 : vector<2000x16xf32>
    %mul3A_238 = vector.broadcast %exp3A_235 : vector<2000x1xf32> to vector<2000x16xf32>
    %mul3A_239 = arith.mulf %mul3A_238, %max3A_25 : vector<2000x16xf32>
    %add3A_240 = arith.addf %mul3A_237, %mul3A_239 : vector<2000x16xf32>
    %add3A_241 = arith.addf %exp3A, %exp3A_235 : vector<2000x1xf32>
    %div3A = vector.broadcast %add3A_241 : vector<2000x1xf32> to vector<2000x16xf32>
    %div3A_242 = arith.divf %add3A_240, %div3A : vector<2000x16xf32>
    %mul3A_243 = arith.mulf %div3A_242, %get3A_1 : vector<2000x16xf32>
    %swap3A = arith.constant 0 : index
    %swap3A_244 = arith.constant 0 : index
    %swap3A_245 = vector.load %arg14[%swap3A, %swap3A_244] : memref<2000x16xf32, #tpu.memory_space<vmem>>, vector<2000x16xf32>
    tpu.vector_store %arg14[%swap3A, %swap3A_244], %mul3A_243 {strides = array<i32>} : memref<2000x16xf32, #tpu.memory_space<vmem>>, vector<2000x16xf32>,
    return
  }
  func.func @transform_0(%arg0: i32) -> (i32, i32, i32) {
    %c0_i32 = arith.constant 0 : i32
    %c0_i32_0 = arith.constant 0 : i32
    %c0_i32_1 = arith.constant 0 : i32
    return %c0_i32, %arg0, %c0_i32_0 : i32, i32, i32
  }
  func.func @transform_1(%arg0: i32) -> (i32, i32) {
    %c0_i32 = arith.constant 0 : i32
    %c0_i32_0 = arith.constant 0 : i32
    return %arg0, %c0_i32 : i32, i32
  }
  func.func @transform_2(%arg0: i32) -> (i32, i32) {
    %c0_i32 = arith.constant 0 : i32
    %c0_i32_0 = arith.constant 0 : i32
    return %arg0, %c0_i32 : i32, i32
  }
  func.func @transform_3(%arg0: i32) -> (i32, i32) {
    %c0_i32 = arith.constant 0 : i32
    %c0_i32_0 = arith.constant 0 : i32
    %c0_i32_1 = arith.constant 0 : i32
    return %c0_i32, %c0_i32_0 : i32, i32
  }
  func.func @transform_4(%arg0: i32) -> (i32, i32) {
    %c0_i32 = arith.constant 0 : i32
    %c0_i32_0 = arith.constant 0 : i32
    return %arg0, %c0_i32 : i32, i32
  }
  func.func @transform_5(%arg0: i32) -> (i32, i32) {
    %c0_i32 = arith.constant 0 : i32
    %c0_i32_0 = arith.constant 0 : i32
    %c0_i32_1 = arith.constant 0 : i32
    return %c0_i32, %c0_i32_0 : i32, i32
  }
  func.func @transform_6(%arg0: i32) -> (i32, i32) {
    %c0_i32 = arith.constant 0 : i32
    %c0_i32_0 = arith.constant 0 : i32
    %c0_i32_1 = arith.constant 0 : i32
    return %c0_i32, %c0_i32_0 : i32, i32
  }
  func.func @transform_7(%arg0: i32) -> (i32, i32) {
    %c0_i32 = arith.constant 0 : i32
    %c0_i32_0 = arith.constant 0 : i32
    %c0_i32_1 = arith.constant 0 : i32
    return %c0_i32, %c0_i32_0 : i32, i32
  }
  func.func @transform_8(%arg0: i32) -> (i32, i32) {
    %c0_i32 = arith.constant 0 : i32
    %c0_i32_0 = arith.constant 0 : i32
    %c0_i32_1 = arith.constant 0 : i32
    return %c0_i32, %c0_i32_0 : i32, i32
  }
  func.func @transform_9(%arg0: i32) -> (i32, i32) {
    %c0_i32 = arith.constant 0 : i32
    %c0_i32_0 = arith.constant 0 : i32
    %c0_i32_1 = arith.constant 0 : i32
    return %c0_i32, %c0_i32_0 : i32, i32
  }
  func.func @transform_10(%arg0: i32) -> (i32, i32) {
    %c0_i32 = arith.constant 0 : i32
    %c0_i32_0 = arith.constant 0 : i32
    %c0_i32_1 = arith.constant 0 : i32
    return %c0_i32, %c0_i32_0 : i32, i32
  }
  func.func @transform_11(%arg0: i32) -> (i32, i32) {
    %c0_i32 = arith.constant 0 : i32
    %c0_i32_0 = arith.constant 0 : i32
    %c0_i32_1 = arith.constant 0 : i32
    return %c0_i32, %c0_i32_0 : i32, i32
  }
  func.func @transform_12(%arg0: i32) -> (i32, i32) {
    %c0_i32 = arith.constant 0 : i32
    %c0_i32_0 = arith.constant 0 : i32
    %c0_i32_1 = arith.constant 0 : i32
    return %c0_i32, %c0_i32_0 : i32, i32
  }
  func.func @transform_13(%arg0: i32) -> (i32, i32) {
    %c0_i32 = arith.constant 0 : i32
    %c0_i32_0 = arith.constant 0 : i32
    return %arg0, %c0_i32 : i32, i32
  }
}

module attributes {stable_mosaic.version = 14 : i64} {
  func.func @_tc4_body(%arg0: i32, %arg1: memref<2x1000x16xf32, #tpu.memory_space<vmem>>, %arg2: memref<1000x16xf32, #tpu.memory_space<vmem>>, %arg3: memref<1000x16xf32, #tpu.memory_space<vmem>>, %arg4: memref<16x16xf32, #tpu.memory_space<vmem>>, %arg5: memref<1x16xf32, #tpu.memory_space<vmem>>, %arg6: memref<1000x16xf32, #tpu.memory_space<vmem>>) attributes {dimension_semantics = [#tpu.dimension_semantics<arbitrary>], iteration_bounds = array<i64: 10>, scalar_prefetch = 0 : i64, scratch_operands = 0 : i64, tpu.core_type = #tpu.core_type<tc>, window_params = [{transform_indices = @transform_0, window_bounds = array<i64: 2, 1000, 16>}, {transform_indices = @transform_1, window_bounds = array<i64: 1000, 16>}, {transform_indices = @transform_2, window_bounds = array<i64: 1000, 16>}, {pipeline_mode = #tpu.pipeline_mode<synchronous>, transform_indices = @transform_3, window_bounds = array<i64: 16, 16>}, {pipeline_mode = #tpu.pipeline_mode<synchronous>, transform_indices = @transform_4, window_bounds = array<i64: 1, 16>}, {transform_indices = @transform_5, window_bounds = array<i64: 1000, 16>}]} {
    %get3A = arith.constant 0 : index
    %get3A_0 = arith.constant 0 : index
    %get3A_1 = vector.load %arg3[%get3A, %get3A_0] : memref<1000x16xf32, #tpu.memory_space<vmem>>, vector<1000x16xf32>
    %get3A_2 = arith.constant 0 : index
    %get3A_3 = arith.constant 0 : index
    %get3A_4 = arith.constant 0 : index
    %get3A_5 = vector.load %arg1[%get3A_2, %get3A_3, %get3A_4] : memref<2x1000x16xf32, #tpu.memory_space<vmem>>, vector<1x1000x16xf32>
    %get3A_6 = vector.shape_cast %get3A_5 : vector<1x1000x16xf32> to vector<1000x16xf32>
    %get3A_7 = arith.constant 1 : index
    %get3A_8 = arith.constant 0 : index
    %get3A_9 = arith.constant 0 : index
    %get3A_10 = vector.load %arg1[%get3A_7, %get3A_8, %get3A_9] : memref<2x1000x16xf32, #tpu.memory_space<vmem>>, vector<1x1000x16xf32>
    %get3A_11 = vector.shape_cast %get3A_10 : vector<1x1000x16xf32> to vector<1000x16xf32>
    %add3A = arith.addf %get3A_6, %get3A_11 : vector<1000x16xf32>
    %get3A_12 = arith.constant 0 : index
    %get3A_13 = arith.constant 0 : index
    %get3A_14 = vector.load %arg2[%get3A_12, %get3A_13] : memref<1000x16xf32, #tpu.memory_space<vmem>>, vector<1000x16xf32>
    %add3A_15 = arith.addf %add3A, %get3A_14 : vector<1000x16xf32>
    %mul3A = arith.mulf %get3A_1, %add3A_15 : vector<1000x16xf32>
    %get3A_16 = arith.constant 0 : index
    %get3A_17 = arith.constant 0 : index
    %get3A_18 = vector.load %arg4[%get3A_16, %get3A_17] : memref<16x16xf32, #tpu.memory_space<vmem>>, vector<16x16xf32>
    %dot_general3A = arith.constant dense<0.000000e+00> : vector<1000x16xf32>
    %dot_general3A_19 = tpu.matmul %mul3A, %get3A_18, %dot_general3A {dimension_numbers = #tpu.dot_dimension_numbers<[1], [0], [0], [1], [0, 0, 1, 1], [], []>, transpose_lhs_hint = false} : vector<1000x16xf32>, vector<16x16xf32>, vector<1000x16xf32> -> vector<1000x16xf32>
    %get3A_20 = arith.constant 0 : index
    %get3A_21 = arith.constant 0 : index
    %get3A_22 = vector.load %arg5[%get3A_20, %get3A_21] : memref<1x16xf32, #tpu.memory_space<vmem>>, vector<1x16xf32>
    %add3A_23 = vector.broadcast %get3A_22 : vector<1x16xf32> to vector<1000x16xf32>
    %add3A_24 = arith.addf %dot_general3A_19, %add3A_23 : vector<1000x16xf32>
    %reduce_max3A = arith.constant dense<0xFF800000> : vector<1000xf32>
    %reduce_max3A_25 = vector.multi_reduction <maximumf>, %add3A_24, %reduce_max3A [1] : vector<1000x16xf32> to vector<1000xf32>
    %broadcast_in_dim3A = vector.shape_cast %reduce_max3A_25 : vector<1000xf32> to vector<1000x1xf32>
    %sub3A = vector.broadcast %broadcast_in_dim3A : vector<1000x1xf32> to vector<1000x16xf32>
    %sub3A_26 = arith.subf %add3A_24, %sub3A : vector<1000x16xf32>
    %exp3A = math.exp %sub3A_26 : vector<1000x16xf32>
    %reduce_sum3A = arith.constant dense<0.000000e+00> : vector<1000xf32>
    %reduce_sum3A_27 = vector.multi_reduction <add>, %exp3A, %reduce_sum3A [1] : vector<1000x16xf32> to vector<1000xf32>
    %broadcast_in_dim3A_28 = vector.shape_cast %reduce_sum3A_27 : vector<1000xf32> to vector<1000x1xf32>
    %log3A = math.log %broadcast_in_dim3A_28 : vector<1000x1xf32>
    %sub3A_29 = vector.broadcast %log3A : vector<1000x1xf32> to vector<1000x16xf32>
    %sub3A_30 = arith.subf %sub3A_26, %sub3A_29 : vector<1000x16xf32>
    %swap3A = arith.constant 0 : index
    %swap3A_31 = arith.constant 0 : index
    %swap3A_32 = vector.load %arg6[%swap3A, %swap3A_31] : memref<1000x16xf32, #tpu.memory_space<vmem>>, vector<1000x16xf32>
    tpu.vector_store %arg6[%swap3A, %swap3A_31], %sub3A_30 {strides = array<i32>} : memref<1000x16xf32, #tpu.memory_space<vmem>>, vector<1000x16xf32>,
    return
  }
  func.func @transform_0(%arg0: i32) -> (i32, i32, i32) {
    %c0_i32 = arith.constant 0 : i32
    %c0_i32_0 = arith.constant 0 : i32
    %c0_i32_1 = arith.constant 0 : i32
    return %c0_i32, %arg0, %c0_i32_0 : i32, i32, i32
  }
  func.func @transform_1(%arg0: i32) -> (i32, i32) {
    %c0_i32 = arith.constant 0 : i32
    %c0_i32_0 = arith.constant 0 : i32
    return %arg0, %c0_i32 : i32, i32
  }
  func.func @transform_2(%arg0: i32) -> (i32, i32) {
    %c0_i32 = arith.constant 0 : i32
    %c0_i32_0 = arith.constant 0 : i32
    return %arg0, %c0_i32 : i32, i32
  }
  func.func @transform_3(%arg0: i32) -> (i32, i32) {
    %c0_i32 = arith.constant 0 : i32
    %c0_i32_0 = arith.constant 0 : i32
    %c0_i32_1 = arith.constant 0 : i32
    return %c0_i32, %c0_i32_0 : i32, i32
  }
  func.func @transform_4(%arg0: i32) -> (i32, i32) {
    %c0_i32 = arith.constant 0 : i32
    %c0_i32_0 = arith.constant 0 : i32
    %c0_i32_1 = arith.constant 0 : i32
    return %c0_i32, %c0_i32_0 : i32, i32
  }
  func.func @transform_5(%arg0: i32) -> (i32, i32) {
    %c0_i32 = arith.constant 0 : i32
    %c0_i32_0 = arith.constant 0 : i32
    return %arg0, %c0_i32 : i32, i32
  }
}

</mosaic_0001>

<sc_bundles>
// kernel: kernel.10.cloned.1.call-start
scs
__scs_entry_jumppad:
0x0: {  	(pc) =	sbr.rel $0x88, $3  }
0x1: {  	(tag) =	ssettag $0x0;
	lr =	simm.s32 $0x1  }
0x2: {  	[smem:$0x3F8F] =	sst lr;
	_ =	strace $0xD0000000  }
0x3: {  	_ = 	snop  }
0x4: {  	_ = 	snop  }
0x5: {  	_ = 	snop  }
0x6: {  	_ = 	snop  }
0x7: {  	_ = 	snop  }
__scs_overlays_trampoline_lowered:
0x8: {  	[smem:$0x3F9E] =	sst s0  }
0x9: {  	[smem:$0x3F9F] =	sst s1  }
0xa: {  	[smem:$0x3FA0] =	sst s2  }
0xb: {  	[smem:$0x3FA1] =	sst s3  }
0xc: {  	[smem:$0x3FA2] =	sst s4  }
0xd: {  	[smem:$0x3FA3] =	sst s5  }
0xe: {  	[smem:$0x3FA4] =	sst s6  }
0xf: {  	[smem:$0x3FA5] =	sst s7  }
0x10: {  	[smem:$0x3FA6] =	sst s8  }
0x11: {  	[smem:$0x3FA7] =	sst s9;
	s0 =	simm.s32 @!p0 $0x0  }
0x12: {  	s1 =	sld [smem:$0x3F8D];
	s0 =	simm.s32 @p0 $0x1  }
0x13: {  	[smem:$0x3FA8] =	sst s0;
	s0 =	simm.s32 @!p1 $0x0  }
0x14: {  	s2 =	sld [smem:$0x3F8C];
	s0 =	simm.s32 @p1 $0x1  }
0x15: {  	[smem:$0x3FA9] =	sst s0;
	s0 =	simm.s32 @!p2 $0x0  }
0x16: {  	s3 =	sld [smem:$0x3FDB];
	s0 =	simm.s32 @p2 $0x1  }
0x17: {  	s4 =	simm.s32 $0x1BF5;
	[smem:$0x3FAB] =	sst s0  }
0x18: {  	s0 =	sld [smem:$0x3F8E];
	_ =	swait.ge [sflag:s4], $0x0  }
0x19: {  	s7 =	sld [smem:$0x3F8F]  }
0x1a: {  	s8 =	sadd.s32 $0xFFFFE003, lr  }
0x1b: {  	s9 =	sadd.s32 $0xFFFFFEF7, lr;
	s5 =	simm.s32 $0xFFFFFFFF;
	p2 =	slt.u32 s8, $0xFFFFF086  }
0x1c: {  	p1 =	slt.u32 s9, $0xF7A;
	s5 =	simm.s32 @!p2 $0x0  }
0x1d: {  	s5 =	simm.s32 @p1 $0x1;
	p0 =	seq.s32 s7, s2  }
0x1e: {  	s7 =	smul.u32 @!p0 $0xF7A, s2;
	p2 =	seq.s32 @!p0 s5, $0x0  }
0x1f: {  	s9 =	smul.u32 $0xF7A, s1;
	s8 =	simm.s32 @!p0 $0x1BF5;
	p2 =	por !p2, p0  }
0x20: {  	[sflag:s8] =	ssyncset.s32 @!p0 $0xFFFFF086;
	s6 =	sadd.s32 @!p0 s3, s7;
	s7 =	simm.s32 @!p0 $0x108  }
0x21: {  	s3 =	sadd.s32 s3, s9;
	s6 =	sadd.s32 @!p0 $0x88, s6;
	s7 =	simm.s32 @p2 $0x1082  }
0x22: {  	[simem:s7], [sflag:s8] =	dma.local @!p0 [hbm:s6], $0xF7A  }
0x23: {  	s9 =	sor.u32 $0xD0000000, s2;
	s6 =	simm.s32 $0x108;
	_ =	swait.ge @!p0 [sflag:s8], $0x0  }
0x24: {  	s3 =	sadd.s32 $0x88, s3;
	s6 =	simm.s32 @!p1 $0x1082;
	[sflag:s4] =	ssyncset.s32 $0xFFFFF086  }
0x25: {  	[simem:s6], [sflag:s4] =	dma.local [hbm:s3], $0xF7A  }
0x26: {  	[smem:$0x3F8F] =	sst s1;
	(tag) =	ssettag s2;
	_ =	strace s9  }
0x27: {  	s1 =	sld [smem:$0x3F9F]  }
0x28: {  	s2 =	sld [smem:$0x3FA0]  }
0x29: {  	s4 =	sld [smem:$0x3FA2]  }
0x2a: {  	p0 =	seq.s32 s5, $0x0;
	s5 =	sld [smem:$0x3FA3]  }
0x2b: {  	s6 =	sld [smem:$0x3FA4]  }
0x2c: {  	s7 =	sld [smem:$0x3FA5]  }
0x2d: {  	s3 =	simm.s32 $0x108;
	s8 =	sld [smem:$0x3FA6]  }
0x2e: {  	s3 =	simm.s32 @!p0 $0x1082;
	s9 =	sld [smem:$0x3FA7]  }
0x2f: {  	lr =	sadd.s32 s0, s3;
	s0 =	sld [smem:$0x3F9E]  }
0x30: {  	s3 =	sld [smem:$0x3FA1]  }
0x31: {  	[smem:$0x3FAA] =	sst s10  }
0x32: {  	s10 =	sld [smem:$0x3FA8];
	_ =	sdelay $0x3  }
0x33: {  	p0 =	seq.s32 s10, $0x1;
	s10 =	sld [smem:$0x3FAA];
	_ =	sdelay $0x3  }
0x34: {  	[smem:$0x3FAA] =	sst s10  }
0x35: {  	s10 =	sld [smem:$0x3FA9];
	_ =	sdelay $0x3  }
0x36: {  	p1 =	seq.s32 s10, $0x1;
	s10 =	sld [smem:$0x3FAA];
	_ =	sdelay $0x3  }
0x37: {  	[smem:$0x3FAA] =	sst s10  }
0x38: {  	s10 =	sld [smem:$0x3FAB]  }
0x39: {  	_ = 	snop;
	(pc) =	sbr.ind lr, $3  }
0x3a: {  	_ = 	snop  }
0x3b: {  	_ = 	snop  }
0x3c: {  	p2 =	seq.s32 s10, $0x1;
	s10 =	sld [smem:$0x3FAA]  }
0x3d: {  	_ =	shalt  }
0x3e: {  	_ =	shalt  }
0x3f: {  	_ =	shalt  }
0x40: {  	_ =	shalt  }
0x41: {  	_ =	shalt  }
0x42: {  	_ =	shalt  }
0x43: {  	_ =	shalt  }
0x44: {  	_ =	shalt  }
0x45: {  	_ =	shalt  }
0x46: {  	_ =	shalt  }
0x47: {  	_ =	shalt  }
0x48: {  	_ =	shalt  }
0x49: {  	_ =	shalt  }
0x4a: {  	_ =	shalt  }
0x4b: {  	_ =	shalt  }
0x4c: {  	_ =	shalt  }
0x4d: {  	_ =	shalt  }
0x4e: {  	_ =	shalt  }
0x4f: {  	_ =	shalt  }
0x50: {  	_ =	shalt  }
0x51: {  	_ =	shalt  }
0x52: {  	_ =	shalt  }
0x53: {  	_ =	shalt  }
0x54: {  	_ =	shalt  }
0x55: {  	_ =	shalt  }
0x56: {  	_ =	shalt  }
0x57: {  	_ =	shalt  }
0x58: {  	_ =	shalt  }
0x59: {  	_ =	shalt  }
0x5a: {  	_ =	shalt  }
0x5b: {  	_ =	shalt  }
0x5c: {  	_ =	shalt  }
0x5d: {  	_ =	shalt  }
0x5e: {  	_ =	shalt  }
0x5f: {  	_ =	shalt  }
0x60: {  	_ =	shalt  }
0x61: {  	_ =	shalt  }
0x62: {  	_ =	shalt  }
0x63: {  	_ =	shalt  }
0x64: {  	_ =	shalt  }
0x65: {  	_ =	shalt  }
0x66: {  	_ =	shalt  }
0x67: {  	_ =	shalt  }
0x68: {  	_ =	shalt  }
0x69: {  	_ =	shalt  }
0x6a: {  	_ =	shalt  }
0x6b: {  	_ =	shalt  }
0x6c: {  	_ =	shalt  }
0x6d: {  	_ =	shalt  }
0x6e: {  	_ =	shalt  }
0x6f: {  	_ =	shalt  }
0x70: {  	_ =	shalt  }
0x71: {  	_ =	shalt  }
0x72: {  	_ =	shalt  }
0x73: {  	_ =	shalt  }
0x74: {  	_ =	shalt  }
0x75: {  	_ =	shalt  }
0x76: {  	_ =	shalt  }
0x77: {  	_ =	shalt  }
0x78: {  	_ =	shalt  }
0x79: {  	_ =	shalt  }
0x7a: {  	_ =	shalt  }
0x7b: {  	_ =	shalt  }
0x7c: {  	_ =	shalt  }
0x7d: {  	_ =	shalt  }
0x7e: {  	_ =	shalt  }
0x7f: {  	_ =	shalt  }
0x80: {  	_ =	shalt  }
0x81: {  	_ =	shalt  }
0x82: {  	_ =	shalt  }
0x83: {  	_ =	shalt  }
0x84: {  	_ =	shalt  }
0x85: {  	_ =	shalt  }
0x86: {  	_ =	shalt  }
0x87: {  	_ =	shalt  }
.Lfunc_end0:
.L_simem_size_0:
called_computation_lowered:
.L_overlay_start_0:
0x88: {  	s2 =	sld [smem:$0x3FD9]  }
0x89: {  	s3 =	sld [smem:$0x3FFE];
	_ =	sdelay $0x1  }
0x8a: {  	s1 =	srdreg.scid  }
0x8b: {  	s0 =	sand.u32 $0x1, s1  }
0x8c: {  	s16 =	sshll.u32 s0, $0xA;
	s2 =	sadd.s32 s3, s2  }
0x8d: {  	s2 =	sadd.s32 s2, s16  }
0x8e: {  	[smem:$0x3FB6] =	sst s2  }
0x8f: {  	_ = 	snop  }
0x90: {  	(tm) =	ssettm $0x1  }
0x91: {  	s17 =	sld [smem:$0x3FFB];
	_ =	sdelay $0x3  }
0x92: {  	_ =	strace s17  }
0x93: {  	s2 =	sld [smem:$0x3FFC];
	_ =	sdelay $0x3  }
0x94: {  	_ =	strace s2  }
0x95: {  	s2 =	sld [smem:$0x3FFD];
	_ =	sdelay $0x3  }
0x96: {  	_ =	strace s2  }
0x97: {  	_ =	strace $0x8FFFFFFF  }
0x98: {  	s18 =	sld [smem:$0x3FDB];
	_ =	sdelay $0x1  }
0x99: {  	s19 =	simm.s32 $_scs_section_size  }
0x9a: {  	s4 =	simm.s32 $_size__tile_overlayer_lowered;
	s5 =	simm.s32 $_tile_overlayer_lowered  }
0x9b: {  	s22 =	simm.s32 $0x1BFF;
	s21 =	sshll.u32 s5, $0x1;
	s2 =	sadd.s32 s19, s18  }
0x9c: {  	s6 =	simm.s32 $0x0;
	s20 =	sshll.u32 s4, $0x1;
	s4 =	sadd.s32 s21, s2  }
0x9d: {  	[timem:s6], [sflag:s22] =	dma.local [hbm:s4], s20  }
0x9e: {  	_ =	swait.ge [sflag:s22], s20  }
0x9f: {  	s3 =	ssub.s32 $0x0, s20;
	[sflag:s22] =	ssyncset.done $0x0  }
0xa0: {  	[sflag:s22] =	ssyncadd.s32 s3;
	_ =	sdelay $0x1  }
0xa1: {  	s23 =	simm.s32 $0x1B8B  }
0xa2: {  	_ =	swait.ge [sflag:s23], $0x1  }
0xa3: {  	[sflag:s23] =	ssyncset.done $0x0  }
0xa4: {  	s25 =	simm.s32 $0x1B8E;
	s24 =	sld [smem:$0x3FFE];
	[sflag:s23] =	ssyncadd.s32 $0xFFFFFFFF  }
0xa5: {  	s26 =	simm.s32 $execute0_lowered;
	[smem:$0x3FD2] =	sst s25  }
0xa6: {  	s4 =	sshll.u32 s26, $0x1;
	_ =	strace $0x80000046;
	[dreg:$0x1] =	wrdreg $0xFFFFFFFF  }
0xa7: {  	s28 =	simm.s32 $_size_execute0_lowered;
	s2 =	sadd.s32 s2, s4;
	[dreg:$0x0] =	wrdreg $0x0  }
0xa8: {  	s4 =	sshll.u32 s28, $0x1;
	[dreg:$0x2] =	wrdreg s2  }
0xa9: {  	[dreg:$0x3] =	wrdreg s4  }
0xaa: {  	[dreg:$0x4] =	wrdreg $0xC0  }
0xab: {  	_ =	task [dreg:s6], $0x5FFFF  }
0xac: {  	[dreg:$0x1] =	wrdreg $0xFFFFFFFF  }
0xad: {  	[dreg:$0x0] =	wrdreg $0x60  }
0xae: {  	[dreg:$0x2] =	wrdreg s24  }
0xaf: {  	[dreg:$0x3] =	wrdreg $0x5B800  }
0xb0: {  	[dreg:$0x4] =	wrdreg $0x9  }
0xb1: {  	_ =	task.clear_ibuf [dreg:s6], $0x5FFFF;
	_ =	strace $0x90000046  }
0xb2: {  	s29 =	simm.s32 $0x9;
	_ =	strace $0x80000048  }
0xb3: {  	_ =	swait.ge [sflag:s29], $0x1  }
0xb4: {  	[sflag:s29] =	ssyncadd.s32 $0xFFFFFFFF  }
0xb5: {  	_ =	strace $0x90000048  }
0xb6: {  	_ =	sfence  }
0xb7: {  	s30 =	sld [smem:$0x0];
	_ =	sdelay $0x2  }
0xb8: {  	s31 =	sshll.u32 s1, $0xD;
	s1 =	sshrl.u32 s1, $0x2  }
0xb9: {  	s3 =	sand.u32 $0x4000, s31;
	s1 =	sadd.s32 s1, s30  }
0xba: {  	s0 =	sor.u32 s3, s0;
	s1 =	sshll.u32 s1, $0x11  }
0xbb: {  	s0 =	sor.u32 s1, s0  }
0xbc: {  	s0 =	sadd.s32 $0x8F2B, s0  }
0xbd: {  	[sflag:s0] =	ssyncadd.remote.s32 $0x1  }
0xbe: {  	_ =	sfence.sel $0xFFFF  }
0xbf: {  	[dreg:$0x0] =	wrdreg $0xFFFFFFFF;
	(pc) =	sbr.abs _section_cstart, $3  }
0xc0: {  	[dreg:$0x1] =	wrdreg $0xFFFFFFFF  }
0xc1: {  	_ =	task.clear_ibuf [dreg:s6], $0x2FFFF;
	_ =	strace $0x9FFFFFFF  }
0xc2: {  	(tm) =	ssettm $0x7FFFFFFF  }
0xc3: {  	_ =	shalt  }
tec
execute0_lowered:
.L_overlay_start_1:
0x0: {  	(tag) =	ssettag $0x1  }
0x1: {  	s4 =	rddreg [dreg:$0x0]  }
0x2: {  	s2 =	rddreg [dreg:$0x1]  }
0x3: {  	s0 =	rddreg [dreg:$0x2];
	s1 =	stileid.u32  }
0x4: {  	s3 =	simm.s32 $0x0;
	s6 =	srdreg.scid;
	s5 =	smul.u32 $0x9E00, s1  }
0x5: {  	[smem:$0x7FF] =	sst s3;
	s7 =	smul.u32 $0x2400, s1;
	s8 =	sadd.s32 $0x3400, s4  }
0x6: {  	s11 =	sand.u32 $0x1, s6;
	s28 =	smul.u32 $0x580, s1;
	s9 =	sadd.s32 $0xD400, s4  }
0x7: {  	s13 =	smul.u32 $0x2780, s1;
	s6 =	sadd.s32 $0x25080, s2;
	p0 =	seq.s32 s1, $0xF  }
0x8: {  	_ =	strace $0x80000047;
	s29 =	ssub.s32 $0x2, s11;
	s10 =	smul.u32 $0x27100, s11  }
0x9: {  	p1 =	sne.s32 s11, $0x0;
	s12 =	sshrl.u32 s29, $0x1;
	s5 =	sshrl.u32 s5, $0x2  }
0xa: {  	s30 =	sshrl.u32 s7, $0x3;
	s12 =	ssub.s32 s29, s12;
	s4 =	sadd.s32 s5, s2  }
0xb: {  	s7 =	sadd.s32 s8, s30;
	s5 =	sadd.s32 s8, s28;
	s31 =	sadd.s32 s13, s10  }
0xc: {  	s10 =	sshrl.u32 s10, $0x3;
	s13 =	sadd.s32 s13, s2;
	s8 =	sshrl.u32 s31, $0x3  }
0xd: {  	s7 =	sadd.s32 $0x5800, s7;
	s8 =	sadd.s32 s9, s8;
	s9 =	sadd.s32 s9, s10  }
0xe: {  	v0 =	vimm.f32 $0.0e+00;
	v1 =	vimm.f32 $1.000000000e+00;
	s11 =	sshrl.u32 @!p0 s13, $0x3;
	s10 =	smax.u32 s12, $0x1;
	s9 =	sadd.s32 $0x4A10, s9  }
.LBB2_1:
0xf: {  	s12 =	simm.s32 $0x40;
	s13 =	simm.s32 $0x0  }
.LBB2_2:
0x10: {  	p2 =	sne.s32 s12, $0x9DC0;
	[tilespmem:s13+$0x3400] =	vst v0;
	s13 =	smov.u32 s12;
	s12 =	sadd.s32 $0x40, s12  }
.Ltmp0:
0x11: {  	(pc) =	sbr.rel @p2 .LBB2_2-.Ltmp0, $2  }
0x12: {  	_ =	sdelay $0x2  }
0x13: {  	s13 =	sshra.s32 s13, $0x2  }
0x14: {  	[tilespmem:s13+$0x3400] =	vst v0;
	s12 =	simm.s32 @p0 $0x3400  }
0x15: {  	[spmem:s6] =	stream.linear.scatter @p0 [tilespmem:s12], [sflag:$0x2], $0x2100, $0x38;
	[tilespmem:$0x8298] =	vst v63  }
0x16: {  	s12 =	simm.s32 @p0 $0x2  }
0x17: {  	_ =	swait.ge @p0 [sflag:s12], $0x2100  }
0x18: {  	[sflag:s12] =	ssyncset.done @p0 $0x0  }
0x19: {  	[sflag:s12] =	ssyncadd.s32 @p0 $0xFFFFDF00;
	s12 =	simm.s32 @!p0 $0x3400  }
0x1a: {  	[spmem:s4] =	stream.linear.scatter @!p0 [tilespmem:s12], [sflag:$0x2], $0x2780, $0x38;
	[tilespmem:$0x8298] =	vst v63  }
0x1b: {  	s12 =	simm.s32 @!p0 $0x2  }
0x1c: {  	_ =	swait.ge @!p0 [sflag:s12], $0x2780  }
0x1d: {  	[sflag:s12] =	ssyncset.done @!p0 $0x0  }
0x1e: {  	s13 =	simm.s32 $0x0;
	[sflag:s12] =	ssyncadd.s32 @!p0 $0xFFFFD880;
	s12 =	simm.s32 $0x40  }
.LBB2_4:
0x1f: {  	p2 =	sne.s32 s12, $0x1FC0;
	[tilespmem:s13+$0x2C00] =	vst v1;
	s13 =	smov.u32 s12;
	s12 =	sadd.s32 $0x40, s12  }
.Ltmp1:
0x20: {  	(pc) =	sbr.rel @p2 .LBB2_4-.Ltmp1, $2  }
0x21: {  	_ =	sdelay $0x2  }
0x22: {  	s13 =	sshra.s32 s13, $0x2  }
0x23: {  	[tilespmem:s13+$0x2C00] =	vst v1;
	s12 =	simm.s32 @p1 $0x0  }
0x24: {  	[tilespmem:s12], [sflag:$0x2] =	stream.linear.gather @p1 [hbm4b:s7+s12], $0x2400, $0x38;
	[tilespmem:$0x8298] =	vst v63  }
0x25: {  	s12 =	simm.s32 @p1 $0x2  }
0x26: {  	_ =	swait.ge @p1 [sflag:s12], $0x2400  }
0x27: {  	[sflag:s12] =	ssyncset.done @p1 $0x0  }
0x28: {  	[sflag:s12] =	ssyncadd.s32 @p1 $0xFFFFDC00;
	s12 =	simm.s32 @!p1 $0x0  }
0x29: {  	[tilespmem:s12], [sflag:$0x2] =	stream.linear.gather @!p1 [hbm4b:s5+s12], $0x2C00, $0x38;
	[tilespmem:$0x8298] =	vst v63  }
0x2a: {  	s13 =	simm.s32 @!p1 $0x2;
	s12 =	simm.s32 @!p1 $0xB  }
0x2b: {  	_ =	swait.ge @!p1 [sflag:s13], $0x2C00;
	s12 =	simm.s32 @p1 $0x9  }
0x2c: {  	[sflag:s13] =	ssyncset.done @!p1 $0x0;
	p3 =	sle.u32 s12, $0x0  }
0x2d: {  	[sflag:s13] =	ssyncadd.s32 @!p1 $0xFFFFD400;
	s13 =	simm.s32 @!p3 $0x0  }
0x2e: {  	s14 =	simm.s32 @!p3 $0x80;
	s16 =	simm.s32 @!p3 $0x2C00;
	[bflag:$0x0] =	sbarrier.arrive $0xFFFF  }
0x2f: {  	[spmem:s2] =	stream.indirect.scatter.add.f32 @!p3 [tilespmem:s16], [sflag:$0x1], $0x10, s13, s14, $0xb8;
	[tilespmem:$0x8298] =	vst v63  }
0x30: {  	s13 =	simm.s32 @!p3 $0x80  }
0x31: {  	[spmem:s2] =	stream.indirect.scatter.add.f32 @!p3 [tilespmem:s16], [sflag:$0x1], $0x10, s13, s14, $0xb8;
	[tilespmem:$0x8298] =	vst v63  }
0x32: {  	s13 =	simm.s32 @!p3 $0x100  }
0x33: {  	[spmem:s2] =	stream.indirect.scatter.add.f32 @!p3 [tilespmem:s16], [sflag:$0x1], $0x10, s13, s14, $0xb8;
	[tilespmem:$0x8298] =	vst v63  }
0x34: {  	p2 =	por p3, p3;
	s13 =	simm.s32 @!p3 $0x180  }
0x35: {  	[spmem:s2] =	stream.indirect.scatter.add.f32 @!p2 [tilespmem:s16], [sflag:$0x1], $0x10, s13, s14, $0xb8;
	[tilespmem:$0x8298] =	vst v63  }
0x36: {  	s13 =	simm.s32 @!p3 $0x200  }
0x37: {  	[spmem:s2] =	stream.indirect.scatter.add.f32 @!p2 [tilespmem:s16], [sflag:$0x1], $0x10, s13, s14, $0xb8;
	[tilespmem:$0x8298] =	vst v63  }
0x38: {  	s13 =	simm.s32 @!p3 $0x280  }
0x39: {  	[spmem:s2] =	stream.indirect.scatter.add.f32 @!p2 [tilespmem:s16], [sflag:$0x1], $0x10, s13, s14, $0xb8;
	[tilespmem:$0x8298] =	vst v63  }
0x3a: {  	s13 =	simm.s32 @!p3 $0x300  }
0x3b: {  	[spmem:s2] =	stream.indirect.scatter.add.f32 @!p2 [tilespmem:s16], [sflag:$0x1], $0x10, s13, s14, $0xb8;
	[tilespmem:$0x8298] =	vst v63  }
0x3c: {  	s15 =	simm.s32 @!p2 $0x1;
	s13 =	simm.s32 @!p3 $0x380  }
0x3d: {  	[spmem:s2] =	stream.indirect.scatter.add.f32 @!p2 [tilespmem:s16], [sflag:$0x1], $0x10, s13, s14, $0xb8;
	[tilespmem:$0x8298] =	vst v63  }
0x3e: {  	_ =	swait.ge @!p2 [sflag:s15], $0x800  }
0x3f: {  	[sflag:s15] =	ssyncset.done @!p2 $0x0  }
0x40: {  	[sflag:s15] =	ssyncadd.s32 @!p2 $0xFFFFF800  }
0x41: {  	_ =	swait.ge @!p2 [sflag:s15], $0x800  }
0x42: {  	[sflag:s15] =	ssyncset.done @!p2 $0x0  }
0x43: {  	[sflag:s15] =	ssyncadd.s32 @!p2 $0xFFFFF800  }
0x44: {  	_ =	swait.ge @!p2 [sflag:s15], $0x800  }
0x45: {  	[sflag:s15] =	ssyncset.done @!p2 $0x0  }
0x46: {  	[sflag:s15] =	ssyncadd.s32 @!p2 $0xFFFFF800  }
0x47: {  	_ =	swait.ge @!p2 [sflag:s15], $0x800  }
0x48: {  	[sflag:s15] =	ssyncset.done @!p2 $0x0  }
0x49: {  	[sflag:s15] =	ssyncadd.s32 @!p2 $0xFFFFF800  }
0x4a: {  	_ =	swait.ge @!p2 [sflag:s15], $0x800  }
0x4b: {  	[sflag:s15] =	ssyncset.done @!p2 $0x0  }
0x4c: {  	[sflag:s15] =	ssyncadd.s32 @!p2 $0xFFFFF800  }
0x4d: {  	_ =	swait.ge @!p2 [sflag:s15], $0x800  }
0x4e: {  	[sflag:s15] =	ssyncset.done @!p2 $0x0  }
0x4f: {  	[sflag:s15] =	ssyncadd.s32 @!p2 $0xFFFFF800  }
0x50: {  	_ =	swait.ge @!p2 [sflag:s15], $0x800  }
0x51: {  	[sflag:s15] =	ssyncset.done @!p2 $0x0  }
0x52: {  	p4 =	sle.u32 s12, $0x1;
	s16 =	simm.s32 $0x1000;
	[sflag:s15] =	ssyncadd.s32 @!p2 $0xFFFFF800  }
0x53: {  	s13 =	simm.s32 $0x2000;
	s14 =	simm.s32 $0x1;
	_ =	swait.ge @!p2 [sflag:s15], $0x800  }
.LBB2_6:
0x54: {  	s16 =	sshra.s32 @!p4 s16, $0x2;
	s17 =	simm.s32 @!p4 $0x80;
	[sflag:s15] =	ssyncset.done @!p2 $0x0  }
0x55: {  	s18 =	simm.s32 @!p4 $0x2C00;
	s19 =	sadd.s32 @!p4 $0x80, s16;
	[sflag:s15] =	ssyncadd.s32 @!p2 $0xFFFFF800  }
0x56: {  	[spmem:s2] =	stream.indirect.scatter.add.f32 @!p4 [tilespmem:s18], [sflag:$0x1], $0x10, s16, s17, $0xb8;
	[tilespmem:$0x8298] =	vst v63  }
0x57: {  	s15 =	sadd.s32 @!p4 $0x100, s16;
	s20 =	sadd.s32 @!p4 $0x180, s16;
	s21 =	sadd.s32 @!p4 $0x200, s16  }
0x58: {  	[spmem:s2] =	stream.indirect.scatter.add.f32 @!p4 [tilespmem:s18], [sflag:$0x1], $0x10, s19, s17, $0xb8;
	[tilespmem:$0x8298] =	vst v63  }
0x59: {  	s22 =	sadd.s32 @!p4 $0x300, s16;
	s23 =	sadd.s32 @!p4 $0x380, s16;
	s19 =	sadd.s32 @!p4 $0x280, s16  }
0x5a: {  	[spmem:s2] =	stream.indirect.scatter.add.f32 @!p4 [tilespmem:s18], [sflag:$0x1], $0x10, s15, s17, $0xb8;
	[tilespmem:$0x8298] =	vst v63  }
0x5b: {  	p2 =	por p4, p4;
	s16 =	smov.u32 s13;
	s13 =	sadd.s32 $0x1000, s13  }
0x5c: {  	[spmem:s2] =	stream.indirect.scatter.add.f32 @!p2 [tilespmem:s18], [sflag:$0x1], $0x10, s20, s17, $0xb8;
	[tilespmem:$0x8298] =	vst v63  }
0x5d: {  	p3 =	sne.s32 s13, $0xB000  }
0x5e: {  	[spmem:s2] =	stream.indirect.scatter.add.f32 @!p2 [tilespmem:s18], [sflag:$0x1], $0x10, s21, s17, $0xb8;
	[tilespmem:$0x8298] =	vst v63  }
0x5f: {  	_ = 	snop  }
0x60: {  	[spmem:s2] =	stream.indirect.scatter.add.f32 @!p2 [tilespmem:s18], [sflag:$0x1], $0x10, s19, s17, $0xb8;
	[tilespmem:$0x8298] =	vst v63  }
0x61: {  	_ = 	snop  }
0x62: {  	[spmem:s2] =	stream.indirect.scatter.add.f32 @!p2 [tilespmem:s18], [sflag:$0x1], $0x10, s22, s17, $0xb8;
	[tilespmem:$0x8298] =	vst v63  }
0x63: {  	s15 =	simm.s32 @!p2 $0x1  }
0x64: {  	[spmem:s2] =	stream.indirect.scatter.add.f32 @!p2 [tilespmem:s18], [sflag:$0x1], $0x10, s23, s17, $0xb8;
	[tilespmem:$0x8298] =	vst v63  }
0x65: {  	_ =	swait.ge @!p2 [sflag:s15], $0x800  }
0x66: {  	[sflag:s15] =	ssyncset.done @!p2 $0x0  }
0x67: {  	[sflag:s15] =	ssyncadd.s32 @!p2 $0xFFFFF800  }
0x68: {  	_ =	swait.ge @!p2 [sflag:s15], $0x800  }
0x69: {  	[sflag:s15] =	ssyncset.done @!p2 $0x0  }
0x6a: {  	[sflag:s15] =	ssyncadd.s32 @!p2 $0xFFFFF800  }
0x6b: {  	_ =	swait.ge @!p2 [sflag:s15], $0x800  }
0x6c: {  	[sflag:s15] =	ssyncset.done @!p2 $0x0  }
0x6d: {  	[sflag:s15] =	ssyncadd.s32 @!p2 $0xFFFFF800  }
0x6e: {  	_ =	swait.ge @!p2 [sflag:s15], $0x800  }
0x6f: {  	[sflag:s15] =	ssyncset.done @!p2 $0x0  }
0x70: {  	[sflag:s15] =	ssyncadd.s32 @!p2 $0xFFFFF800  }
0x71: {  	_ =	swait.ge @!p2 [sflag:s15], $0x800  }
0x72: {  	[sflag:s15] =	ssyncset.done @!p2 $0x0  }
0x73: {  	[sflag:s15] =	ssyncadd.s32 @!p2 $0xFFFFF800  }
0x74: {  	_ =	swait.ge @!p2 [sflag:s15], $0x800  }
0x75: {  	[sflag:s15] =	ssyncset.done @!p2 $0x0  }
.Ltmp2:
0x76: {  	[sflag:s15] =	ssyncadd.s32 @!p2 $0xFFFFF800;
	(pc) =	sbr.rel @p3 .LBB2_6-.Ltmp2, $4  }
0x77: {  	_ =	swait.ge @!p2 [sflag:s15], $0x800  }
0x78: {  	[sflag:s15] =	ssyncset.done @!p2 $0x0  }
0x79: {  	s14 =	sadd.s32 $0x1, s14;
	[sflag:s15] =	ssyncadd.s32 @!p2 $0xFFFFF800  }
0x7a: {  	p4 =	sge.u32 s14, s12;
	_ =	swait.ge @!p2 [sflag:s15], $0x800  }
0x7b: {  	s12 =	sshra.s32 @!p4 s16, $0x2;
	[sflag:s15] =	ssyncset.done @!p2 $0x0  }
0x7c: {  	s13 =	simm.s32 @!p4 $0x80;
	s14 =	simm.s32 @!p4 $0x2C00;
	[sflag:s15] =	ssyncadd.s32 @!p2 $0xFFFFF800  }
0x7d: {  	[spmem:s2] =	stream.indirect.scatter.add.f32 @!p4 [tilespmem:s14], [sflag:$0x1], $0x10, s12, s13, $0xb8;
	[tilespmem:$0x8298] =	vst v63  }
0x7e: {  	s15 =	sadd.s32 @!p4 $0x80, s12  }
0x7f: {  	[spmem:s2] =	stream.indirect.scatter.add.f32 @!p4 [tilespmem:s14], [sflag:$0x1], $0x10, s15, s13, $0xb8;
	[tilespmem:$0x8298] =	vst v63  }
0x80: {  	s15 =	sadd.s32 @!p4 $0x100, s12  }
0x81: {  	[spmem:s2] =	stream.indirect.scatter.add.f32 @!p4 [tilespmem:s14], [sflag:$0x1], $0x10, s15, s13, $0xb8;
	[tilespmem:$0x8298] =	vst v63  }
0x82: {  	p2 =	por p4, p4;
	s15 =	sadd.s32 @!p4 $0x180, s12  }
0x83: {  	[spmem:s2] =	stream.indirect.scatter.add.f32 @!p2 [tilespmem:s14], [sflag:$0x1], $0x10, s15, s13, $0xb8;
	[tilespmem:$0x8298] =	vst v63  }
0x84: {  	s15 =	sadd.s32 @!p4 $0x200, s12  }
0x85: {  	[spmem:s2] =	stream.indirect.scatter.add.f32 @!p2 [tilespmem:s14], [sflag:$0x1], $0x10, s15, s13, $0xb8;
	[tilespmem:$0x8298] =	vst v63  }
0x86: {  	s15 =	sadd.s32 @!p4 $0x280, s12  }
0x87: {  	[spmem:s2] =	stream.indirect.scatter.add.f32 @!p2 [tilespmem:s14], [sflag:$0x1], $0x10, s15, s13, $0xb8;
	[tilespmem:$0x8298] =	vst v63  }
0x88: {  	s15 =	sadd.s32 @!p4 $0x300, s12  }
0x89: {  	[spmem:s2] =	stream.indirect.scatter.add.f32 @!p2 [tilespmem:s14], [sflag:$0x1], $0x10, s15, s13, $0xb8;
	[tilespmem:$0x8298] =	vst v63  }
0x8a: {  	s12 =	sadd.s32 @!p4 $0x380, s12;
	s15 =	simm.s32 @!p2 $0x1  }
0x8b: {  	[spmem:s2] =	stream.indirect.scatter.add.f32 @!p2 [tilespmem:s14], [sflag:$0x1], $0x10, s12, s13, $0xb8;
	[tilespmem:$0x8298] =	vst v63  }
0x8c: {  	_ =	swait.ge @!p2 [sflag:s15], $0x800  }
0x8d: {  	[sflag:s15] =	ssyncset.done @!p2 $0x0  }
0x8e: {  	[sflag:s15] =	ssyncadd.s32 @!p2 $0xFFFFF800  }
0x8f: {  	_ =	swait.ge @!p2 [sflag:s15], $0x800  }
0x90: {  	[sflag:s15] =	ssyncset.done @!p2 $0x0  }
0x91: {  	[sflag:s15] =	ssyncadd.s32 @!p2 $0xFFFFF800  }
0x92: {  	_ =	swait.ge @!p2 [sflag:s15], $0x800  }
0x93: {  	[sflag:s15] =	ssyncset.done @!p2 $0x0  }
0x94: {  	[sflag:s15] =	ssyncadd.s32 @!p2 $0xFFFFF800  }
0x95: {  	_ =	swait.ge @!p2 [sflag:s15], $0x800  }
0x96: {  	[sflag:s15] =	ssyncset.done @!p2 $0x0  }
0x97: {  	[sflag:s15] =	ssyncadd.s32 @!p2 $0xFFFFF800  }
0x98: {  	_ =	swait.ge @!p2 [sflag:s15], $0x800  }
0x99: {  	[sflag:s15] =	ssyncset.done @!p2 $0x0  }
0x9a: {  	[sflag:s15] =	ssyncadd.s32 @!p2 $0xFFFFF800  }
0x9b: {  	_ =	swait.ge @!p2 [sflag:s15], $0x800  }
0x9c: {  	[sflag:s15] =	ssyncset.done @!p2 $0x0  }
0x9d: {  	[sflag:s15] =	ssyncadd.s32 @!p2 $0xFFFFF800  }
0x9e: {  	_ =	swait.ge @!p2 [sflag:s15], $0x800  }
0x9f: {  	[sflag:s15] =	ssyncset.done @!p2 $0x0  }
0xa0: {  	[sflag:s15] =	ssyncadd.s32 @!p2 $0xFFFFF800  }
0xa1: {  	_ =	swait.ge @!p2 [sflag:s15], $0x800  }
0xa2: {  	[sflag:s15] =	ssyncset.done @!p2 $0x0  }
0xa3: {  	[sflag:s15] =	ssyncadd.s32 @!p2 $0xFFFFF800  }
0xa4: {  	s12 =	sshrl.u32 @p0 s6, $0x3;
	s13 =	simm.s32 @p0 $0x1FC2;
	[bflag:$0x0] =	sbarrier.arrive $0xFFFF  }
0xa5: {  	[hbm:s9], [sflag:s13] =	dma.local @p0 [spmem:s12], $0x410  }
0xa6: {  	s12 =	simm.s32 @p0 $0x2  }
0xa7: {  	_ =	swait.ge @p0 [sflag:s12], $0x410  }
0xa8: {  	s3 =	sadd.s32 $0x1, s3;
	s13 =	sshll.u32 @!p0 s1, $0x6;
	[sflag:s12] =	ssyncset.done @p0 $0x0  }
0xa9: {  	p2 =	sne.s32 s3, s10;
	[sflag:s12] =	ssyncadd.s32 @p0 $0xFFFFFBF0;
	s12 =	sor.u32 @!p0 $0x1C02, s13  }
0xaa: {  	[hbm:s8], [sflag:s12] =	dma.local @!p0 [spmem:s11], $0x4F0  }
.Ltmp3:
0xab: {  	_ = 	snop;
	(pc) =	sbr.rel @p2 .LBB2_1-.Ltmp3, $4  }
0xac: {  	s12 =	simm.s32 @!p0 $0x2  }
0xad: {  	_ =	swait.ge @!p0 [sflag:s12], $0x4F0  }
0xae: {  	[sflag:s12] =	ssyncset.done @!p0 $0x0  }
0xaf: {  	[sflag:s12] =	ssyncadd.s32 @!p0 $0xFFFFFB10  }
0xb0: {  	_ =	sfence.sel $0x180000  }
0xb1: {  	[bflag:$0x0] =	sbarrier.arrive $0xFFFF  }
0xb2: {  	p0 =	sne.s32 s1, $0x0;
	_ =	strace $0x90000047  }
0xb3: {  	s0 =	sadd.s32 @!p0 $0x100000, s0;
	[bflag:$0x2] =	sbarrier.arrive $0xFFFF  }
0xb4: {  	[sflag:s0] =	ssyncadd.tile.s32 @!p0 $0x1;
	_ =	shalt  }
.Lfunc_end2:
_tile_overlayer_lowered:
.L_overlay_start_2:
0xb5: {  	(tag) =	ssettag $0x2  }
0xb6: {  	s0 =	rddreg [dreg:$0x0];
	s2 =	stileid.u32  }
0xb7: {  	s1 =	rddreg [dreg:$0x1];
	p0 =	sne.s32 s2, $0x0  }
0xb8: {  	s3 =	rddreg [dreg:$0x2];
	[bflag:$0x3] =	sbarrier.arrive $0xFFFF;
	s2 =	simm.s32 @!p0 $0x1C02  }
0xb9: {  	[timem:s3], [sflag:s2] =	dma.local @!p0 [hbm:s0], s1  }
0xba: {  	s0 =	simm.s32 @!p0 $0x2  }
0xbb: {  	_ =	swait.ge @!p0 [sflag:s0], s1  }
0xbc: {  	s1 =	ssub.s32 @!p0 $0x0, s1;
	[sflag:s0] =	ssyncset.done @!p0 $0x0  }
0xbd: {  	[sflag:s0] =	ssyncadd.s32 @!p0 s1  }
0xbe: {  	[bflag:$0x3] =	sbarrier.arrive $0xFFFF  }
0xbf: {  	_ =	shalt  }

// kernel: kernel.13.cloned.1.call-start
scs
__scs_entry_jumppad:
0x0: {  	(pc) =	sbr.rel $0x88, $3  }
0x1: {  	(tag) =	ssettag $0x0;
	lr =	simm.s32 $0x1  }
0x2: {  	[smem:$0x3F8F] =	sst lr;
	_ =	strace $0xD0000000  }
0x3: {  	_ = 	snop  }
0x4: {  	_ = 	snop  }
0x5: {  	_ = 	snop  }
0x6: {  	_ = 	snop  }
0x7: {  	_ = 	snop  }
__scs_overlays_trampoline_lowered:
0x8: {  	[smem:$0x3F9E] =	sst s0  }
0x9: {  	[smem:$0x3F9F] =	sst s1  }
0xa: {  	[smem:$0x3FA0] =	sst s2  }
0xb: {  	[smem:$0x3FA1] =	sst s3  }
0xc: {  	[smem:$0x3FA2] =	sst s4  }
0xd: {  	[smem:$0x3FA3] =	sst s5  }
0xe: {  	[smem:$0x3FA4] =	sst s6  }
0xf: {  	[smem:$0x3FA5] =	sst s7  }
0x10: {  	[smem:$0x3FA6] =	sst s8  }
0x11: {  	[smem:$0x3FA7] =	sst s9;
	s0 =	simm.s32 @!p0 $0x0  }
0x12: {  	s1 =	sld [smem:$0x3F8D];
	s0 =	simm.s32 @p0 $0x1  }
0x13: {  	[smem:$0x3FA8] =	sst s0;
	s0 =	simm.s32 @!p1 $0x0  }
0x14: {  	s2 =	sld [smem:$0x3F8C];
	s0 =	simm.s32 @p1 $0x1  }
0x15: {  	[smem:$0x3FA9] =	sst s0;
	s0 =	simm.s32 @!p2 $0x0  }
0x16: {  	s3 =	sld [smem:$0x3FDB];
	s0 =	simm.s32 @p2 $0x1  }
0x17: {  	s4 =	simm.s32 $0x1BF5;
	[smem:$0x3FAB] =	sst s0  }
0x18: {  	s0 =	sld [smem:$0x3F8E];
	_ =	swait.ge [sflag:s4], $0x0  }
0x19: {  	s7 =	sld [smem:$0x3F8F]  }
0x1a: {  	s8 =	sadd.s32 $0xFFFFE003, lr  }
0x1b: {  	s9 =	sadd.s32 $0xFFFFFEF7, lr;
	s5 =	simm.s32 $0xFFFFFFFF;
	p2 =	slt.u32 s8, $0xFFFFF086  }
0x1c: {  	p1 =	slt.u32 s9, $0xF7A;
	s5 =	simm.s32 @!p2 $0x0  }
0x1d: {  	s5 =	simm.s32 @p1 $0x1;
	p0 =	seq.s32 s7, s2  }
0x1e: {  	s7 =	smul.u32 @!p0 $0xF7A, s2;
	p2 =	seq.s32 @!p0 s5, $0x0  }
0x1f: {  	s9 =	smul.u32 $0xF7A, s1;
	s8 =	simm.s32 @!p0 $0x1BF5;
	p2 =	por !p2, p0  }
0x20: {  	[sflag:s8] =	ssyncset.s32 @!p0 $0xFFFFF086;
	s6 =	sadd.s32 @!p0 s3, s7;
	s7 =	simm.s32 @!p0 $0x108  }
0x21: {  	s3 =	sadd.s32 s3, s9;
	s6 =	sadd.s32 @!p0 $0x88, s6;
	s7 =	simm.s32 @p2 $0x1082  }
0x22: {  	[simem:s7], [sflag:s8] =	dma.local @!p0 [hbm:s6], $0xF7A  }
0x23: {  	s9 =	sor.u32 $0xD0000000, s2;
	s6 =	simm.s32 $0x108;
	_ =	swait.ge @!p0 [sflag:s8], $0x0  }
0x24: {  	s3 =	sadd.s32 $0x88, s3;
	s6 =	simm.s32 @!p1 $0x1082;
	[sflag:s4] =	ssyncset.s32 $0xFFFFF086  }
0x25: {  	[simem:s6], [sflag:s4] =	dma.local [hbm:s3], $0xF7A  }
0x26: {  	[smem:$0x3F8F] =	sst s1;
	(tag) =	ssettag s2;
	_ =	strace s9  }
0x27: {  	s1 =	sld [smem:$0x3F9F]  }
0x28: {  	s2 =	sld [smem:$0x3FA0]  }
0x29: {  	s4 =	sld [smem:$0x3FA2]  }
0x2a: {  	p0 =	seq.s32 s5, $0x0;
	s5 =	sld [smem:$0x3FA3]  }
0x2b: {  	s6 =	sld [smem:$0x3FA4]  }
0x2c: {  	s7 =	sld [smem:$0x3FA5]  }
0x2d: {  	s3 =	simm.s32 $0x108;
	s8 =	sld [smem:$0x3FA6]  }
0x2e: {  	s3 =	simm.s32 @!p0 $0x1082;
	s9 =	sld [smem:$0x3FA7]  }
0x2f: {  	lr =	sadd.s32 s0, s3;
	s0 =	sld [smem:$0x3F9E]  }
0x30: {  	s3 =	sld [smem:$0x3FA1]  }
0x31: {  	[smem:$0x3FAA] =	sst s10  }
0x32: {  	s10 =	sld [smem:$0x3FA8];
	_ =	sdelay $0x3  }
0x33: {  	p0 =	seq.s32 s10, $0x1;
	s10 =	sld [smem:$0x3FAA];
	_ =	sdelay $0x3  }
0x34: {  	[smem:$0x3FAA] =	sst s10  }
0x35: {  	s10 =	sld [smem:$0x3FA9];
	_ =	sdelay $0x3  }
0x36: {  	p1 =	seq.s32 s10, $0x1;
	s10 =	sld [smem:$0x3FAA];
	_ =	sdelay $0x3  }
0x37: {  	[smem:$0x3FAA] =	sst s10  }
0x38: {  	s10 =	sld [smem:$0x3FAB]  }
0x39: {  	_ = 	snop;
	(pc) =	sbr.ind lr, $3  }
0x3a: {  	_ = 	snop  }
0x3b: {  	_ = 	snop  }
0x3c: {  	p2 =	seq.s32 s10, $0x1;
	s10 =	sld [smem:$0x3FAA]  }
0x3d: {  	_ =	shalt  }
0x3e: {  	_ =	shalt  }
0x3f: {  	_ =	shalt  }
0x40: {  	_ =	shalt  }
0x41: {  	_ =	shalt  }
0x42: {  	_ =	shalt  }
0x43: {  	_ =	shalt  }
0x44: {  	_ =	shalt  }
0x45: {  	_ =	shalt  }
0x46: {  	_ =	shalt  }
0x47: {  	_ =	shalt  }
0x48: {  	_ =	shalt  }
0x49: {  	_ =	shalt  }
0x4a: {  	_ =	shalt  }
0x4b: {  	_ =	shalt  }
0x4c: {  	_ =	shalt  }
0x4d: {  	_ =	shalt  }
0x4e: {  	_ =	shalt  }
0x4f: {  	_ =	shalt  }
0x50: {  	_ =	shalt  }
0x51: {  	_ =	shalt  }
0x52: {  	_ =	shalt  }
0x53: {  	_ =	shalt  }
0x54: {  	_ =	shalt  }
0x55: {  	_ =	shalt  }
0x56: {  	_ =	shalt  }
0x57: {  	_ =	shalt  }
0x58: {  	_ =	shalt  }
0x59: {  	_ =	shalt  }
0x5a: {  	_ =	shalt  }
0x5b: {  	_ =	shalt  }
0x5c: {  	_ =	shalt  }
0x5d: {  	_ =	shalt  }
0x5e: {  	_ =	shalt  }
0x5f: {  	_ =	shalt  }
0x60: {  	_ =	shalt  }
0x61: {  	_ =	shalt  }
0x62: {  	_ =	shalt  }
0x63: {  	_ =	shalt  }
0x64: {  	_ =	shalt  }
0x65: {  	_ =	shalt  }
0x66: {  	_ =	shalt  }
0x67: {  	_ =	shalt  }
0x68: {  	_ =	shalt  }
0x69: {  	_ =	shalt  }
0x6a: {  	_ =	shalt  }
0x6b: {  	_ =	shalt  }
0x6c: {  	_ =	shalt  }
0x6d: {  	_ =	shalt  }
0x6e: {  	_ =	shalt  }
0x6f: {  	_ =	shalt  }
0x70: {  	_ =	shalt  }
0x71: {  	_ =	shalt  }
0x72: {  	_ =	shalt  }
0x73: {  	_ =	shalt  }
0x74: {  	_ =	shalt  }
0x75: {  	_ =	shalt  }
0x76: {  	_ =	shalt  }
0x77: {  	_ =	shalt  }
0x78: {  	_ =	shalt  }
0x79: {  	_ =	shalt  }
0x7a: {  	_ =	shalt  }
0x7b: {  	_ =	shalt  }
0x7c: {  	_ =	shalt  }
0x7d: {  	_ =	shalt  }
0x7e: {  	_ =	shalt  }
0x7f: {  	_ =	shalt  }
0x80: {  	_ =	shalt  }
0x81: {  	_ =	shalt  }
0x82: {  	_ =	shalt  }
0x83: {  	_ =	shalt  }
0x84: {  	_ =	shalt  }
0x85: {  	_ =	shalt  }
0x86: {  	_ =	shalt  }
0x87: {  	_ =	shalt  }
.Lfunc_end0:
.L_simem_size_0:
called_computation.1_lowered:
.L_overlay_start_0:
0x88: {  	s2 =	sld [smem:$0x3FD9]  }
0x89: {  	s3 =	sld [smem:$0x3FFE];
	_ =	sdelay $0x1  }
0x8a: {  	s1 =	srdreg.scid  }
0x8b: {  	s0 =	sand.u32 $0x1, s1  }
0x8c: {  	s17 =	sshll.u32 s0, $0xA;
	s2 =	sadd.s32 s3, s2  }
0x8d: {  	s2 =	sadd.s32 s2, s17  }
0x8e: {  	[smem:$0x3FB6] =	sst s2  }
0x8f: {  	_ = 	snop  }
0x90: {  	s2 =	sld [smem:$0x3FD0];
	(tm) =	ssettm $0x1  }
0x91: {  	s18 =	sld [smem:$0x3FFB];
	_ =	sdelay $0x3  }
0x92: {  	_ =	strace s18  }
0x93: {  	s3 =	sld [smem:$0x3FFC];
	_ =	sdelay $0x3  }
0x94: {  	_ =	strace s3  }
0x95: {  	s3 =	sld [smem:$0x3FFD];
	_ =	sdelay $0x3  }
0x96: {  	_ =	strace s3  }
0x97: {  	_ =	strace $0x8FFFFFFF  }
0x98: {  	s19 =	sld [smem:$0x3FDB];
	_ =	sdelay $0x1  }
0x99: {  	s4 =	simm.s32 $_scs_section_size  }
0x9a: {  	s5 =	simm.s32 $_size__tile_overlayer_lowered;
	s6 =	simm.s32 $_tile_overlayer_lowered  }
0x9b: {  	s22 =	simm.s32 $0x1BFF;
	s21 =	sshll.u32 s6, $0x1;
	s3 =	sadd.s32 s4, s19  }
0x9c: {  	s7 =	simm.s32 $0x0;
	s20 =	sshll.u32 s5, $0x1;
	s5 =	sadd.s32 s21, s3  }
0x9d: {  	[timem:s7], [sflag:s22] =	dma.local [hbm:s5], s20  }
0x9e: {  	_ =	swait.ge [sflag:s22], s20  }
0x9f: {  	s4 =	ssub.s32 $0x0, s20;
	[sflag:s22] =	ssyncset.done $0x0  }
0xa0: {  	[sflag:s22] =	ssyncadd.s32 s4;
	_ =	sdelay $0x1  }
0xa1: {  	s23 =	simm.s32 $0x1B8B  }
0xa2: {  	_ =	swait.ge [sflag:s23], $0x1  }
0xa3: {  	[sflag:s23] =	ssyncset.done $0x0  }
0xa4: {  	s25 =	simm.s32 $0x1B8E;
	s24 =	sld [smem:$0x3FFE];
	[sflag:s23] =	ssyncadd.s32 $0xFFFFFFFF  }
0xa5: {  	s26 =	simm.s32 $execute0_lowered;
	[smem:$0x3FD2] =	sst s25  }
0xa6: {  	s5 =	sshll.u32 s26, $0x1;
	_ =	strace $0x80000049;
	[dreg:$0x1] =	wrdreg $0xFFFFFFFF  }
0xa7: {  	s28 =	simm.s32 $_size_execute0_lowered;
	s3 =	sadd.s32 s3, s5;
	[dreg:$0x0] =	wrdreg $0x0  }
0xa8: {  	s5 =	sshll.u32 s28, $0x1;
	[dreg:$0x2] =	wrdreg s3  }
0xa9: {  	[dreg:$0x3] =	wrdreg s5  }
0xaa: {  	[dreg:$0x4] =	wrdreg $0xC0  }
0xab: {  	_ =	task [dreg:s7], $0x5FFFF  }
0xac: {  	[dreg:$0x1] =	wrdreg $0xFFFFFFFF  }
0xad: {  	[dreg:$0x0] =	wrdreg $0x60  }
0xae: {  	[dreg:$0x2] =	wrdreg s24  }
0xaf: {  	[dreg:$0x3] =	wrdreg s2  }
0xb0: {  	[dreg:$0x4] =	wrdreg $0xBF800  }
0xb1: {  	[dreg:$0x5] =	wrdreg $0xE6980  }
0xb2: {  	[dreg:$0x6] =	wrdreg $0x9  }
0xb3: {  	_ =	task.clear_ibuf [dreg:s7], $0x7FFFF;
	_ =	strace $0x90000049  }
0xb4: {  	s29 =	simm.s32 $0x9;
	_ =	strace $0x8000004B  }
0xb5: {  	_ =	swait.ge [sflag:s29], $0x1  }
0xb6: {  	[sflag:s29] =	ssyncadd.s32 $0xFFFFFFFF  }
0xb7: {  	_ =	strace $0x9000004B  }
0xb8: {  	_ =	sfence  }
0xb9: {  	s30 =	sld [smem:$0x0];
	_ =	sdelay $0x2  }
0xba: {  	s31 =	sshll.u32 s1, $0xD;
	s1 =	sshrl.u32 s1, $0x2  }
0xbb: {  	s3 =	sand.u32 $0x4000, s31;
	s1 =	sadd.s32 s1, s30  }
0xbc: {  	s0 =	sor.u32 s3, s0;
	s1 =	sshll.u32 s1, $0x11  }
0xbd: {  	s0 =	sor.u32 s1, s0  }
0xbe: {  	s0 =	sadd.s32 $0x8F2B, s0  }
0xbf: {  	[sflag:s0] =	ssyncadd.remote.s32 $0x1  }
0xc0: {  	_ =	sfence.sel $0xFFFF  }
0xc1: {  	[dreg:$0x0] =	wrdreg $0xFFFFFFFF;
	(pc) =	sbr.abs _section_cstart, $3  }
0xc2: {  	[dreg:$0x1] =	wrdreg $0xFFFFFFFF  }
0xc3: {  	_ =	task.clear_ibuf [dreg:s7], $0x2FFFF;
	_ =	strace $0x9FFFFFFF  }
0xc4: {  	(tm) =	ssettm $0x7FFFFFFF  }
0xc5: {  	_ =	shalt  }
tec
execute0_lowered:
.L_overlay_start_1:
0x0: {  	(tag) =	ssettag $0x1  }
0x1: {  	s0 =	rddreg [dreg:$0x0]  }
0x2: {  	s4 =	rddreg [dreg:$0x1]  }
0x3: {  	s1 =	rddreg [dreg:$0x2]  }
0x4: {  	s2 =	rddreg [dreg:$0x3];
	s3 =	simm.s32 $0x0;
	s5 =	srdreg.scid  }
0x5: {  	s19 =	stileid.u32;
	s20 =	simm.s32 $0x6000;
	s21 =	simm.s32 $0x6800  }
0x6: {  	s22 =	simm.s32 $0x7000;
	s28 =	simm.s32 $0x9000;
	s29 =	simm.s32 $0x1  }
0x7: {  	s30 =	simm.s32 $0x2;
	[smem:$0x7FF] =	sst s3;
	s7 =	smul.u32 $0x9E00, s19  }
0x8: {  	s11 =	sadd.s32 $0x17200, s0;
	s5 =	sand.u32 $0x1, s5;
	s14 =	smul.u32 $0x2780, s19  }
0x9: {  	s12 =	sadd.s32 $0x3400, s0;
	s0 =	sadd.s32 $0xD400, s0;
	s24 =	smul.u32 $0x2400, s19  }
0xa: {  	s13 =	smul.u32 $0x580, s19;
	s18 =	sadd.s32 $0x25080, s2;
	p0 =	seq.s32 s19, $0xF  }
0xb: {  	s19 =	simm.s32 $0x5800;
	_ =	strace $0x8000004A;
	s6 =	ssub.s32 $0x2, s5  }
0xc: {  	s16 =	smul.u32 $0x27100, s5;
	p1 =	sne.s32 s5, $0x0;
	s8 =	sshrl.u32 s6, $0x1  }
0xd: {  	s23 =	sshrl.u32 s7, $0x2;
	s17 =	sadd.s32 s14, s2;
	s25 =	sshrl.u32 s14, $0x3  }
0xe: {  	s26 =	sshrl.u32 s24, $0x3;
	s7 =	sadd.s32 $0x25080, s1;
	s24 =	simm.s32 $0x8000  }
0xf: {  	s15 =	ssub.s32 s6, s8;
	s6 =	sadd.s32 s23, s1;
	s10 =	sadd.s32 $0x5800, s26  }
0x10: {  	s31 =	sadd.s32 s14, s16;
	s16 =	sshrl.u32 s16, $0x3;
	s17 =	sshrl.u32 @!p0 s17, $0x3  }
0x11: {  	s23 =	simm.s32 $0x7800;
	s26 =	simm.s32 $0x8800;
	[dreg:$0x5] =	wrdreg s6  }
0x12: {  	s6 =	sadd.s32 s4, s25;
	s4 =	sadd.s32 $0x4A10, s4;
	s9 =	sadd.s32 s11, s10  }
.Ltmp0:
0x13: {  	s10 =	sadd.s32 s12, s10;
	s11 =	sadd.s32 s11, s13;
	(pc) =	sbr.rel .LBB2_1-.Ltmp0, $4  }
0x14: {  	s12 =	sadd.s32 s12, s13;
	[dreg:$0x7] =	wrdreg s4;
	s4 =	sshrl.u32 s31, $0x3  }
0x15: {  	s15 =	smax.u32 s15, $0x1;
	[dreg:$0x6] =	wrdreg s6;
	s13 =	sadd.s32 s0, s4  }
0x16: {  	s4 =	sadd.s32 s14, s1;
	s0 =	sadd.s32 s0, s16;
	s16 =	sshrl.u32 @p0 s18, $0x3  }
0x17: {  	v0 =	vimm.f32 $0.0e+00;
	s18 =	simm.s32 $0x80;
	s14 =	sadd.s32 $0x4A10, s0;
	s25 =	sshrl.u32 @!p0 s4, $0x3  }
.LBB2_7:
0x18: {  	[bflag:$0x0] =	sbarrier.arrive $0xFFFF;
	s0 =	sshrl.u32 @p0 s7, $0x3;
	s4 =	simm.s32 @p0 $0x1FC3  }
0x19: {  	[hbm:s14], [sflag:s4] =	dma.local @p0 [spmem:s0], $0x410  }
0x1a: {  	s0 =	simm.s32 @p0 $0x3  }
0x1b: {  	s3 =	sadd.s32 $0x1, s3;
	_ =	swait.ge @p0 [sflag:s0], $0x410  }
0x1c: {  	p2 =	sne.s32 s3, s15;
	[sflag:s0] =	ssyncset.done @p0 $0x0  }
.Ltmp1:
0x1d: {  	[sflag:s0] =	ssyncadd.s32 @p0 $0xFFFFFBF0;
	s0 =	simm.s32 @!p0 $0x3;
	(pc) =	sbr.rel @!p2 .LBB2_8-.Ltmp1, $4  }
0x1e: {  	[hbm:s13], [sflag:s31] =	dma.local @!p0 [spmem:s25], $0x4F0  }
0x1f: {  	_ =	swait.ge @!p0 [sflag:s0], $0x4F0  }
0x20: {  	[sflag:s0] =	ssyncset.done @!p0 $0x0  }
0x21: {  	[sflag:s0] =	ssyncadd.s32 @!p0 $0xFFFFFB10  }
.LBB2_1:
0x22: {  	s0 =	simm.s32 $0x40;
	s4 =	simm.s32 $0x0  }
.LBB2_2:
0x23: {  	p2 =	sne.s32 s0, $0x9DC0;
	[tilespmem:s4+$0x9800] =	vst v0;
	s4 =	smov.u32 s0;
	s0 =	sadd.s32 $0x40, s0  }
.Ltmp2:
0x24: {  	(pc) =	sbr.rel @p2 .LBB2_2-.Ltmp2, $2  }
0x25: {  	_ =	sdelay $0x2  }
0x26: {  	s4 =	sshra.s32 s4, $0x2  }
0x27: {  	[tilespmem:s4+$0x9800] =	vst v0;
	s0 =	simm.s32 @p0 $0x9800  }
0x28: {  	[spmem:s7] =	stream.linear.scatter @p0 [tilespmem:s0], [sflag:$0x3], $0x2100, $0x38;
	[tilespmem:$0x10DA8] =	vst v63  }
0x29: {  	s0 =	simm.s32 @p0 $0x3  }
0x2a: {  	_ =	swait.ge @p0 [sflag:s0], $0x2100  }
0x2b: {  	[sflag:s0] =	ssyncset.done @p0 $0x0  }
0x2c: {  	s4 =	simm.s32 @p0 $0x1FC3;
	s5 =	rddreg [dreg:$0x7];
	[sflag:s0] =	ssyncadd.s32 @p0 $0xFFFFDF00  }
0x2d: {  	[spmem:s16], [sflag:s4] =	dma.local @p0 [hbm:s5], $0x410  }
0x2e: {  	_ =	swait.ge @p0 [sflag:s0], $0x410  }
0x2f: {  	[sflag:s0] =	ssyncset.done @p0 $0x0  }
0x30: {  	s4 =	rddreg [dreg:$0x5];
	[sflag:s0] =	ssyncadd.s32 @p0 $0xFFFFFBF0;
	s0 =	simm.s32 @!p0 $0x9800  }
0x31: {  	[spmem:s4] =	stream.linear.scatter @!p0 [tilespmem:s0], [sflag:$0x3], $0x2780, $0x38;
	[tilespmem:$0x10DA8] =	vst v63  }
0x32: {  	s0 =	simm.s32 @!p0 $0x3  }
0x33: {  	s4 =	stileid.u32;
	_ =	swait.ge @!p0 [sflag:s0], $0x2780  }
0x34: {  	s4 =	sshll.u32 @!p0 s4, $0x6;
	[sflag:s0] =	ssyncset.done @!p0 $0x0  }
0x35: {  	s31 =	sor.u32 @!p0 $0x1C03, s4;
	s4 =	rddreg [dreg:$0x6];
	[sflag:s0] =	ssyncadd.s32 @!p0 $0xFFFFD880  }
0x36: {  	[spmem:s17], [sflag:s31] =	dma.local @!p0 [hbm:s4], $0x4F0  }
0x37: {  	_ =	swait.ge @!p0 [sflag:s0], $0x4F0  }
0x38: {  	[sflag:s0] =	ssyncset.done @!p0 $0x0  }
0x39: {  	s4 =	simm.s32 @p1 $0x3;
	[sflag:s0] =	ssyncadd.s32 @!p0 $0xFFFFFB10;
	s0 =	simm.s32 @p1 $0x0  }
0x3a: {  	[tilespmem:s0], [sflag:$0x3] =	stream.linear.gather @p1 [hbm4b:s9+s0], $0x2400, $0x38;
	[tilespmem:$0x10DA8] =	vst v63  }
0x3b: {  	_ =	swait.ge @p1 [sflag:s4], $0x2400  }
0x3c: {  	[sflag:s4] =	ssyncset.done @p1 $0x0  }
0x3d: {  	s5 =	simm.s32 @p1 $0x2C00;
	[sflag:s4] =	ssyncadd.s32 @p1 $0xFFFFDC00  }
0x3e: {  	[tilespmem:s5], [sflag:$0x3] =	stream.linear.gather @p1 [hbm4b:s10+s0], $0x2400, $0x38;
	[tilespmem:$0x10DA8] =	vst v63  }
0x3f: {  	_ =	swait.ge @p1 [sflag:s4], $0x2400  }
0x40: {  	[sflag:s4] =	ssyncset.done @p1 $0x0  }
0x41: {  	s0 =	simm.s32 @!p1 $0x0;
	[sflag:s4] =	ssyncadd.s32 @p1 $0xFFFFDC00;
	s4 =	simm.s32 @!p1 $0x3  }
0x42: {  	[tilespmem:s0], [sflag:$0x3] =	stream.linear.gather @!p1 [hbm4b:s11+s0], $0x2C00, $0x38;
	[tilespmem:$0x10DA8] =	vst v63  }
0x43: {  	_ =	swait.ge @!p1 [sflag:s4], $0x2C00  }
0x44: {  	[sflag:s4] =	ssyncset.done @!p1 $0x0  }
0x45: {  	s5 =	simm.s32 @!p1 $0x2C00;
	[sflag:s4] =	ssyncadd.s32 @!p1 $0xFFFFD400  }
0x46: {  	[tilespmem:s5], [sflag:$0x3] =	stream.linear.gather @!p1 [hbm4b:s12+s0], $0x2C00, $0x38;
	[tilespmem:$0x10DA8] =	vst v63  }
.Ltmp3:
0x47: {  	_ =	swait.ge @!p1 [sflag:s4], $0x2C00;
	(pc) =	sbr.rel .LBB2_4-.Ltmp3, $4  }
0x48: {  	[sflag:s4] =	ssyncset.done @!p1 $0x0  }
0x49: {  	[sflag:s4] =	ssyncadd.s32 @!p1 $0xFFFFD400  }
0x4a: {  	s0 =	simm.s32 @!p1 $0xB;
	[bflag:$0x0] =	sbarrier.arrive $0xFFFF  }
0x4b: {  	s5 =	simm.s32 $0x0;
	s0 =	simm.s32 @p1 $0x9;
	s4 =	simm.s32 $0x0  }
.LBB2_6:
0x4c: {  	s4 =	sadd.s32 $0x1000, s4  }
0x4d: {  	p2 =	sne.s32 s4, $0xB000  }
.Ltmp4:
0x4e: {  	_ = 	snop;
	(pc) =	sbr.rel @!p2 .LBB2_7-.Ltmp4, $2  }
0x4f: {  	_ =	sdelay $0x2  }
0x50: {  	s5 =	sadd.s32 $0x1, s5  }
.LBB2_4:
0x51: {  	p2 =	sge.u32 s5, s0  }
.Ltmp5:
0x52: {  	_ = 	snop;
	(pc) =	sbr.rel @p2 .LBB2_6-.Ltmp5, $1  }
0x53: {  	_ =	sdelay $0x3  }
0x54: {  	s6 =	sshra.s32 s4, $0x2  }
0x55: {  	[tilespmem:s19], [sflag:$0x1] =	stream.indirect.gather [spmem:s2], $0x10, s6, s18, $0xb8;
	[tilespmem:$0x10DA8] =	vst v63  }
0x56: {  	s8 =	sadd.s32 $0x80, s6  }
0x57: {  	[tilespmem:s20], [sflag:$0x1] =	stream.indirect.gather [spmem:s2], $0x10, s8, s18, $0xb8;
	[tilespmem:$0x10DA8] =	vst v63  }
0x58: {  	s8 =	sadd.s32 $0x100, s6  }
0x59: {  	[tilespmem:s21], [sflag:$0x1] =	stream.indirect.gather [spmem:s2], $0x10, s8, s18, $0xb8;
	[tilespmem:$0x10DA8] =	vst v63  }
0x5a: {  	s8 =	sadd.s32 $0x180, s6  }
0x5b: {  	[tilespmem:s22], [sflag:$0x1] =	stream.indirect.gather [spmem:s2], $0x10, s8, s18, $0xb8;
	[tilespmem:$0x10DA8] =	vst v63  }
0x5c: {  	s8 =	sadd.s32 $0x200, s6  }
0x5d: {  	[tilespmem:s23], [sflag:$0x1] =	stream.indirect.gather [spmem:s2], $0x10, s8, s18, $0xb8;
	[tilespmem:$0x10DA8] =	vst v63  }
0x5e: {  	s8 =	sadd.s32 $0x280, s6  }
0x5f: {  	[tilespmem:s24], [sflag:$0x1] =	stream.indirect.gather [spmem:s2], $0x10, s8, s18, $0xb8;
	[tilespmem:$0x10DA8] =	vst v63  }
0x60: {  	s8 =	sadd.s32 $0x300, s6  }
0x61: {  	[tilespmem:s26], [sflag:$0x1] =	stream.indirect.gather [spmem:s2], $0x10, s8, s18, $0xb8;
	[tilespmem:$0x10DA8] =	vst v63  }
0x62: {  	s8 =	sadd.s32 $0x380, s6  }
0x63: {  	[tilespmem:s28], [sflag:$0x1] =	stream.indirect.gather [spmem:s2], $0x10, s8, s18, $0xb8;
	[tilespmem:$0x10DA8] =	vst v63  }
0x64: {  	_ =	swait.ge [sflag:s29], $0x800  }
0x65: {  	[sflag:s29] =	ssyncset.done $0x0  }
0x66: {  	s8 =	sadd.s32 $0x2C00, s6;
	[sflag:s29] =	ssyncadd.s32 $0xFFFFF800  }
0x67: {  	[spmem:s1] =	stream.indirect.scatter.add.f32 [tilespmem:s19], [sflag:$0x2], $0x10, s8, s18, $0xb8;
	[tilespmem:$0x10DA8] =	vst v63  }
0x68: {  	_ =	swait.ge [sflag:s29], $0x800  }
0x69: {  	[sflag:s29] =	ssyncset.done $0x0  }
0x6a: {  	s8 =	sadd.s32 $0x2C80, s6;
	[sflag:s29] =	ssyncadd.s32 $0xFFFFF800  }
0x6b: {  	[spmem:s1] =	stream.indirect.scatter.add.f32 [tilespmem:s20], [sflag:$0x2], $0x10, s8, s18, $0xb8;
	[tilespmem:$0x10DA8] =	vst v63  }
0x6c: {  	_ =	swait.ge [sflag:s29], $0x800  }
0x6d: {  	[sflag:s29] =	ssyncset.done $0x0  }
0x6e: {  	s8 =	sadd.s32 $0x2D00, s6;
	[sflag:s29] =	ssyncadd.s32 $0xFFFFF800  }
0x6f: {  	[spmem:s1] =	stream.indirect.scatter.add.f32 [tilespmem:s21], [sflag:$0x2], $0x10, s8, s18, $0xb8;
	[tilespmem:$0x10DA8] =	vst v63  }
0x70: {  	_ =	swait.ge [sflag:s29], $0x800  }
0x71: {  	[sflag:s29] =	ssyncset.done $0x0  }
0x72: {  	s8 =	sadd.s32 $0x2D80, s6;
	[sflag:s29] =	ssyncadd.s32 $0xFFFFF800  }
0x73: {  	[spmem:s1] =	stream.indirect.scatter.add.f32 [tilespmem:s22], [sflag:$0x2], $0x10, s8, s18, $0xb8;
	[tilespmem:$0x10DA8] =	vst v63  }
0x74: {  	_ =	swait.ge [sflag:s29], $0x800  }
0x75: {  	[sflag:s29] =	ssyncset.done $0x0  }
0x76: {  	s8 =	sadd.s32 $0x2E00, s6;
	[sflag:s29] =	ssyncadd.s32 $0xFFFFF800  }
0x77: {  	[spmem:s1] =	stream.indirect.scatter.add.f32 [tilespmem:s23], [sflag:$0x2], $0x10, s8, s18, $0xb8;
	[tilespmem:$0x10DA8] =	vst v63  }
0x78: {  	_ =	swait.ge [sflag:s29], $0x800  }
0x79: {  	[sflag:s29] =	ssyncset.done $0x0  }
0x7a: {  	s8 =	sadd.s32 $0x2E80, s6;
	[sflag:s29] =	ssyncadd.s32 $0xFFFFF800  }
0x7b: {  	[spmem:s1] =	stream.indirect.scatter.add.f32 [tilespmem:s24], [sflag:$0x2], $0x10, s8, s18, $0xb8;
	[tilespmem:$0x10DA8] =	vst v63  }
0x7c: {  	_ =	swait.ge [sflag:s29], $0x800  }
0x7d: {  	[sflag:s29] =	ssyncset.done $0x0  }
0x7e: {  	s8 =	sadd.s32 $0x2F00, s6;
	[sflag:s29] =	ssyncadd.s32 $0xFFFFF800  }
0x7f: {  	[spmem:s1] =	stream.indirect.scatter.add.f32 [tilespmem:s26], [sflag:$0x2], $0x10, s8, s18, $0xb8;
	[tilespmem:$0x10DA8] =	vst v63  }
0x80: {  	_ =	swait.ge [sflag:s29], $0x800  }
0x81: {  	[sflag:s29] =	ssyncset.done $0x0  }
0x82: {  	s6 =	sadd.s32 $0x2F80, s6;
	[sflag:s29] =	ssyncadd.s32 $0xFFFFF800  }
0x83: {  	[spmem:s1] =	stream.indirect.scatter.add.f32 [tilespmem:s28], [sflag:$0x2], $0x10, s6, s18, $0xb8;
	[tilespmem:$0x10DA8] =	vst v63  }
0x84: {  	_ =	swait.ge [sflag:s30], $0x800  }
0x85: {  	[sflag:s30] =	ssyncset.done $0x0  }
0x86: {  	[sflag:s30] =	ssyncadd.s32 $0xFFFFF800  }
0x87: {  	_ =	swait.ge [sflag:s30], $0x800  }
0x88: {  	[sflag:s30] =	ssyncset.done $0x0  }
0x89: {  	[sflag:s30] =	ssyncadd.s32 $0xFFFFF800  }
0x8a: {  	_ =	swait.ge [sflag:s30], $0x800  }
0x8b: {  	[sflag:s30] =	ssyncset.done $0x0  }
0x8c: {  	[sflag:s30] =	ssyncadd.s32 $0xFFFFF800  }
0x8d: {  	_ =	swait.ge [sflag:s30], $0x800  }
0x8e: {  	[sflag:s30] =	ssyncset.done $0x0  }
0x8f: {  	[sflag:s30] =	ssyncadd.s32 $0xFFFFF800  }
0x90: {  	_ =	swait.ge [sflag:s30], $0x800  }
0x91: {  	[sflag:s30] =	ssyncset.done $0x0  }
0x92: {  	[sflag:s30] =	ssyncadd.s32 $0xFFFFF800  }
0x93: {  	_ =	swait.ge [sflag:s30], $0x800  }
0x94: {  	[sflag:s30] =	ssyncset.done $0x0  }
0x95: {  	[sflag:s30] =	ssyncadd.s32 $0xFFFFF800  }
0x96: {  	_ =	swait.ge [sflag:s30], $0x800  }
.Ltmp6:
0x97: {  	[sflag:s30] =	ssyncset.done $0x0;
	(pc) =	sbr.rel .LBB2_6-.Ltmp6, $4  }
0x98: {  	[sflag:s30] =	ssyncadd.s32 $0xFFFFF800  }
0x99: {  	_ =	swait.ge [sflag:s30], $0x800  }
0x9a: {  	[sflag:s30] =	ssyncset.done $0x0  }
0x9b: {  	[sflag:s30] =	ssyncadd.s32 $0xFFFFF800  }
.LBB2_8:
0x9c: {  	_ =	sfence.sel $0x180000  }
0x9d: {  	[bflag:$0x0] =	sbarrier.arrive $0xFFFF  }
0x9e: {  	_ =	strace $0x9000004A  }
0x9f: {  	s0 =	stileid.u32;
	[bflag:$0x2] =	sbarrier.arrive $0xFFFF  }
0xa0: {  	p0 =	sne.s32 s0, $0x0;
	s0 =	rddreg [dreg:$0x4]  }
0xa1: {  	s0 =	sadd.s32 @!p0 $0x100000, s0  }
0xa2: {  	[sflag:s0] =	ssyncadd.tile.s32 @!p0 $0x1;
	_ =	shalt  }
.Lfunc_end2:
_tile_overlayer_lowered:
.L_overlay_start_2:
0xa3: {  	(tag) =	ssettag $0x2  }
0xa4: {  	s0 =	rddreg [dreg:$0x0];
	s2 =	stileid.u32  }
0xa5: {  	s1 =	rddreg [dreg:$0x1];
	p0 =	sne.s32 s2, $0x0  }
0xa6: {  	s3 =	rddreg [dreg:$0x2];
	[bflag:$0x3] =	sbarrier.arrive $0xFFFF;
	s2 =	simm.s32 @!p0 $0x1C03  }
0xa7: {  	[timem:s3], [sflag:s2] =	dma.local @!p0 [hbm:s0], s1  }
0xa8: {  	s0 =	simm.s32 @!p0 $0x3  }
0xa9: {  	_ =	swait.ge @!p0 [sflag:s0], s1  }
0xaa: {  	s1 =	ssub.s32 @!p0 $0x0, s1;
	[sflag:s0] =	ssyncset.done @!p0 $0x0  }
0xab: {  	[sflag:s0] =	ssyncadd.s32 @!p0 s1  }
0xac: {  	[bflag:$0x3] =	sbarrier.arrive $0xFFFF  }
0xad: {  	_ =	shalt  }

// kernel: kernel.16.cloned.1.call-start
scs
__scs_entry_jumppad:
0x0: {  	(pc) =	sbr.rel $0x88, $3  }
0x1: {  	(tag) =	ssettag $0x0;
	lr =	simm.s32 $0x1  }
0x2: {  	[smem:$0x3F8F] =	sst lr;
	_ =	strace $0xD0000000  }
0x3: {  	_ = 	snop  }
0x4: {  	_ = 	snop  }
0x5: {  	_ = 	snop  }
0x6: {  	_ = 	snop  }
0x7: {  	_ = 	snop  }
__scs_overlays_trampoline_lowered:
0x8: {  	[smem:$0x3F9E] =	sst s0  }
0x9: {  	[smem:$0x3F9F] =	sst s1  }
0xa: {  	[smem:$0x3FA0] =	sst s2  }
0xb: {  	[smem:$0x3FA1] =	sst s3  }
0xc: {  	[smem:$0x3FA2] =	sst s4  }
0xd: {  	[smem:$0x3FA3] =	sst s5  }
0xe: {  	[smem:$0x3FA4] =	sst s6  }
0xf: {  	[smem:$0x3FA5] =	sst s7  }
0x10: {  	[smem:$0x3FA6] =	sst s8  }
0x11: {  	[smem:$0x3FA7] =	sst s9;
	s0 =	simm.s32 @!p0 $0x0  }
0x12: {  	s1 =	sld [smem:$0x3F8D];
	s0 =	simm.s32 @p0 $0x1  }
0x13: {  	[smem:$0x3FA8] =	sst s0;
	s0 =	simm.s32 @!p1 $0x0  }
0x14: {  	s2 =	sld [smem:$0x3F8C];
	s0 =	simm.s32 @p1 $0x1  }
0x15: {  	[smem:$0x3FA9] =	sst s0;
	s0 =	simm.s32 @!p2 $0x0  }
0x16: {  	s3 =	sld [smem:$0x3FDB];
	s0 =	simm.s32 @p2 $0x1  }
0x17: {  	s4 =	simm.s32 $0x1BF5;
	[smem:$0x3FAB] =	sst s0  }
0x18: {  	s0 =	sld [smem:$0x3F8E];
	_ =	swait.ge [sflag:s4], $0x0  }
0x19: {  	s7 =	sld [smem:$0x3F8F]  }
0x1a: {  	s8 =	sadd.s32 $0xFFFFE003, lr  }
0x1b: {  	s9 =	sadd.s32 $0xFFFFFEF7, lr;
	s5 =	simm.s32 $0xFFFFFFFF;
	p2 =	slt.u32 s8, $0xFFFFF086  }
0x1c: {  	p1 =	slt.u32 s9, $0xF7A;
	s5 =	simm.s32 @!p2 $0x0  }
0x1d: {  	s5 =	simm.s32 @p1 $0x1;
	p0 =	seq.s32 s7, s2  }
0x1e: {  	s7 =	smul.u32 @!p0 $0xF7A, s2;
	p2 =	seq.s32 @!p0 s5, $0x0  }
0x1f: {  	s9 =	smul.u32 $0xF7A, s1;
	s8 =	simm.s32 @!p0 $0x1BF5;
	p2 =	por !p2, p0  }
0x20: {  	[sflag:s8] =	ssyncset.s32 @!p0 $0xFFFFF086;
	s6 =	sadd.s32 @!p0 s3, s7;
	s7 =	simm.s32 @!p0 $0x108  }
0x21: {  	s3 =	sadd.s32 s3, s9;
	s6 =	sadd.s32 @!p0 $0x88, s6;
	s7 =	simm.s32 @p2 $0x1082  }
0x22: {  	[simem:s7], [sflag:s8] =	dma.local @!p0 [hbm:s6], $0xF7A  }
0x23: {  	s9 =	sor.u32 $0xD0000000, s2;
	s6 =	simm.s32 $0x108;
	_ =	swait.ge @!p0 [sflag:s8], $0x0  }
0x24: {  	s3 =	sadd.s32 $0x88, s3;
	s6 =	simm.s32 @!p1 $0x1082;
	[sflag:s4] =	ssyncset.s32 $0xFFFFF086  }
0x25: {  	[simem:s6], [sflag:s4] =	dma.local [hbm:s3], $0xF7A  }
0x26: {  	[smem:$0x3F8F] =	sst s1;
	(tag) =	ssettag s2;
	_ =	strace s9  }
0x27: {  	s1 =	sld [smem:$0x3F9F]  }
0x28: {  	s2 =	sld [smem:$0x3FA0]  }
0x29: {  	s4 =	sld [smem:$0x3FA2]  }
0x2a: {  	p0 =	seq.s32 s5, $0x0;
	s5 =	sld [smem:$0x3FA3]  }
0x2b: {  	s6 =	sld [smem:$0x3FA4]  }
0x2c: {  	s7 =	sld [smem:$0x3FA5]  }
0x2d: {  	s3 =	simm.s32 $0x108;
	s8 =	sld [smem:$0x3FA6]  }
0x2e: {  	s3 =	simm.s32 @!p0 $0x1082;
	s9 =	sld [smem:$0x3FA7]  }
0x2f: {  	lr =	sadd.s32 s0, s3;
	s0 =	sld [smem:$0x3F9E]  }
0x30: {  	s3 =	sld [smem:$0x3FA1]  }
0x31: {  	[smem:$0x3FAA] =	sst s10  }
0x32: {  	s10 =	sld [smem:$0x3FA8];
	_ =	sdelay $0x3  }
0x33: {  	p0 =	seq.s32 s10, $0x1;
	s10 =	sld [smem:$0x3FAA];
	_ =	sdelay $0x3  }
0x34: {  	[smem:$0x3FAA] =	sst s10  }
0x35: {  	s10 =	sld [smem:$0x3FA9];
	_ =	sdelay $0x3  }
0x36: {  	p1 =	seq.s32 s10, $0x1;
	s10 =	sld [smem:$0x3FAA];
	_ =	sdelay $0x3  }
0x37: {  	[smem:$0x3FAA] =	sst s10  }
0x38: {  	s10 =	sld [smem:$0x3FAB]  }
0x39: {  	_ = 	snop;
	(pc) =	sbr.ind lr, $3  }
0x3a: {  	_ = 	snop  }
0x3b: {  	_ = 	snop  }
0x3c: {  	p2 =	seq.s32 s10, $0x1;
	s10 =	sld [smem:$0x3FAA]  }
0x3d: {  	_ =	shalt  }
0x3e: {  	_ =	shalt  }
0x3f: {  	_ =	shalt  }
0x40: {  	_ =	shalt  }
0x41: {  	_ =	shalt  }
0x42: {  	_ =	shalt  }
0x43: {  	_ =	shalt  }
0x44: {  	_ =	shalt  }
0x45: {  	_ =	shalt  }
0x46: {  	_ =	shalt  }
0x47: {  	_ =	shalt  }
0x48: {  	_ =	shalt  }
0x49: {  	_ =	shalt  }
0x4a: {  	_ =	shalt  }
0x4b: {  	_ =	shalt  }
0x4c: {  	_ =	shalt  }
0x4d: {  	_ =	shalt  }
0x4e: {  	_ =	shalt  }
0x4f: {  	_ =	shalt  }
0x50: {  	_ =	shalt  }
0x51: {  	_ =	shalt  }
0x52: {  	_ =	shalt  }
0x53: {  	_ =	shalt  }
0x54: {  	_ =	shalt  }
0x55: {  	_ =	shalt  }
0x56: {  	_ =	shalt  }
0x57: {  	_ =	shalt  }
0x58: {  	_ =	shalt  }
0x59: {  	_ =	shalt  }
0x5a: {  	_ =	shalt  }
0x5b: {  	_ =	shalt  }
0x5c: {  	_ =	shalt  }
0x5d: {  	_ =	shalt  }
0x5e: {  	_ =	shalt  }
0x5f: {  	_ =	shalt  }
0x60: {  	_ =	shalt  }
0x61: {  	_ =	shalt  }
0x62: {  	_ =	shalt  }
0x63: {  	_ =	shalt  }
0x64: {  	_ =	shalt  }
0x65: {  	_ =	shalt  }
0x66: {  	_ =	shalt  }
0x67: {  	_ =	shalt  }
0x68: {  	_ =	shalt  }
0x69: {  	_ =	shalt  }
0x6a: {  	_ =	shalt  }
0x6b: {  	_ =	shalt  }
0x6c: {  	_ =	shalt  }
0x6d: {  	_ =	shalt  }
0x6e: {  	_ =	shalt  }
0x6f: {  	_ =	shalt  }
0x70: {  	_ =	shalt  }
0x71: {  	_ =	shalt  }
0x72: {  	_ =	shalt  }
0x73: {  	_ =	shalt  }
0x74: {  	_ =	shalt  }
0x75: {  	_ =	shalt  }
0x76: {  	_ =	shalt  }
0x77: {  	_ =	shalt  }
0x78: {  	_ =	shalt  }
0x79: {  	_ =	shalt  }
0x7a: {  	_ =	shalt  }
0x7b: {  	_ =	shalt  }
0x7c: {  	_ =	shalt  }
0x7d: {  	_ =	shalt  }
0x7e: {  	_ =	shalt  }
0x7f: {  	_ =	shalt  }
0x80: {  	_ =	shalt  }
0x81: {  	_ =	shalt  }
0x82: {  	_ =	shalt  }
0x83: {  	_ =	shalt  }
0x84: {  	_ =	shalt  }
0x85: {  	_ =	shalt  }
0x86: {  	_ =	shalt  }
0x87: {  	_ =	shalt  }
.Lfunc_end0:
.L_simem_size_0:
called_computation.2_lowered:
.L_overlay_start_0:
0x88: {  	s2 =	sld [smem:$0x3FD9]  }
0x89: {  	s3 =	sld [smem:$0x3FFE];
	_ =	sdelay $0x1  }
0x8a: {  	s1 =	srdreg.scid  }
0x8b: {  	s0 =	sand.u32 $0x1, s1  }
0x8c: {  	s17 =	sshll.u32 s0, $0xA;
	s2 =	sadd.s32 s3, s2  }
0x8d: {  	s2 =	sadd.s32 s2, s17  }
0x8e: {  	[smem:$0x3FB6] =	sst s2  }
0x8f: {  	_ = 	snop  }
0x90: {  	s2 =	sld [smem:$0x3FD0];
	(tm) =	ssettm $0x1  }
0x91: {  	s18 =	sld [smem:$0x3FFB];
	_ =	sdelay $0x3  }
0x92: {  	_ =	strace s18  }
0x93: {  	s3 =	sld [smem:$0x3FFC];
	_ =	sdelay $0x3  }
0x94: {  	_ =	strace s3  }
0x95: {  	s3 =	sld [smem:$0x3FFD];
	_ =	sdelay $0x3  }
0x96: {  	_ =	strace s3  }
0x97: {  	_ =	strace $0x8FFFFFFF  }
0x98: {  	s19 =	sld [smem:$0x3FDB];
	_ =	sdelay $0x1  }
0x99: {  	s4 =	simm.s32 $_scs_section_size  }
0x9a: {  	s5 =	simm.s32 $_size__tile_overlayer_lowered;
	s6 =	simm.s32 $_tile_overlayer_lowered  }
0x9b: {  	s22 =	simm.s32 $0x1BFF;
	s21 =	sshll.u32 s6, $0x1;
	s3 =	sadd.s32 s4, s19  }
0x9c: {  	s7 =	simm.s32 $0x0;
	s20 =	sshll.u32 s5, $0x1;
	s5 =	sadd.s32 s21, s3  }
0x9d: {  	[timem:s7], [sflag:s22] =	dma.local [hbm:s5], s20  }
0x9e: {  	_ =	swait.ge [sflag:s22], s20  }
0x9f: {  	s4 =	ssub.s32 $0x0, s20;
	[sflag:s22] =	ssyncset.done $0x0  }
0xa0: {  	[sflag:s22] =	ssyncadd.s32 s4;
	_ =	sdelay $0x1  }
0xa1: {  	s23 =	simm.s32 $0x1B8B  }
0xa2: {  	_ =	swait.ge [sflag:s23], $0x1  }
0xa3: {  	[sflag:s23] =	ssyncset.done $0x0  }
0xa4: {  	s25 =	simm.s32 $0x1B8E;
	s24 =	sld [smem:$0x3FFE];
	[sflag:s23] =	ssyncadd.s32 $0xFFFFFFFF  }
0xa5: {  	s26 =	simm.s32 $execute0_lowered;
	[smem:$0x3FD2] =	sst s25  }
0xa6: {  	s5 =	sshll.u32 s26, $0x1;
	_ =	strace $0x8000004C;
	[dreg:$0x1] =	wrdreg $0xFFFFFFFF  }
0xa7: {  	s28 =	simm.s32 $_size_execute0_lowered;
	s3 =	sadd.s32 s3, s5;
	[dreg:$0x0] =	wrdreg $0x0  }
0xa8: {  	s5 =	sshll.u32 s28, $0x1;
	[dreg:$0x2] =	wrdreg s3  }
0xa9: {  	[dreg:$0x3] =	wrdreg s5  }
0xaa: {  	[dreg:$0x4] =	wrdreg $0xC0  }
0xab: {  	_ =	task [dreg:s7], $0x5FFFF  }
0xac: {  	[dreg:$0x1] =	wrdreg $0xFFFFFFFF  }
0xad: {  	[dreg:$0x0] =	wrdreg $0x60  }
0xae: {  	[dreg:$0x2] =	wrdreg s24  }
0xaf: {  	[dreg:$0x3] =	wrdreg s2  }
0xb0: {  	[dreg:$0x4] =	wrdreg $0xBF800  }
0xb1: {  	[dreg:$0x5] =	wrdreg $0xE6980  }
0xb2: {  	[dreg:$0x6] =	wrdreg $0x9  }
0xb3: {  	_ =	task.clear_ibuf [dreg:s7], $0x7FFFF;
	_ =	strace $0x9000004C  }
0xb4: {  	s29 =	simm.s32 $0x9;
	_ =	strace $0x8000004E  }
0xb5: {  	_ =	swait.ge [sflag:s29], $0x1  }
0xb6: {  	[sflag:s29] =	ssyncadd.s32 $0xFFFFFFFF  }
0xb7: {  	_ =	strace $0x9000004E  }
0xb8: {  	_ =	sfence  }
0xb9: {  	s30 =	sld [smem:$0x0];
	_ =	sdelay $0x2  }
0xba: {  	s31 =	sshll.u32 s1, $0xD;
	s1 =	sshrl.u32 s1, $0x2  }
0xbb: {  	s3 =	sand.u32 $0x4000, s31;
	s1 =	sadd.s32 s1, s30  }
0xbc: {  	s0 =	sor.u32 s3, s0;
	s1 =	sshll.u32 s1, $0x11  }
0xbd: {  	s0 =	sor.u32 s1, s0  }
0xbe: {  	s0 =	sadd.s32 $0x8F2B, s0  }
0xbf: {  	[sflag:s0] =	ssyncadd.remote.s32 $0x1  }
0xc0: {  	_ =	sfence.sel $0xFFFF  }
0xc1: {  	[dreg:$0x0] =	wrdreg $0xFFFFFFFF;
	(pc) =	sbr.abs _section_cstart, $3  }
0xc2: {  	[dreg:$0x1] =	wrdreg $0xFFFFFFFF  }
0xc3: {  	_ =	task.clear_ibuf [dreg:s7], $0x2FFFF;
	_ =	strace $0x9FFFFFFF  }
0xc4: {  	(tm) =	ssettm $0x7FFFFFFF  }
0xc5: {  	_ =	shalt  }
tec
execute0_lowered:
.L_overlay_start_1:
0x0: {  	(tag) =	ssettag $0x1  }
0x1: {  	s0 =	rddreg [dreg:$0x0]  }
0x2: {  	s4 =	rddreg [dreg:$0x1]  }
0x3: {  	s1 =	rddreg [dreg:$0x2]  }
0x4: {  	s2 =	rddreg [dreg:$0x3];
	s3 =	simm.s32 $0x0;
	s5 =	srdreg.scid  }
0x5: {  	s19 =	stileid.u32;
	s20 =	simm.s32 $0x6000;
	s21 =	simm.s32 $0x6800  }
0x6: {  	s22 =	simm.s32 $0x7000;
	s28 =	simm.s32 $0x9000;
	s29 =	simm.s32 $0x1  }
0x7: {  	s30 =	simm.s32 $0x2;
	[smem:$0x7FF] =	sst s3;
	s7 =	smul.u32 $0x9E00, s19  }
0x8: {  	s11 =	sadd.s32 $0x17200, s0;
	s5 =	sand.u32 $0x1, s5;
	s14 =	smul.u32 $0x2780, s19  }
0x9: {  	s12 =	sadd.s32 $0x3400, s0;
	s0 =	sadd.s32 $0xD400, s0;
	s24 =	smul.u32 $0x2400, s19  }
0xa: {  	s13 =	smul.u32 $0x580, s19;
	s18 =	sadd.s32 $0x25080, s2;
	p0 =	seq.s32 s19, $0xF  }
0xb: {  	s19 =	simm.s32 $0x5800;
	_ =	strace $0x8000004D;
	s6 =	ssub.s32 $0x2, s5  }
0xc: {  	s16 =	smul.u32 $0x27100, s5;
	p1 =	sne.s32 s5, $0x0;
	s8 =	sshrl.u32 s6, $0x1  }
0xd: {  	s23 =	sshrl.u32 s7, $0x2;
	s17 =	sadd.s32 s14, s2;
	s25 =	sshrl.u32 s14, $0x3  }
0xe: {  	s26 =	sshrl.u32 s24, $0x3;
	s7 =	sadd.s32 $0x25080, s1;
	s24 =	simm.s32 $0x8000  }
0xf: {  	s15 =	ssub.s32 s6, s8;
	s6 =	sadd.s32 s23, s1;
	s10 =	sadd.s32 $0x5800, s26  }
0x10: {  	s31 =	sadd.s32 s14, s16;
	s16 =	sshrl.u32 s16, $0x3;
	s17 =	sshrl.u32 @!p0 s17, $0x3  }
0x11: {  	s23 =	simm.s32 $0x7800;
	s26 =	simm.s32 $0x8800;
	[dreg:$0x5] =	wrdreg s6  }
0x12: {  	s6 =	sadd.s32 s4, s25;
	s4 =	sadd.s32 $0x4A10, s4;
	s9 =	sadd.s32 s11, s10  }
.Ltmp0:
0x13: {  	s10 =	sadd.s32 s12, s10;
	s11 =	sadd.s32 s11, s13;
	(pc) =	sbr.rel .LBB2_1-.Ltmp0, $4  }
0x14: {  	s12 =	sadd.s32 s12, s13;
	[dreg:$0x7] =	wrdreg s4;
	s4 =	sshrl.u32 s31, $0x3  }
0x15: {  	s15 =	smax.u32 s15, $0x1;
	[dreg:$0x6] =	wrdreg s6;
	s13 =	sadd.s32 s0, s4  }
0x16: {  	s4 =	sadd.s32 s14, s1;
	s0 =	sadd.s32 s0, s16;
	s16 =	sshrl.u32 @p0 s18, $0x3  }
0x17: {  	v0 =	vimm.f32 $0.0e+00;
	s18 =	simm.s32 $0x80;
	s14 =	sadd.s32 $0x4A10, s0;
	s25 =	sshrl.u32 @!p0 s4, $0x3  }
.LBB2_7:
0x18: {  	[bflag:$0x0] =	sbarrier.arrive $0xFFFF;
	s0 =	sshrl.u32 @p0 s7, $0x3;
	s4 =	simm.s32 @p0 $0x1FC3  }
0x19: {  	[hbm:s14], [sflag:s4] =	dma.local @p0 [spmem:s0], $0x410  }
0x1a: {  	s0 =	simm.s32 @p0 $0x3  }
0x1b: {  	s3 =	sadd.s32 $0x1, s3;
	_ =	swait.ge @p0 [sflag:s0], $0x410  }
0x1c: {  	p2 =	sne.s32 s3, s15;
	[sflag:s0] =	ssyncset.done @p0 $0x0  }
.Ltmp1:
0x1d: {  	[sflag:s0] =	ssyncadd.s32 @p0 $0xFFFFFBF0;
	s0 =	simm.s32 @!p0 $0x3;
	(pc) =	sbr.rel @!p2 .LBB2_8-.Ltmp1, $4  }
0x1e: {  	[hbm:s13], [sflag:s31] =	dma.local @!p0 [spmem:s25], $0x4F0  }
0x1f: {  	_ =	swait.ge @!p0 [sflag:s0], $0x4F0  }
0x20: {  	[sflag:s0] =	ssyncset.done @!p0 $0x0  }
0x21: {  	[sflag:s0] =	ssyncadd.s32 @!p0 $0xFFFFFB10  }
.LBB2_1:
0x22: {  	s0 =	simm.s32 $0x40;
	s4 =	simm.s32 $0x0  }
.LBB2_2:
0x23: {  	p2 =	sne.s32 s0, $0x9DC0;
	[tilespmem:s4+$0x9800] =	vst v0;
	s4 =	smov.u32 s0;
	s0 =	sadd.s32 $0x40, s0  }
.Ltmp2:
0x24: {  	(pc) =	sbr.rel @p2 .LBB2_2-.Ltmp2, $2  }
0x25: {  	_ =	sdelay $0x2  }
0x26: {  	s4 =	sshra.s32 s4, $0x2  }
0x27: {  	[tilespmem:s4+$0x9800] =	vst v0;
	s0 =	simm.s32 @p0 $0x9800  }
0x28: {  	[spmem:s7] =	stream.linear.scatter @p0 [tilespmem:s0], [sflag:$0x3], $0x2100, $0x38;
	[tilespmem:$0x10DA8] =	vst v63  }
0x29: {  	s0 =	simm.s32 @p0 $0x3  }
0x2a: {  	_ =	swait.ge @p0 [sflag:s0], $0x2100  }
0x2b: {  	[sflag:s0] =	ssyncset.done @p0 $0x0  }
0x2c: {  	s4 =	simm.s32 @p0 $0x1FC3;
	s5 =	rddreg [dreg:$0x7];
	[sflag:s0] =	ssyncadd.s32 @p0 $0xFFFFDF00  }
0x2d: {  	[spmem:s16], [sflag:s4] =	dma.local @p0 [hbm:s5], $0x410  }
0x2e: {  	_ =	swait.ge @p0 [sflag:s0], $0x410  }
0x2f: {  	[sflag:s0] =	ssyncset.done @p0 $0x0  }
0x30: {  	s4 =	rddreg [dreg:$0x5];
	[sflag:s0] =	ssyncadd.s32 @p0 $0xFFFFFBF0;
	s0 =	simm.s32 @!p0 $0x9800  }
0x31: {  	[spmem:s4] =	stream.linear.scatter @!p0 [tilespmem:s0], [sflag:$0x3], $0x2780, $0x38;
	[tilespmem:$0x10DA8] =	vst v63  }
0x32: {  	s0 =	simm.s32 @!p0 $0x3  }
0x33: {  	s4 =	stileid.u32;
	_ =	swait.ge @!p0 [sflag:s0], $0x2780  }
0x34: {  	s4 =	sshll.u32 @!p0 s4, $0x6;
	[sflag:s0] =	ssyncset.done @!p0 $0x0  }
0x35: {  	s31 =	sor.u32 @!p0 $0x1C03, s4;
	s4 =	rddreg [dreg:$0x6];
	[sflag:s0] =	ssyncadd.s32 @!p0 $0xFFFFD880  }
0x36: {  	[spmem:s17], [sflag:s31] =	dma.local @!p0 [hbm:s4], $0x4F0  }
0x37: {  	_ =	swait.ge @!p0 [sflag:s0], $0x4F0  }
0x38: {  	[sflag:s0] =	ssyncset.done @!p0 $0x0  }
0x39: {  	s4 =	simm.s32 @p1 $0x3;
	[sflag:s0] =	ssyncadd.s32 @!p0 $0xFFFFFB10;
	s0 =	simm.s32 @p1 $0x0  }
0x3a: {  	[tilespmem:s0], [sflag:$0x3] =	stream.linear.gather @p1 [hbm4b:s9+s0], $0x2400, $0x38;
	[tilespmem:$0x10DA8] =	vst v63  }
0x3b: {  	_ =	swait.ge @p1 [sflag:s4], $0x2400  }
0x3c: {  	[sflag:s4] =	ssyncset.done @p1 $0x0  }
0x3d: {  	s5 =	simm.s32 @p1 $0x2C00;
	[sflag:s4] =	ssyncadd.s32 @p1 $0xFFFFDC00  }
0x3e: {  	[tilespmem:s5], [sflag:$0x3] =	stream.linear.gather @p1 [hbm4b:s10+s0], $0x2400, $0x38;
	[tilespmem:$0x10DA8] =	vst v63  }
0x3f: {  	_ =	swait.ge @p1 [sflag:s4], $0x2400  }
0x40: {  	[sflag:s4] =	ssyncset.done @p1 $0x0  }
0x41: {  	s0 =	simm.s32 @!p1 $0x0;
	[sflag:s4] =	ssyncadd.s32 @p1 $0xFFFFDC00;
	s4 =	simm.s32 @!p1 $0x3  }
0x42: {  	[tilespmem:s0], [sflag:$0x3] =	stream.linear.gather @!p1 [hbm4b:s11+s0], $0x2C00, $0x38;
	[tilespmem:$0x10DA8] =	vst v63  }
0x43: {  	_ =	swait.ge @!p1 [sflag:s4], $0x2C00  }
0x44: {  	[sflag:s4] =	ssyncset.done @!p1 $0x0  }
0x45: {  	s5 =	simm.s32 @!p1 $0x2C00;
	[sflag:s4] =	ssyncadd.s32 @!p1 $0xFFFFD400  }
0x46: {  	[tilespmem:s5], [sflag:$0x3] =	stream.linear.gather @!p1 [hbm4b:s12+s0], $0x2C00, $0x38;
	[tilespmem:$0x10DA8] =	vst v63  }
.Ltmp3:
0x47: {  	_ =	swait.ge @!p1 [sflag:s4], $0x2C00;
	(pc) =	sbr.rel .LBB2_4-.Ltmp3, $4  }
0x48: {  	[sflag:s4] =	ssyncset.done @!p1 $0x0  }
0x49: {  	[sflag:s4] =	ssyncadd.s32 @!p1 $0xFFFFD400  }
0x4a: {  	s0 =	simm.s32 @!p1 $0xB;
	[bflag:$0x0] =	sbarrier.arrive $0xFFFF  }
0x4b: {  	s5 =	simm.s32 $0x0;
	s0 =	simm.s32 @p1 $0x9;
	s4 =	simm.s32 $0x0  }
.LBB2_6:
0x4c: {  	s4 =	sadd.s32 $0x1000, s4  }
0x4d: {  	p2 =	sne.s32 s4, $0xB000  }
.Ltmp4:
0x4e: {  	_ = 	snop;
	(pc) =	sbr.rel @!p2 .LBB2_7-.Ltmp4, $2  }
0x4f: {  	_ =	sdelay $0x2  }
0x50: {  	s5 =	sadd.s32 $0x1, s5  }
.LBB2_4:
0x51: {  	p2 =	sge.u32 s5, s0  }
.Ltmp5:
0x52: {  	_ = 	snop;
	(pc) =	sbr.rel @p2 .LBB2_6-.Ltmp5, $1  }
0x53: {  	_ =	sdelay $0x3  }
0x54: {  	s6 =	sshra.s32 s4, $0x2  }
0x55: {  	[tilespmem:s19], [sflag:$0x1] =	stream.indirect.gather [spmem:s2], $0x10, s6, s18, $0xb8;
	[tilespmem:$0x10DA8] =	vst v63  }
0x56: {  	s8 =	sadd.s32 $0x80, s6  }
0x57: {  	[tilespmem:s20], [sflag:$0x1] =	stream.indirect.gather [spmem:s2], $0x10, s8, s18, $0xb8;
	[tilespmem:$0x10DA8] =	vst v63  }
0x58: {  	s8 =	sadd.s32 $0x100, s6  }
0x59: {  	[tilespmem:s21], [sflag:$0x1] =	stream.indirect.gather [spmem:s2], $0x10, s8, s18, $0xb8;
	[tilespmem:$0x10DA8] =	vst v63  }
0x5a: {  	s8 =	sadd.s32 $0x180, s6  }
0x5b: {  	[tilespmem:s22], [sflag:$0x1] =	stream.indirect.gather [spmem:s2], $0x10, s8, s18, $0xb8;
	[tilespmem:$0x10DA8] =	vst v63  }
0x5c: {  	s8 =	sadd.s32 $0x200, s6  }
0x5d: {  	[tilespmem:s23], [sflag:$0x1] =	stream.indirect.gather [spmem:s2], $0x10, s8, s18, $0xb8;
	[tilespmem:$0x10DA8] =	vst v63  }
0x5e: {  	s8 =	sadd.s32 $0x280, s6  }
0x5f: {  	[tilespmem:s24], [sflag:$0x1] =	stream.indirect.gather [spmem:s2], $0x10, s8, s18, $0xb8;
	[tilespmem:$0x10DA8] =	vst v63  }
0x60: {  	s8 =	sadd.s32 $0x300, s6  }
0x61: {  	[tilespmem:s26], [sflag:$0x1] =	stream.indirect.gather [spmem:s2], $0x10, s8, s18, $0xb8;
	[tilespmem:$0x10DA8] =	vst v63  }
0x62: {  	s8 =	sadd.s32 $0x380, s6  }
0x63: {  	[tilespmem:s28], [sflag:$0x1] =	stream.indirect.gather [spmem:s2], $0x10, s8, s18, $0xb8;
	[tilespmem:$0x10DA8] =	vst v63  }
0x64: {  	_ =	swait.ge [sflag:s29], $0x800  }
0x65: {  	[sflag:s29] =	ssyncset.done $0x0  }
0x66: {  	s8 =	sadd.s32 $0x2C00, s6;
	[sflag:s29] =	ssyncadd.s32 $0xFFFFF800  }
0x67: {  	[spmem:s1] =	stream.indirect.scatter.add.f32 [tilespmem:s19], [sflag:$0x2], $0x10, s8, s18, $0xb8;
	[tilespmem:$0x10DA8] =	vst v63  }
0x68: {  	_ =	swait.ge [sflag:s29], $0x800  }
0x69: {  	[sflag:s29] =	ssyncset.done $0x0  }
0x6a: {  	s8 =	sadd.s32 $0x2C80, s6;
	[sflag:s29] =	ssyncadd.s32 $0xFFFFF800  }
0x6b: {  	[spmem:s1] =	stream.indirect.scatter.add.f32 [tilespmem:s20], [sflag:$0x2], $0x10, s8, s18, $0xb8;
	[tilespmem:$0x10DA8] =	vst v63  }
0x6c: {  	_ =	swait.ge [sflag:s29], $0x800  }
0x6d: {  	[sflag:s29] =	ssyncset.done $0x0  }
0x6e: {  	s8 =	sadd.s32 $0x2D00, s6;
	[sflag:s29] =	ssyncadd.s32 $0xFFFFF800  }
0x6f: {  	[spmem:s1] =	stream.indirect.scatter.add.f32 [tilespmem:s21], [sflag:$0x2], $0x10, s8, s18, $0xb8;
	[tilespmem:$0x10DA8] =	vst v63  }
0x70: {  	_ =	swait.ge [sflag:s29], $0x800  }
0x71: {  	[sflag:s29] =	ssyncset.done $0x0  }
0x72: {  	s8 =	sadd.s32 $0x2D80, s6;
	[sflag:s29] =	ssyncadd.s32 $0xFFFFF800  }
0x73: {  	[spmem:s1] =	stream.indirect.scatter.add.f32 [tilespmem:s22], [sflag:$0x2], $0x10, s8, s18, $0xb8;
	[tilespmem:$0x10DA8] =	vst v63  }
0x74: {  	_ =	swait.ge [sflag:s29], $0x800  }
0x75: {  	[sflag:s29] =	ssyncset.done $0x0  }
0x76: {  	s8 =	sadd.s32 $0x2E00, s6;
	[sflag:s29] =	ssyncadd.s32 $0xFFFFF800  }
0x77: {  	[spmem:s1] =	stream.indirect.scatter.add.f32 [tilespmem:s23], [sflag:$0x2], $0x10, s8, s18, $0xb8;
	[tilespmem:$0x10DA8] =	vst v63  }
0x78: {  	_ =	swait.ge [sflag:s29], $0x800  }
0x79: {  	[sflag:s29] =	ssyncset.done $0x0  }
0x7a: {  	s8 =	sadd.s32 $0x2E80, s6;
	[sflag:s29] =	ssyncadd.s32 $0xFFFFF800  }
0x7b: {  	[spmem:s1] =	stream.indirect.scatter.add.f32 [tilespmem:s24], [sflag:$0x2], $0x10, s8, s18, $0xb8;
	[tilespmem:$0x10DA8] =	vst v63  }
0x7c: {  	_ =	swait.ge [sflag:s29], $0x800  }
0x7d: {  	[sflag:s29] =	ssyncset.done $0x0  }
0x7e: {  	s8 =	sadd.s32 $0x2F00, s6;
	[sflag:s29] =	ssyncadd.s32 $0xFFFFF800  }
0x7f: {  	[spmem:s1] =	stream.indirect.scatter.add.f32 [tilespmem:s26], [sflag:$0x2], $0x10, s8, s18, $0xb8;
	[tilespmem:$0x10DA8] =	vst v63  }
0x80: {  	_ =	swait.ge [sflag:s29], $0x800  }
0x81: {  	[sflag:s29] =	ssyncset.done $0x0  }
0x82: {  	s6 =	sadd.s32 $0x2F80, s6;
	[sflag:s29] =	ssyncadd.s32 $0xFFFFF800  }
0x83: {  	[spmem:s1] =	stream.indirect.scatter.add.f32 [tilespmem:s28], [sflag:$0x2], $0x10, s6, s18, $0xb8;
	[tilespmem:$0x10DA8] =	vst v63  }
0x84: {  	_ =	swait.ge [sflag:s30], $0x800  }
0x85: {  	[sflag:s30] =	ssyncset.done $0x0  }
0x86: {  	[sflag:s30] =	ssyncadd.s32 $0xFFFFF800  }
0x87: {  	_ =	swait.ge [sflag:s30], $0x800  }
0x88: {  	[sflag:s30] =	ssyncset.done $0x0  }
0x89: {  	[sflag:s30] =	ssyncadd.s32 $0xFFFFF800  }
0x8a: {  	_ =	swait.ge [sflag:s30], $0x800  }
0x8b: {  	[sflag:s30] =	ssyncset.done $0x0  }
0x8c: {  	[sflag:s30] =	ssyncadd.s32 $0xFFFFF800  }
0x8d: {  	_ =	swait.ge [sflag:s30], $0x800  }
0x8e: {  	[sflag:s30] =	ssyncset.done $0x0  }
0x8f: {  	[sflag:s30] =	ssyncadd.s32 $0xFFFFF800  }
0x90: {  	_ =	swait.ge [sflag:s30], $0x800  }
0x91: {  	[sflag:s30] =	ssyncset.done $0x0  }
0x92: {  	[sflag:s30] =	ssyncadd.s32 $0xFFFFF800  }
0x93: {  	_ =	swait.ge [sflag:s30], $0x800  }
0x94: {  	[sflag:s30] =	ssyncset.done $0x0  }
0x95: {  	[sflag:s30] =	ssyncadd.s32 $0xFFFFF800  }
0x96: {  	_ =	swait.ge [sflag:s30], $0x800  }
.Ltmp6:
0x97: {  	[sflag:s30] =	ssyncset.done $0x0;
	(pc) =	sbr.rel .LBB2_6-.Ltmp6, $4  }
0x98: {  	[sflag:s30] =	ssyncadd.s32 $0xFFFFF800  }
0x99: {  	_ =	swait.ge [sflag:s30], $0x800  }
0x9a: {  	[sflag:s30] =	ssyncset.done $0x0  }
0x9b: {  	[sflag:s30] =	ssyncadd.s32 $0xFFFFF800  }
.LBB2_8:
0x9c: {  	_ =	sfence.sel $0x180000  }
0x9d: {  	[bflag:$0x0] =	sbarrier.arrive $0xFFFF  }
0x9e: {  	_ =	strace $0x9000004D  }
0x9f: {  	s0 =	stileid.u32;
	[bflag:$0x2] =	sbarrier.arrive $0xFFFF  }
0xa0: {  	p0 =	sne.s32 s0, $0x0;
	s0 =	rddreg [dreg:$0x4]  }
0xa1: {  	s0 =	sadd.s32 @!p0 $0x100000, s0  }
0xa2: {  	[sflag:s0] =	ssyncadd.tile.s32 @!p0 $0x1;
	_ =	shalt  }
.Lfunc_end2:
_tile_overlayer_lowered:
.L_overlay_start_2:
0xa3: {  	(tag) =	ssettag $0x2  }
0xa4: {  	s0 =	rddreg [dreg:$0x0];
	s2 =	stileid.u32  }
0xa5: {  	s1 =	rddreg [dreg:$0x1];
	p0 =	sne.s32 s2, $0x0  }
0xa6: {  	s3 =	rddreg [dreg:$0x2];
	[bflag:$0x3] =	sbarrier.arrive $0xFFFF;
	s2 =	simm.s32 @!p0 $0x1C03  }
0xa7: {  	[timem:s3], [sflag:s2] =	dma.local @!p0 [hbm:s0], s1  }
0xa8: {  	s0 =	simm.s32 @!p0 $0x3  }
0xa9: {  	_ =	swait.ge @!p0 [sflag:s0], s1  }
0xaa: {  	s1 =	ssub.s32 @!p0 $0x0, s1;
	[sflag:s0] =	ssyncset.done @!p0 $0x0  }
0xab: {  	[sflag:s0] =	ssyncadd.s32 @!p0 s1  }
0xac: {  	[bflag:$0x3] =	sbarrier.arrive $0xFFFF  }
0xad: {  	_ =	shalt  }

// kernel: kernel.19.cloned.1.call-start
scs
__scs_entry_jumppad:
0x0: {  	(pc) =	sbr.rel $0x88, $3  }
0x1: {  	(tag) =	ssettag $0x0;
	lr =	simm.s32 $0x1  }
0x2: {  	[smem:$0x3F8F] =	sst lr;
	_ =	strace $0xD0000000  }
0x3: {  	_ = 	snop  }
0x4: {  	_ = 	snop  }
0x5: {  	_ = 	snop  }
0x6: {  	_ = 	snop  }
0x7: {  	_ = 	snop  }
__scs_overlays_trampoline_lowered:
0x8: {  	[smem:$0x3F9E] =	sst s0  }
0x9: {  	[smem:$0x3F9F] =	sst s1  }
0xa: {  	[smem:$0x3FA0] =	sst s2  }
0xb: {  	[smem:$0x3FA1] =	sst s3  }
0xc: {  	[smem:$0x3FA2] =	sst s4  }
0xd: {  	[smem:$0x3FA3] =	sst s5  }
0xe: {  	[smem:$0x3FA4] =	sst s6  }
0xf: {  	[smem:$0x3FA5] =	sst s7  }
0x10: {  	[smem:$0x3FA6] =	sst s8  }
0x11: {  	[smem:$0x3FA7] =	sst s9;
	s0 =	simm.s32 @!p0 $0x0  }
0x12: {  	s1 =	sld [smem:$0x3F8D];
	s0 =	simm.s32 @p0 $0x1  }
0x13: {  	[smem:$0x3FA8] =	sst s0;
	s0 =	simm.s32 @!p1 $0x0  }
0x14: {  	s2 =	sld [smem:$0x3F8C];
	s0 =	simm.s32 @p1 $0x1  }
0x15: {  	[smem:$0x3FA9] =	sst s0;
	s0 =	simm.s32 @!p2 $0x0  }
0x16: {  	s3 =	sld [smem:$0x3FDB];
	s0 =	simm.s32 @p2 $0x1  }
0x17: {  	s4 =	simm.s32 $0x1BF5;
	[smem:$0x3FAB] =	sst s0  }
0x18: {  	s0 =	sld [smem:$0x3F8E];
	_ =	swait.ge [sflag:s4], $0x0  }
0x19: {  	s7 =	sld [smem:$0x3F8F]  }
0x1a: {  	s8 =	sadd.s32 $0xFFFFE003, lr  }
0x1b: {  	s9 =	sadd.s32 $0xFFFFFEF7, lr;
	s5 =	simm.s32 $0xFFFFFFFF;
	p2 =	slt.u32 s8, $0xFFFFF086  }
0x1c: {  	p1 =	slt.u32 s9, $0xF7A;
	s5 =	simm.s32 @!p2 $0x0  }
0x1d: {  	s5 =	simm.s32 @p1 $0x1;
	p0 =	seq.s32 s7, s2  }
0x1e: {  	s7 =	smul.u32 @!p0 $0xF7A, s2;
	p2 =	seq.s32 @!p0 s5, $0x0  }
0x1f: {  	s9 =	smul.u32 $0xF7A, s1;
	s8 =	simm.s32 @!p0 $0x1BF5;
	p2 =	por !p2, p0  }
0x20: {  	[sflag:s8] =	ssyncset.s32 @!p0 $0xFFFFF086;
	s6 =	sadd.s32 @!p0 s3, s7;
	s7 =	simm.s32 @!p0 $0x108  }
0x21: {  	s3 =	sadd.s32 s3, s9;
	s6 =	sadd.s32 @!p0 $0x88, s6;
	s7 =	simm.s32 @p2 $0x1082  }
0x22: {  	[simem:s7], [sflag:s8] =	dma.local @!p0 [hbm:s6], $0xF7A  }
0x23: {  	s9 =	sor.u32 $0xD0000000, s2;
	s6 =	simm.s32 $0x108;
	_ =	swait.ge @!p0 [sflag:s8], $0x0  }
0x24: {  	s3 =	sadd.s32 $0x88, s3;
	s6 =	simm.s32 @!p1 $0x1082;
	[sflag:s4] =	ssyncset.s32 $0xFFFFF086  }
0x25: {  	[simem:s6], [sflag:s4] =	dma.local [hbm:s3], $0xF7A  }
0x26: {  	[smem:$0x3F8F] =	sst s1;
	(tag) =	ssettag s2;
	_ =	strace s9  }
0x27: {  	s1 =	sld [smem:$0x3F9F]  }
0x28: {  	s2 =	sld [smem:$0x3FA0]  }
0x29: {  	s4 =	sld [smem:$0x3FA2]  }
0x2a: {  	p0 =	seq.s32 s5, $0x0;
	s5 =	sld [smem:$0x3FA3]  }
0x2b: {  	s6 =	sld [smem:$0x3FA4]  }
0x2c: {  	s7 =	sld [smem:$0x3FA5]  }
0x2d: {  	s3 =	simm.s32 $0x108;
	s8 =	sld [smem:$0x3FA6]  }
0x2e: {  	s3 =	simm.s32 @!p0 $0x1082;
	s9 =	sld [smem:$0x3FA7]  }
0x2f: {  	lr =	sadd.s32 s0, s3;
	s0 =	sld [smem:$0x3F9E]  }
0x30: {  	s3 =	sld [smem:$0x3FA1]  }
0x31: {  	[smem:$0x3FAA] =	sst s10  }
0x32: {  	s10 =	sld [smem:$0x3FA8];
	_ =	sdelay $0x3  }
0x33: {  	p0 =	seq.s32 s10, $0x1;
	s10 =	sld [smem:$0x3FAA];
	_ =	sdelay $0x3  }
0x34: {  	[smem:$0x3FAA] =	sst s10  }
0x35: {  	s10 =	sld [smem:$0x3FA9];
	_ =	sdelay $0x3  }
0x36: {  	p1 =	seq.s32 s10, $0x1;
	s10 =	sld [smem:$0x3FAA];
	_ =	sdelay $0x3  }
0x37: {  	[smem:$0x3FAA] =	sst s10  }
0x38: {  	s10 =	sld [smem:$0x3FAB]  }
0x39: {  	_ = 	snop;
	(pc) =	sbr.ind lr, $3  }
0x3a: {  	_ = 	snop  }
0x3b: {  	_ = 	snop  }
0x3c: {  	p2 =	seq.s32 s10, $0x1;
	s10 =	sld [smem:$0x3FAA]  }
0x3d: {  	_ =	shalt  }
0x3e: {  	_ =	shalt  }
0x3f: {  	_ =	shalt  }
0x40: {  	_ =	shalt  }
0x41: {  	_ =	shalt  }
0x42: {  	_ =	shalt  }
0x43: {  	_ =	shalt  }
0x44: {  	_ =	shalt  }
0x45: {  	_ =	shalt  }
0x46: {  	_ =	shalt  }
0x47: {  	_ =	shalt  }
0x48: {  	_ =	shalt  }
0x49: {  	_ =	shalt  }
0x4a: {  	_ =	shalt  }
0x4b: {  	_ =	shalt  }
0x4c: {  	_ =	shalt  }
0x4d: {  	_ =	shalt  }
0x4e: {  	_ =	shalt  }
0x4f: {  	_ =	shalt  }
0x50: {  	_ =	shalt  }
0x51: {  	_ =	shalt  }
0x52: {  	_ =	shalt  }
0x53: {  	_ =	shalt  }
0x54: {  	_ =	shalt  }
0x55: {  	_ =	shalt  }
0x56: {  	_ =	shalt  }
0x57: {  	_ =	shalt  }
0x58: {  	_ =	shalt  }
0x59: {  	_ =	shalt  }
0x5a: {  	_ =	shalt  }
0x5b: {  	_ =	shalt  }
0x5c: {  	_ =	shalt  }
0x5d: {  	_ =	shalt  }
0x5e: {  	_ =	shalt  }
0x5f: {  	_ =	shalt  }
0x60: {  	_ =	shalt  }
0x61: {  	_ =	shalt  }
0x62: {  	_ =	shalt  }
0x63: {  	_ =	shalt  }
0x64: {  	_ =	shalt  }
0x65: {  	_ =	shalt  }
0x66: {  	_ =	shalt  }
0x67: {  	_ =	shalt  }
0x68: {  	_ =	shalt  }
0x69: {  	_ =	shalt  }
0x6a: {  	_ =	shalt  }
0x6b: {  	_ =	shalt  }
0x6c: {  	_ =	shalt  }
0x6d: {  	_ =	shalt  }
0x6e: {  	_ =	shalt  }
0x6f: {  	_ =	shalt  }
0x70: {  	_ =	shalt  }
0x71: {  	_ =	shalt  }
0x72: {  	_ =	shalt  }
0x73: {  	_ =	shalt  }
0x74: {  	_ =	shalt  }
0x75: {  	_ =	shalt  }
0x76: {  	_ =	shalt  }
0x77: {  	_ =	shalt  }
0x78: {  	_ =	shalt  }
0x79: {  	_ =	shalt  }
0x7a: {  	_ =	shalt  }
0x7b: {  	_ =	shalt  }
0x7c: {  	_ =	shalt  }
0x7d: {  	_ =	shalt  }
0x7e: {  	_ =	shalt  }
0x7f: {  	_ =	shalt  }
0x80: {  	_ =	shalt  }
0x81: {  	_ =	shalt  }
0x82: {  	_ =	shalt  }
0x83: {  	_ =	shalt  }
0x84: {  	_ =	shalt  }
0x85: {  	_ =	shalt  }
0x86: {  	_ =	shalt  }
0x87: {  	_ =	shalt  }
.Lfunc_end0:
.L_simem_size_0:
called_computation.3_lowered:
.L_overlay_start_0:
0x88: {  	s2 =	sld [smem:$0x3FD9]  }
0x89: {  	s3 =	sld [smem:$0x3FFE];
	_ =	sdelay $0x1  }
0x8a: {  	s1 =	srdreg.scid  }
0x8b: {  	s0 =	sand.u32 $0x1, s1  }
0x8c: {  	s17 =	sshll.u32 s0, $0xA;
	s2 =	sadd.s32 s3, s2  }
0x8d: {  	s2 =	sadd.s32 s2, s17  }
0x8e: {  	[smem:$0x3FB6] =	sst s2  }
0x8f: {  	_ = 	snop  }
0x90: {  	s2 =	sld [smem:$0x3FD0];
	(tm) =	ssettm $0x1  }
0x91: {  	s18 =	sld [smem:$0x3FFB];
	_ =	sdelay $0x3  }
0x92: {  	_ =	strace s18  }
0x93: {  	s3 =	sld [smem:$0x3FFC];
	_ =	sdelay $0x3  }
0x94: {  	_ =	strace s3  }
0x95: {  	s3 =	sld [smem:$0x3FFD];
	_ =	sdelay $0x3  }
0x96: {  	_ =	strace s3  }
0x97: {  	_ =	strace $0x8FFFFFFF  }
0x98: {  	s19 =	sld [smem:$0x3FDB];
	_ =	sdelay $0x1  }
0x99: {  	s4 =	simm.s32 $_scs_section_size  }
0x9a: {  	s5 =	simm.s32 $_size__tile_overlayer_lowered;
	s6 =	simm.s32 $_tile_overlayer_lowered  }
0x9b: {  	s22 =	simm.s32 $0x1BFF;
	s21 =	sshll.u32 s6, $0x1;
	s3 =	sadd.s32 s4, s19  }
0x9c: {  	s7 =	simm.s32 $0x0;
	s20 =	sshll.u32 s5, $0x1;
	s5 =	sadd.s32 s21, s3  }
0x9d: {  	[timem:s7], [sflag:s22] =	dma.local [hbm:s5], s20  }
0x9e: {  	_ =	swait.ge [sflag:s22], s20  }
0x9f: {  	s4 =	ssub.s32 $0x0, s20;
	[sflag:s22] =	ssyncset.done $0x0  }
0xa0: {  	[sflag:s22] =	ssyncadd.s32 s4;
	_ =	sdelay $0x1  }
0xa1: {  	s23 =	simm.s32 $0x1B8B  }
0xa2: {  	_ =	swait.ge [sflag:s23], $0x1  }
0xa3: {  	[sflag:s23] =	ssyncset.done $0x0  }
0xa4: {  	s25 =	simm.s32 $0x1B8E;
	s24 =	sld [smem:$0x3FFE];
	[sflag:s23] =	ssyncadd.s32 $0xFFFFFFFF  }
0xa5: {  	s26 =	simm.s32 $execute0_lowered;
	[smem:$0x3FD2] =	sst s25  }
0xa6: {  	s5 =	sshll.u32 s26, $0x1;
	_ =	strace $0x8000004F;
	[dreg:$0x1] =	wrdreg $0xFFFFFFFF  }
0xa7: {  	s28 =	simm.s32 $_size_execute0_lowered;
	s3 =	sadd.s32 s3, s5;
	[dreg:$0x0] =	wrdreg $0x0  }
0xa8: {  	s5 =	sshll.u32 s28, $0x1;
	[dreg:$0x2] =	wrdreg s3  }
0xa9: {  	[dreg:$0x3] =	wrdreg s5  }
0xaa: {  	[dreg:$0x4] =	wrdreg $0xC0  }
0xab: {  	_ =	task [dreg:s7], $0x5FFFF  }
0xac: {  	[dreg:$0x1] =	wrdreg $0xFFFFFFFF  }
0xad: {  	[dreg:$0x0] =	wrdreg $0x60  }
0xae: {  	[dreg:$0x2] =	wrdreg s24  }
0xaf: {  	[dreg:$0x3] =	wrdreg s2  }
0xb0: {  	[dreg:$0x4] =	wrdreg $0xBF800  }
0xb1: {  	[dreg:$0x5] =	wrdreg $0xE6980  }
0xb2: {  	[dreg:$0x6] =	wrdreg $0x9  }
0xb3: {  	_ =	task.clear_ibuf [dreg:s7], $0x7FFFF;
	_ =	strace $0x9000004F  }
0xb4: {  	s29 =	simm.s32 $0x9;
	_ =	strace $0x80000051  }
0xb5: {  	_ =	swait.ge [sflag:s29], $0x1  }
0xb6: {  	[sflag:s29] =	ssyncadd.s32 $0xFFFFFFFF  }
0xb7: {  	_ =	strace $0x90000051  }
0xb8: {  	_ =	sfence  }
0xb9: {  	s30 =	sld [smem:$0x0];
	_ =	sdelay $0x2  }
0xba: {  	s31 =	sshll.u32 s1, $0xD;
	s1 =	sshrl.u32 s1, $0x2  }
0xbb: {  	s3 =	sand.u32 $0x4000, s31;
	s1 =	sadd.s32 s1, s30  }
0xbc: {  	s0 =	sor.u32 s3, s0;
	s1 =	sshll.u32 s1, $0x11  }
0xbd: {  	s0 =	sor.u32 s1, s0  }
0xbe: {  	s0 =	sadd.s32 $0x8F2B, s0  }
0xbf: {  	[sflag:s0] =	ssyncadd.remote.s32 $0x1  }
0xc0: {  	_ =	sfence.sel $0xFFFF  }
0xc1: {  	[dreg:$0x0] =	wrdreg $0xFFFFFFFF;
	(pc) =	sbr.abs _section_cstart, $3  }
0xc2: {  	[dreg:$0x1] =	wrdreg $0xFFFFFFFF  }
0xc3: {  	_ =	task.clear_ibuf [dreg:s7], $0x2FFFF;
	_ =	strace $0x9FFFFFFF  }
0xc4: {  	(tm) =	ssettm $0x7FFFFFFF  }
0xc5: {  	_ =	shalt  }
tec
execute0_lowered:
.L_overlay_start_1:
0x0: {  	(tag) =	ssettag $0x1  }
0x1: {  	s0 =	rddreg [dreg:$0x0]  }
0x2: {  	s4 =	rddreg [dreg:$0x1]  }
0x3: {  	s1 =	rddreg [dreg:$0x2]  }
0x4: {  	s2 =	rddreg [dreg:$0x3];
	s3 =	simm.s32 $0x0;
	s5 =	srdreg.scid  }
0x5: {  	s19 =	stileid.u32;
	s20 =	simm.s32 $0x6000;
	s21 =	simm.s32 $0x6800  }
0x6: {  	s22 =	simm.s32 $0x7000;
	s28 =	simm.s32 $0x9000;
	s29 =	simm.s32 $0x1  }
0x7: {  	s30 =	simm.s32 $0x2;
	[smem:$0x7FF] =	sst s3;
	s7 =	smul.u32 $0x9E00, s19  }
0x8: {  	s11 =	sadd.s32 $0x17200, s0;
	s5 =	sand.u32 $0x1, s5;
	s14 =	smul.u32 $0x2780, s19  }
0x9: {  	s12 =	sadd.s32 $0x3400, s0;
	s0 =	sadd.s32 $0xD400, s0;
	s24 =	smul.u32 $0x2400, s19  }
0xa: {  	s13 =	smul.u32 $0x580, s19;
	s18 =	sadd.s32 $0x25080, s2;
	p0 =	seq.s32 s19, $0xF  }
0xb: {  	s19 =	simm.s32 $0x5800;
	_ =	strace $0x80000050;
	s6 =	ssub.s32 $0x2, s5  }
0xc: {  	s16 =	smul.u32 $0x27100, s5;
	p1 =	sne.s32 s5, $0x0;
	s8 =	sshrl.u32 s6, $0x1  }
0xd: {  	s23 =	sshrl.u32 s7, $0x2;
	s17 =	sadd.s32 s14, s2;
	s25 =	sshrl.u32 s14, $0x3  }
0xe: {  	s26 =	sshrl.u32 s24, $0x3;
	s7 =	sadd.s32 $0x25080, s1;
	s24 =	simm.s32 $0x8000  }
0xf: {  	s15 =	ssub.s32 s6, s8;
	s6 =	sadd.s32 s23, s1;
	s10 =	sadd.s32 $0x5800, s26  }
0x10: {  	s31 =	sadd.s32 s14, s16;
	s16 =	sshrl.u32 s16, $0x3;
	s17 =	sshrl.u32 @!p0 s17, $0x3  }
0x11: {  	s23 =	simm.s32 $0x7800;
	s26 =	simm.s32 $0x8800;
	[dreg:$0x5] =	wrdreg s6  }
0x12: {  	s6 =	sadd.s32 s4, s25;
	s4 =	sadd.s32 $0x4A10, s4;
	s9 =	sadd.s32 s11, s10  }
.Ltmp0:
0x13: {  	s10 =	sadd.s32 s12, s10;
	s11 =	sadd.s32 s11, s13;
	(pc) =	sbr.rel .LBB2_1-.Ltmp0, $4  }
0x14: {  	s12 =	sadd.s32 s12, s13;
	[dreg:$0x7] =	wrdreg s4;
	s4 =	sshrl.u32 s31, $0x3  }
0x15: {  	s15 =	smax.u32 s15, $0x1;
	[dreg:$0x6] =	wrdreg s6;
	s13 =	sadd.s32 s0, s4  }
0x16: {  	s4 =	sadd.s32 s14, s1;
	s0 =	sadd.s32 s0, s16;
	s16 =	sshrl.u32 @p0 s18, $0x3  }
0x17: {  	v0 =	vimm.f32 $0.0e+00;
	s18 =	simm.s32 $0x80;
	s14 =	sadd.s32 $0x4A10, s0;
	s25 =	sshrl.u32 @!p0 s4, $0x3  }
.LBB2_7:
0x18: {  	[bflag:$0x0] =	sbarrier.arrive $0xFFFF;
	s0 =	sshrl.u32 @p0 s7, $0x3;
	s4 =	simm.s32 @p0 $0x1FC3  }
0x19: {  	[hbm:s14], [sflag:s4] =	dma.local @p0 [spmem:s0], $0x410  }
0x1a: {  	s0 =	simm.s32 @p0 $0x3  }
0x1b: {  	s3 =	sadd.s32 $0x1, s3;
	_ =	swait.ge @p0 [sflag:s0], $0x410  }
0x1c: {  	p2 =	sne.s32 s3, s15;
	[sflag:s0] =	ssyncset.done @p0 $0x0  }
.Ltmp1:
0x1d: {  	[sflag:s0] =	ssyncadd.s32 @p0 $0xFFFFFBF0;
	s0 =	simm.s32 @!p0 $0x3;
	(pc) =	sbr.rel @!p2 .LBB2_8-.Ltmp1, $4  }
0x1e: {  	[hbm:s13], [sflag:s31] =	dma.local @!p0 [spmem:s25], $0x4F0  }
0x1f: {  	_ =	swait.ge @!p0 [sflag:s0], $0x4F0  }
0x20: {  	[sflag:s0] =	ssyncset.done @!p0 $0x0  }
0x21: {  	[sflag:s0] =	ssyncadd.s32 @!p0 $0xFFFFFB10  }
.LBB2_1:
0x22: {  	s0 =	simm.s32 $0x40;
	s4 =	simm.s32 $0x0  }
.LBB2_2:
0x23: {  	p2 =	sne.s32 s0, $0x9DC0;
	[tilespmem:s4+$0x9800] =	vst v0;
	s4 =	smov.u32 s0;
	s0 =	sadd.s32 $0x40, s0  }
.Ltmp2:
0x24: {  	(pc) =	sbr.rel @p2 .LBB2_2-.Ltmp2, $2  }
0x25: {  	_ =	sdelay $0x2  }
0x26: {  	s4 =	sshra.s32 s4, $0x2  }
0x27: {  	[tilespmem:s4+$0x9800] =	vst v0;
	s0 =	simm.s32 @p0 $0x9800  }
0x28: {  	[spmem:s7] =	stream.linear.scatter @p0 [tilespmem:s0], [sflag:$0x3], $0x2100, $0x38;
	[tilespmem:$0x10DA8] =	vst v63  }
0x29: {  	s0 =	simm.s32 @p0 $0x3  }
0x2a: {  	_ =	swait.ge @p0 [sflag:s0], $0x2100  }
0x2b: {  	[sflag:s0] =	ssyncset.done @p0 $0x0  }
0x2c: {  	s4 =	simm.s32 @p0 $0x1FC3;
	s5 =	rddreg [dreg:$0x7];
	[sflag:s0] =	ssyncadd.s32 @p0 $0xFFFFDF00  }
0x2d: {  	[spmem:s16], [sflag:s4] =	dma.local @p0 [hbm:s5], $0x410  }
0x2e: {  	_ =	swait.ge @p0 [sflag:s0], $0x410  }
0x2f: {  	[sflag:s0] =	ssyncset.done @p0 $0x0  }
0x30: {  	s4 =	rddreg [dreg:$0x5];
	[sflag:s0] =	ssyncadd.s32 @p0 $0xFFFFFBF0;
	s0 =	simm.s32 @!p0 $0x9800  }
0x31: {  	[spmem:s4] =	stream.linear.scatter @!p0 [tilespmem:s0], [sflag:$0x3], $0x2780, $0x38;
	[tilespmem:$0x10DA8] =	vst v63  }
0x32: {  	s0 =	simm.s32 @!p0 $0x3  }
0x33: {  	s4 =	stileid.u32;
	_ =	swait.ge @!p0 [sflag:s0], $0x2780  }
0x34: {  	s4 =	sshll.u32 @!p0 s4, $0x6;
	[sflag:s0] =	ssyncset.done @!p0 $0x0  }
0x35: {  	s31 =	sor.u32 @!p0 $0x1C03, s4;
	s4 =	rddreg [dreg:$0x6];
	[sflag:s0] =	ssyncadd.s32 @!p0 $0xFFFFD880  }
0x36: {  	[spmem:s17], [sflag:s31] =	dma.local @!p0 [hbm:s4], $0x4F0  }
0x37: {  	_ =	swait.ge @!p0 [sflag:s0], $0x4F0  }
0x38: {  	[sflag:s0] =	ssyncset.done @!p0 $0x0  }
0x39: {  	s4 =	simm.s32 @p1 $0x3;
	[sflag:s0] =	ssyncadd.s32 @!p0 $0xFFFFFB10;
	s0 =	simm.s32 @p1 $0x0  }
0x3a: {  	[tilespmem:s0], [sflag:$0x3] =	stream.linear.gather @p1 [hbm4b:s9+s0], $0x2400, $0x38;
	[tilespmem:$0x10DA8] =	vst v63  }
0x3b: {  	_ =	swait.ge @p1 [sflag:s4], $0x2400  }
0x3c: {  	[sflag:s4] =	ssyncset.done @p1 $0x0  }
0x3d: {  	s5 =	simm.s32 @p1 $0x2C00;
	[sflag:s4] =	ssyncadd.s32 @p1 $0xFFFFDC00  }
0x3e: {  	[tilespmem:s5], [sflag:$0x3] =	stream.linear.gather @p1 [hbm4b:s10+s0], $0x2400, $0x38;
	[tilespmem:$0x10DA8] =	vst v63  }
0x3f: {  	_ =	swait.ge @p1 [sflag:s4], $0x2400  }
0x40: {  	[sflag:s4] =	ssyncset.done @p1 $0x0  }
0x41: {  	s0 =	simm.s32 @!p1 $0x0;
	[sflag:s4] =	ssyncadd.s32 @p1 $0xFFFFDC00;
	s4 =	simm.s32 @!p1 $0x3  }
0x42: {  	[tilespmem:s0], [sflag:$0x3] =	stream.linear.gather @!p1 [hbm4b:s11+s0], $0x2C00, $0x38;
	[tilespmem:$0x10DA8] =	vst v63  }
0x43: {  	_ =	swait.ge @!p1 [sflag:s4], $0x2C00  }
0x44: {  	[sflag:s4] =	ssyncset.done @!p1 $0x0  }
0x45: {  	s5 =	simm.s32 @!p1 $0x2C00;
	[sflag:s4] =	ssyncadd.s32 @!p1 $0xFFFFD400  }
0x46: {  	[tilespmem:s5], [sflag:$0x3] =	stream.linear.gather @!p1 [hbm4b:s12+s0], $0x2C00, $0x38;
	[tilespmem:$0x10DA8] =	vst v63  }
.Ltmp3:
0x47: {  	_ =	swait.ge @!p1 [sflag:s4], $0x2C00;
	(pc) =	sbr.rel .LBB2_4-.Ltmp3, $4  }
0x48: {  	[sflag:s4] =	ssyncset.done @!p1 $0x0  }
0x49: {  	[sflag:s4] =	ssyncadd.s32 @!p1 $0xFFFFD400  }
0x4a: {  	s0 =	simm.s32 @!p1 $0xB;
	[bflag:$0x0] =	sbarrier.arrive $0xFFFF  }
0x4b: {  	s5 =	simm.s32 $0x0;
	s0 =	simm.s32 @p1 $0x9;
	s4 =	simm.s32 $0x0  }
.LBB2_6:
0x4c: {  	s4 =	sadd.s32 $0x1000, s4  }
0x4d: {  	p2 =	sne.s32 s4, $0xB000  }
.Ltmp4:
0x4e: {  	_ = 	snop;
	(pc) =	sbr.rel @!p2 .LBB2_7-.Ltmp4, $2  }
0x4f: {  	_ =	sdelay $0x2  }
0x50: {  	s5 =	sadd.s32 $0x1, s5  }
.LBB2_4:
0x51: {  	p2 =	sge.u32 s5, s0  }
.Ltmp5:
0x52: {  	_ = 	snop;
	(pc) =	sbr.rel @p2 .LBB2_6-.Ltmp5, $1  }
0x53: {  	_ =	sdelay $0x3  }
0x54: {  	s6 =	sshra.s32 s4, $0x2  }
0x55: {  	[tilespmem:s19], [sflag:$0x1] =	stream.indirect.gather [spmem:s2], $0x10, s6, s18, $0xb8;
	[tilespmem:$0x10DA8] =	vst v63  }
0x56: {  	s8 =	sadd.s32 $0x80, s6  }
0x57: {  	[tilespmem:s20], [sflag:$0x1] =	stream.indirect.gather [spmem:s2], $0x10, s8, s18, $0xb8;
	[tilespmem:$0x10DA8] =	vst v63  }
0x58: {  	s8 =	sadd.s32 $0x100, s6  }
0x59: {  	[tilespmem:s21], [sflag:$0x1] =	stream.indirect.gather [spmem:s2], $0x10, s8, s18, $0xb8;
	[tilespmem:$0x10DA8] =	vst v63  }
0x5a: {  	s8 =	sadd.s32 $0x180, s6  }
0x5b: {  	[tilespmem:s22], [sflag:$0x1] =	stream.indirect.gather [spmem:s2], $0x10, s8, s18, $0xb8;
	[tilespmem:$0x10DA8] =	vst v63  }
0x5c: {  	s8 =	sadd.s32 $0x200, s6  }
0x5d: {  	[tilespmem:s23], [sflag:$0x1] =	stream.indirect.gather [spmem:s2], $0x10, s8, s18, $0xb8;
	[tilespmem:$0x10DA8] =	vst v63  }
0x5e: {  	s8 =	sadd.s32 $0x280, s6  }
0x5f: {  	[tilespmem:s24], [sflag:$0x1] =	stream.indirect.gather [spmem:s2], $0x10, s8, s18, $0xb8;
	[tilespmem:$0x10DA8] =	vst v63  }
0x60: {  	s8 =	sadd.s32 $0x300, s6  }
0x61: {  	[tilespmem:s26], [sflag:$0x1] =	stream.indirect.gather [spmem:s2], $0x10, s8, s18, $0xb8;
	[tilespmem:$0x10DA8] =	vst v63  }
0x62: {  	s8 =	sadd.s32 $0x380, s6  }
0x63: {  	[tilespmem:s28], [sflag:$0x1] =	stream.indirect.gather [spmem:s2], $0x10, s8, s18, $0xb8;
	[tilespmem:$0x10DA8] =	vst v63  }
0x64: {  	_ =	swait.ge [sflag:s29], $0x800  }
0x65: {  	[sflag:s29] =	ssyncset.done $0x0  }
0x66: {  	s8 =	sadd.s32 $0x2C00, s6;
	[sflag:s29] =	ssyncadd.s32 $0xFFFFF800  }
0x67: {  	[spmem:s1] =	stream.indirect.scatter.add.f32 [tilespmem:s19], [sflag:$0x2], $0x10, s8, s18, $0xb8;
	[tilespmem:$0x10DA8] =	vst v63  }
0x68: {  	_ =	swait.ge [sflag:s29], $0x800  }
0x69: {  	[sflag:s29] =	ssyncset.done $0x0  }
0x6a: {  	s8 =	sadd.s32 $0x2C80, s6;
	[sflag:s29] =	ssyncadd.s32 $0xFFFFF800  }
0x6b: {  	[spmem:s1] =	stream.indirect.scatter.add.f32 [tilespmem:s20], [sflag:$0x2], $0x10, s8, s18, $0xb8;
	[tilespmem:$0x10DA8] =	vst v63  }
0x6c: {  	_ =	swait.ge [sflag:s29], $0x800  }
0x6d: {  	[sflag:s29] =	ssyncset.done $0x0  }
0x6e: {  	s8 =	sadd.s32 $0x2D00, s6;
	[sflag:s29] =	ssyncadd.s32 $0xFFFFF800  }
0x6f: {  	[spmem:s1] =	stream.indirect.scatter.add.f32 [tilespmem:s21], [sflag:$0x2], $0x10, s8, s18, $0xb8;
	[tilespmem:$0x10DA8] =	vst v63  }
0x70: {  	_ =	swait.ge [sflag:s29], $0x800  }
0x71: {  	[sflag:s29] =	ssyncset.done $0x0  }
0x72: {  	s8 =	sadd.s32 $0x2D80, s6;
	[sflag:s29] =	ssyncadd.s32 $0xFFFFF800  }
0x73: {  	[spmem:s1] =	stream.indirect.scatter.add.f32 [tilespmem:s22], [sflag:$0x2], $0x10, s8, s18, $0xb8;
	[tilespmem:$0x10DA8] =	vst v63  }
0x74: {  	_ =	swait.ge [sflag:s29], $0x800  }
0x75: {  	[sflag:s29] =	ssyncset.done $0x0  }
0x76: {  	s8 =	sadd.s32 $0x2E00, s6;
	[sflag:s29] =	ssyncadd.s32 $0xFFFFF800  }
0x77: {  	[spmem:s1] =	stream.indirect.scatter.add.f32 [tilespmem:s23], [sflag:$0x2], $0x10, s8, s18, $0xb8;
	[tilespmem:$0x10DA8] =	vst v63  }
0x78: {  	_ =	swait.ge [sflag:s29], $0x800  }
0x79: {  	[sflag:s29] =	ssyncset.done $0x0  }
0x7a: {  	s8 =	sadd.s32 $0x2E80, s6;
	[sflag:s29] =	ssyncadd.s32 $0xFFFFF800  }
0x7b: {  	[spmem:s1] =	stream.indirect.scatter.add.f32 [tilespmem:s24], [sflag:$0x2], $0x10, s8, s18, $0xb8;
	[tilespmem:$0x10DA8] =	vst v63  }
0x7c: {  	_ =	swait.ge [sflag:s29], $0x800  }
0x7d: {  	[sflag:s29] =	ssyncset.done $0x0  }
0x7e: {  	s8 =	sadd.s32 $0x2F00, s6;
	[sflag:s29] =	ssyncadd.s32 $0xFFFFF800  }
0x7f: {  	[spmem:s1] =	stream.indirect.scatter.add.f32 [tilespmem:s26], [sflag:$0x2], $0x10, s8, s18, $0xb8;
	[tilespmem:$0x10DA8] =	vst v63  }
0x80: {  	_ =	swait.ge [sflag:s29], $0x800  }
0x81: {  	[sflag:s29] =	ssyncset.done $0x0  }
0x82: {  	s6 =	sadd.s32 $0x2F80, s6;
	[sflag:s29] =	ssyncadd.s32 $0xFFFFF800  }
0x83: {  	[spmem:s1] =	stream.indirect.scatter.add.f32 [tilespmem:s28], [sflag:$0x2], $0x10, s6, s18, $0xb8;
	[tilespmem:$0x10DA8] =	vst v63  }
0x84: {  	_ =	swait.ge [sflag:s30], $0x800  }
0x85: {  	[sflag:s30] =	ssyncset.done $0x0  }
0x86: {  	[sflag:s30] =	ssyncadd.s32 $0xFFFFF800  }
0x87: {  	_ =	swait.ge [sflag:s30], $0x800  }
0x88: {  	[sflag:s30] =	ssyncset.done $0x0  }
0x89: {  	[sflag:s30] =	ssyncadd.s32 $0xFFFFF800  }
0x8a: {  	_ =	swait.ge [sflag:s30], $0x800  }
0x8b: {  	[sflag:s30] =	ssyncset.done $0x0  }
0x8c: {  	[sflag:s30] =	ssyncadd.s32 $0xFFFFF800  }
0x8d: {  	_ =	swait.ge [sflag:s30], $0x800  }
0x8e: {  	[sflag:s30] =	ssyncset.done $0x0  }
0x8f: {  	[sflag:s30] =	ssyncadd.s32 $0xFFFFF800  }
0x90: {  	_ =	swait.ge [sflag:s30], $0x800  }
0x91: {  	[sflag:s30] =	ssyncset.done $0x0  }
0x92: {  	[sflag:s30] =	ssyncadd.s32 $0xFFFFF800  }
0x93: {  	_ =	swait.ge [sflag:s30], $0x800  }
0x94: {  	[sflag:s30] =	ssyncset.done $0x0  }
0x95: {  	[sflag:s30] =	ssyncadd.s32 $0xFFFFF800  }
0x96: {  	_ =	swait.ge [sflag:s30], $0x800  }
.Ltmp6:
0x97: {  	[sflag:s30] =	ssyncset.done $0x0;
	(pc) =	sbr.rel .LBB2_6-.Ltmp6, $4  }
0x98: {  	[sflag:s30] =	ssyncadd.s32 $0xFFFFF800  }
0x99: {  	_ =	swait.ge [sflag:s30], $0x800  }
0x9a: {  	[sflag:s30] =	ssyncset.done $0x0  }
0x9b: {  	[sflag:s30] =	ssyncadd.s32 $0xFFFFF800  }
.LBB2_8:
0x9c: {  	_ =	sfence.sel $0x180000  }
0x9d: {  	[bflag:$0x0] =	sbarrier.arrive $0xFFFF  }
0x9e: {  	_ =	strace $0x90000050  }
0x9f: {  	s0 =	stileid.u32;
	[bflag:$0x2] =	sbarrier.arrive $0xFFFF  }
0xa0: {  	p0 =	sne.s32 s0, $0x0;
	s0 =	rddreg [dreg:$0x4]  }
0xa1: {  	s0 =	sadd.s32 @!p0 $0x100000, s0  }
0xa2: {  	[sflag:s0] =	ssyncadd.tile.s32 @!p0 $0x1;
	_ =	shalt  }
.Lfunc_end2:
_tile_overlayer_lowered:
.L_overlay_start_2:
0xa3: {  	(tag) =	ssettag $0x2  }
0xa4: {  	s0 =	rddreg [dreg:$0x0];
	s2 =	stileid.u32  }
0xa5: {  	s1 =	rddreg [dreg:$0x1];
	p0 =	sne.s32 s2, $0x0  }
0xa6: {  	s3 =	rddreg [dreg:$0x2];
	[bflag:$0x3] =	sbarrier.arrive $0xFFFF;
	s2 =	simm.s32 @!p0 $0x1C03  }
0xa7: {  	[timem:s3], [sflag:s2] =	dma.local @!p0 [hbm:s0], s1  }
0xa8: {  	s0 =	simm.s32 @!p0 $0x3  }
0xa9: {  	_ =	swait.ge @!p0 [sflag:s0], s1  }
0xaa: {  	s1 =	ssub.s32 @!p0 $0x0, s1;
	[sflag:s0] =	ssyncset.done @!p0 $0x0  }
0xab: {  	[sflag:s0] =	ssyncadd.s32 @!p0 s1  }
0xac: {  	[bflag:$0x3] =	sbarrier.arrive $0xFFFF  }
0xad: {  	_ =	shalt  }

</sc_bundles>
